<compile_context>
chip_gen: v7x
topology: tpu7x:2x2x1
jax: 0.10.2.dev20260603
libtpu: 0.0.44.dev20260713+nightly
codegen_flags: <defaults>
</compile_context>

<pallas_src>
import jax
import jax.numpy as jnp
from jax import lax
from jax.experimental import pallas as pl
from jax.experimental.pallas import tpu as pltpu
from jax.experimental.pallas import tpu_sc as plsc

N, E, D, H, G = 10000, 320000, 128, 128, 512
NSEG = 64
NC, NS = 2, 16
CHUNK = 128
NCH = 80
NCHD = 80
GRP = 40
CH_TOT = NC * NS * NCH
E_PAD = CH_TOT * CHUNK
ROWS_PT = 640
ACC_N = NS * ROWS_PT
BLK = 1000
NB = N // BLK



def _sc_deg_body(dst_hbm, out_hbm, idx_v, ones_v, zeros_v, acc):
    c = lax.axis_index("c")
    s = lax.axis_index("s")
    for k in range(CHUNK // 16):
        ones_v[pl.ds(k * 16, 16)] = jnp.ones((16,), jnp.float32)
    for k in range(ROWS_PT // 16):
        zeros_v[pl.ds(k * 16, 16)] = jnp.zeros((16,), jnp.float32)
    pltpu.sync_copy(zeros_v, acc.at[pl.ds(s * ROWS_PT, ROWS_PT)])
    base = pl.multiple_of((c * NS + s) * NCHD, 8)
    pltpu.sync_copy(dst_hbm.at[pl.ds(base, NCHD)], idx_v)
    plsc.subcore_barrier()

    def body(j, carry):
        pltpu.sync_copy(ones_v, acc.at[idx_v.at[j]], add=True)
        return carry

    lax.fori_loop(0, NCHD, body, 0)
    plsc.subcore_barrier()

    @pl.when(s == 0)
    def _():
        pltpu.sync_copy(acc, out_hbm.at[c])


def _sc_deg(dst_pad):
    mesh = plsc.VectorSubcoreMesh(core_axis_name="c", subcore_axis_name="s", num_cores=NC, num_subcores=NS)
    f = pl.kernel(
        _sc_deg_body,
        out_type=jax.ShapeDtypeStruct((NC, ACC_N), jnp.float32),
        mesh=mesh,
        scratch_types=[
            pltpu.VMEM((NCHD, CHUNK), jnp.int32),
            pltpu.VMEM((CHUNK,), jnp.float32),
            pltpu.VMEM((ROWS_PT,), jnp.float32),
            pltpu.VMEM_SHARED((ACC_N,), jnp.float32),
        ],
    )
    return f(dst_pad)


def _sc_mp_body(src_hbm, dst_hbm, u_hbm, out_hbm, srcv, dstv,
                rows0, rows1, sem0, sem1, sem2, sem3, acc):
    c = lax.axis_index("c")
    s = lax.axis_index("s")

    def zrow(i, carry):
        for k in range(H // 16):
            rows0[i, pl.ds(k * 16, 16)] = jnp.zeros((16,), jnp.float32)
        return carry

    lax.fori_loop(0, CHUNK, zrow, 0)
    for k in range(ROWS_PT // CHUNK):
        pltpu.sync_copy(rows0, acc.at[pl.ds(s * ROWS_PT + k * CHUNK, CHUNK)])

    plsc.subcore_barrier()

    base = (c * NS + s) * NCH

    def gath(j, rows, sem):
        return pltpu.async_copy(u_hbm.at[srcv.at[j]], rows, sem)

    def gath_wait(j, rows, sem):
        pltpu.make_async_copy(u_hbm.at[srcv.at[j]], rows, sem).wait()

    def scat(j, rows, sem):
        return pltpu.async_copy(rows, acc.at[dstv.at[j]], sem, add=True)

    def scat_wait(j, rows, sem):
        pltpu.make_async_copy(rows, acc.at[dstv.at[j]], sem).wait()

    def group(g, carry):
        gofs = pl.multiple_of(g * GRP, 8)
        pltpu.sync_copy(src_hbm.at[pl.ds(base + gofs, GRP)], srcv)
        pltpu.sync_copy(dst_hbm.at[pl.ds(base + gofs, GRP)], dstv)
        gath(0, rows0, sem0)
        gath_wait(0, rows0, sem0)
        gath(1, rows1, sem1)
        scat(0, rows0, sem2)

        def body(jj, carry2):
            j = 2 * jj
            gath_wait(j + 1, rows1, sem1)
            scat_wait(j, rows0, sem2)
            gath(j + 2, rows0, sem0)
            scat(j + 1, rows1, sem3)
            gath_wait(j + 2, rows0, sem0)
            scat_wait(j + 1, rows1, sem3)
            gath(j + 3, rows1, sem1)
            scat(j + 2, rows0, sem2)
            return carry2

        lax.fori_loop(0, GRP // 2 - 1, body, 0)
        gath_wait(GRP - 1, rows1, sem1)
        scat_wait(GRP - 2, rows0, sem2)
        scat(GRP - 1, rows1, sem3)
        scat_wait(GRP - 1, rows1, sem3)
        return carry

    lax.fori_loop(0, NCH // GRP, group, 0)
    plsc.subcore_barrier()
    pltpu.sync_copy(acc.at[pl.ds(s * ROWS_PT, ROWS_PT)],
                    out_hbm.at[c, pl.ds(s * ROWS_PT, ROWS_PT)])


def _sc_mp(src_pad, dst_pad, u):
    mesh = plsc.VectorSubcoreMesh(core_axis_name="c", subcore_axis_name="s", num_cores=NC, num_subcores=NS)
    f = pl.kernel(
        _sc_mp_body,
        out_type=jax.ShapeDtypeStruct((NC, ACC_N, H), jnp.float32),
        mesh=mesh,
        scratch_types=[
            pltpu.VMEM((GRP, CHUNK), jnp.int32),
            pltpu.VMEM((GRP, CHUNK), jnp.int32),
            pltpu.VMEM((CHUNK, H), jnp.float32),
            pltpu.VMEM((CHUNK, H), jnp.float32),
            pltpu.SemaphoreType.DMA,
            pltpu.SemaphoreType.DMA,
            pltpu.SemaphoreType.DMA,
            pltpu.SemaphoreType.DMA,
            pltpu.VMEM_SHARED((ACC_N, H), jnp.float32),
        ],
    )
    return f(src_pad, dst_pad, u)



def _tmin_body(x_ref, out_ref, m_ref):
    i = pl.program_id(0)

    @pl.when(i == 0)
    def _():
        m_ref[0] = jnp.int32(2147483647)

    t = x_ref[...].astype(jnp.int32)
    m_ref[0] = jnp.minimum(m_ref[0], jnp.min(t[:, 5:6]))

    @pl.when(i == NB - 1)
    def _():
        out_ref[0, 0] = m_ref[0]


def _tc_tmin(x):
    return pl.pallas_call(
        _tmin_body,
        grid=(NB,),
        in_specs=[pl.BlockSpec((BLK, D), lambda i: (i, 0))],
        out_specs=pl.BlockSpec(memory_space=pltpu.SMEM),
        out_shape=jax.ShapeDtypeStruct((1, 1), jnp.int32),
        scratch_shapes=[pltpu.SMEM((1,), jnp.int32)],
    )(x)


def _seg_body(tmin_ref, x_ref, sums_ref, cnts_ref):
    i = pl.program_id(0)

    @pl.when(i == 0)
    def _():
        sums_ref[...] = jnp.zeros_like(sums_ref)
        cnts_ref[...] = jnp.zeros_like(cnts_ref)

    xb = x_ref[...]
    ids = xb[:, 5:6].astype(jnp.int32) - tmin_ref[0, 0]
    iot = lax.broadcasted_iota(jnp.int32, (BLK, NSEG), 1)
    oh = jnp.where((iot == ids) & (ids < NSEG), 1.0, 0.0)
    dn = (((0,), (0,)), ((), ()))
    sums_ref[...] += lax.dot_general(oh, xb, dn,
                                     preferred_element_type=jnp.float32)
    cnts_ref[...] += lax.dot_general(oh, jnp.ones((BLK, 1), jnp.float32), dn,
                                     preferred_element_type=jnp.float32)


def _tc_seg(x, tmin):
    return pl.pallas_call(
        _seg_body,
        grid=(NB,),
        in_specs=[
            pl.BlockSpec(memory_space=pltpu.SMEM),
            pl.BlockSpec((BLK, D), lambda i: (i, 0)),
        ],
        out_specs=[
            pl.BlockSpec((NSEG, D), lambda i: (0, 0)),
            pl.BlockSpec((NSEG, 1), lambda i: (0, 0)),
        ],
        out_shape=[
            jax.ShapeDtypeStruct((NSEG, D), jnp.float32),
            jax.ShapeDtypeStruct((NSEG, 1), jnp.float32),
        ],
    )(tmin, x)


def _attn_body(sums_ref, cnts_ref, wa1_ref, ba1_ref, wa2_ref, out_ref):
    cnts = cnts_ref[...]
    means = sums_ref[...] / jnp.maximum(cnts, 1.0)
    hmid = jnp.tanh(jnp.dot(means, wa1_ref[...],
                            preferred_element_type=jnp.float32) + ba1_ref[...])
    scores = jnp.dot(hmid, wa2_ref[...],
                     preferred_element_type=jnp.float32)
    scores = jnp.where(cnts > 0.0, scores, -1e30)
    mx = jnp.max(scores, axis=0, keepdims=True)
    e = jnp.exp(scores - mx)
    out_ref[...] = e / jnp.sum(e, axis=0, keepdims=True)


def _tc_attn(sums, cnts, W_a1, b_a1, W_a2):
    return pl.pallas_call(
        _attn_body,
        out_shape=jax.ShapeDtypeStruct((NSEG, 1), jnp.float32),
    )(sums, cnts, W_a1, b_a1.reshape(1, 64), W_a2)


def _k0_body(tmin_ref, x_ref, degp_ref, subst_ref, w0a_ref, w0b_ref,
             u_ref, dinv_ref):
    xb = x_ref[...]
    deg = degp_ref[:, 0:1] + degp_ref[:, 1:2] + 1.0
    dinv = lax.rsqrt(deg)
    ids = xb[:, 5:6].astype(jnp.int32) - tmin_ref[0, 0]
    ids = jnp.minimum(ids, NSEG - 1)
    iot = lax.broadcasted_iota(jnp.int32, (BLK, NSEG), 1)
    oh = jnp.where(iot == ids, 1.0, 0.0)
    attn = jnp.dot(oh, subst_ref[...],
                   preferred_element_type=jnp.float32)
    u = jnp.dot(xb, w0a_ref[...], preferred_element_type=jnp.float32)
    u = dinv * (u + attn * w0b_ref[...])
    u_ref[...] = u
    dinv_ref[...] = dinv


def _tc_k0(x, degpT, subst, W0a, w0b, tmin):
    return pl.pallas_call(
        _k0_body,
        grid=(NB,),
        in_specs=[
            pl.BlockSpec(memory_space=pltpu.SMEM),
            pl.BlockSpec((BLK, D), lambda i: (i, 0)),
            pl.BlockSpec((BLK, NC), lambda i: (i, 0)),
            pl.BlockSpec((NSEG, 1), lambda i: (0, 0)),
            pl.BlockSpec((D, H), lambda i: (0, 0)),
            pl.BlockSpec((1, H), lambda i: (0, 0)),
        ],
        out_specs=[
            pl.BlockSpec((BLK, H), lambda i: (i, 0)),
            pl.BlockSpec((BLK, 1), lambda i: (i, 0)),
        ],
        out_shape=[
            jax.ShapeDtypeStruct((N, H), jnp.float32),
            jax.ShapeDtypeStruct((N, 1), jnp.float32),
        ],
    )(tmin, x, degpT, subst, W0a, w0b)


def _layer_body(p_ref, u_ref, dinv_ref, b_ref, g_ref, bt_ref, wn_ref,
                un_ref, agg_s, st_s):
    ph = pl.program_id(0)
    i = pl.program_id(1)

    @pl.when((ph == 0) & (i == 0))
    def _():
        st_s[...] = jnp.zeros_like(st_s)

    @pl.when(ph == 0)
    def _():
        agg = dinv_ref[...] * (p_ref[0] + p_ref[1] + u_ref[...]) + b_ref[...]
        agg_s[pl.ds(i * BLK, BLK), :] = agg
        st_s[0:1, :] += jnp.sum(agg, axis=0, keepdims=True)
        st_s[1:2, :] += jnp.sum(agg * agg, axis=0, keepdims=True)

    @pl.when(ph == 1)
    def _():
        st = st_s[...]
        m = st[0:1, :] * (1.0 / N)
        var = st[1:2, :] * (1.0 / N) - m * m
        rstd = lax.rsqrt(var + 1e-5)
        a = (agg_s[pl.ds(i * BLK, BLK), :] - m) * (rstd * g_ref[...]) \
            + bt_ref[...]
        a = jnp.where(a > 0.0, a, jnp.exp(a) - 1.0)
        un_ref[...] = dinv_ref[...] * jnp.dot(
            a, wn_ref[...], preferred_element_type=jnp.float32)


def _tc_layer(p, u, dinv, b, g, bt, wn):
    return pl.pallas_call(
        _layer_body,
        grid=(2, NB),
        in_specs=[
            pl.BlockSpec((NC, BLK, H),
                         lambda ph, i: (0, jnp.where(ph == 0, i, 0), 0)),
            pl.BlockSpec((BLK, H),
                         lambda ph, i: (jnp.where(ph == 0, i, 0), 0)),
            pl.BlockSpec((BLK, 1), lambda ph, i: (i, 0)),
            pl.BlockSpec((1, H), lambda ph, i: (0, 0)),
            pl.BlockSpec((1, H), lambda ph, i: (0, 0)),
            pl.BlockSpec((1, H), lambda ph, i: (0, 0)),
            pl.BlockSpec((H, H), lambda ph, i: (0, 0)),
        ],
        out_specs=pl.BlockSpec((BLK, H),
                               lambda ph, i: (jnp.where(ph == 1, i, 0), 0)),
        out_shape=jax.ShapeDtypeStruct((N, H), jnp.float32),
        scratch_shapes=[
            pltpu.VMEM((N, H), jnp.float32),
            pltpu.VMEM((2, H), jnp.float32),
        ],
    )(p, u, dinv, b.reshape(1, H), g.reshape(1, H), bt.reshape(1, H), wn)


def _lpool_body(p_ref, u_ref, dinv_ref, b_ref, g_ref, bt_ref, batch_ref,
                ps_ref, pc_ref, agg_s, st_s):
    ph = pl.program_id(0)
    i = pl.program_id(1)

    @pl.when((ph == 0) & (i == 0))
    def _():
        st_s[...] = jnp.zeros_like(st_s)

    @pl.when(ph == 0)
    def _():
        agg = dinv_ref[...] * (p_ref[0] + p_ref[1] + u_ref[...]) + b_ref[...]
        agg_s[pl.ds(i * BLK, BLK), :] = agg
        st_s[0:1, :] += jnp.sum(agg, axis=0, keepdims=True)
        st_s[1:2, :] += jnp.sum(agg * agg, axis=0, keepdims=True)

    @pl.when((ph == 1) & (i == 0))
    def _():
        ps_ref[...] = jnp.zeros_like(ps_ref)
        pc_ref[...] = jnp.zeros_like(pc_ref)

    @pl.when(ph == 1)
    def _():
        st = st_s[...]
        m = st[0:1, :] * (1.0 / N)
        var = st[1:2, :] * (1.0 / N) - m * m
        rstd = lax.rsqrt(var + 1e-5)
        a = (agg_s[pl.ds(i * BLK, BLK), :] - m) * (rstd * g_ref[...]) \
            + bt_ref[...]
        a = jnp.maximum(a, 0.0)
        ids = batch_ref[...]
        iot = lax.broadcasted_iota(jnp.int32, (BLK, G), 1)
        oh = jnp.where(iot == ids, 1.0, 0.0)
        dn = (((0,), (0,)), ((), ()))
        ps_ref[...] += lax.dot_general(oh, a, dn,
                                       preferred_element_type=jnp.float32)
        pc_ref[...] += lax.dot_general(
            oh, jnp.ones((BLK, 1), jnp.float32), dn,
            preferred_element_type=jnp.float32)


def _tc_lpool(p, u, dinv, b, g, bt, batch2d):
    return pl.pallas_call(
        _lpool_body,
        grid=(2, NB),
        in_specs=[
            pl.BlockSpec((NC, BLK, H),
                         lambda ph, i: (0, jnp.where(ph == 0, i, 0), 0)),
            pl.BlockSpec((BLK, H),
                         lambda ph, i: (jnp.where(ph == 0, i, 0), 0)),
            pl.BlockSpec((BLK, 1), lambda ph, i: (i, 0)),
            pl.BlockSpec((1, H), lambda ph, i: (0, 0)),
            pl.BlockSpec((1, H), lambda ph, i: (0, 0)),
            pl.BlockSpec((1, H), lambda ph, i: (0, 0)),
            pl.BlockSpec((BLK, 1),
                         lambda ph, i: (jnp.where(ph == 1, i, 0), 0)),
        ],
        out_specs=[
            pl.BlockSpec((G, H), lambda ph, i: (0, 0)),
            pl.BlockSpec((G, 1), lambda ph, i: (0, 0)),
        ],
        out_shape=[
            jax.ShapeDtypeStruct((G, H), jnp.float32),
            jax.ShapeDtypeStruct((G, 1), jnp.float32),
        ],
        scratch_shapes=[
            pltpu.VMEM((N, H), jnp.float32),
            pltpu.VMEM((2, H), jnp.float32),
        ],
    )(p, u, dinv, b.reshape(1, H), g.reshape(1, H), bt.reshape(1, H),
      batch2d)


def _final_body(ps_ref, pc_ref, wp1_ref, bp1_ref, wp2_ref, bp2_ref, out_ref):
    pooled = ps_ref[...] / jnp.maximum(pc_ref[...], 1.0)
    h1 = jnp.dot(pooled, wp1_ref[...],
                 preferred_element_type=jnp.float32) + bp1_ref[...]
    h1 = jnp.where(h1 > 0.0, h1, jnp.exp(h1) - 1.0)
    out_ref[...] = jnp.dot(h1, wp2_ref[...],
                           preferred_element_type=jnp.float32) + bp2_ref[...]


def _tc_final(ps, pc, Wp1, bp1, Wp2, bp2):
    return pl.pallas_call(
        _final_body,
        out_shape=jax.ShapeDtypeStruct((G, 1), jnp.float32),
    )(ps, pc, Wp1, bp1.reshape(1, H // 2), Wp2, bp2.reshape(1, 1))



def kernel(x, edge_index, batch, W_a1, b_a1, W_a2,
           Wg0, bg0, gamma0, beta0, Wg1, bg1, gamma1, beta1,
           Wg2, bg2, gamma2, beta2, Wg3, bg3, gamma3, beta3,
           Wp1, bp1, Wp2, bp2):
    pad = E_PAD - E
    pad_ar = jnp.arange(pad, dtype=jnp.int32)
    src_pad = jnp.concatenate(
        [edge_index[0], pad_ar % N]).reshape(CH_TOT, CHUNK)
    dst_pad = jnp.concatenate(
        [edge_index[1], N + pad_ar % (ACC_N - N)]).reshape(CH_TOT, CHUNK)
    batch2d = batch.reshape(N, 1)

    tmin = _tc_tmin(x)
    sums, cnts = _tc_seg(x, tmin)
    subst = _tc_attn(sums, cnts, W_a1, b_a1, W_a2)

    degp = _sc_deg(dst_pad)
    degpT = degp.T

    W0a = Wg0[:D]
    w0b = Wg0[D:D + 1]
    u, dinv = _tc_k0(x, degpT, subst, W0a, w0b, tmin)

    layers = [(bg0, gamma0, beta0, Wg1), (bg1, gamma1, beta1, Wg2),
              (bg2, gamma2, beta2, Wg3)]
    for b, g, bt, wn in layers:
        p = _sc_mp(src_pad, dst_pad, u)
        u = _tc_layer(p, u, dinv, b, g, bt, wn)

    p = _sc_mp(src_pad, dst_pad, u)
    ps, pc = _tc_lpool(p, u, dinv, bg3, gamma3, beta3, batch2d)
    return _tc_final(ps, pc, Wp1, bp1, Wp2, bp2)

# --- scband reference (transcript-rebuilt; emitter-appended) ---
"""Pipeline reference for scband-enhanced-gnn-57011395887506 (READ-ONLY COPY).

The authoritative reference and input builder live on the scoring server;
editing this copy changes nothing except your own understanding.
"""

import jax, jax.numpy as jnp
import numpy as np

N, E, D, H, G = 10000, 320000, 128, 128, 512

def setup_inputs(seed: int = 0):
    key = jax.random.key(seed)
    ks = jax.random.split(key, 16)
    s = 0.05
    inp = {}
    inp['x'] = jax.random.normal(ks[0], (N, D), dtype=jnp.float32)
    inp['edge_index'] = jax.random.randint(ks[1], (2, E), 0, N, dtype=jnp.int32)
    inp['batch'] = jnp.sort(jax.random.randint(ks[2], (N,), 0, G, dtype=jnp.int32))
    inp['W_a1'] = jax.random.normal(ks[3], (D, 64), dtype=jnp.float32) * s
    inp['b_a1'] = jnp.zeros((64,), dtype=jnp.float32)
    inp['W_a2'] = jax.random.normal(ks[4], (64, 1), dtype=jnp.float32) * s
    dims = [D + 1, H, H, H]
    for i in range(4):
        inp['Wg%d' % i] = jax.random.normal(ks[5 + i], (dims[i], H), dtype=jnp.float32) * s
        inp['bg%d' % i] = jnp.zeros((H,), dtype=jnp.float32)
        inp['gamma%d' % i] = jnp.ones((H,), dtype=jnp.float32)
        inp['beta%d' % i] = jnp.zeros((H,), dtype=jnp.float32)
    inp['Wp1'] = jax.random.normal(ks[9], (H, H // 2), dtype=jnp.float32) * s
    inp['bp1'] = jnp.zeros((H // 2,), dtype=jnp.float32)
    inp['Wp2'] = jax.random.normal(ks[10], (H // 2, 1), dtype=jnp.float32) * s
    inp['bp2'] = jnp.zeros((1,), dtype=jnp.float32)
    return inp

def _bn(h, g, b):
    m = h.mean(axis=0)
    v = h.var(axis=0)
    return (h - m) / jnp.sqrt(v + 1e-5) * g + b

def reference(x, edge_index, batch, W_a1, b_a1, W_a2,
              Wg0, bg0, gamma0, beta0, Wg1, bg1, gamma1, beta1,
              Wg2, bg2, gamma2, beta2, Wg3, bg3, gamma3, beta3,
              Wp1, bp1, Wp2, bp2):
    n = x.shape[0]
    # SubstructureAttention: ids come from feature column 5 cast to int (trunc, like torch .long())
    ids = x[:, 5].astype(jnp.int32)
    ids = ids - jnp.min(ids)
    num_seg = 64
    counts = jnp.bincount(ids, length=num_seg)
    sums = jax.ops.segment_sum(x, ids, num_segments=num_seg)
    means = sums / jnp.maximum(counts, 1)[:, None].astype(x.dtype)
    scores = jnp.tanh(means @ W_a1 + b_a1) @ W_a2
    scores = jnp.where((counts > 0)[:, None], scores, -1e30)
    subst_attn = jax.nn.softmax(scores, axis=0)
    atom_attn = subst_attn[ids]
    h = jnp.concatenate([x, atom_attn], axis=1)
    # GCN normalization with self-loops (A + I, symmetric norm)
    loop = jnp.arange(n, dtype=edge_index.dtype)
    src = jnp.concatenate([edge_index[0], loop])
    dst = jnp.concatenate([edge_index[1], loop])
    deg = jnp.bincount(dst, length=n).astype(x.dtype)
    dinv = 1.0 / jnp.sqrt(jnp.maximum(deg, 1.0))
    norm = (dinv[src] * dinv[dst])[:, None]
    layers = [(Wg0, bg0, gamma0, beta0), (Wg1, bg1, gamma1, beta1),
              (Wg2, bg2, gamma2, beta2), (Wg3, bg3, gamma3, beta3)]
    for i, (W, b, g, bt) in enumerate(layers):
        hw = h @ W
        agg = jax.ops.segment_sum(hw[src] * norm, dst, num_segments=n) + b
        h = _bn(agg, g, bt)
        h = jax.nn.elu(h) if i < 3 else jax.nn.relu(h)
        # dropout p=0.3 disabled (eval mode)
    gc = jnp.bincount(batch, length=G).astype(x.dtype)
    pooled = jax.ops.segment_sum(h, batch, num_segments=G) / jnp.maximum(gc, 1.0)[:, None]
    out = jax.nn.elu(pooled @ Wp1 + bp1) @ Wp2 + bp2
    return out

if __name__ == "__main__":
    import jax
    _d = setup_inputs()
    print(jax.jit(kernel)(*tuple(_d.values())))

</pallas_src>

<mosaic_0001>
#map = affine_map<(d0, d1) -> (0, 0)>
#map1 = affine_map<(d0, d1) -> (0, 0, 0)>
module attributes {stable_mosaic.version = 14 : i64} {
  func.func @_sc_mp_body(%arg0: i32, %arg1: i32, %arg2: memref<2560x128xi32, #tpu.memory_space<hbm>>, %arg3: memref<2560x128xi32, #tpu.memory_space<hbm>>, %arg4: memref<10000x128xf32, #tpu.memory_space<hbm>>, %arg5: memref<2x10240x128xf32, #tpu.memory_space<hbm>>, %arg6: memref<40x128xi32, #tpu.memory_space<vmem>>, %arg7: memref<40x128xi32, #tpu.memory_space<vmem>>, %arg8: memref<128x128xf32, #tpu.memory_space<vmem>>, %arg9: memref<128x128xf32, #tpu.memory_space<vmem>>, %arg10: memref<!tpu.dma_semaphore, #tpu.memory_space<semaphore_mem>>, %arg11: memref<!tpu.dma_semaphore, #tpu.memory_space<semaphore_mem>>, %arg12: memref<!tpu.dma_semaphore, #tpu.memory_space<semaphore_mem>>, %arg13: memref<!tpu.dma_semaphore, #tpu.memory_space<semaphore_mem>>, %arg14: memref<10240x128xf32, #tpu.memory_space<vmem_shared>>) attributes {dimension_semantics = [#tpu.dimension_semantics<core_parallel>, #tpu.dimension_semantics<subcore_parallel>], iteration_bounds = array<i64: 2, 16>, scalar_prefetch = 0 : i64, scratch_operands = 9 : i64, tpu.core_type = #tpu.core_type<sc_vector_subcore>, window_params = [{transform_indices = #map}, {transform_indices = #map}, {transform_indices = #map}, {transform_indices = #map1}]} {
    %scan3A = arith.constant 0 : i32
    %scan3A_0 = arith.constant 0 : i32
    %scan3A_1 = arith.constant 128 : i32
    %scan3A_2 = arith.addi %scan3A_0, %scan3A_1 : i32
    %scan3A_3 = arith.constant 1 : i32
    scf.for %scan3A_39 = %scan3A_0 to %scan3A_2 step %scan3A_3  : i32 {
      %broadcast_in_dim3A = arith.constant 0.000000e+00 : f32
      %broadcast_in_dim3A_40 = vector.broadcast %broadcast_in_dim3A : f32 to vector<16xf32>
      %swap3A = arith.index_cast %scan3A_39 : i32 to index
      %swap3A_41 = arith.constant 0 : index
      %swap3A_42 = tpu.vector_load %arg8[%swap3A, %swap3A_41] {strides = array<i32>} : memref<128x128xf32, #tpu.memory_space<vmem>>, vector<1x16xf32>,
      %swap3A_43 = vector.shape_cast %swap3A_42 : vector<1x16xf32> to vector<16xf32>
      %swap3A_44 = vector.shape_cast %broadcast_in_dim3A_40 : vector<16xf32> to vector<1x16xf32>
      tpu.vector_store %arg8[%swap3A, %swap3A_41], %swap3A_44 {strides = array<i32>} : memref<128x128xf32, #tpu.memory_space<vmem>>, vector<1x16xf32>,
      %broadcast_in_dim3A_45 = arith.constant 0.000000e+00 : f32
      %broadcast_in_dim3A_46 = vector.broadcast %broadcast_in_dim3A_45 : f32 to vector<16xf32>
      %swap3A_47 = arith.index_cast %scan3A_39 : i32 to index
      %swap3A_48 = arith.constant 16 : index
      %swap3A_49 = tpu.vector_load %arg8[%swap3A_47, %swap3A_48] {strides = array<i32>} : memref<128x128xf32, #tpu.memory_space<vmem>>, vector<1x16xf32>,
      %swap3A_50 = vector.shape_cast %swap3A_49 : vector<1x16xf32> to vector<16xf32>
      %swap3A_51 = vector.shape_cast %broadcast_in_dim3A_46 : vector<16xf32> to vector<1x16xf32>
      tpu.vector_store %arg8[%swap3A_47, %swap3A_48], %swap3A_51 {strides = array<i32>} : memref<128x128xf32, #tpu.memory_space<vmem>>, vector<1x16xf32>,
      %broadcast_in_dim3A_52 = arith.constant 0.000000e+00 : f32
      %broadcast_in_dim3A_53 = vector.broadcast %broadcast_in_dim3A_52 : f32 to vector<16xf32>
      %swap3A_54 = arith.index_cast %scan3A_39 : i32 to index
      %swap3A_55 = arith.constant 32 : index
      %swap3A_56 = tpu.vector_load %arg8[%swap3A_54, %swap3A_55] {strides = array<i32>} : memref<128x128xf32, #tpu.memory_space<vmem>>, vector<1x16xf32>,
      %swap3A_57 = vector.shape_cast %swap3A_56 : vector<1x16xf32> to vector<16xf32>
      %swap3A_58 = vector.shape_cast %broadcast_in_dim3A_53 : vector<16xf32> to vector<1x16xf32>
      tpu.vector_store %arg8[%swap3A_54, %swap3A_55], %swap3A_58 {strides = array<i32>} : memref<128x128xf32, #tpu.memory_space<vmem>>, vector<1x16xf32>,
      %broadcast_in_dim3A_59 = arith.constant 0.000000e+00 : f32
      %broadcast_in_dim3A_60 = vector.broadcast %broadcast_in_dim3A_59 : f32 to vector<16xf32>
      %swap3A_61 = arith.index_cast %scan3A_39 : i32 to index
      %swap3A_62 = arith.constant 48 : index
      %swap3A_63 = tpu.vector_load %arg8[%swap3A_61, %swap3A_62] {strides = array<i32>} : memref<128x128xf32, #tpu.memory_space<vmem>>, vector<1x16xf32>,
      %swap3A_64 = vector.shape_cast %swap3A_63 : vector<1x16xf32> to vector<16xf32>
      %swap3A_65 = vector.shape_cast %broadcast_in_dim3A_60 : vector<16xf32> to vector<1x16xf32>
      tpu.vector_store %arg8[%swap3A_61, %swap3A_62], %swap3A_65 {strides = array<i32>} : memref<128x128xf32, #tpu.memory_space<vmem>>, vector<1x16xf32>,
      %broadcast_in_dim3A_66 = arith.constant 0.000000e+00 : f32
      %broadcast_in_dim3A_67 = vector.broadcast %broadcast_in_dim3A_66 : f32 to vector<16xf32>
      %swap3A_68 = arith.index_cast %scan3A_39 : i32 to index
      %swap3A_69 = arith.constant 64 : index
      %swap3A_70 = tpu.vector_load %arg8[%swap3A_68, %swap3A_69] {strides = array<i32>} : memref<128x128xf32, #tpu.memory_space<vmem>>, vector<1x16xf32>,
      %swap3A_71 = vector.shape_cast %swap3A_70 : vector<1x16xf32> to vector<16xf32>
      %swap3A_72 = vector.shape_cast %broadcast_in_dim3A_67 : vector<16xf32> to vector<1x16xf32>
      tpu.vector_store %arg8[%swap3A_68, %swap3A_69], %swap3A_72 {strides = array<i32>} : memref<128x128xf32, #tpu.memory_space<vmem>>, vector<1x16xf32>,
      %broadcast_in_dim3A_73 = arith.constant 0.000000e+00 : f32
      %broadcast_in_dim3A_74 = vector.broadcast %broadcast_in_dim3A_73 : f32 to vector<16xf32>
      %swap3A_75 = arith.index_cast %scan3A_39 : i32 to index
      %swap3A_76 = arith.constant 80 : index
      %swap3A_77 = tpu.vector_load %arg8[%swap3A_75, %swap3A_76] {strides = array<i32>} : memref<128x128xf32, #tpu.memory_space<vmem>>, vector<1x16xf32>,
      %swap3A_78 = vector.shape_cast %swap3A_77 : vector<1x16xf32> to vector<16xf32>
      %swap3A_79 = vector.shape_cast %broadcast_in_dim3A_74 : vector<16xf32> to vector<1x16xf32>
      tpu.vector_store %arg8[%swap3A_75, %swap3A_76], %swap3A_79 {strides = array<i32>} : memref<128x128xf32, #tpu.memory_space<vmem>>, vector<1x16xf32>,
      %broadcast_in_dim3A_80 = arith.constant 0.000000e+00 : f32
      %broadcast_in_dim3A_81 = vector.broadcast %broadcast_in_dim3A_80 : f32 to vector<16xf32>
      %swap3A_82 = arith.index_cast %scan3A_39 : i32 to index
      %swap3A_83 = arith.constant 96 : index
      %swap3A_84 = tpu.vector_load %arg8[%swap3A_82, %swap3A_83] {strides = array<i32>} : memref<128x128xf32, #tpu.memory_space<vmem>>, vector<1x16xf32>,
      %swap3A_85 = vector.shape_cast %swap3A_84 : vector<1x16xf32> to vector<16xf32>
      %swap3A_86 = vector.shape_cast %broadcast_in_dim3A_81 : vector<16xf32> to vector<1x16xf32>
      tpu.vector_store %arg8[%swap3A_82, %swap3A_83], %swap3A_86 {strides = array<i32>} : memref<128x128xf32, #tpu.memory_space<vmem>>, vector<1x16xf32>,
      %broadcast_in_dim3A_87 = arith.constant 0.000000e+00 : f32
      %broadcast_in_dim3A_88 = vector.broadcast %broadcast_in_dim3A_87 : f32 to vector<16xf32>
      %swap3A_89 = arith.index_cast %scan3A_39 : i32 to index
      %swap3A_90 = arith.constant 112 : index
      %swap3A_91 = tpu.vector_load %arg8[%swap3A_89, %swap3A_90] {strides = array<i32>} : memref<128x128xf32, #tpu.memory_space<vmem>>, vector<1x16xf32>,
      %swap3A_92 = vector.shape_cast %swap3A_91 : vector<1x16xf32> to vector<16xf32>
      %swap3A_93 = vector.shape_cast %broadcast_in_dim3A_88 : vector<16xf32> to vector<1x16xf32>
      tpu.vector_store %arg8[%swap3A_89, %swap3A_90], %swap3A_93 {strides = array<i32>} : memref<128x128xf32, #tpu.memory_space<vmem>>, vector<1x16xf32>,
    }
    %scan3A_4 = arith.constant 128 : i32
    %mul3A = arith.constant 640 : i32
    %mul3A_5 = arith.muli %arg1, %mul3A : i32
    %add3A = arith.constant 0 : i32
    %add3A_6 = arith.addi %mul3A_5, %add3A : i32
    "tpu.region"() ({
      %run_scoped3A = tpu.sem_alloc : memref<!tpu.dma_semaphore, #tpu.memory_space<semaphore_mem>>
      %dma_start3A = arith.constant 0 : i32
      %dma_start3A_39 = tpu.memref_slice %arg14[%add3A_6, %dma_start3A] : memref<10240x128xf32, #tpu.memory_space<vmem_shared>> -> memref<128x128xf32, #tpu.memory_space<vmem_shared>>
      %dma_start3A_40 = arith.constant 0 : i32
      %dma_start3A_41 = tpu.memref_slice %arg14[%add3A_6, %dma_start3A_40] : memref<10240x128xf32, #tpu.memory_space<vmem_shared>> -> memref<128x128xf32, #tpu.memory_space<vmem_shared>>
      tpu.enqueue_dma source(%arg8 : memref<128x128xf32, #tpu.memory_space<vmem>>) target(%dma_start3A_41 : memref<128x128xf32, #tpu.memory_space<vmem_shared>>) target_semaphore(%run_scoped3A : memref<!tpu.dma_semaphore, #tpu.memory_space<semaphore_mem>>)
      %dma_wait3A = arith.constant 0 : i32
      %dma_wait3A_42 = tpu.memref_slice %arg14[%add3A_6, %dma_wait3A] : memref<10240x128xf32, #tpu.memory_space<vmem_shared>> -> memref<128x128xf32, #tpu.memory_space<vmem_shared>>
      %dma_wait3A_43 = arith.constant 0 : i32
      %dma_wait3A_44 = tpu.memref_slice %arg14[%add3A_6, %dma_wait3A_43] : memref<10240x128xf32, #tpu.memory_space<vmem_shared>> -> memref<128x128xf32, #tpu.memory_space<vmem_shared>>
      tpu.wait_dma2 semaphore(%run_scoped3A : memref<!tpu.dma_semaphore, #tpu.memory_space<semaphore_mem>>) src(%arg8 : memref<128x128xf32, #tpu.memory_space<vmem>>) dst(%dma_wait3A_44 : memref<128x128xf32, #tpu.memory_space<vmem_shared>>)
      tpu.yield
    }) : () -> ()
    %mul3A_7 = arith.constant 640 : i32
    %mul3A_8 = arith.muli %arg1, %mul3A_7 : i32
    %add3A_9 = arith.constant 128 : i32
    %add3A_10 = arith.addi %mul3A_8, %add3A_9 : i32
    "tpu.region"() ({
      %run_scoped3A = tpu.sem_alloc : memref<!tpu.dma_semaphore, #tpu.memory_space<semaphore_mem>>
      %dma_start3A = arith.constant 0 : i32
      %dma_start3A_39 = tpu.memref_slice %arg14[%add3A_10, %dma_start3A] : memref<10240x128xf32, #tpu.memory_space<vmem_shared>> -> memref<128x128xf32, #tpu.memory_space<vmem_shared>>
      %dma_start3A_40 = arith.constant 0 : i32
      %dma_start3A_41 = tpu.memref_slice %arg14[%add3A_10, %dma_start3A_40] : memref<10240x128xf32, #tpu.memory_space<vmem_shared>> -> memref<128x128xf32, #tpu.memory_space<vmem_shared>>
      tpu.enqueue_dma source(%arg8 : memref<128x128xf32, #tpu.memory_space<vmem>>) target(%dma_start3A_41 : memref<128x128xf32, #tpu.memory_space<vmem_shared>>) target_semaphore(%run_scoped3A : memref<!tpu.dma_semaphore, #tpu.memory_space<semaphore_mem>>)
      %dma_wait3A = arith.constant 0 : i32
      %dma_wait3A_42 = tpu.memref_slice %arg14[%add3A_10, %dma_wait3A] : memref<10240x128xf32, #tpu.memory_space<vmem_shared>> -> memref<128x128xf32, #tpu.memory_space<vmem_shared>>
      %dma_wait3A_43 = arith.constant 0 : i32
      %dma_wait3A_44 = tpu.memref_slice %arg14[%add3A_10, %dma_wait3A_43] : memref<10240x128xf32, #tpu.memory_space<vmem_shared>> -> memref<128x128xf32, #tpu.memory_space<vmem_shared>>
      tpu.wait_dma2 semaphore(%run_scoped3A : memref<!tpu.dma_semaphore, #tpu.memory_space<semaphore_mem>>) src(%arg8 : memref<128x128xf32, #tpu.memory_space<vmem>>) dst(%dma_wait3A_44 : memref<128x128xf32, #tpu.memory_space<vmem_shared>>)
      tpu.yield
    }) : () -> ()
    %mul3A_11 = arith.constant 640 : i32
    %mul3A_12 = arith.muli %arg1, %mul3A_11 : i32
    %add3A_13 = arith.constant 256 : i32
    %add3A_14 = arith.addi %mul3A_12, %add3A_13 : i32
    "tpu.region"() ({
      %run_scoped3A = tpu.sem_alloc : memref<!tpu.dma_semaphore, #tpu.memory_space<semaphore_mem>>
      %dma_start3A = arith.constant 0 : i32
      %dma_start3A_39 = tpu.memref_slice %arg14[%add3A_14, %dma_start3A] : memref<10240x128xf32, #tpu.memory_space<vmem_shared>> -> memref<128x128xf32, #tpu.memory_space<vmem_shared>>
      %dma_start3A_40 = arith.constant 0 : i32
      %dma_start3A_41 = tpu.memref_slice %arg14[%add3A_14, %dma_start3A_40] : memref<10240x128xf32, #tpu.memory_space<vmem_shared>> -> memref<128x128xf32, #tpu.memory_space<vmem_shared>>
      tpu.enqueue_dma source(%arg8 : memref<128x128xf32, #tpu.memory_space<vmem>>) target(%dma_start3A_41 : memref<128x128xf32, #tpu.memory_space<vmem_shared>>) target_semaphore(%run_scoped3A : memref<!tpu.dma_semaphore, #tpu.memory_space<semaphore_mem>>)
      %dma_wait3A = arith.constant 0 : i32
      %dma_wait3A_42 = tpu.memref_slice %arg14[%add3A_14, %dma_wait3A] : memref<10240x128xf32, #tpu.memory_space<vmem_shared>> -> memref<128x128xf32, #tpu.memory_space<vmem_shared>>
      %dma_wait3A_43 = arith.constant 0 : i32
      %dma_wait3A_44 = tpu.memref_slice %arg14[%add3A_14, %dma_wait3A_43] : memref<10240x128xf32, #tpu.memory_space<vmem_shared>> -> memref<128x128xf32, #tpu.memory_space<vmem_shared>>
      tpu.wait_dma2 semaphore(%run_scoped3A : memref<!tpu.dma_semaphore, #tpu.memory_space<semaphore_mem>>) src(%arg8 : memref<128x128xf32, #tpu.memory_space<vmem>>) dst(%dma_wait3A_44 : memref<128x128xf32, #tpu.memory_space<vmem_shared>>)
      tpu.yield
    }) : () -> ()
    %mul3A_15 = arith.constant 640 : i32
    %mul3A_16 = arith.muli %arg1, %mul3A_15 : i32
    %add3A_17 = arith.constant 384 : i32
    %add3A_18 = arith.addi %mul3A_16, %add3A_17 : i32
    "tpu.region"() ({
      %run_scoped3A = tpu.sem_alloc : memref<!tpu.dma_semaphore, #tpu.memory_space<semaphore_mem>>
      %dma_start3A = arith.constant 0 : i32
      %dma_start3A_39 = tpu.memref_slice %arg14[%add3A_18, %dma_start3A] : memref<10240x128xf32, #tpu.memory_space<vmem_shared>> -> memref<128x128xf32, #tpu.memory_space<vmem_shared>>
      %dma_start3A_40 = arith.constant 0 : i32
      %dma_start3A_41 = tpu.memref_slice %arg14[%add3A_18, %dma_start3A_40] : memref<10240x128xf32, #tpu.memory_space<vmem_shared>> -> memref<128x128xf32, #tpu.memory_space<vmem_shared>>
      tpu.enqueue_dma source(%arg8 : memref<128x128xf32, #tpu.memory_space<vmem>>) target(%dma_start3A_41 : memref<128x128xf32, #tpu.memory_space<vmem_shared>>) target_semaphore(%run_scoped3A : memref<!tpu.dma_semaphore, #tpu.memory_space<semaphore_mem>>)
      %dma_wait3A = arith.constant 0 : i32
      %dma_wait3A_42 = tpu.memref_slice %arg14[%add3A_18, %dma_wait3A] : memref<10240x128xf32, #tpu.memory_space<vmem_shared>> -> memref<128x128xf32, #tpu.memory_space<vmem_shared>>
      %dma_wait3A_43 = arith.constant 0 : i32
      %dma_wait3A_44 = tpu.memref_slice %arg14[%add3A_18, %dma_wait3A_43] : memref<10240x128xf32, #tpu.memory_space<vmem_shared>> -> memref<128x128xf32, #tpu.memory_space<vmem_shared>>
      tpu.wait_dma2 semaphore(%run_scoped3A : memref<!tpu.dma_semaphore, #tpu.memory_space<semaphore_mem>>) src(%arg8 : memref<128x128xf32, #tpu.memory_space<vmem>>) dst(%dma_wait3A_44 : memref<128x128xf32, #tpu.memory_space<vmem_shared>>)
      tpu.yield
    }) : () -> ()
    %mul3A_19 = arith.constant 640 : i32
    %mul3A_20 = arith.muli %arg1, %mul3A_19 : i32
    %add3A_21 = arith.constant 512 : i32
    %add3A_22 = arith.addi %mul3A_20, %add3A_21 : i32
    "tpu.region"() ({
      %run_scoped3A = tpu.sem_alloc : memref<!tpu.dma_semaphore, #tpu.memory_space<semaphore_mem>>
      %dma_start3A = arith.constant 0 : i32
      %dma_start3A_39 = tpu.memref_slice %arg14[%add3A_22, %dma_start3A] : memref<10240x128xf32, #tpu.memory_space<vmem_shared>> -> memref<128x128xf32, #tpu.memory_space<vmem_shared>>
      %dma_start3A_40 = arith.constant 0 : i32
      %dma_start3A_41 = tpu.memref_slice %arg14[%add3A_22, %dma_start3A_40] : memref<10240x128xf32, #tpu.memory_space<vmem_shared>> -> memref<128x128xf32, #tpu.memory_space<vmem_shared>>
      tpu.enqueue_dma source(%arg8 : memref<128x128xf32, #tpu.memory_space<vmem>>) target(%dma_start3A_41 : memref<128x128xf32, #tpu.memory_space<vmem_shared>>) target_semaphore(%run_scoped3A : memref<!tpu.dma_semaphore, #tpu.memory_space<semaphore_mem>>)
      %dma_wait3A = arith.constant 0 : i32
      %dma_wait3A_42 = tpu.memref_slice %arg14[%add3A_22, %dma_wait3A] : memref<10240x128xf32, #tpu.memory_space<vmem_shared>> -> memref<128x128xf32, #tpu.memory_space<vmem_shared>>
      %dma_wait3A_43 = arith.constant 0 : i32
      %dma_wait3A_44 = tpu.memref_slice %arg14[%add3A_22, %dma_wait3A_43] : memref<10240x128xf32, #tpu.memory_space<vmem_shared>> -> memref<128x128xf32, #tpu.memory_space<vmem_shared>>
      tpu.wait_dma2 semaphore(%run_scoped3A : memref<!tpu.dma_semaphore, #tpu.memory_space<semaphore_mem>>) src(%arg8 : memref<128x128xf32, #tpu.memory_space<vmem>>) dst(%dma_wait3A_44 : memref<128x128xf32, #tpu.memory_space<vmem_shared>>)
      tpu.yield
    }) : () -> ()
    %barrier3A = arith.constant 0 : index
    tpu.barrier barrier_id(%barrier3A)
    %mul3A_23 = arith.constant 16 : i32
    %mul3A_24 = arith.muli %arg0, %mul3A_23 : i32
    %add3A_25 = arith.addi %mul3A_24, %arg1 : i32
    %mul3A_26 = arith.constant 80 : i32
    %mul3A_27 = arith.muli %add3A_25, %mul3A_26 : i32
    %scan3A_28 = arith.constant 0 : i32
    %scan3A_29 = arith.constant 0 : i32
    %scan3A_30 = arith.constant 2 : i32
    %scan3A_31 = arith.addi %scan3A_29, %scan3A_30 : i32
    %scan3A_32 = arith.constant 1 : i32
    scf.for %scan3A_39 = %scan3A_29 to %scan3A_31 step %scan3A_32  : i32 {
      %mul3A_40 = arith.constant 40 : i32
      %mul3A_41 = arith.muli %scan3A_39, %mul3A_40 : i32
      %multiple_of3A = tpu.assume_multiple %mul3A_41, 8 : i32
      %add3A_42 = arith.addi %mul3A_27, %multiple_of3A : i32
      "tpu.region"() ({
        %run_scoped3A = tpu.sem_alloc : memref<!tpu.dma_semaphore, #tpu.memory_space<semaphore_mem>>
        %dma_start3A_104 = arith.constant 0 : i32
        %dma_start3A_105 = tpu.memref_slice %arg2[%add3A_42, %dma_start3A_104] : memref<2560x128xi32, #tpu.memory_space<hbm>> -> memref<40x128xi32, #tpu.memory_space<hbm>>
        %dma_start3A_106 = arith.constant 0 : i32
        %dma_start3A_107 = tpu.memref_slice %arg2[%add3A_42, %dma_start3A_106] : memref<2560x128xi32, #tpu.memory_space<hbm>> -> memref<40x128xi32, #tpu.memory_space<hbm>>
        tpu.enqueue_dma source(%dma_start3A_107 : memref<40x128xi32, #tpu.memory_space<hbm>>) target(%arg6 : memref<40x128xi32, #tpu.memory_space<vmem>>) target_semaphore(%run_scoped3A : memref<!tpu.dma_semaphore, #tpu.memory_space<semaphore_mem>>)
        %dma_wait3A_108 = arith.constant 0 : i32
        %dma_wait3A_109 = tpu.memref_slice %arg2[%add3A_42, %dma_wait3A_108] : memref<2560x128xi32, #tpu.memory_space<hbm>> -> memref<40x128xi32, #tpu.memory_space<hbm>>
        %dma_wait3A_110 = arith.constant 0 : i32
        %dma_wait3A_111 = tpu.memref_slice %arg2[%add3A_42, %dma_wait3A_110] : memref<2560x128xi32, #tpu.memory_space<hbm>> -> memref<40x128xi32, #tpu.memory_space<hbm>>
        tpu.wait_dma2 semaphore(%run_scoped3A : memref<!tpu.dma_semaphore, #tpu.memory_space<semaphore_mem>>) src(%dma_wait3A_111 : memref<40x128xi32, #tpu.memory_space<hbm>>) dst(%arg6 : memref<40x128xi32, #tpu.memory_space<vmem>>)
        tpu.yield
      }) : () -> ()
      %add3A_43 = arith.addi %mul3A_27, %multiple_of3A : i32
      "tpu.region"() ({
        %run_scoped3A = tpu.sem_alloc : memref<!tpu.dma_semaphore, #tpu.memory_space<semaphore_mem>>
        %dma_start3A_104 = arith.constant 0 : i32
        %dma_start3A_105 = tpu.memref_slice %arg3[%add3A_43, %dma_start3A_104] : memref<2560x128xi32, #tpu.memory_space<hbm>> -> memref<40x128xi32, #tpu.memory_space<hbm>>
        %dma_start3A_106 = arith.constant 0 : i32
        %dma_start3A_107 = tpu.memref_slice %arg3[%add3A_43, %dma_start3A_106] : memref<2560x128xi32, #tpu.memory_space<hbm>> -> memref<40x128xi32, #tpu.memory_space<hbm>>
        tpu.enqueue_dma source(%dma_start3A_107 : memref<40x128xi32, #tpu.memory_space<hbm>>) target(%arg7 : memref<40x128xi32, #tpu.memory_space<vmem>>) target_semaphore(%run_scoped3A : memref<!tpu.dma_semaphore, #tpu.memory_space<semaphore_mem>>)
        %dma_wait3A_108 = arith.constant 0 : i32
        %dma_wait3A_109 = tpu.memref_slice %arg3[%add3A_43, %dma_wait3A_108] : memref<2560x128xi32, #tpu.memory_space<hbm>> -> memref<40x128xi32, #tpu.memory_space<hbm>>
        %dma_wait3A_110 = arith.constant 0 : i32
        %dma_wait3A_111 = tpu.memref_slice %arg3[%add3A_43, %dma_wait3A_110] : memref<2560x128xi32, #tpu.memory_space<hbm>> -> memref<40x128xi32, #tpu.memory_space<hbm>>
        tpu.wait_dma2 semaphore(%run_scoped3A : memref<!tpu.dma_semaphore, #tpu.memory_space<semaphore_mem>>) src(%dma_wait3A_111 : memref<40x128xi32, #tpu.memory_space<hbm>>) dst(%arg7 : memref<40x128xi32, #tpu.memory_space<vmem>>)
        tpu.yield
      }) : () -> ()
      %dma_start3A = arith.constant 0 : i32
      %dma_start3A_44 = arith.constant 0 : i32
      %dma_start3A_45 = tpu.memref_slice %arg6[%dma_start3A, %dma_start3A_44] : memref<40x128xi32, #tpu.memory_space<vmem>> -> memref<1x128xi32, #tpu.memory_space<vmem>>
      %dma_start3A_46 = tpu.memref_squeeze %dma_start3A_45 : memref<1x128xi32, #tpu.memory_space<vmem>> -> memref<128xi32, #tpu.memory_space<vmem>>
      %dma_start3A_47 = arith.constant 0 : i32
      %dma_start3A_48 = arith.constant 0 : i32
      %dma_start3A_49 = tpu.memref_slice %arg4[%dma_start3A_47, %dma_start3A_48] : memref<10000x128xf32, #tpu.memory_space<hbm>> -> memref<10000x128xf32, #tpu.memory_space<hbm>>
      tpu.enqueue_indirect_dma source(%dma_start3A_49 : memref<10000x128xf32, #tpu.memory_space<hbm>>) target(%arg8 : memref<128x128xf32, #tpu.memory_space<vmem>>) offsets(%dma_start3A_46 : memref<128xi32, #tpu.memory_space<vmem>>) semaphore(%arg10 : memref<!tpu.dma_semaphore, #tpu.memory_space<semaphore_mem>>)
      %dma_wait3A = arith.constant 0 : i32
      %dma_wait3A_50 = arith.constant 0 : i32
      %dma_wait3A_51 = tpu.memref_slice %arg6[%dma_wait3A, %dma_wait3A_50] : memref<40x128xi32, #tpu.memory_space<vmem>> -> memref<1x128xi32, #tpu.memory_space<vmem>>
      %dma_wait3A_52 = tpu.memref_squeeze %dma_wait3A_51 : memref<1x128xi32, #tpu.memory_space<vmem>> -> memref<128xi32, #tpu.memory_space<vmem>>
      %dma_wait3A_53 = arith.constant 0 : i32
      %dma_wait3A_54 = arith.constant 0 : i32
      %dma_wait3A_55 = tpu.memref_slice %arg4[%dma_wait3A_53, %dma_wait3A_54] : memref<10000x128xf32, #tpu.memory_space<hbm>> -> memref<10000x128xf32, #tpu.memory_space<hbm>>
      tpu.wait_indirect_dma semaphore(%arg10 : memref<!tpu.dma_semaphore, #tpu.memory_space<semaphore_mem>>) src(%dma_wait3A_55 : memref<10000x128xf32, #tpu.memory_space<hbm>>) dst(%arg8 : memref<128x128xf32, #tpu.memory_space<vmem>>)
      %dma_start3A_56 = arith.constant 1 : i32
      %dma_start3A_57 = arith.constant 0 : i32
      %dma_start3A_58 = tpu.memref_slice %arg6[%dma_start3A_56, %dma_start3A_57] : memref<40x128xi32, #tpu.memory_space<vmem>> -> memref<1x128xi32, #tpu.memory_space<vmem>>
      %dma_start3A_59 = tpu.memref_squeeze %dma_start3A_58 : memref<1x128xi32, #tpu.memory_space<vmem>> -> memref<128xi32, #tpu.memory_space<vmem>>
      %dma_start3A_60 = arith.constant 0 : i32
      %dma_start3A_61 = arith.constant 0 : i32
      %dma_start3A_62 = tpu.memref_slice %arg4[%dma_start3A_60, %dma_start3A_61] : memref<10000x128xf32, #tpu.memory_space<hbm>> -> memref<10000x128xf32, #tpu.memory_space<hbm>>
      tpu.enqueue_indirect_dma source(%dma_start3A_62 : memref<10000x128xf32, #tpu.memory_space<hbm>>) target(%arg9 : memref<128x128xf32, #tpu.memory_space<vmem>>) offsets(%dma_start3A_59 : memref<128xi32, #tpu.memory_space<vmem>>) semaphore(%arg11 : memref<!tpu.dma_semaphore, #tpu.memory_space<semaphore_mem>>)
      %dma_start3A_63 = arith.constant 0 : i32
      %dma_start3A_64 = arith.constant 0 : i32
      %dma_start3A_65 = tpu.memref_slice %arg7[%dma_start3A_63, %dma_start3A_64] : memref<40x128xi32, #tpu.memory_space<vmem>> -> memref<1x128xi32, #tpu.memory_space<vmem>>
      %dma_start3A_66 = tpu.memref_squeeze %dma_start3A_65 : memref<1x128xi32, #tpu.memory_space<vmem>> -> memref<128xi32, #tpu.memory_space<vmem>>
      %dma_start3A_67 = arith.constant 0 : i32
      %dma_start3A_68 = arith.constant 0 : i32
      %dma_start3A_69 = tpu.memref_slice %arg14[%dma_start3A_67, %dma_start3A_68] : memref<10240x128xf32, #tpu.memory_space<vmem_shared>> -> memref<10240x128xf32, #tpu.memory_space<vmem_shared>>
      tpu.enqueue_indirect_dma source(%arg8 : memref<128x128xf32, #tpu.memory_space<vmem>>) target(%dma_start3A_69 : memref<10240x128xf32, #tpu.memory_space<vmem_shared>>) offsets(%dma_start3A_66 : memref<128xi32, #tpu.memory_space<vmem>>) semaphore(%arg12 : memref<!tpu.dma_semaphore, #tpu.memory_space<semaphore_mem>>) {add = true}
      %scan3A_70 = arith.constant 0 : i32
      %scan3A_71 = arith.constant 0 : i32
      %scan3A_72 = arith.constant 19 : i32
      %scan3A_73 = arith.addi %scan3A_71, %scan3A_72 : i32
      %scan3A_74 = arith.constant 1 : i32
      scf.for %scan3A_104 = %scan3A_71 to %scan3A_73 step %scan3A_74  : i32 {
        %mul3A_105 = arith.constant 2 : i32
        %mul3A_106 = arith.muli %mul3A_105, %scan3A_104 : i32
        %add3A_107 = arith.constant 1 : i32
        %add3A_108 = arith.addi %mul3A_106, %add3A_107 : i32
        %dma_wait3A_109 = arith.constant 0 : i32
        %dma_wait3A_110 = tpu.memref_slice %arg6[%add3A_108, %dma_wait3A_109] : memref<40x128xi32, #tpu.memory_space<vmem>> -> memref<1x128xi32, #tpu.memory_space<vmem>>
        %dma_wait3A_111 = tpu.memref_squeeze %dma_wait3A_110 : memref<1x128xi32, #tpu.memory_space<vmem>> -> memref<128xi32, #tpu.memory_space<vmem>>
        %dma_wait3A_112 = arith.constant 0 : i32
        %dma_wait3A_113 = arith.constant 0 : i32
        %dma_wait3A_114 = tpu.memref_slice %arg4[%dma_wait3A_112, %dma_wait3A_113] : memref<10000x128xf32, #tpu.memory_space<hbm>> -> memref<10000x128xf32, #tpu.memory_space<hbm>>
        tpu.wait_indirect_dma semaphore(%arg11 : memref<!tpu.dma_semaphore, #tpu.memory_space<semaphore_mem>>) src(%dma_wait3A_114 : memref<10000x128xf32, #tpu.memory_space<hbm>>) dst(%arg9 : memref<128x128xf32, #tpu.memory_space<vmem>>)
        %dma_wait3A_115 = arith.constant 0 : i32
        %dma_wait3A_116 = tpu.memref_slice %arg7[%mul3A_106, %dma_wait3A_115] : memref<40x128xi32, #tpu.memory_space<vmem>> -> memref<1x128xi32, #tpu.memory_space<vmem>>
        %dma_wait3A_117 = tpu.memref_squeeze %dma_wait3A_116 : memref<1x128xi32, #tpu.memory_space<vmem>> -> memref<128xi32, #tpu.memory_space<vmem>>
        %dma_wait3A_118 = arith.constant 0 : i32
        %dma_wait3A_119 = arith.constant 0 : i32
        %dma_wait3A_120 = tpu.memref_slice %arg14[%dma_wait3A_118, %dma_wait3A_119] : memref<10240x128xf32, #tpu.memory_space<vmem_shared>> -> memref<10240x128xf32, #tpu.memory_space<vmem_shared>>
        tpu.wait_indirect_dma semaphore(%arg12 : memref<!tpu.dma_semaphore, #tpu.memory_space<semaphore_mem>>) src(%arg8 : memref<128x128xf32, #tpu.memory_space<vmem>>) dst(%dma_wait3A_120 : memref<10240x128xf32, #tpu.memory_space<vmem_shared>>)
        %add3A_121 = arith.constant 2 : i32
        %add3A_122 = arith.addi %mul3A_106, %add3A_121 : i32
        %dma_start3A_123 = arith.constant 0 : i32
        %dma_start3A_124 = tpu.memref_slice %arg6[%add3A_122, %dma_start3A_123] : memref<40x128xi32, #tpu.memory_space<vmem>> -> memref<1x128xi32, #tpu.memory_space<vmem>>
        %dma_start3A_125 = tpu.memref_squeeze %dma_start3A_124 : memref<1x128xi32, #tpu.memory_space<vmem>> -> memref<128xi32, #tpu.memory_space<vmem>>
        %dma_start3A_126 = arith.constant 0 : i32
        %dma_start3A_127 = arith.constant 0 : i32
        %dma_start3A_128 = tpu.memref_slice %arg4[%dma_start3A_126, %dma_start3A_127] : memref<10000x128xf32, #tpu.memory_space<hbm>> -> memref<10000x128xf32, #tpu.memory_space<hbm>>
        tpu.enqueue_indirect_dma source(%dma_start3A_128 : memref<10000x128xf32, #tpu.memory_space<hbm>>) target(%arg8 : memref<128x128xf32, #tpu.memory_space<vmem>>) offsets(%dma_start3A_125 : memref<128xi32, #tpu.memory_space<vmem>>) semaphore(%arg10 : memref<!tpu.dma_semaphore, #tpu.memory_space<semaphore_mem>>)
        %add3A_129 = arith.constant 1 : i32
        %add3A_130 = arith.addi %mul3A_106, %add3A_129 : i32
        %dma_start3A_131 = arith.constant 0 : i32
        %dma_start3A_132 = tpu.memref_slice %arg7[%add3A_130, %dma_start3A_131] : memref<40x128xi32, #tpu.memory_space<vmem>> -> memref<1x128xi32, #tpu.memory_space<vmem>>
        %dma_start3A_133 = tpu.memref_squeeze %dma_start3A_132 : memref<1x128xi32, #tpu.memory_space<vmem>> -> memref<128xi32, #tpu.memory_space<vmem>>
        %dma_start3A_134 = arith.constant 0 : i32
        %dma_start3A_135 = arith.constant 0 : i32
        %dma_start3A_136 = tpu.memref_slice %arg14[%dma_start3A_134, %dma_start3A_135] : memref<10240x128xf32, #tpu.memory_space<vmem_shared>> -> memref<10240x128xf32, #tpu.memory_space<vmem_shared>>
        tpu.enqueue_indirect_dma source(%arg9 : memref<128x128xf32, #tpu.memory_space<vmem>>) target(%dma_start3A_136 : memref<10240x128xf32, #tpu.memory_space<vmem_shared>>) offsets(%dma_start3A_133 : memref<128xi32, #tpu.memory_space<vmem>>) semaphore(%arg13 : memref<!tpu.dma_semaphore, #tpu.memory_space<semaphore_mem>>) {add = true}
        %add3A_137 = arith.constant 2 : i32
        %add3A_138 = arith.addi %mul3A_106, %add3A_137 : i32
        %dma_wait3A_139 = arith.constant 0 : i32
        %dma_wait3A_140 = tpu.memref_slice %arg6[%add3A_138, %dma_wait3A_139] : memref<40x128xi32, #tpu.memory_space<vmem>> -> memref<1x128xi32, #tpu.memory_space<vmem>>
        %dma_wait3A_141 = tpu.memref_squeeze %dma_wait3A_140 : memref<1x128xi32, #tpu.memory_space<vmem>> -> memref<128xi32, #tpu.memory_space<vmem>>
        %dma_wait3A_142 = arith.constant 0 : i32
        %dma_wait3A_143 = arith.constant 0 : i32
        %dma_wait3A_144 = tpu.memref_slice %arg4[%dma_wait3A_142, %dma_wait3A_143] : memref<10000x128xf32, #tpu.memory_space<hbm>> -> memref<10000x128xf32, #tpu.memory_space<hbm>>
        tpu.wait_indirect_dma semaphore(%arg10 : memref<!tpu.dma_semaphore, #tpu.memory_space<semaphore_mem>>) src(%dma_wait3A_144 : memref<10000x128xf32, #tpu.memory_space<hbm>>) dst(%arg8 : memref<128x128xf32, #tpu.memory_space<vmem>>)
        %add3A_145 = arith.constant 1 : i32
        %add3A_146 = arith.addi %mul3A_106, %add3A_145 : i32
        %dma_wait3A_147 = arith.constant 0 : i32
        %dma_wait3A_148 = tpu.memref_slice %arg7[%add3A_146, %dma_wait3A_147] : memref<40x128xi32, #tpu.memory_space<vmem>> -> memref<1x128xi32, #tpu.memory_space<vmem>>
        %dma_wait3A_149 = tpu.memref_squeeze %dma_wait3A_148 : memref<1x128xi32, #tpu.memory_space<vmem>> -> memref<128xi32, #tpu.memory_space<vmem>>
        %dma_wait3A_150 = arith.constant 0 : i32
        %dma_wait3A_151 = arith.constant 0 : i32
        %dma_wait3A_152 = tpu.memref_slice %arg14[%dma_wait3A_150, %dma_wait3A_151] : memref<10240x128xf32, #tpu.memory_space<vmem_shared>> -> memref<10240x128xf32, #tpu.memory_space<vmem_shared>>
        tpu.wait_indirect_dma semaphore(%arg13 : memref<!tpu.dma_semaphore, #tpu.memory_space<semaphore_mem>>) src(%arg9 : memref<128x128xf32, #tpu.memory_space<vmem>>) dst(%dma_wait3A_152 : memref<10240x128xf32, #tpu.memory_space<vmem_shared>>)
        %add3A_153 = arith.constant 3 : i32
        %add3A_154 = arith.addi %mul3A_106, %add3A_153 : i32
        %dma_start3A_155 = arith.constant 0 : i32
        %dma_start3A_156 = tpu.memref_slice %arg6[%add3A_154, %dma_start3A_155] : memref<40x128xi32, #tpu.memory_space<vmem>> -> memref<1x128xi32, #tpu.memory_space<vmem>>
        %dma_start3A_157 = tpu.memref_squeeze %dma_start3A_156 : memref<1x128xi32, #tpu.memory_space<vmem>> -> memref<128xi32, #tpu.memory_space<vmem>>
        %dma_start3A_158 = arith.constant 0 : i32
        %dma_start3A_159 = arith.constant 0 : i32
        %dma_start3A_160 = tpu.memref_slice %arg4[%dma_start3A_158, %dma_start3A_159] : memref<10000x128xf32, #tpu.memory_space<hbm>> -> memref<10000x128xf32, #tpu.memory_space<hbm>>
        tpu.enqueue_indirect_dma source(%dma_start3A_160 : memref<10000x128xf32, #tpu.memory_space<hbm>>) target(%arg9 : memref<128x128xf32, #tpu.memory_space<vmem>>) offsets(%dma_start3A_157 : memref<128xi32, #tpu.memory_space<vmem>>) semaphore(%arg11 : memref<!tpu.dma_semaphore, #tpu.memory_space<semaphore_mem>>)
        %add3A_161 = arith.constant 2 : i32
        %add3A_162 = arith.addi %mul3A_106, %add3A_161 : i32
        %dma_start3A_163 = arith.constant 0 : i32
        %dma_start3A_164 = tpu.memref_slice %arg7[%add3A_162, %dma_start3A_163] : memref<40x128xi32, #tpu.memory_space<vmem>> -> memref<1x128xi32, #tpu.memory_space<vmem>>
        %dma_start3A_165 = tpu.memref_squeeze %dma_start3A_164 : memref<1x128xi32, #tpu.memory_space<vmem>> -> memref<128xi32, #tpu.memory_space<vmem>>
        %dma_start3A_166 = arith.constant 0 : i32
        %dma_start3A_167 = arith.constant 0 : i32
        %dma_start3A_168 = tpu.memref_slice %arg14[%dma_start3A_166, %dma_start3A_167] : memref<10240x128xf32, #tpu.memory_space<vmem_shared>> -> memref<10240x128xf32, #tpu.memory_space<vmem_shared>>
        tpu.enqueue_indirect_dma source(%arg8 : memref<128x128xf32, #tpu.memory_space<vmem>>) target(%dma_start3A_168 : memref<10240x128xf32, #tpu.memory_space<vmem_shared>>) offsets(%dma_start3A_165 : memref<128xi32, #tpu.memory_space<vmem>>) semaphore(%arg12 : memref<!tpu.dma_semaphore, #tpu.memory_space<semaphore_mem>>) {add = true}
      }
      %scan3A_75 = arith.constant 19 : i32
      %dma_wait3A_76 = arith.constant 39 : i32
      %dma_wait3A_77 = arith.constant 0 : i32
      %dma_wait3A_78 = tpu.memref_slice %arg6[%dma_wait3A_76, %dma_wait3A_77] : memref<40x128xi32, #tpu.memory_space<vmem>> -> memref<1x128xi32, #tpu.memory_space<vmem>>
      %dma_wait3A_79 = tpu.memref_squeeze %dma_wait3A_78 : memref<1x128xi32, #tpu.memory_space<vmem>> -> memref<128xi32, #tpu.memory_space<vmem>>
      %dma_wait3A_80 = arith.constant 0 : i32
      %dma_wait3A_81 = arith.constant 0 : i32
      %dma_wait3A_82 = tpu.memref_slice %arg4[%dma_wait3A_80, %dma_wait3A_81] : memref<10000x128xf32, #tpu.memory_space<hbm>> -> memref<10000x128xf32, #tpu.memory_space<hbm>>
      tpu.wait_indirect_dma semaphore(%arg11 : memref<!tpu.dma_semaphore, #tpu.memory_space<semaphore_mem>>) src(%dma_wait3A_82 : memref<10000x128xf32, #tpu.memory_space<hbm>>) dst(%arg9 : memref<128x128xf32, #tpu.memory_space<vmem>>)
      %dma_wait3A_83 = arith.constant 38 : i32
      %dma_wait3A_84 = arith.constant 0 : i32
      %dma_wait3A_85 = tpu.memref_slice %arg7[%dma_wait3A_83, %dma_wait3A_84] : memref<40x128xi32, #tpu.memory_space<vmem>> -> memref<1x128xi32, #tpu.memory_space<vmem>>
      %dma_wait3A_86 = tpu.memref_squeeze %dma_wait3A_85 : memref<1x128xi32, #tpu.memory_space<vmem>> -> memref<128xi32, #tpu.memory_space<vmem>>
      %dma_wait3A_87 = arith.constant 0 : i32
      %dma_wait3A_88 = arith.constant 0 : i32
      %dma_wait3A_89 = tpu.memref_slice %arg14[%dma_wait3A_87, %dma_wait3A_88] : memref<10240x128xf32, #tpu.memory_space<vmem_shared>> -> memref<10240x128xf32, #tpu.memory_space<vmem_shared>>
      tpu.wait_indirect_dma semaphore(%arg12 : memref<!tpu.dma_semaphore, #tpu.memory_space<semaphore_mem>>) src(%arg8 : memref<128x128xf32, #tpu.memory_space<vmem>>) dst(%dma_wait3A_89 : memref<10240x128xf32, #tpu.memory_space<vmem_shared>>)
      %dma_start3A_90 = arith.constant 39 : i32
      %dma_start3A_91 = arith.constant 0 : i32
      %dma_start3A_92 = tpu.memref_slice %arg7[%dma_start3A_90, %dma_start3A_91] : memref<40x128xi32, #tpu.memory_space<vmem>> -> memref<1x128xi32, #tpu.memory_space<vmem>>
      %dma_start3A_93 = tpu.memref_squeeze %dma_start3A_92 : memref<1x128xi32, #tpu.memory_space<vmem>> -> memref<128xi32, #tpu.memory_space<vmem>>
      %dma_start3A_94 = arith.constant 0 : i32
      %dma_start3A_95 = arith.constant 0 : i32
      %dma_start3A_96 = tpu.memref_slice %arg14[%dma_start3A_94, %dma_start3A_95] : memref<10240x128xf32, #tpu.memory_space<vmem_shared>> -> memref<10240x128xf32, #tpu.memory_space<vmem_shared>>
      tpu.enqueue_indirect_dma source(%arg9 : memref<128x128xf32, #tpu.memory_space<vmem>>) target(%dma_start3A_96 : memref<10240x128xf32, #tpu.memory_space<vmem_shared>>) offsets(%dma_start3A_93 : memref<128xi32, #tpu.memory_space<vmem>>) semaphore(%arg13 : memref<!tpu.dma_semaphore, #tpu.memory_space<semaphore_mem>>) {add = true}
      %dma_wait3A_97 = arith.constant 39 : i32
      %dma_wait3A_98 = arith.constant 0 : i32
      %dma_wait3A_99 = tpu.memref_slice %arg7[%dma_wait3A_97, %dma_wait3A_98] : memref<40x128xi32, #tpu.memory_space<vmem>> -> memref<1x128xi32, #tpu.memory_space<vmem>>
      %dma_wait3A_100 = tpu.memref_squeeze %dma_wait3A_99 : memref<1x128xi32, #tpu.memory_space<vmem>> -> memref<128xi32, #tpu.memory_space<vmem>>
      %dma_wait3A_101 = arith.constant 0 : i32
      %dma_wait3A_102 = arith.constant 0 : i32
      %dma_wait3A_103 = tpu.memref_slice %arg14[%dma_wait3A_101, %dma_wait3A_102] : memref<10240x128xf32, #tpu.memory_space<vmem_shared>> -> memref<10240x128xf32, #tpu.memory_space<vmem_shared>>
      tpu.wait_indirect_dma semaphore(%arg13 : memref<!tpu.dma_semaphore, #tpu.memory_space<semaphore_mem>>) src(%arg9 : memref<128x128xf32, #tpu.memory_space<vmem>>) dst(%dma_wait3A_103 : memref<10240x128xf32, #tpu.memory_space<vmem_shared>>)
    }
    %scan3A_33 = arith.constant 2 : i32
    %barrier3A_34 = arith.constant 0 : index
    tpu.barrier barrier_id(%barrier3A_34)
    %mul3A_35 = arith.constant 640 : i32
    %mul3A_36 = arith.muli %arg1, %mul3A_35 : i32
    %mul3A_37 = arith.constant 640 : i32
    %mul3A_38 = arith.muli %arg1, %mul3A_37 : i32
    "tpu.region"() ({
      %run_scoped3A = tpu.sem_alloc : memref<!tpu.dma_semaphore, #tpu.memory_space<semaphore_mem>>
      %dma_start3A = arith.constant 0 : i32
      %dma_start3A_39 = tpu.memref_slice %arg5[%arg0, %mul3A_38, %dma_start3A] : memref<2x10240x128xf32, #tpu.memory_space<hbm>> -> memref<1x640x128xf32, #tpu.memory_space<hbm>>
      %dma_start3A_40 = tpu.memref_squeeze %dma_start3A_39 : memref<1x640x128xf32, #tpu.memory_space<hbm>> -> memref<640x128xf32, #tpu.memory_space<hbm>>
      %dma_start3A_41 = arith.constant 0 : i32
      %dma_start3A_42 = tpu.memref_slice %arg14[%mul3A_36, %dma_start3A_41] : memref<10240x128xf32, #tpu.memory_space<vmem_shared>> -> memref<640x128xf32, #tpu.memory_space<vmem_shared>>
      tpu.enqueue_dma source(%dma_start3A_42 : memref<640x128xf32, #tpu.memory_space<vmem_shared>>) target(%dma_start3A_40 : memref<640x128xf32, #tpu.memory_space<hbm>>) target_semaphore(%run_scoped3A : memref<!tpu.dma_semaphore, #tpu.memory_space<semaphore_mem>>)
      %dma_wait3A = arith.constant 0 : i32
      %dma_wait3A_43 = tpu.memref_slice %arg5[%arg0, %mul3A_38, %dma_wait3A] : memref<2x10240x128xf32, #tpu.memory_space<hbm>> -> memref<1x640x128xf32, #tpu.memory_space<hbm>>
      %dma_wait3A_44 = tpu.memref_squeeze %dma_wait3A_43 : memref<1x640x128xf32, #tpu.memory_space<hbm>> -> memref<640x128xf32, #tpu.memory_space<hbm>>
      %dma_wait3A_45 = arith.constant 0 : i32
      %dma_wait3A_46 = tpu.memref_slice %arg14[%mul3A_36, %dma_wait3A_45] : memref<10240x128xf32, #tpu.memory_space<vmem_shared>> -> memref<640x128xf32, #tpu.memory_space<vmem_shared>>
      tpu.wait_dma2 semaphore(%run_scoped3A : memref<!tpu.dma_semaphore, #tpu.memory_space<semaphore_mem>>) src(%dma_wait3A_46 : memref<640x128xf32, #tpu.memory_space<vmem_shared>>) dst(%dma_wait3A_44 : memref<640x128xf32, #tpu.memory_space<hbm>>)
      tpu.yield
    }) : () -> ()
    return
  }
}

#map = affine_map<(d0, d1) -> (0, 0)>
#map1 = affine_map<(d0, d1) -> (0, 0, 0)>
module attributes {stable_mosaic.version = 14 : i64} {
  func.func @_sc_mp_body(%arg0: i32, %arg1: i32, %arg2: memref<2560x128xi32, #tpu.memory_space<hbm>>, %arg3: memref<2560x128xi32, #tpu.memory_space<hbm>>, %arg4: memref<10000x128xf32, #tpu.memory_space<hbm>>, %arg5: memref<2x10240x128xf32, #tpu.memory_space<hbm>>, %arg6: memref<40x128xi32, #tpu.memory_space<vmem>>, %arg7: memref<40x128xi32, #tpu.memory_space<vmem>>, %arg8: memref<128x128xf32, #tpu.memory_space<vmem>>, %arg9: memref<128x128xf32, #tpu.memory_space<vmem>>, %arg10: memref<!tpu.dma_semaphore, #tpu.memory_space<semaphore_mem>>, %arg11: memref<!tpu.dma_semaphore, #tpu.memory_space<semaphore_mem>>, %arg12: memref<!tpu.dma_semaphore, #tpu.memory_space<semaphore_mem>>, %arg13: memref<!tpu.dma_semaphore, #tpu.memory_space<semaphore_mem>>, %arg14: memref<10240x128xf32, #tpu.memory_space<vmem_shared>>) attributes {dimension_semantics = [#tpu.dimension_semantics<core_parallel>, #tpu.dimension_semantics<subcore_parallel>], iteration_bounds = array<i64: 2, 16>, scalar_prefetch = 0 : i64, scratch_operands = 9 : i64, tpu.core_type = #tpu.core_type<sc_vector_subcore>, window_params = [{transform_indices = #map}, {transform_indices = #map}, {transform_indices = #map}, {transform_indices = #map1}]} {
    %scan3A = arith.constant 0 : i32
    %scan3A_0 = arith.constant 0 : i32
    %scan3A_1 = arith.constant 128 : i32
    %scan3A_2 = arith.addi %scan3A_0, %scan3A_1 : i32
    %scan3A_3 = arith.constant 1 : i32
    scf.for %scan3A_39 = %scan3A_0 to %scan3A_2 step %scan3A_3  : i32 {
      %broadcast_in_dim3A = arith.constant 0.000000e+00 : f32
      %broadcast_in_dim3A_40 = vector.broadcast %broadcast_in_dim3A : f32 to vector<16xf32>
      %swap3A = arith.index_cast %scan3A_39 : i32 to index
      %swap3A_41 = arith.constant 0 : index
      %swap3A_42 = tpu.vector_load %arg8[%swap3A, %swap3A_41] {strides = array<i32>} : memref<128x128xf32, #tpu.memory_space<vmem>>, vector<1x16xf32>,
      %swap3A_43 = vector.shape_cast %swap3A_42 : vector<1x16xf32> to vector<16xf32>
      %swap3A_44 = vector.shape_cast %broadcast_in_dim3A_40 : vector<16xf32> to vector<1x16xf32>
      tpu.vector_store %arg8[%swap3A, %swap3A_41], %swap3A_44 {strides = array<i32>} : memref<128x128xf32, #tpu.memory_space<vmem>>, vector<1x16xf32>,
      %broadcast_in_dim3A_45 = arith.constant 0.000000e+00 : f32
      %broadcast_in_dim3A_46 = vector.broadcast %broadcast_in_dim3A_45 : f32 to vector<16xf32>
      %swap3A_47 = arith.index_cast %scan3A_39 : i32 to index
      %swap3A_48 = arith.constant 16 : index
      %swap3A_49 = tpu.vector_load %arg8[%swap3A_47, %swap3A_48] {strides = array<i32>} : memref<128x128xf32, #tpu.memory_space<vmem>>, vector<1x16xf32>,
      %swap3A_50 = vector.shape_cast %swap3A_49 : vector<1x16xf32> to vector<16xf32>
      %swap3A_51 = vector.shape_cast %broadcast_in_dim3A_46 : vector<16xf32> to vector<1x16xf32>
      tpu.vector_store %arg8[%swap3A_47, %swap3A_48], %swap3A_51 {strides = array<i32>} : memref<128x128xf32, #tpu.memory_space<vmem>>, vector<1x16xf32>,
      %broadcast_in_dim3A_52 = arith.constant 0.000000e+00 : f32
      %broadcast_in_dim3A_53 = vector.broadcast %broadcast_in_dim3A_52 : f32 to vector<16xf32>
      %swap3A_54 = arith.index_cast %scan3A_39 : i32 to index
      %swap3A_55 = arith.constant 32 : index
      %swap3A_56 = tpu.vector_load %arg8[%swap3A_54, %swap3A_55] {strides = array<i32>} : memref<128x128xf32, #tpu.memory_space<vmem>>, vector<1x16xf32>,
      %swap3A_57 = vector.shape_cast %swap3A_56 : vector<1x16xf32> to vector<16xf32>
      %swap3A_58 = vector.shape_cast %broadcast_in_dim3A_53 : vector<16xf32> to vector<1x16xf32>
      tpu.vector_store %arg8[%swap3A_54, %swap3A_55], %swap3A_58 {strides = array<i32>} : memref<128x128xf32, #tpu.memory_space<vmem>>, vector<1x16xf32>,
      %broadcast_in_dim3A_59 = arith.constant 0.000000e+00 : f32
      %broadcast_in_dim3A_60 = vector.broadcast %broadcast_in_dim3A_59 : f32 to vector<16xf32>
      %swap3A_61 = arith.index_cast %scan3A_39 : i32 to index
      %swap3A_62 = arith.constant 48 : index
      %swap3A_63 = tpu.vector_load %arg8[%swap3A_61, %swap3A_62] {strides = array<i32>} : memref<128x128xf32, #tpu.memory_space<vmem>>, vector<1x16xf32>,
      %swap3A_64 = vector.shape_cast %swap3A_63 : vector<1x16xf32> to vector<16xf32>
      %swap3A_65 = vector.shape_cast %broadcast_in_dim3A_60 : vector<16xf32> to vector<1x16xf32>
      tpu.vector_store %arg8[%swap3A_61, %swap3A_62], %swap3A_65 {strides = array<i32>} : memref<128x128xf32, #tpu.memory_space<vmem>>, vector<1x16xf32>,
      %broadcast_in_dim3A_66 = arith.constant 0.000000e+00 : f32
      %broadcast_in_dim3A_67 = vector.broadcast %broadcast_in_dim3A_66 : f32 to vector<16xf32>
      %swap3A_68 = arith.index_cast %scan3A_39 : i32 to index
      %swap3A_69 = arith.constant 64 : index
      %swap3A_70 = tpu.vector_load %arg8[%swap3A_68, %swap3A_69] {strides = array<i32>} : memref<128x128xf32, #tpu.memory_space<vmem>>, vector<1x16xf32>,
      %swap3A_71 = vector.shape_cast %swap3A_70 : vector<1x16xf32> to vector<16xf32>
      %swap3A_72 = vector.shape_cast %broadcast_in_dim3A_67 : vector<16xf32> to vector<1x16xf32>
      tpu.vector_store %arg8[%swap3A_68, %swap3A_69], %swap3A_72 {strides = array<i32>} : memref<128x128xf32, #tpu.memory_space<vmem>>, vector<1x16xf32>,
      %broadcast_in_dim3A_73 = arith.constant 0.000000e+00 : f32
      %broadcast_in_dim3A_74 = vector.broadcast %broadcast_in_dim3A_73 : f32 to vector<16xf32>
      %swap3A_75 = arith.index_cast %scan3A_39 : i32 to index
      %swap3A_76 = arith.constant 80 : index
      %swap3A_77 = tpu.vector_load %arg8[%swap3A_75, %swap3A_76] {strides = array<i32>} : memref<128x128xf32, #tpu.memory_space<vmem>>, vector<1x16xf32>,
      %swap3A_78 = vector.shape_cast %swap3A_77 : vector<1x16xf32> to vector<16xf32>
      %swap3A_79 = vector.shape_cast %broadcast_in_dim3A_74 : vector<16xf32> to vector<1x16xf32>
      tpu.vector_store %arg8[%swap3A_75, %swap3A_76], %swap3A_79 {strides = array<i32>} : memref<128x128xf32, #tpu.memory_space<vmem>>, vector<1x16xf32>,
      %broadcast_in_dim3A_80 = arith.constant 0.000000e+00 : f32
      %broadcast_in_dim3A_81 = vector.broadcast %broadcast_in_dim3A_80 : f32 to vector<16xf32>
      %swap3A_82 = arith.index_cast %scan3A_39 : i32 to index
      %swap3A_83 = arith.constant 96 : index
      %swap3A_84 = tpu.vector_load %arg8[%swap3A_82, %swap3A_83] {strides = array<i32>} : memref<128x128xf32, #tpu.memory_space<vmem>>, vector<1x16xf32>,
      %swap3A_85 = vector.shape_cast %swap3A_84 : vector<1x16xf32> to vector<16xf32>
      %swap3A_86 = vector.shape_cast %broadcast_in_dim3A_81 : vector<16xf32> to vector<1x16xf32>
      tpu.vector_store %arg8[%swap3A_82, %swap3A_83], %swap3A_86 {strides = array<i32>} : memref<128x128xf32, #tpu.memory_space<vmem>>, vector<1x16xf32>,
      %broadcast_in_dim3A_87 = arith.constant 0.000000e+00 : f32
      %broadcast_in_dim3A_88 = vector.broadcast %broadcast_in_dim3A_87 : f32 to vector<16xf32>
      %swap3A_89 = arith.index_cast %scan3A_39 : i32 to index
      %swap3A_90 = arith.constant 112 : index
      %swap3A_91 = tpu.vector_load %arg8[%swap3A_89, %swap3A_90] {strides = array<i32>} : memref<128x128xf32, #tpu.memory_space<vmem>>, vector<1x16xf32>,
      %swap3A_92 = vector.shape_cast %swap3A_91 : vector<1x16xf32> to vector<16xf32>
      %swap3A_93 = vector.shape_cast %broadcast_in_dim3A_88 : vector<16xf32> to vector<1x16xf32>
      tpu.vector_store %arg8[%swap3A_89, %swap3A_90], %swap3A_93 {strides = array<i32>} : memref<128x128xf32, #tpu.memory_space<vmem>>, vector<1x16xf32>,
    }
    %scan3A_4 = arith.constant 128 : i32
    %mul3A = arith.constant 640 : i32
    %mul3A_5 = arith.muli %arg1, %mul3A : i32
    %add3A = arith.constant 0 : i32
    %add3A_6 = arith.addi %mul3A_5, %add3A : i32
    "tpu.region"() ({
      %run_scoped3A = tpu.sem_alloc : memref<!tpu.dma_semaphore, #tpu.memory_space<semaphore_mem>>
      %dma_start3A = arith.constant 0 : i32
      %dma_start3A_39 = tpu.memref_slice %arg14[%add3A_6, %dma_start3A] : memref<10240x128xf32, #tpu.memory_space<vmem_shared>> -> memref<128x128xf32, #tpu.memory_space<vmem_shared>>
      %dma_start3A_40 = arith.constant 0 : i32
      %dma_start3A_41 = tpu.memref_slice %arg14[%add3A_6, %dma_start3A_40] : memref<10240x128xf32, #tpu.memory_space<vmem_shared>> -> memref<128x128xf32, #tpu.memory_space<vmem_shared>>
      tpu.enqueue_dma source(%arg8 : memref<128x128xf32, #tpu.memory_space<vmem>>) target(%dma_start3A_41 : memref<128x128xf32, #tpu.memory_space<vmem_shared>>) target_semaphore(%run_scoped3A : memref<!tpu.dma_semaphore, #tpu.memory_space<semaphore_mem>>)
      %dma_wait3A = arith.constant 0 : i32
      %dma_wait3A_42 = tpu.memref_slice %arg14[%add3A_6, %dma_wait3A] : memref<10240x128xf32, #tpu.memory_space<vmem_shared>> -> memref<128x128xf32, #tpu.memory_space<vmem_shared>>
      %dma_wait3A_43 = arith.constant 0 : i32
      %dma_wait3A_44 = tpu.memref_slice %arg14[%add3A_6, %dma_wait3A_43] : memref<10240x128xf32, #tpu.memory_space<vmem_shared>> -> memref<128x128xf32, #tpu.memory_space<vmem_shared>>
      tpu.wait_dma2 semaphore(%run_scoped3A : memref<!tpu.dma_semaphore, #tpu.memory_space<semaphore_mem>>) src(%arg8 : memref<128x128xf32, #tpu.memory_space<vmem>>) dst(%dma_wait3A_44 : memref<128x128xf32, #tpu.memory_space<vmem_shared>>)
      tpu.yield
    }) : () -> ()
    %mul3A_7 = arith.constant 640 : i32
    %mul3A_8 = arith.muli %arg1, %mul3A_7 : i32
    %add3A_9 = arith.constant 128 : i32
    %add3A_10 = arith.addi %mul3A_8, %add3A_9 : i32
    "tpu.region"() ({
      %run_scoped3A = tpu.sem_alloc : memref<!tpu.dma_semaphore, #tpu.memory_space<semaphore_mem>>
      %dma_start3A = arith.constant 0 : i32
      %dma_start3A_39 = tpu.memref_slice %arg14[%add3A_10, %dma_start3A] : memref<10240x128xf32, #tpu.memory_space<vmem_shared>> -> memref<128x128xf32, #tpu.memory_space<vmem_shared>>
      %dma_start3A_40 = arith.constant 0 : i32
      %dma_start3A_41 = tpu.memref_slice %arg14[%add3A_10, %dma_start3A_40] : memref<10240x128xf32, #tpu.memory_space<vmem_shared>> -> memref<128x128xf32, #tpu.memory_space<vmem_shared>>
      tpu.enqueue_dma source(%arg8 : memref<128x128xf32, #tpu.memory_space<vmem>>) target(%dma_start3A_41 : memref<128x128xf32, #tpu.memory_space<vmem_shared>>) target_semaphore(%run_scoped3A : memref<!tpu.dma_semaphore, #tpu.memory_space<semaphore_mem>>)
      %dma_wait3A = arith.constant 0 : i32
      %dma_wait3A_42 = tpu.memref_slice %arg14[%add3A_10, %dma_wait3A] : memref<10240x128xf32, #tpu.memory_space<vmem_shared>> -> memref<128x128xf32, #tpu.memory_space<vmem_shared>>
      %dma_wait3A_43 = arith.constant 0 : i32
      %dma_wait3A_44 = tpu.memref_slice %arg14[%add3A_10, %dma_wait3A_43] : memref<10240x128xf32, #tpu.memory_space<vmem_shared>> -> memref<128x128xf32, #tpu.memory_space<vmem_shared>>
      tpu.wait_dma2 semaphore(%run_scoped3A : memref<!tpu.dma_semaphore, #tpu.memory_space<semaphore_mem>>) src(%arg8 : memref<128x128xf32, #tpu.memory_space<vmem>>) dst(%dma_wait3A_44 : memref<128x128xf32, #tpu.memory_space<vmem_shared>>)
      tpu.yield
    }) : () -> ()
    %mul3A_11 = arith.constant 640 : i32
    %mul3A_12 = arith.muli %arg1, %mul3A_11 : i32
    %add3A_13 = arith.constant 256 : i32
    %add3A_14 = arith.addi %mul3A_12, %add3A_13 : i32
    "tpu.region"() ({
      %run_scoped3A = tpu.sem_alloc : memref<!tpu.dma_semaphore, #tpu.memory_space<semaphore_mem>>
      %dma_start3A = arith.constant 0 : i32
      %dma_start3A_39 = tpu.memref_slice %arg14[%add3A_14, %dma_start3A] : memref<10240x128xf32, #tpu.memory_space<vmem_shared>> -> memref<128x128xf32, #tpu.memory_space<vmem_shared>>
      %dma_start3A_40 = arith.constant 0 : i32
      %dma_start3A_41 = tpu.memref_slice %arg14[%add3A_14, %dma_start3A_40] : memref<10240x128xf32, #tpu.memory_space<vmem_shared>> -> memref<128x128xf32, #tpu.memory_space<vmem_shared>>
      tpu.enqueue_dma source(%arg8 : memref<128x128xf32, #tpu.memory_space<vmem>>) target(%dma_start3A_41 : memref<128x128xf32, #tpu.memory_space<vmem_shared>>) target_semaphore(%run_scoped3A : memref<!tpu.dma_semaphore, #tpu.memory_space<semaphore_mem>>)
      %dma_wait3A = arith.constant 0 : i32
      %dma_wait3A_42 = tpu.memref_slice %arg14[%add3A_14, %dma_wait3A] : memref<10240x128xf32, #tpu.memory_space<vmem_shared>> -> memref<128x128xf32, #tpu.memory_space<vmem_shared>>
      %dma_wait3A_43 = arith.constant 0 : i32
      %dma_wait3A_44 = tpu.memref_slice %arg14[%add3A_14, %dma_wait3A_43] : memref<10240x128xf32, #tpu.memory_space<vmem_shared>> -> memref<128x128xf32, #tpu.memory_space<vmem_shared>>
      tpu.wait_dma2 semaphore(%run_scoped3A : memref<!tpu.dma_semaphore, #tpu.memory_space<semaphore_mem>>) src(%arg8 : memref<128x128xf32, #tpu.memory_space<vmem>>) dst(%dma_wait3A_44 : memref<128x128xf32, #tpu.memory_space<vmem_shared>>)
      tpu.yield
    }) : () -> ()
    %mul3A_15 = arith.constant 640 : i32
    %mul3A_16 = arith.muli %arg1, %mul3A_15 : i32
    %add3A_17 = arith.constant 384 : i32
    %add3A_18 = arith.addi %mul3A_16, %add3A_17 : i32
    "tpu.region"() ({
      %run_scoped3A = tpu.sem_alloc : memref<!tpu.dma_semaphore, #tpu.memory_space<semaphore_mem>>
      %dma_start3A = arith.constant 0 : i32
      %dma_start3A_39 = tpu.memref_slice %arg14[%add3A_18, %dma_start3A] : memref<10240x128xf32, #tpu.memory_space<vmem_shared>> -> memref<128x128xf32, #tpu.memory_space<vmem_shared>>
      %dma_start3A_40 = arith.constant 0 : i32
      %dma_start3A_41 = tpu.memref_slice %arg14[%add3A_18, %dma_start3A_40] : memref<10240x128xf32, #tpu.memory_space<vmem_shared>> -> memref<128x128xf32, #tpu.memory_space<vmem_shared>>
      tpu.enqueue_dma source(%arg8 : memref<128x128xf32, #tpu.memory_space<vmem>>) target(%dma_start3A_41 : memref<128x128xf32, #tpu.memory_space<vmem_shared>>) target_semaphore(%run_scoped3A : memref<!tpu.dma_semaphore, #tpu.memory_space<semaphore_mem>>)
      %dma_wait3A = arith.constant 0 : i32
      %dma_wait3A_42 = tpu.memref_slice %arg14[%add3A_18, %dma_wait3A] : memref<10240x128xf32, #tpu.memory_space<vmem_shared>> -> memref<128x128xf32, #tpu.memory_space<vmem_shared>>
      %dma_wait3A_43 = arith.constant 0 : i32
      %dma_wait3A_44 = tpu.memref_slice %arg14[%add3A_18, %dma_wait3A_43] : memref<10240x128xf32, #tpu.memory_space<vmem_shared>> -> memref<128x128xf32, #tpu.memory_space<vmem_shared>>
      tpu.wait_dma2 semaphore(%run_scoped3A : memref<!tpu.dma_semaphore, #tpu.memory_space<semaphore_mem>>) src(%arg8 : memref<128x128xf32, #tpu.memory_space<vmem>>) dst(%dma_wait3A_44 : memref<128x128xf32, #tpu.memory_space<vmem_shared>>)
      tpu.yield
    }) : () -> ()
    %mul3A_19 = arith.constant 640 : i32
    %mul3A_20 = arith.muli %arg1, %mul3A_19 : i32
    %add3A_21 = arith.constant 512 : i32
    %add3A_22 = arith.addi %mul3A_20, %add3A_21 : i32
    "tpu.region"() ({
      %run_scoped3A = tpu.sem_alloc : memref<!tpu.dma_semaphore, #tpu.memory_space<semaphore_mem>>
      %dma_start3A = arith.constant 0 : i32
      %dma_start3A_39 = tpu.memref_slice %arg14[%add3A_22, %dma_start3A] : memref<10240x128xf32, #tpu.memory_space<vmem_shared>> -> memref<128x128xf32, #tpu.memory_space<vmem_shared>>
      %dma_start3A_40 = arith.constant 0 : i32
      %dma_start3A_41 = tpu.memref_slice %arg14[%add3A_22, %dma_start3A_40] : memref<10240x128xf32, #tpu.memory_space<vmem_shared>> -> memref<128x128xf32, #tpu.memory_space<vmem_shared>>
      tpu.enqueue_dma source(%arg8 : memref<128x128xf32, #tpu.memory_space<vmem>>) target(%dma_start3A_41 : memref<128x128xf32, #tpu.memory_space<vmem_shared>>) target_semaphore(%run_scoped3A : memref<!tpu.dma_semaphore, #tpu.memory_space<semaphore_mem>>)
      %dma_wait3A = arith.constant 0 : i32
      %dma_wait3A_42 = tpu.memref_slice %arg14[%add3A_22, %dma_wait3A] : memref<10240x128xf32, #tpu.memory_space<vmem_shared>> -> memref<128x128xf32, #tpu.memory_space<vmem_shared>>
      %dma_wait3A_43 = arith.constant 0 : i32
      %dma_wait3A_44 = tpu.memref_slice %arg14[%add3A_22, %dma_wait3A_43] : memref<10240x128xf32, #tpu.memory_space<vmem_shared>> -> memref<128x128xf32, #tpu.memory_space<vmem_shared>>
      tpu.wait_dma2 semaphore(%run_scoped3A : memref<!tpu.dma_semaphore, #tpu.memory_space<semaphore_mem>>) src(%arg8 : memref<128x128xf32, #tpu.memory_space<vmem>>) dst(%dma_wait3A_44 : memref<128x128xf32, #tpu.memory_space<vmem_shared>>)
      tpu.yield
    }) : () -> ()
    %barrier3A = arith.constant 0 : index
    tpu.barrier barrier_id(%barrier3A)
    %mul3A_23 = arith.constant 16 : i32
    %mul3A_24 = arith.muli %arg0, %mul3A_23 : i32
    %add3A_25 = arith.addi %mul3A_24, %arg1 : i32
    %mul3A_26 = arith.constant 80 : i32
    %mul3A_27 = arith.muli %add3A_25, %mul3A_26 : i32
    %scan3A_28 = arith.constant 0 : i32
    %scan3A_29 = arith.constant 0 : i32
    %scan3A_30 = arith.constant 2 : i32
    %scan3A_31 = arith.addi %scan3A_29, %scan3A_30 : i32
    %scan3A_32 = arith.constant 1 : i32
    scf.for %scan3A_39 = %scan3A_29 to %scan3A_31 step %scan3A_32  : i32 {
      %mul3A_40 = arith.constant 40 : i32
      %mul3A_41 = arith.muli %scan3A_39, %mul3A_40 : i32
      %multiple_of3A = tpu.assume_multiple %mul3A_41, 8 : i32
      %add3A_42 = arith.addi %mul3A_27, %multiple_of3A : i32
      "tpu.region"() ({
        %run_scoped3A = tpu.sem_alloc : memref<!tpu.dma_semaphore, #tpu.memory_space<semaphore_mem>>
        %dma_start3A_104 = arith.constant 0 : i32
        %dma_start3A_105 = tpu.memref_slice %arg2[%add3A_42, %dma_start3A_104] : memref<2560x128xi32, #tpu.memory_space<hbm>> -> memref<40x128xi32, #tpu.memory_space<hbm>>
        %dma_start3A_106 = arith.constant 0 : i32
        %dma_start3A_107 = tpu.memref_slice %arg2[%add3A_42, %dma_start3A_106] : memref<2560x128xi32, #tpu.memory_space<hbm>> -> memref<40x128xi32, #tpu.memory_space<hbm>>
        tpu.enqueue_dma source(%dma_start3A_107 : memref<40x128xi32, #tpu.memory_space<hbm>>) target(%arg6 : memref<40x128xi32, #tpu.memory_space<vmem>>) target_semaphore(%run_scoped3A : memref<!tpu.dma_semaphore, #tpu.memory_space<semaphore_mem>>)
        %dma_wait3A_108 = arith.constant 0 : i32
        %dma_wait3A_109 = tpu.memref_slice %arg2[%add3A_42, %dma_wait3A_108] : memref<2560x128xi32, #tpu.memory_space<hbm>> -> memref<40x128xi32, #tpu.memory_space<hbm>>
        %dma_wait3A_110 = arith.constant 0 : i32
        %dma_wait3A_111 = tpu.memref_slice %arg2[%add3A_42, %dma_wait3A_110] : memref<2560x128xi32, #tpu.memory_space<hbm>> -> memref<40x128xi32, #tpu.memory_space<hbm>>
        tpu.wait_dma2 semaphore(%run_scoped3A : memref<!tpu.dma_semaphore, #tpu.memory_space<semaphore_mem>>) src(%dma_wait3A_111 : memref<40x128xi32, #tpu.memory_space<hbm>>) dst(%arg6 : memref<40x128xi32, #tpu.memory_space<vmem>>)
        tpu.yield
      }) : () -> ()
      %add3A_43 = arith.addi %mul3A_27, %multiple_of3A : i32
      "tpu.region"() ({
        %run_scoped3A = tpu.sem_alloc : memref<!tpu.dma_semaphore, #tpu.memory_space<semaphore_mem>>
        %dma_start3A_104 = arith.constant 0 : i32
        %dma_start3A_105 = tpu.memref_slice %arg3[%add3A_43, %dma_start3A_104] : memref<2560x128xi32, #tpu.memory_space<hbm>> -> memref<40x128xi32, #tpu.memory_space<hbm>>
        %dma_start3A_106 = arith.constant 0 : i32
        %dma_start3A_107 = tpu.memref_slice %arg3[%add3A_43, %dma_start3A_106] : memref<2560x128xi32, #tpu.memory_space<hbm>> -> memref<40x128xi32, #tpu.memory_space<hbm>>
        tpu.enqueue_dma source(%dma_start3A_107 : memref<40x128xi32, #tpu.memory_space<hbm>>) target(%arg7 : memref<40x128xi32, #tpu.memory_space<vmem>>) target_semaphore(%run_scoped3A : memref<!tpu.dma_semaphore, #tpu.memory_space<semaphore_mem>>)
        %dma_wait3A_108 = arith.constant 0 : i32
        %dma_wait3A_109 = tpu.memref_slice %arg3[%add3A_43, %dma_wait3A_108] : memref<2560x128xi32, #tpu.memory_space<hbm>> -> memref<40x128xi32, #tpu.memory_space<hbm>>
        %dma_wait3A_110 = arith.constant 0 : i32
        %dma_wait3A_111 = tpu.memref_slice %arg3[%add3A_43, %dma_wait3A_110] : memref<2560x128xi32, #tpu.memory_space<hbm>> -> memref<40x128xi32, #tpu.memory_space<hbm>>
        tpu.wait_dma2 semaphore(%run_scoped3A : memref<!tpu.dma_semaphore, #tpu.memory_space<semaphore_mem>>) src(%dma_wait3A_111 : memref<40x128xi32, #tpu.memory_space<hbm>>) dst(%arg7 : memref<40x128xi32, #tpu.memory_space<vmem>>)
        tpu.yield
      }) : () -> ()
      %dma_start3A = arith.constant 0 : i32
      %dma_start3A_44 = arith.constant 0 : i32
      %dma_start3A_45 = tpu.memref_slice %arg6[%dma_start3A, %dma_start3A_44] : memref<40x128xi32, #tpu.memory_space<vmem>> -> memref<1x128xi32, #tpu.memory_space<vmem>>
      %dma_start3A_46 = tpu.memref_squeeze %dma_start3A_45 : memref<1x128xi32, #tpu.memory_space<vmem>> -> memref<128xi32, #tpu.memory_space<vmem>>
      %dma_start3A_47 = arith.constant 0 : i32
      %dma_start3A_48 = arith.constant 0 : i32
      %dma_start3A_49 = tpu.memref_slice %arg4[%dma_start3A_47, %dma_start3A_48] : memref<10000x128xf32, #tpu.memory_space<hbm>> -> memref<10000x128xf32, #tpu.memory_space<hbm>>
      tpu.enqueue_indirect_dma source(%dma_start3A_49 : memref<10000x128xf32, #tpu.memory_space<hbm>>) target(%arg8 : memref<128x128xf32, #tpu.memory_space<vmem>>) offsets(%dma_start3A_46 : memref<128xi32, #tpu.memory_space<vmem>>) semaphore(%arg10 : memref<!tpu.dma_semaphore, #tpu.memory_space<semaphore_mem>>)
      %dma_wait3A = arith.constant 0 : i32
      %dma_wait3A_50 = arith.constant 0 : i32
      %dma_wait3A_51 = tpu.memref_slice %arg6[%dma_wait3A, %dma_wait3A_50] : memref<40x128xi32, #tpu.memory_space<vmem>> -> memref<1x128xi32, #tpu.memory_space<vmem>>
      %dma_wait3A_52 = tpu.memref_squeeze %dma_wait3A_51 : memref<1x128xi32, #tpu.memory_space<vmem>> -> memref<128xi32, #tpu.memory_space<vmem>>
      %dma_wait3A_53 = arith.constant 0 : i32
      %dma_wait3A_54 = arith.constant 0 : i32
      %dma_wait3A_55 = tpu.memref_slice %arg4[%dma_wait3A_53, %dma_wait3A_54] : memref<10000x128xf32, #tpu.memory_space<hbm>> -> memref<10000x128xf32, #tpu.memory_space<hbm>>
      tpu.wait_indirect_dma semaphore(%arg10 : memref<!tpu.dma_semaphore, #tpu.memory_space<semaphore_mem>>) src(%dma_wait3A_55 : memref<10000x128xf32, #tpu.memory_space<hbm>>) dst(%arg8 : memref<128x128xf32, #tpu.memory_space<vmem>>)
      %dma_start3A_56 = arith.constant 1 : i32
      %dma_start3A_57 = arith.constant 0 : i32
      %dma_start3A_58 = tpu.memref_slice %arg6[%dma_start3A_56, %dma_start3A_57] : memref<40x128xi32, #tpu.memory_space<vmem>> -> memref<1x128xi32, #tpu.memory_space<vmem>>
      %dma_start3A_59 = tpu.memref_squeeze %dma_start3A_58 : memref<1x128xi32, #tpu.memory_space<vmem>> -> memref<128xi32, #tpu.memory_space<vmem>>
      %dma_start3A_60 = arith.constant 0 : i32
      %dma_start3A_61 = arith.constant 0 : i32
      %dma_start3A_62 = tpu.memref_slice %arg4[%dma_start3A_60, %dma_start3A_61] : memref<10000x128xf32, #tpu.memory_space<hbm>> -> memref<10000x128xf32, #tpu.memory_space<hbm>>
      tpu.enqueue_indirect_dma source(%dma_start3A_62 : memref<10000x128xf32, #tpu.memory_space<hbm>>) target(%arg9 : memref<128x128xf32, #tpu.memory_space<vmem>>) offsets(%dma_start3A_59 : memref<128xi32, #tpu.memory_space<vmem>>) semaphore(%arg11 : memref<!tpu.dma_semaphore, #tpu.memory_space<semaphore_mem>>)
      %dma_start3A_63 = arith.constant 0 : i32
      %dma_start3A_64 = arith.constant 0 : i32
      %dma_start3A_65 = tpu.memref_slice %arg7[%dma_start3A_63, %dma_start3A_64] : memref<40x128xi32, #tpu.memory_space<vmem>> -> memref<1x128xi32, #tpu.memory_space<vmem>>
      %dma_start3A_66 = tpu.memref_squeeze %dma_start3A_65 : memref<1x128xi32, #tpu.memory_space<vmem>> -> memref<128xi32, #tpu.memory_space<vmem>>
      %dma_start3A_67 = arith.constant 0 : i32
      %dma_start3A_68 = arith.constant 0 : i32
      %dma_start3A_69 = tpu.memref_slice %arg14[%dma_start3A_67, %dma_start3A_68] : memref<10240x128xf32, #tpu.memory_space<vmem_shared>> -> memref<10240x128xf32, #tpu.memory_space<vmem_shared>>
      tpu.enqueue_indirect_dma source(%arg8 : memref<128x128xf32, #tpu.memory_space<vmem>>) target(%dma_start3A_69 : memref<10240x128xf32, #tpu.memory_space<vmem_shared>>) offsets(%dma_start3A_66 : memref<128xi32, #tpu.memory_space<vmem>>) semaphore(%arg12 : memref<!tpu.dma_semaphore, #tpu.memory_space<semaphore_mem>>) {add = true}
      %scan3A_70 = arith.constant 0 : i32
      %scan3A_71 = arith.constant 0 : i32
      %scan3A_72 = arith.constant 19 : i32
      %scan3A_73 = arith.addi %scan3A_71, %scan3A_72 : i32
      %scan3A_74 = arith.constant 1 : i32
      scf.for %scan3A_104 = %scan3A_71 to %scan3A_73 step %scan3A_74  : i32 {
        %mul3A_105 = arith.constant 2 : i32
        %mul3A_106 = arith.muli %mul3A_105, %scan3A_104 : i32
        %add3A_107 = arith.constant 1 : i32
        %add3A_108 = arith.addi %mul3A_106, %add3A_107 : i32
        %dma_wait3A_109 = arith.constant 0 : i32
        %dma_wait3A_110 = tpu.memref_slice %arg6[%add3A_108, %dma_wait3A_109] : memref<40x128xi32, #tpu.memory_space<vmem>> -> memref<1x128xi32, #tpu.memory_space<vmem>>
        %dma_wait3A_111 = tpu.memref_squeeze %dma_wait3A_110 : memref<1x128xi32, #tpu.memory_space<vmem>> -> memref<128xi32, #tpu.memory_space<vmem>>
        %dma_wait3A_112 = arith.constant 0 : i32
        %dma_wait3A_113 = arith.constant 0 : i32
        %dma_wait3A_114 = tpu.memref_slice %arg4[%dma_wait3A_112, %dma_wait3A_113] : memref<10000x128xf32, #tpu.memory_space<hbm>> -> memref<10000x128xf32, #tpu.memory_space<hbm>>
        tpu.wait_indirect_dma semaphore(%arg11 : memref<!tpu.dma_semaphore, #tpu.memory_space<semaphore_mem>>) src(%dma_wait3A_114 : memref<10000x128xf32, #tpu.memory_space<hbm>>) dst(%arg9 : memref<128x128xf32, #tpu.memory_space<vmem>>)
        %dma_wait3A_115 = arith.constant 0 : i32
        %dma_wait3A_116 = tpu.memref_slice %arg7[%mul3A_106, %dma_wait3A_115] : memref<40x128xi32, #tpu.memory_space<vmem>> -> memref<1x128xi32, #tpu.memory_space<vmem>>
        %dma_wait3A_117 = tpu.memref_squeeze %dma_wait3A_116 : memref<1x128xi32, #tpu.memory_space<vmem>> -> memref<128xi32, #tpu.memory_space<vmem>>
        %dma_wait3A_118 = arith.constant 0 : i32
        %dma_wait3A_119 = arith.constant 0 : i32
        %dma_wait3A_120 = tpu.memref_slice %arg14[%dma_wait3A_118, %dma_wait3A_119] : memref<10240x128xf32, #tpu.memory_space<vmem_shared>> -> memref<10240x128xf32, #tpu.memory_space<vmem_shared>>
        tpu.wait_indirect_dma semaphore(%arg12 : memref<!tpu.dma_semaphore, #tpu.memory_space<semaphore_mem>>) src(%arg8 : memref<128x128xf32, #tpu.memory_space<vmem>>) dst(%dma_wait3A_120 : memref<10240x128xf32, #tpu.memory_space<vmem_shared>>)
        %add3A_121 = arith.constant 2 : i32
        %add3A_122 = arith.addi %mul3A_106, %add3A_121 : i32
        %dma_start3A_123 = arith.constant 0 : i32
        %dma_start3A_124 = tpu.memref_slice %arg6[%add3A_122, %dma_start3A_123] : memref<40x128xi32, #tpu.memory_space<vmem>> -> memref<1x128xi32, #tpu.memory_space<vmem>>
        %dma_start3A_125 = tpu.memref_squeeze %dma_start3A_124 : memref<1x128xi32, #tpu.memory_space<vmem>> -> memref<128xi32, #tpu.memory_space<vmem>>
        %dma_start3A_126 = arith.constant 0 : i32
        %dma_start3A_127 = arith.constant 0 : i32
        %dma_start3A_128 = tpu.memref_slice %arg4[%dma_start3A_126, %dma_start3A_127] : memref<10000x128xf32, #tpu.memory_space<hbm>> -> memref<10000x128xf32, #tpu.memory_space<hbm>>
        tpu.enqueue_indirect_dma source(%dma_start3A_128 : memref<10000x128xf32, #tpu.memory_space<hbm>>) target(%arg8 : memref<128x128xf32, #tpu.memory_space<vmem>>) offsets(%dma_start3A_125 : memref<128xi32, #tpu.memory_space<vmem>>) semaphore(%arg10 : memref<!tpu.dma_semaphore, #tpu.memory_space<semaphore_mem>>)
        %add3A_129 = arith.constant 1 : i32
        %add3A_130 = arith.addi %mul3A_106, %add3A_129 : i32
        %dma_start3A_131 = arith.constant 0 : i32
        %dma_start3A_132 = tpu.memref_slice %arg7[%add3A_130, %dma_start3A_131] : memref<40x128xi32, #tpu.memory_space<vmem>> -> memref<1x128xi32, #tpu.memory_space<vmem>>
        %dma_start3A_133 = tpu.memref_squeeze %dma_start3A_132 : memref<1x128xi32, #tpu.memory_space<vmem>> -> memref<128xi32, #tpu.memory_space<vmem>>
        %dma_start3A_134 = arith.constant 0 : i32
        %dma_start3A_135 = arith.constant 0 : i32
        %dma_start3A_136 = tpu.memref_slice %arg14[%dma_start3A_134, %dma_start3A_135] : memref<10240x128xf32, #tpu.memory_space<vmem_shared>> -> memref<10240x128xf32, #tpu.memory_space<vmem_shared>>
        tpu.enqueue_indirect_dma source(%arg9 : memref<128x128xf32, #tpu.memory_space<vmem>>) target(%dma_start3A_136 : memref<10240x128xf32, #tpu.memory_space<vmem_shared>>) offsets(%dma_start3A_133 : memref<128xi32, #tpu.memory_space<vmem>>) semaphore(%arg13 : memref<!tpu.dma_semaphore, #tpu.memory_space<semaphore_mem>>) {add = true}
        %add3A_137 = arith.constant 2 : i32
        %add3A_138 = arith.addi %mul3A_106, %add3A_137 : i32
        %dma_wait3A_139 = arith.constant 0 : i32
        %dma_wait3A_140 = tpu.memref_slice %arg6[%add3A_138, %dma_wait3A_139] : memref<40x128xi32, #tpu.memory_space<vmem>> -> memref<1x128xi32, #tpu.memory_space<vmem>>
        %dma_wait3A_141 = tpu.memref_squeeze %dma_wait3A_140 : memref<1x128xi32, #tpu.memory_space<vmem>> -> memref<128xi32, #tpu.memory_space<vmem>>
        %dma_wait3A_142 = arith.constant 0 : i32
        %dma_wait3A_143 = arith.constant 0 : i32
        %dma_wait3A_144 = tpu.memref_slice %arg4[%dma_wait3A_142, %dma_wait3A_143] : memref<10000x128xf32, #tpu.memory_space<hbm>> -> memref<10000x128xf32, #tpu.memory_space<hbm>>
        tpu.wait_indirect_dma semaphore(%arg10 : memref<!tpu.dma_semaphore, #tpu.memory_space<semaphore_mem>>) src(%dma_wait3A_144 : memref<10000x128xf32, #tpu.memory_space<hbm>>) dst(%arg8 : memref<128x128xf32, #tpu.memory_space<vmem>>)
        %add3A_145 = arith.constant 1 : i32
        %add3A_146 = arith.addi %mul3A_106, %add3A_145 : i32
        %dma_wait3A_147 = arith.constant 0 : i32
        %dma_wait3A_148 = tpu.memref_slice %arg7[%add3A_146, %dma_wait3A_147] : memref<40x128xi32, #tpu.memory_space<vmem>> -> memref<1x128xi32, #tpu.memory_space<vmem>>
        %dma_wait3A_149 = tpu.memref_squeeze %dma_wait3A_148 : memref<1x128xi32, #tpu.memory_space<vmem>> -> memref<128xi32, #tpu.memory_space<vmem>>
        %dma_wait3A_150 = arith.constant 0 : i32
        %dma_wait3A_151 = arith.constant 0 : i32
        %dma_wait3A_152 = tpu.memref_slice %arg14[%dma_wait3A_150, %dma_wait3A_151] : memref<10240x128xf32, #tpu.memory_space<vmem_shared>> -> memref<10240x128xf32, #tpu.memory_space<vmem_shared>>
        tpu.wait_indirect_dma semaphore(%arg13 : memref<!tpu.dma_semaphore, #tpu.memory_space<semaphore_mem>>) src(%arg9 : memref<128x128xf32, #tpu.memory_space<vmem>>) dst(%dma_wait3A_152 : memref<10240x128xf32, #tpu.memory_space<vmem_shared>>)
        %add3A_153 = arith.constant 3 : i32
        %add3A_154 = arith.addi %mul3A_106, %add3A_153 : i32
        %dma_start3A_155 = arith.constant 0 : i32
        %dma_start3A_156 = tpu.memref_slice %arg6[%add3A_154, %dma_start3A_155] : memref<40x128xi32, #tpu.memory_space<vmem>> -> memref<1x128xi32, #tpu.memory_space<vmem>>
        %dma_start3A_157 = tpu.memref_squeeze %dma_start3A_156 : memref<1x128xi32, #tpu.memory_space<vmem>> -> memref<128xi32, #tpu.memory_space<vmem>>
        %dma_start3A_158 = arith.constant 0 : i32
        %dma_start3A_159 = arith.constant 0 : i32
        %dma_start3A_160 = tpu.memref_slice %arg4[%dma_start3A_158, %dma_start3A_159] : memref<10000x128xf32, #tpu.memory_space<hbm>> -> memref<10000x128xf32, #tpu.memory_space<hbm>>
        tpu.enqueue_indirect_dma source(%dma_start3A_160 : memref<10000x128xf32, #tpu.memory_space<hbm>>) target(%arg9 : memref<128x128xf32, #tpu.memory_space<vmem>>) offsets(%dma_start3A_157 : memref<128xi32, #tpu.memory_space<vmem>>) semaphore(%arg11 : memref<!tpu.dma_semaphore, #tpu.memory_space<semaphore_mem>>)
        %add3A_161 = arith.constant 2 : i32
        %add3A_162 = arith.addi %mul3A_106, %add3A_161 : i32
        %dma_start3A_163 = arith.constant 0 : i32
        %dma_start3A_164 = tpu.memref_slice %arg7[%add3A_162, %dma_start3A_163] : memref<40x128xi32, #tpu.memory_space<vmem>> -> memref<1x128xi32, #tpu.memory_space<vmem>>
        %dma_start3A_165 = tpu.memref_squeeze %dma_start3A_164 : memref<1x128xi32, #tpu.memory_space<vmem>> -> memref<128xi32, #tpu.memory_space<vmem>>
        %dma_start3A_166 = arith.constant 0 : i32
        %dma_start3A_167 = arith.constant 0 : i32
        %dma_start3A_168 = tpu.memref_slice %arg14[%dma_start3A_166, %dma_start3A_167] : memref<10240x128xf32, #tpu.memory_space<vmem_shared>> -> memref<10240x128xf32, #tpu.memory_space<vmem_shared>>
        tpu.enqueue_indirect_dma source(%arg8 : memref<128x128xf32, #tpu.memory_space<vmem>>) target(%dma_start3A_168 : memref<10240x128xf32, #tpu.memory_space<vmem_shared>>) offsets(%dma_start3A_165 : memref<128xi32, #tpu.memory_space<vmem>>) semaphore(%arg12 : memref<!tpu.dma_semaphore, #tpu.memory_space<semaphore_mem>>) {add = true}
      }
      %scan3A_75 = arith.constant 19 : i32
      %dma_wait3A_76 = arith.constant 39 : i32
      %dma_wait3A_77 = arith.constant 0 : i32
      %dma_wait3A_78 = tpu.memref_slice %arg6[%dma_wait3A_76, %dma_wait3A_77] : memref<40x128xi32, #tpu.memory_space<vmem>> -> memref<1x128xi32, #tpu.memory_space<vmem>>
      %dma_wait3A_79 = tpu.memref_squeeze %dma_wait3A_78 : memref<1x128xi32, #tpu.memory_space<vmem>> -> memref<128xi32, #tpu.memory_space<vmem>>
      %dma_wait3A_80 = arith.constant 0 : i32
      %dma_wait3A_81 = arith.constant 0 : i32
      %dma_wait3A_82 = tpu.memref_slice %arg4[%dma_wait3A_80, %dma_wait3A_81] : memref<10000x128xf32, #tpu.memory_space<hbm>> -> memref<10000x128xf32, #tpu.memory_space<hbm>>
      tpu.wait_indirect_dma semaphore(%arg11 : memref<!tpu.dma_semaphore, #tpu.memory_space<semaphore_mem>>) src(%dma_wait3A_82 : memref<10000x128xf32, #tpu.memory_space<hbm>>) dst(%arg9 : memref<128x128xf32, #tpu.memory_space<vmem>>)
      %dma_wait3A_83 = arith.constant 38 : i32
      %dma_wait3A_84 = arith.constant 0 : i32
      %dma_wait3A_85 = tpu.memref_slice %arg7[%dma_wait3A_83, %dma_wait3A_84] : memref<40x128xi32, #tpu.memory_space<vmem>> -> memref<1x128xi32, #tpu.memory_space<vmem>>
      %dma_wait3A_86 = tpu.memref_squeeze %dma_wait3A_85 : memref<1x128xi32, #tpu.memory_space<vmem>> -> memref<128xi32, #tpu.memory_space<vmem>>
      %dma_wait3A_87 = arith.constant 0 : i32
      %dma_wait3A_88 = arith.constant 0 : i32
      %dma_wait3A_89 = tpu.memref_slice %arg14[%dma_wait3A_87, %dma_wait3A_88] : memref<10240x128xf32, #tpu.memory_space<vmem_shared>> -> memref<10240x128xf32, #tpu.memory_space<vmem_shared>>
      tpu.wait_indirect_dma semaphore(%arg12 : memref<!tpu.dma_semaphore, #tpu.memory_space<semaphore_mem>>) src(%arg8 : memref<128x128xf32, #tpu.memory_space<vmem>>) dst(%dma_wait3A_89 : memref<10240x128xf32, #tpu.memory_space<vmem_shared>>)
      %dma_start3A_90 = arith.constant 39 : i32
      %dma_start3A_91 = arith.constant 0 : i32
      %dma_start3A_92 = tpu.memref_slice %arg7[%dma_start3A_90, %dma_start3A_91] : memref<40x128xi32, #tpu.memory_space<vmem>> -> memref<1x128xi32, #tpu.memory_space<vmem>>
      %dma_start3A_93 = tpu.memref_squeeze %dma_start3A_92 : memref<1x128xi32, #tpu.memory_space<vmem>> -> memref<128xi32, #tpu.memory_space<vmem>>
      %dma_start3A_94 = arith.constant 0 : i32
      %dma_start3A_95 = arith.constant 0 : i32
      %dma_start3A_96 = tpu.memref_slice %arg14[%dma_start3A_94, %dma_start3A_95] : memref<10240x128xf32, #tpu.memory_space<vmem_shared>> -> memref<10240x128xf32, #tpu.memory_space<vmem_shared>>
      tpu.enqueue_indirect_dma source(%arg9 : memref<128x128xf32, #tpu.memory_space<vmem>>) target(%dma_start3A_96 : memref<10240x128xf32, #tpu.memory_space<vmem_shared>>) offsets(%dma_start3A_93 : memref<128xi32, #tpu.memory_space<vmem>>) semaphore(%arg13 : memref<!tpu.dma_semaphore, #tpu.memory_space<semaphore_mem>>) {add = true}
      %dma_wait3A_97 = arith.constant 39 : i32
      %dma_wait3A_98 = arith.constant 0 : i32
      %dma_wait3A_99 = tpu.memref_slice %arg7[%dma_wait3A_97, %dma_wait3A_98] : memref<40x128xi32, #tpu.memory_space<vmem>> -> memref<1x128xi32, #tpu.memory_space<vmem>>
      %dma_wait3A_100 = tpu.memref_squeeze %dma_wait3A_99 : memref<1x128xi32, #tpu.memory_space<vmem>> -> memref<128xi32, #tpu.memory_space<vmem>>
      %dma_wait3A_101 = arith.constant 0 : i32
      %dma_wait3A_102 = arith.constant 0 : i32
      %dma_wait3A_103 = tpu.memref_slice %arg14[%dma_wait3A_101, %dma_wait3A_102] : memref<10240x128xf32, #tpu.memory_space<vmem_shared>> -> memref<10240x128xf32, #tpu.memory_space<vmem_shared>>
      tpu.wait_indirect_dma semaphore(%arg13 : memref<!tpu.dma_semaphore, #tpu.memory_space<semaphore_mem>>) src(%arg9 : memref<128x128xf32, #tpu.memory_space<vmem>>) dst(%dma_wait3A_103 : memref<10240x128xf32, #tpu.memory_space<vmem_shared>>)
    }
    %scan3A_33 = arith.constant 2 : i32
    %barrier3A_34 = arith.constant 0 : index
    tpu.barrier barrier_id(%barrier3A_34)
    %mul3A_35 = arith.constant 640 : i32
    %mul3A_36 = arith.muli %arg1, %mul3A_35 : i32
    %mul3A_37 = arith.constant 640 : i32
    %mul3A_38 = arith.muli %arg1, %mul3A_37 : i32
    "tpu.region"() ({
      %run_scoped3A = tpu.sem_alloc : memref<!tpu.dma_semaphore, #tpu.memory_space<semaphore_mem>>
      %dma_start3A = arith.constant 0 : i32
      %dma_start3A_39 = tpu.memref_slice %arg5[%arg0, %mul3A_38, %dma_start3A] : memref<2x10240x128xf32, #tpu.memory_space<hbm>> -> memref<1x640x128xf32, #tpu.memory_space<hbm>>
      %dma_start3A_40 = tpu.memref_squeeze %dma_start3A_39 : memref<1x640x128xf32, #tpu.memory_space<hbm>> -> memref<640x128xf32, #tpu.memory_space<hbm>>
      %dma_start3A_41 = arith.constant 0 : i32
      %dma_start3A_42 = tpu.memref_slice %arg14[%mul3A_36, %dma_start3A_41] : memref<10240x128xf32, #tpu.memory_space<vmem_shared>> -> memref<640x128xf32, #tpu.memory_space<vmem_shared>>
      tpu.enqueue_dma source(%dma_start3A_42 : memref<640x128xf32, #tpu.memory_space<vmem_shared>>) target(%dma_start3A_40 : memref<640x128xf32, #tpu.memory_space<hbm>>) target_semaphore(%run_scoped3A : memref<!tpu.dma_semaphore, #tpu.memory_space<semaphore_mem>>)
      %dma_wait3A = arith.constant 0 : i32
      %dma_wait3A_43 = tpu.memref_slice %arg5[%arg0, %mul3A_38, %dma_wait3A] : memref<2x10240x128xf32, #tpu.memory_space<hbm>> -> memref<1x640x128xf32, #tpu.memory_space<hbm>>
      %dma_wait3A_44 = tpu.memref_squeeze %dma_wait3A_43 : memref<1x640x128xf32, #tpu.memory_space<hbm>> -> memref<640x128xf32, #tpu.memory_space<hbm>>
      %dma_wait3A_45 = arith.constant 0 : i32
      %dma_wait3A_46 = tpu.memref_slice %arg14[%mul3A_36, %dma_wait3A_45] : memref<10240x128xf32, #tpu.memory_space<vmem_shared>> -> memref<640x128xf32, #tpu.memory_space<vmem_shared>>
      tpu.wait_dma2 semaphore(%run_scoped3A : memref<!tpu.dma_semaphore, #tpu.memory_space<semaphore_mem>>) src(%dma_wait3A_46 : memref<640x128xf32, #tpu.memory_space<vmem_shared>>) dst(%dma_wait3A_44 : memref<640x128xf32, #tpu.memory_space<hbm>>)
      tpu.yield
    }) : () -> ()
    return
  }
}

#map = affine_map<(d0, d1) -> (0, 0)>
module attributes {stable_mosaic.version = 14 : i64} {
  func.func @_sc_deg_body(%arg0: i32, %arg1: i32, %arg2: memref<2560x128xi32, #tpu.memory_space<hbm>>, %arg3: memref<2x10240xf32, #tpu.memory_space<hbm>>, %arg4: memref<80x128xi32, #tpu.memory_space<vmem>>, %arg5: memref<128xf32, #tpu.memory_space<vmem>>, %arg6: memref<640xf32, #tpu.memory_space<vmem>>, %arg7: memref<10240xf32, #tpu.memory_space<vmem_shared>>) attributes {dimension_semantics = [#tpu.dimension_semantics<core_parallel>, #tpu.dimension_semantics<subcore_parallel>], iteration_bounds = array<i64: 2, 16>, scalar_prefetch = 0 : i64, scratch_operands = 4 : i64, tpu.core_type = #tpu.core_type<sc_vector_subcore>, window_params = [{transform_indices = #map}, {transform_indices = #map}]} {
    %broadcast_in_dim3A = arith.constant 1.000000e+00 : f32
    %broadcast_in_dim3A_0 = vector.broadcast %broadcast_in_dim3A : f32 to vector<16xf32>
    %swap3A = arith.constant 0 : index
    %swap3A_1 = tpu.vector_load %arg5[%swap3A] {strides = array<i32>} : memref<128xf32, #tpu.memory_space<vmem>>, vector<16xf32>,
    %swap3A_2 = vector.shape_cast %swap3A_1 : vector<16xf32> to vector<16xf32>
    %swap3A_3 = vector.shape_cast %broadcast_in_dim3A_0 : vector<16xf32> to vector<16xf32>
    tpu.vector_store %arg5[%swap3A], %swap3A_3 {strides = array<i32>} : memref<128xf32, #tpu.memory_space<vmem>>, vector<16xf32>,
    %broadcast_in_dim3A_4 = arith.constant 1.000000e+00 : f32
    %broadcast_in_dim3A_5 = vector.broadcast %broadcast_in_dim3A_4 : f32 to vector<16xf32>
    %swap3A_6 = arith.constant 16 : index
    %swap3A_7 = tpu.vector_load %arg5[%swap3A_6] {strides = array<i32>} : memref<128xf32, #tpu.memory_space<vmem>>, vector<16xf32>,
    %swap3A_8 = vector.shape_cast %swap3A_7 : vector<16xf32> to vector<16xf32>
    %swap3A_9 = vector.shape_cast %broadcast_in_dim3A_5 : vector<16xf32> to vector<16xf32>
    tpu.vector_store %arg5[%swap3A_6], %swap3A_9 {strides = array<i32>} : memref<128xf32, #tpu.memory_space<vmem>>, vector<16xf32>,
    %broadcast_in_dim3A_10 = arith.constant 1.000000e+00 : f32
    %broadcast_in_dim3A_11 = vector.broadcast %broadcast_in_dim3A_10 : f32 to vector<16xf32>
    %swap3A_12 = arith.constant 32 : index
    %swap3A_13 = tpu.vector_load %arg5[%swap3A_12] {strides = array<i32>} : memref<128xf32, #tpu.memory_space<vmem>>, vector<16xf32>,
    %swap3A_14 = vector.shape_cast %swap3A_13 : vector<16xf32> to vector<16xf32>
    %swap3A_15 = vector.shape_cast %broadcast_in_dim3A_11 : vector<16xf32> to vector<16xf32>
    tpu.vector_store %arg5[%swap3A_12], %swap3A_15 {strides = array<i32>} : memref<128xf32, #tpu.memory_space<vmem>>, vector<16xf32>,
    %broadcast_in_dim3A_16 = arith.constant 1.000000e+00 : f32
    %broadcast_in_dim3A_17 = vector.broadcast %broadcast_in_dim3A_16 : f32 to vector<16xf32>
    %swap3A_18 = arith.constant 48 : index
    %swap3A_19 = tpu.vector_load %arg5[%swap3A_18] {strides = array<i32>} : memref<128xf32, #tpu.memory_space<vmem>>, vector<16xf32>,
    %swap3A_20 = vector.shape_cast %swap3A_19 : vector<16xf32> to vector<16xf32>
    %swap3A_21 = vector.shape_cast %broadcast_in_dim3A_17 : vector<16xf32> to vector<16xf32>
    tpu.vector_store %arg5[%swap3A_18], %swap3A_21 {strides = array<i32>} : memref<128xf32, #tpu.memory_space<vmem>>, vector<16xf32>,
    %broadcast_in_dim3A_22 = arith.constant 1.000000e+00 : f32
    %broadcast_in_dim3A_23 = vector.broadcast %broadcast_in_dim3A_22 : f32 to vector<16xf32>
    %swap3A_24 = arith.constant 64 : index
    %swap3A_25 = tpu.vector_load %arg5[%swap3A_24] {strides = array<i32>} : memref<128xf32, #tpu.memory_space<vmem>>, vector<16xf32>,
    %swap3A_26 = vector.shape_cast %swap3A_25 : vector<16xf32> to vector<16xf32>
    %swap3A_27 = vector.shape_cast %broadcast_in_dim3A_23 : vector<16xf32> to vector<16xf32>
    tpu.vector_store %arg5[%swap3A_24], %swap3A_27 {strides = array<i32>} : memref<128xf32, #tpu.memory_space<vmem>>, vector<16xf32>,
    %broadcast_in_dim3A_28 = arith.constant 1.000000e+00 : f32
    %broadcast_in_dim3A_29 = vector.broadcast %broadcast_in_dim3A_28 : f32 to vector<16xf32>
    %swap3A_30 = arith.constant 80 : index
    %swap3A_31 = tpu.vector_load %arg5[%swap3A_30] {strides = array<i32>} : memref<128xf32, #tpu.memory_space<vmem>>, vector<16xf32>,
    %swap3A_32 = vector.shape_cast %swap3A_31 : vector<16xf32> to vector<16xf32>
    %swap3A_33 = vector.shape_cast %broadcast_in_dim3A_29 : vector<16xf32> to vector<16xf32>
    tpu.vector_store %arg5[%swap3A_30], %swap3A_33 {strides = array<i32>} : memref<128xf32, #tpu.memory_space<vmem>>, vector<16xf32>,
    %broadcast_in_dim3A_34 = arith.constant 1.000000e+00 : f32
    %broadcast_in_dim3A_35 = vector.broadcast %broadcast_in_dim3A_34 : f32 to vector<16xf32>
    %swap3A_36 = arith.constant 96 : index
    %swap3A_37 = tpu.vector_load %arg5[%swap3A_36] {strides = array<i32>} : memref<128xf32, #tpu.memory_space<vmem>>, vector<16xf32>,
    %swap3A_38 = vector.shape_cast %swap3A_37 : vector<16xf32> to vector<16xf32>
    %swap3A_39 = vector.shape_cast %broadcast_in_dim3A_35 : vector<16xf32> to vector<16xf32>
    tpu.vector_store %arg5[%swap3A_36], %swap3A_39 {strides = array<i32>} : memref<128xf32, #tpu.memory_space<vmem>>, vector<16xf32>,
    %broadcast_in_dim3A_40 = arith.constant 1.000000e+00 : f32
    %broadcast_in_dim3A_41 = vector.broadcast %broadcast_in_dim3A_40 : f32 to vector<16xf32>
    %swap3A_42 = arith.constant 112 : index
    %swap3A_43 = tpu.vector_load %arg5[%swap3A_42] {strides = array<i32>} : memref<128xf32, #tpu.memory_space<vmem>>, vector<16xf32>,
    %swap3A_44 = vector.shape_cast %swap3A_43 : vector<16xf32> to vector<16xf32>
    %swap3A_45 = vector.shape_cast %broadcast_in_dim3A_41 : vector<16xf32> to vector<16xf32>
    tpu.vector_store %arg5[%swap3A_42], %swap3A_45 {strides = array<i32>} : memref<128xf32, #tpu.memory_space<vmem>>, vector<16xf32>,
    %broadcast_in_dim3A_46 = arith.constant 0.000000e+00 : f32
    %broadcast_in_dim3A_47 = vector.broadcast %broadcast_in_dim3A_46 : f32 to vector<16xf32>
    %swap3A_48 = arith.constant 0 : index
    %swap3A_49 = tpu.vector_load %arg6[%swap3A_48] {strides = array<i32>} : memref<640xf32, #tpu.memory_space<vmem>>, vector<16xf32>,
    %swap3A_50 = vector.shape_cast %swap3A_49 : vector<16xf32> to vector<16xf32>
    %swap3A_51 = vector.shape_cast %broadcast_in_dim3A_47 : vector<16xf32> to vector<16xf32>
    tpu.vector_store %arg6[%swap3A_48], %swap3A_51 {strides = array<i32>} : memref<640xf32, #tpu.memory_space<vmem>>, vector<16xf32>,
    %broadcast_in_dim3A_52 = arith.constant 0.000000e+00 : f32
    %broadcast_in_dim3A_53 = vector.broadcast %broadcast_in_dim3A_52 : f32 to vector<16xf32>
    %swap3A_54 = arith.constant 16 : index
    %swap3A_55 = tpu.vector_load %arg6[%swap3A_54] {strides = array<i32>} : memref<640xf32, #tpu.memory_space<vmem>>, vector<16xf32>,
    %swap3A_56 = vector.shape_cast %swap3A_55 : vector<16xf32> to vector<16xf32>
    %swap3A_57 = vector.shape_cast %broadcast_in_dim3A_53 : vector<16xf32> to vector<16xf32>
    tpu.vector_store %arg6[%swap3A_54], %swap3A_57 {strides = array<i32>} : memref<640xf32, #tpu.memory_space<vmem>>, vector<16xf32>,
    %broadcast_in_dim3A_58 = arith.constant 0.000000e+00 : f32
    %broadcast_in_dim3A_59 = vector.broadcast %broadcast_in_dim3A_58 : f32 to vector<16xf32>
    %swap3A_60 = arith.constant 32 : index
    %swap3A_61 = tpu.vector_load %arg6[%swap3A_60] {strides = array<i32>} : memref<640xf32, #tpu.memory_space<vmem>>, vector<16xf32>,
    %swap3A_62 = vector.shape_cast %swap3A_61 : vector<16xf32> to vector<16xf32>
    %swap3A_63 = vector.shape_cast %broadcast_in_dim3A_59 : vector<16xf32> to vector<16xf32>
    tpu.vector_store %arg6[%swap3A_60], %swap3A_63 {strides = array<i32>} : memref<640xf32, #tpu.memory_space<vmem>>, vector<16xf32>,
    %broadcast_in_dim3A_64 = arith.constant 0.000000e+00 : f32
    %broadcast_in_dim3A_65 = vector.broadcast %broadcast_in_dim3A_64 : f32 to vector<16xf32>
    %swap3A_66 = arith.constant 48 : index
    %swap3A_67 = tpu.vector_load %arg6[%swap3A_66] {strides = array<i32>} : memref<640xf32, #tpu.memory_space<vmem>>, vector<16xf32>,
    %swap3A_68 = vector.shape_cast %swap3A_67 : vector<16xf32> to vector<16xf32>
    %swap3A_69 = vector.shape_cast %broadcast_in_dim3A_65 : vector<16xf32> to vector<16xf32>
    tpu.vector_store %arg6[%swap3A_66], %swap3A_69 {strides = array<i32>} : memref<640xf32, #tpu.memory_space<vmem>>, vector<16xf32>,
    %broadcast_in_dim3A_70 = arith.constant 0.000000e+00 : f32
    %broadcast_in_dim3A_71 = vector.broadcast %broadcast_in_dim3A_70 : f32 to vector<16xf32>
    %swap3A_72 = arith.constant 64 : index
    %swap3A_73 = tpu.vector_load %arg6[%swap3A_72] {strides = array<i32>} : memref<640xf32, #tpu.memory_space<vmem>>, vector<16xf32>,
    %swap3A_74 = vector.shape_cast %swap3A_73 : vector<16xf32> to vector<16xf32>
    %swap3A_75 = vector.shape_cast %broadcast_in_dim3A_71 : vector<16xf32> to vector<16xf32>
    tpu.vector_store %arg6[%swap3A_72], %swap3A_75 {strides = array<i32>} : memref<640xf32, #tpu.memory_space<vmem>>, vector<16xf32>,
    %broadcast_in_dim3A_76 = arith.constant 0.000000e+00 : f32
    %broadcast_in_dim3A_77 = vector.broadcast %broadcast_in_dim3A_76 : f32 to vector<16xf32>
    %swap3A_78 = arith.constant 80 : index
    %swap3A_79 = tpu.vector_load %arg6[%swap3A_78] {strides = array<i32>} : memref<640xf32, #tpu.memory_space<vmem>>, vector<16xf32>,
    %swap3A_80 = vector.shape_cast %swap3A_79 : vector<16xf32> to vector<16xf32>
    %swap3A_81 = vector.shape_cast %broadcast_in_dim3A_77 : vector<16xf32> to vector<16xf32>
    tpu.vector_store %arg6[%swap3A_78], %swap3A_81 {strides = array<i32>} : memref<640xf32, #tpu.memory_space<vmem>>, vector<16xf32>,
    %broadcast_in_dim3A_82 = arith.constant 0.000000e+00 : f32
    %broadcast_in_dim3A_83 = vector.broadcast %broadcast_in_dim3A_82 : f32 to vector<16xf32>
    %swap3A_84 = arith.constant 96 : index
    %swap3A_85 = tpu.vector_load %arg6[%swap3A_84] {strides = array<i32>} : memref<640xf32, #tpu.memory_space<vmem>>, vector<16xf32>,
    %swap3A_86 = vector.shape_cast %swap3A_85 : vector<16xf32> to vector<16xf32>
    %swap3A_87 = vector.shape_cast %broadcast_in_dim3A_83 : vector<16xf32> to vector<16xf32>
    tpu.vector_store %arg6[%swap3A_84], %swap3A_87 {strides = array<i32>} : memref<640xf32, #tpu.memory_space<vmem>>, vector<16xf32>,
    %broadcast_in_dim3A_88 = arith.constant 0.000000e+00 : f32
    %broadcast_in_dim3A_89 = vector.broadcast %broadcast_in_dim3A_88 : f32 to vector<16xf32>
    %swap3A_90 = arith.constant 112 : index
    %swap3A_91 = tpu.vector_load %arg6[%swap3A_90] {strides = array<i32>} : memref<640xf32, #tpu.memory_space<vmem>>, vector<16xf32>,
    %swap3A_92 = vector.shape_cast %swap3A_91 : vector<16xf32> to vector<16xf32>
    %swap3A_93 = vector.shape_cast %broadcast_in_dim3A_89 : vector<16xf32> to vector<16xf32>
    tpu.vector_store %arg6[%swap3A_90], %swap3A_93 {strides = array<i32>} : memref<640xf32, #tpu.memory_space<vmem>>, vector<16xf32>,
    %broadcast_in_dim3A_94 = arith.constant 0.000000e+00 : f32
    %broadcast_in_dim3A_95 = vector.broadcast %broadcast_in_dim3A_94 : f32 to vector<16xf32>
    %swap3A_96 = arith.constant 128 : index
    %swap3A_97 = tpu.vector_load %arg6[%swap3A_96] {strides = array<i32>} : memref<640xf32, #tpu.memory_space<vmem>>, vector<16xf32>,
    %swap3A_98 = vector.shape_cast %swap3A_97 : vector<16xf32> to vector<16xf32>
    %swap3A_99 = vector.shape_cast %broadcast_in_dim3A_95 : vector<16xf32> to vector<16xf32>
    tpu.vector_store %arg6[%swap3A_96], %swap3A_99 {strides = array<i32>} : memref<640xf32, #tpu.memory_space<vmem>>, vector<16xf32>,
    %broadcast_in_dim3A_100 = arith.constant 0.000000e+00 : f32
    %broadcast_in_dim3A_101 = vector.broadcast %broadcast_in_dim3A_100 : f32 to vector<16xf32>
    %swap3A_102 = arith.constant 144 : index
    %swap3A_103 = tpu.vector_load %arg6[%swap3A_102] {strides = array<i32>} : memref<640xf32, #tpu.memory_space<vmem>>, vector<16xf32>,
    %swap3A_104 = vector.shape_cast %swap3A_103 : vector<16xf32> to vector<16xf32>
    %swap3A_105 = vector.shape_cast %broadcast_in_dim3A_101 : vector<16xf32> to vector<16xf32>
    tpu.vector_store %arg6[%swap3A_102], %swap3A_105 {strides = array<i32>} : memref<640xf32, #tpu.memory_space<vmem>>, vector<16xf32>,
    %broadcast_in_dim3A_106 = arith.constant 0.000000e+00 : f32
    %broadcast_in_dim3A_107 = vector.broadcast %broadcast_in_dim3A_106 : f32 to vector<16xf32>
    %swap3A_108 = arith.constant 160 : index
    %swap3A_109 = tpu.vector_load %arg6[%swap3A_108] {strides = array<i32>} : memref<640xf32, #tpu.memory_space<vmem>>, vector<16xf32>,
    %swap3A_110 = vector.shape_cast %swap3A_109 : vector<16xf32> to vector<16xf32>
    %swap3A_111 = vector.shape_cast %broadcast_in_dim3A_107 : vector<16xf32> to vector<16xf32>
    tpu.vector_store %arg6[%swap3A_108], %swap3A_111 {strides = array<i32>} : memref<640xf32, #tpu.memory_space<vmem>>, vector<16xf32>,
    %broadcast_in_dim3A_112 = arith.constant 0.000000e+00 : f32
    %broadcast_in_dim3A_113 = vector.broadcast %broadcast_in_dim3A_112 : f32 to vector<16xf32>
    %swap3A_114 = arith.constant 176 : index
    %swap3A_115 = tpu.vector_load %arg6[%swap3A_114] {strides = array<i32>} : memref<640xf32, #tpu.memory_space<vmem>>, vector<16xf32>,
    %swap3A_116 = vector.shape_cast %swap3A_115 : vector<16xf32> to vector<16xf32>
    %swap3A_117 = vector.shape_cast %broadcast_in_dim3A_113 : vector<16xf32> to vector<16xf32>
    tpu.vector_store %arg6[%swap3A_114], %swap3A_117 {strides = array<i32>} : memref<640xf32, #tpu.memory_space<vmem>>, vector<16xf32>,
    %broadcast_in_dim3A_118 = arith.constant 0.000000e+00 : f32
    %broadcast_in_dim3A_119 = vector.broadcast %broadcast_in_dim3A_118 : f32 to vector<16xf32>
    %swap3A_120 = arith.constant 192 : index
    %swap3A_121 = tpu.vector_load %arg6[%swap3A_120] {strides = array<i32>} : memref<640xf32, #tpu.memory_space<vmem>>, vector<16xf32>,
    %swap3A_122 = vector.shape_cast %swap3A_121 : vector<16xf32> to vector<16xf32>
    %swap3A_123 = vector.shape_cast %broadcast_in_dim3A_119 : vector<16xf32> to vector<16xf32>
    tpu.vector_store %arg6[%swap3A_120], %swap3A_123 {strides = array<i32>} : memref<640xf32, #tpu.memory_space<vmem>>, vector<16xf32>,
    %broadcast_in_dim3A_124 = arith.constant 0.000000e+00 : f32
    %broadcast_in_dim3A_125 = vector.broadcast %broadcast_in_dim3A_124 : f32 to vector<16xf32>
    %swap3A_126 = arith.constant 208 : index
    %swap3A_127 = tpu.vector_load %arg6[%swap3A_126] {strides = array<i32>} : memref<640xf32, #tpu.memory_space<vmem>>, vector<16xf32>,
    %swap3A_128 = vector.shape_cast %swap3A_127 : vector<16xf32> to vector<16xf32>
    %swap3A_129 = vector.shape_cast %broadcast_in_dim3A_125 : vector<16xf32> to vector<16xf32>
    tpu.vector_store %arg6[%swap3A_126], %swap3A_129 {strides = array<i32>} : memref<640xf32, #tpu.memory_space<vmem>>, vector<16xf32>,
    %broadcast_in_dim3A_130 = arith.constant 0.000000e+00 : f32
    %broadcast_in_dim3A_131 = vector.broadcast %broadcast_in_dim3A_130 : f32 to vector<16xf32>
    %swap3A_132 = arith.constant 224 : index
    %swap3A_133 = tpu.vector_load %arg6[%swap3A_132] {strides = array<i32>} : memref<640xf32, #tpu.memory_space<vmem>>, vector<16xf32>,
    %swap3A_134 = vector.shape_cast %swap3A_133 : vector<16xf32> to vector<16xf32>
    %swap3A_135 = vector.shape_cast %broadcast_in_dim3A_131 : vector<16xf32> to vector<16xf32>
    tpu.vector_store %arg6[%swap3A_132], %swap3A_135 {strides = array<i32>} : memref<640xf32, #tpu.memory_space<vmem>>, vector<16xf32>,
    %broadcast_in_dim3A_136 = arith.constant 0.000000e+00 : f32
    %broadcast_in_dim3A_137 = vector.broadcast %broadcast_in_dim3A_136 : f32 to vector<16xf32>
    %swap3A_138 = arith.constant 240 : index
    %swap3A_139 = tpu.vector_load %arg6[%swap3A_138] {strides = array<i32>} : memref<640xf32, #tpu.memory_space<vmem>>, vector<16xf32>,
    %swap3A_140 = vector.shape_cast %swap3A_139 : vector<16xf32> to vector<16xf32>
    %swap3A_141 = vector.shape_cast %broadcast_in_dim3A_137 : vector<16xf32> to vector<16xf32>
    tpu.vector_store %arg6[%swap3A_138], %swap3A_141 {strides = array<i32>} : memref<640xf32, #tpu.memory_space<vmem>>, vector<16xf32>,
    %broadcast_in_dim3A_142 = arith.constant 0.000000e+00 : f32
    %broadcast_in_dim3A_143 = vector.broadcast %broadcast_in_dim3A_142 : f32 to vector<16xf32>
    %swap3A_144 = arith.constant 256 : index
    %swap3A_145 = tpu.vector_load %arg6[%swap3A_144] {strides = array<i32>} : memref<640xf32, #tpu.memory_space<vmem>>, vector<16xf32>,
    %swap3A_146 = vector.shape_cast %swap3A_145 : vector<16xf32> to vector<16xf32>
    %swap3A_147 = vector.shape_cast %broadcast_in_dim3A_143 : vector<16xf32> to vector<16xf32>
    tpu.vector_store %arg6[%swap3A_144], %swap3A_147 {strides = array<i32>} : memref<640xf32, #tpu.memory_space<vmem>>, vector<16xf32>,
    %broadcast_in_dim3A_148 = arith.constant 0.000000e+00 : f32
    %broadcast_in_dim3A_149 = vector.broadcast %broadcast_in_dim3A_148 : f32 to vector<16xf32>
    %swap3A_150 = arith.constant 272 : index
    %swap3A_151 = tpu.vector_load %arg6[%swap3A_150] {strides = array<i32>} : memref<640xf32, #tpu.memory_space<vmem>>, vector<16xf32>,
    %swap3A_152 = vector.shape_cast %swap3A_151 : vector<16xf32> to vector<16xf32>
    %swap3A_153 = vector.shape_cast %broadcast_in_dim3A_149 : vector<16xf32> to vector<16xf32>
    tpu.vector_store %arg6[%swap3A_150], %swap3A_153 {strides = array<i32>} : memref<640xf32, #tpu.memory_space<vmem>>, vector<16xf32>,
    %broadcast_in_dim3A_154 = arith.constant 0.000000e+00 : f32
    %broadcast_in_dim3A_155 = vector.broadcast %broadcast_in_dim3A_154 : f32 to vector<16xf32>
    %swap3A_156 = arith.constant 288 : index
    %swap3A_157 = tpu.vector_load %arg6[%swap3A_156] {strides = array<i32>} : memref<640xf32, #tpu.memory_space<vmem>>, vector<16xf32>,
    %swap3A_158 = vector.shape_cast %swap3A_157 : vector<16xf32> to vector<16xf32>
    %swap3A_159 = vector.shape_cast %broadcast_in_dim3A_155 : vector<16xf32> to vector<16xf32>
    tpu.vector_store %arg6[%swap3A_156], %swap3A_159 {strides = array<i32>} : memref<640xf32, #tpu.memory_space<vmem>>, vector<16xf32>,
    %broadcast_in_dim3A_160 = arith.constant 0.000000e+00 : f32
    %broadcast_in_dim3A_161 = vector.broadcast %broadcast_in_dim3A_160 : f32 to vector<16xf32>
    %swap3A_162 = arith.constant 304 : index
    %swap3A_163 = tpu.vector_load %arg6[%swap3A_162] {strides = array<i32>} : memref<640xf32, #tpu.memory_space<vmem>>, vector<16xf32>,
    %swap3A_164 = vector.shape_cast %swap3A_163 : vector<16xf32> to vector<16xf32>
    %swap3A_165 = vector.shape_cast %broadcast_in_dim3A_161 : vector<16xf32> to vector<16xf32>
    tpu.vector_store %arg6[%swap3A_162], %swap3A_165 {strides = array<i32>} : memref<640xf32, #tpu.memory_space<vmem>>, vector<16xf32>,
    %broadcast_in_dim3A_166 = arith.constant 0.000000e+00 : f32
    %broadcast_in_dim3A_167 = vector.broadcast %broadcast_in_dim3A_166 : f32 to vector<16xf32>
    %swap3A_168 = arith.constant 320 : index
    %swap3A_169 = tpu.vector_load %arg6[%swap3A_168] {strides = array<i32>} : memref<640xf32, #tpu.memory_space<vmem>>, vector<16xf32>,
    %swap3A_170 = vector.shape_cast %swap3A_169 : vector<16xf32> to vector<16xf32>
    %swap3A_171 = vector.shape_cast %broadcast_in_dim3A_167 : vector<16xf32> to vector<16xf32>
    tpu.vector_store %arg6[%swap3A_168], %swap3A_171 {strides = array<i32>} : memref<640xf32, #tpu.memory_space<vmem>>, vector<16xf32>,
    %broadcast_in_dim3A_172 = arith.constant 0.000000e+00 : f32
    %broadcast_in_dim3A_173 = vector.broadcast %broadcast_in_dim3A_172 : f32 to vector<16xf32>
    %swap3A_174 = arith.constant 336 : index
    %swap3A_175 = tpu.vector_load %arg6[%swap3A_174] {strides = array<i32>} : memref<640xf32, #tpu.memory_space<vmem>>, vector<16xf32>,
    %swap3A_176 = vector.shape_cast %swap3A_175 : vector<16xf32> to vector<16xf32>
    %swap3A_177 = vector.shape_cast %broadcast_in_dim3A_173 : vector<16xf32> to vector<16xf32>
    tpu.vector_store %arg6[%swap3A_174], %swap3A_177 {strides = array<i32>} : memref<640xf32, #tpu.memory_space<vmem>>, vector<16xf32>,
    %broadcast_in_dim3A_178 = arith.constant 0.000000e+00 : f32
    %broadcast_in_dim3A_179 = vector.broadcast %broadcast_in_dim3A_178 : f32 to vector<16xf32>
    %swap3A_180 = arith.constant 352 : index
    %swap3A_181 = tpu.vector_load %arg6[%swap3A_180] {strides = array<i32>} : memref<640xf32, #tpu.memory_space<vmem>>, vector<16xf32>,
    %swap3A_182 = vector.shape_cast %swap3A_181 : vector<16xf32> to vector<16xf32>
    %swap3A_183 = vector.shape_cast %broadcast_in_dim3A_179 : vector<16xf32> to vector<16xf32>
    tpu.vector_store %arg6[%swap3A_180], %swap3A_183 {strides = array<i32>} : memref<640xf32, #tpu.memory_space<vmem>>, vector<16xf32>,
    %broadcast_in_dim3A_184 = arith.constant 0.000000e+00 : f32
    %broadcast_in_dim3A_185 = vector.broadcast %broadcast_in_dim3A_184 : f32 to vector<16xf32>
    %swap3A_186 = arith.constant 368 : index
    %swap3A_187 = tpu.vector_load %arg6[%swap3A_186] {strides = array<i32>} : memref<640xf32, #tpu.memory_space<vmem>>, vector<16xf32>,
    %swap3A_188 = vector.shape_cast %swap3A_187 : vector<16xf32> to vector<16xf32>
    %swap3A_189 = vector.shape_cast %broadcast_in_dim3A_185 : vector<16xf32> to vector<16xf32>
    tpu.vector_store %arg6[%swap3A_186], %swap3A_189 {strides = array<i32>} : memref<640xf32, #tpu.memory_space<vmem>>, vector<16xf32>,
    %broadcast_in_dim3A_190 = arith.constant 0.000000e+00 : f32
    %broadcast_in_dim3A_191 = vector.broadcast %broadcast_in_dim3A_190 : f32 to vector<16xf32>
    %swap3A_192 = arith.constant 384 : index
    %swap3A_193 = tpu.vector_load %arg6[%swap3A_192] {strides = array<i32>} : memref<640xf32, #tpu.memory_space<vmem>>, vector<16xf32>,
    %swap3A_194 = vector.shape_cast %swap3A_193 : vector<16xf32> to vector<16xf32>
    %swap3A_195 = vector.shape_cast %broadcast_in_dim3A_191 : vector<16xf32> to vector<16xf32>
    tpu.vector_store %arg6[%swap3A_192], %swap3A_195 {strides = array<i32>} : memref<640xf32, #tpu.memory_space<vmem>>, vector<16xf32>,
    %broadcast_in_dim3A_196 = arith.constant 0.000000e+00 : f32
    %broadcast_in_dim3A_197 = vector.broadcast %broadcast_in_dim3A_196 : f32 to vector<16xf32>
    %swap3A_198 = arith.constant 400 : index
    %swap3A_199 = tpu.vector_load %arg6[%swap3A_198] {strides = array<i32>} : memref<640xf32, #tpu.memory_space<vmem>>, vector<16xf32>,
    %swap3A_200 = vector.shape_cast %swap3A_199 : vector<16xf32> to vector<16xf32>
    %swap3A_201 = vector.shape_cast %broadcast_in_dim3A_197 : vector<16xf32> to vector<16xf32>
    tpu.vector_store %arg6[%swap3A_198], %swap3A_201 {strides = array<i32>} : memref<640xf32, #tpu.memory_space<vmem>>, vector<16xf32>,
    %broadcast_in_dim3A_202 = arith.constant 0.000000e+00 : f32
    %broadcast_in_dim3A_203 = vector.broadcast %broadcast_in_dim3A_202 : f32 to vector<16xf32>
    %swap3A_204 = arith.constant 416 : index
    %swap3A_205 = tpu.vector_load %arg6[%swap3A_204] {strides = array<i32>} : memref<640xf32, #tpu.memory_space<vmem>>, vector<16xf32>,
    %swap3A_206 = vector.shape_cast %swap3A_205 : vector<16xf32> to vector<16xf32>
    %swap3A_207 = vector.shape_cast %broadcast_in_dim3A_203 : vector<16xf32> to vector<16xf32>
    tpu.vector_store %arg6[%swap3A_204], %swap3A_207 {strides = array<i32>} : memref<640xf32, #tpu.memory_space<vmem>>, vector<16xf32>,
    %broadcast_in_dim3A_208 = arith.constant 0.000000e+00 : f32
    %broadcast_in_dim3A_209 = vector.broadcast %broadcast_in_dim3A_208 : f32 to vector<16xf32>
    %swap3A_210 = arith.constant 432 : index
    %swap3A_211 = tpu.vector_load %arg6[%swap3A_210] {strides = array<i32>} : memref<640xf32, #tpu.memory_space<vmem>>, vector<16xf32>,
    %swap3A_212 = vector.shape_cast %swap3A_211 : vector<16xf32> to vector<16xf32>
    %swap3A_213 = vector.shape_cast %broadcast_in_dim3A_209 : vector<16xf32> to vector<16xf32>
    tpu.vector_store %arg6[%swap3A_210], %swap3A_213 {strides = array<i32>} : memref<640xf32, #tpu.memory_space<vmem>>, vector<16xf32>,
    %broadcast_in_dim3A_214 = arith.constant 0.000000e+00 : f32
    %broadcast_in_dim3A_215 = vector.broadcast %broadcast_in_dim3A_214 : f32 to vector<16xf32>
    %swap3A_216 = arith.constant 448 : index
    %swap3A_217 = tpu.vector_load %arg6[%swap3A_216] {strides = array<i32>} : memref<640xf32, #tpu.memory_space<vmem>>, vector<16xf32>,
    %swap3A_218 = vector.shape_cast %swap3A_217 : vector<16xf32> to vector<16xf32>
    %swap3A_219 = vector.shape_cast %broadcast_in_dim3A_215 : vector<16xf32> to vector<16xf32>
    tpu.vector_store %arg6[%swap3A_216], %swap3A_219 {strides = array<i32>} : memref<640xf32, #tpu.memory_space<vmem>>, vector<16xf32>,
    %broadcast_in_dim3A_220 = arith.constant 0.000000e+00 : f32
    %broadcast_in_dim3A_221 = vector.broadcast %broadcast_in_dim3A_220 : f32 to vector<16xf32>
    %swap3A_222 = arith.constant 464 : index
    %swap3A_223 = tpu.vector_load %arg6[%swap3A_222] {strides = array<i32>} : memref<640xf32, #tpu.memory_space<vmem>>, vector<16xf32>,
    %swap3A_224 = vector.shape_cast %swap3A_223 : vector<16xf32> to vector<16xf32>
    %swap3A_225 = vector.shape_cast %broadcast_in_dim3A_221 : vector<16xf32> to vector<16xf32>
    tpu.vector_store %arg6[%swap3A_222], %swap3A_225 {strides = array<i32>} : memref<640xf32, #tpu.memory_space<vmem>>, vector<16xf32>,
    %broadcast_in_dim3A_226 = arith.constant 0.000000e+00 : f32
    %broadcast_in_dim3A_227 = vector.broadcast %broadcast_in_dim3A_226 : f32 to vector<16xf32>
    %swap3A_228 = arith.constant 480 : index
    %swap3A_229 = tpu.vector_load %arg6[%swap3A_228] {strides = array<i32>} : memref<640xf32, #tpu.memory_space<vmem>>, vector<16xf32>,
    %swap3A_230 = vector.shape_cast %swap3A_229 : vector<16xf32> to vector<16xf32>
    %swap3A_231 = vector.shape_cast %broadcast_in_dim3A_227 : vector<16xf32> to vector<16xf32>
    tpu.vector_store %arg6[%swap3A_228], %swap3A_231 {strides = array<i32>} : memref<640xf32, #tpu.memory_space<vmem>>, vector<16xf32>,
    %broadcast_in_dim3A_232 = arith.constant 0.000000e+00 : f32
    %broadcast_in_dim3A_233 = vector.broadcast %broadcast_in_dim3A_232 : f32 to vector<16xf32>
    %swap3A_234 = arith.constant 496 : index
    %swap3A_235 = tpu.vector_load %arg6[%swap3A_234] {strides = array<i32>} : memref<640xf32, #tpu.memory_space<vmem>>, vector<16xf32>,
    %swap3A_236 = vector.shape_cast %swap3A_235 : vector<16xf32> to vector<16xf32>
    %swap3A_237 = vector.shape_cast %broadcast_in_dim3A_233 : vector<16xf32> to vector<16xf32>
    tpu.vector_store %arg6[%swap3A_234], %swap3A_237 {strides = array<i32>} : memref<640xf32, #tpu.memory_space<vmem>>, vector<16xf32>,
    %broadcast_in_dim3A_238 = arith.constant 0.000000e+00 : f32
    %broadcast_in_dim3A_239 = vector.broadcast %broadcast_in_dim3A_238 : f32 to vector<16xf32>
    %swap3A_240 = arith.constant 512 : index
    %swap3A_241 = tpu.vector_load %arg6[%swap3A_240] {strides = array<i32>} : memref<640xf32, #tpu.memory_space<vmem>>, vector<16xf32>,
    %swap3A_242 = vector.shape_cast %swap3A_241 : vector<16xf32> to vector<16xf32>
    %swap3A_243 = vector.shape_cast %broadcast_in_dim3A_239 : vector<16xf32> to vector<16xf32>
    tpu.vector_store %arg6[%swap3A_240], %swap3A_243 {strides = array<i32>} : memref<640xf32, #tpu.memory_space<vmem>>, vector<16xf32>,
    %broadcast_in_dim3A_244 = arith.constant 0.000000e+00 : f32
    %broadcast_in_dim3A_245 = vector.broadcast %broadcast_in_dim3A_244 : f32 to vector<16xf32>
    %swap3A_246 = arith.constant 528 : index
    %swap3A_247 = tpu.vector_load %arg6[%swap3A_246] {strides = array<i32>} : memref<640xf32, #tpu.memory_space<vmem>>, vector<16xf32>,
    %swap3A_248 = vector.shape_cast %swap3A_247 : vector<16xf32> to vector<16xf32>
    %swap3A_249 = vector.shape_cast %broadcast_in_dim3A_245 : vector<16xf32> to vector<16xf32>
    tpu.vector_store %arg6[%swap3A_246], %swap3A_249 {strides = array<i32>} : memref<640xf32, #tpu.memory_space<vmem>>, vector<16xf32>,
    %broadcast_in_dim3A_250 = arith.constant 0.000000e+00 : f32
    %broadcast_in_dim3A_251 = vector.broadcast %broadcast_in_dim3A_250 : f32 to vector<16xf32>
    %swap3A_252 = arith.constant 544 : index
    %swap3A_253 = tpu.vector_load %arg6[%swap3A_252] {strides = array<i32>} : memref<640xf32, #tpu.memory_space<vmem>>, vector<16xf32>,
    %swap3A_254 = vector.shape_cast %swap3A_253 : vector<16xf32> to vector<16xf32>
    %swap3A_255 = vector.shape_cast %broadcast_in_dim3A_251 : vector<16xf32> to vector<16xf32>
    tpu.vector_store %arg6[%swap3A_252], %swap3A_255 {strides = array<i32>} : memref<640xf32, #tpu.memory_space<vmem>>, vector<16xf32>,
    %broadcast_in_dim3A_256 = arith.constant 0.000000e+00 : f32
    %broadcast_in_dim3A_257 = vector.broadcast %broadcast_in_dim3A_256 : f32 to vector<16xf32>
    %swap3A_258 = arith.constant 560 : index
    %swap3A_259 = tpu.vector_load %arg6[%swap3A_258] {strides = array<i32>} : memref<640xf32, #tpu.memory_space<vmem>>, vector<16xf32>,
    %swap3A_260 = vector.shape_cast %swap3A_259 : vector<16xf32> to vector<16xf32>
    %swap3A_261 = vector.shape_cast %broadcast_in_dim3A_257 : vector<16xf32> to vector<16xf32>
    tpu.vector_store %arg6[%swap3A_258], %swap3A_261 {strides = array<i32>} : memref<640xf32, #tpu.memory_space<vmem>>, vector<16xf32>,
    %broadcast_in_dim3A_262 = arith.constant 0.000000e+00 : f32
    %broadcast_in_dim3A_263 = vector.broadcast %broadcast_in_dim3A_262 : f32 to vector<16xf32>
    %swap3A_264 = arith.constant 576 : index
    %swap3A_265 = tpu.vector_load %arg6[%swap3A_264] {strides = array<i32>} : memref<640xf32, #tpu.memory_space<vmem>>, vector<16xf32>,
    %swap3A_266 = vector.shape_cast %swap3A_265 : vector<16xf32> to vector<16xf32>
    %swap3A_267 = vector.shape_cast %broadcast_in_dim3A_263 : vector<16xf32> to vector<16xf32>
    tpu.vector_store %arg6[%swap3A_264], %swap3A_267 {strides = array<i32>} : memref<640xf32, #tpu.memory_space<vmem>>, vector<16xf32>,
    %broadcast_in_dim3A_268 = arith.constant 0.000000e+00 : f32
    %broadcast_in_dim3A_269 = vector.broadcast %broadcast_in_dim3A_268 : f32 to vector<16xf32>
    %swap3A_270 = arith.constant 592 : index
    %swap3A_271 = tpu.vector_load %arg6[%swap3A_270] {strides = array<i32>} : memref<640xf32, #tpu.memory_space<vmem>>, vector<16xf32>,
    %swap3A_272 = vector.shape_cast %swap3A_271 : vector<16xf32> to vector<16xf32>
    %swap3A_273 = vector.shape_cast %broadcast_in_dim3A_269 : vector<16xf32> to vector<16xf32>
    tpu.vector_store %arg6[%swap3A_270], %swap3A_273 {strides = array<i32>} : memref<640xf32, #tpu.memory_space<vmem>>, vector<16xf32>,
    %broadcast_in_dim3A_274 = arith.constant 0.000000e+00 : f32
    %broadcast_in_dim3A_275 = vector.broadcast %broadcast_in_dim3A_274 : f32 to vector<16xf32>
    %swap3A_276 = arith.constant 608 : index
    %swap3A_277 = tpu.vector_load %arg6[%swap3A_276] {strides = array<i32>} : memref<640xf32, #tpu.memory_space<vmem>>, vector<16xf32>,
    %swap3A_278 = vector.shape_cast %swap3A_277 : vector<16xf32> to vector<16xf32>
    %swap3A_279 = vector.shape_cast %broadcast_in_dim3A_275 : vector<16xf32> to vector<16xf32>
    tpu.vector_store %arg6[%swap3A_276], %swap3A_279 {strides = array<i32>} : memref<640xf32, #tpu.memory_space<vmem>>, vector<16xf32>,
    %broadcast_in_dim3A_280 = arith.constant 0.000000e+00 : f32
    %broadcast_in_dim3A_281 = vector.broadcast %broadcast_in_dim3A_280 : f32 to vector<16xf32>
    %swap3A_282 = arith.constant 624 : index
    %swap3A_283 = tpu.vector_load %arg6[%swap3A_282] {strides = array<i32>} : memref<640xf32, #tpu.memory_space<vmem>>, vector<16xf32>,
    %swap3A_284 = vector.shape_cast %swap3A_283 : vector<16xf32> to vector<16xf32>
    %swap3A_285 = vector.shape_cast %broadcast_in_dim3A_281 : vector<16xf32> to vector<16xf32>
    tpu.vector_store %arg6[%swap3A_282], %swap3A_285 {strides = array<i32>} : memref<640xf32, #tpu.memory_space<vmem>>, vector<16xf32>,
    %mul3A = arith.constant 640 : i32
    %mul3A_286 = arith.muli %arg1, %mul3A : i32
    "tpu.region"() ({
      %run_scoped3A = tpu.sem_alloc : memref<!tpu.dma_semaphore, #tpu.memory_space<semaphore_mem>>
      %dma_start3A = tpu.memref_slice %arg7[%mul3A_286] : memref<10240xf32, #tpu.memory_space<vmem_shared>> -> memref<640xf32, #tpu.memory_space<vmem_shared>>
      %dma_start3A_299 = tpu.memref_slice %arg7[%mul3A_286] : memref<10240xf32, #tpu.memory_space<vmem_shared>> -> memref<640xf32, #tpu.memory_space<vmem_shared>>
      tpu.enqueue_dma source(%arg6 : memref<640xf32, #tpu.memory_space<vmem>>) target(%dma_start3A_299 : memref<640xf32, #tpu.memory_space<vmem_shared>>) target_semaphore(%run_scoped3A : memref<!tpu.dma_semaphore, #tpu.memory_space<semaphore_mem>>)
      %dma_wait3A = tpu.memref_slice %arg7[%mul3A_286] : memref<10240xf32, #tpu.memory_space<vmem_shared>> -> memref<640xf32, #tpu.memory_space<vmem_shared>>
      %dma_wait3A_300 = tpu.memref_slice %arg7[%mul3A_286] : memref<10240xf32, #tpu.memory_space<vmem_shared>> -> memref<640xf32, #tpu.memory_space<vmem_shared>>
      tpu.wait_dma2 semaphore(%run_scoped3A : memref<!tpu.dma_semaphore, #tpu.memory_space<semaphore_mem>>) src(%arg6 : memref<640xf32, #tpu.memory_space<vmem>>) dst(%dma_wait3A_300 : memref<640xf32, #tpu.memory_space<vmem_shared>>)
      tpu.yield
    }) : () -> ()
    %mul3A_287 = arith.constant 16 : i32
    %mul3A_288 = arith.muli %arg0, %mul3A_287 : i32
    %add3A = arith.addi %mul3A_288, %arg1 : i32
    %mul3A_289 = arith.constant 80 : i32
    %mul3A_290 = arith.muli %add3A, %mul3A_289 : i32
    %multiple_of3A = tpu.assume_multiple %mul3A_290, 8 : i32
    "tpu.region"() ({
      %run_scoped3A = tpu.sem_alloc : memref<!tpu.dma_semaphore, #tpu.memory_space<semaphore_mem>>
      %dma_start3A = arith.constant 0 : i32
      %dma_start3A_299 = tpu.memref_slice %arg2[%multiple_of3A, %dma_start3A] : memref<2560x128xi32, #tpu.memory_space<hbm>> -> memref<80x128xi32, #tpu.memory_space<hbm>>
      %dma_start3A_300 = arith.constant 0 : i32
      %dma_start3A_301 = tpu.memref_slice %arg2[%multiple_of3A, %dma_start3A_300] : memref<2560x128xi32, #tpu.memory_space<hbm>> -> memref<80x128xi32, #tpu.memory_space<hbm>>
      tpu.enqueue_dma source(%dma_start3A_301 : memref<80x128xi32, #tpu.memory_space<hbm>>) target(%arg4 : memref<80x128xi32, #tpu.memory_space<vmem>>) target_semaphore(%run_scoped3A : memref<!tpu.dma_semaphore, #tpu.memory_space<semaphore_mem>>)
      %dma_wait3A = arith.constant 0 : i32
      %dma_wait3A_302 = tpu.memref_slice %arg2[%multiple_of3A, %dma_wait3A] : memref<2560x128xi32, #tpu.memory_space<hbm>> -> memref<80x128xi32, #tpu.memory_space<hbm>>
      %dma_wait3A_303 = arith.constant 0 : i32
      %dma_wait3A_304 = tpu.memref_slice %arg2[%multiple_of3A, %dma_wait3A_303] : memref<2560x128xi32, #tpu.memory_space<hbm>> -> memref<80x128xi32, #tpu.memory_space<hbm>>
      tpu.wait_dma2 semaphore(%run_scoped3A : memref<!tpu.dma_semaphore, #tpu.memory_space<semaphore_mem>>) src(%dma_wait3A_304 : memref<80x128xi32, #tpu.memory_space<hbm>>) dst(%arg4 : memref<80x128xi32, #tpu.memory_space<vmem>>)
      tpu.yield
    }) : () -> ()
    %barrier3A = arith.constant 0 : index
    tpu.barrier barrier_id(%barrier3A)
    %scan3A = arith.constant 0 : i32
    %scan3A_291 = arith.constant 0 : i32
    %scan3A_292 = arith.constant 80 : i32
    %scan3A_293 = arith.addi %scan3A_291, %scan3A_292 : i32
    %scan3A_294 = arith.constant 1 : i32
    scf.for %scan3A_299 = %scan3A_291 to %scan3A_293 step %scan3A_294  : i32 {
      "tpu.region"() ({
        %run_scoped3A = tpu.sem_alloc : memref<!tpu.dma_semaphore, #tpu.memory_space<semaphore_mem>>
        %dma_start3A = arith.constant 0 : i32
        %dma_start3A_300 = tpu.memref_slice %arg4[%scan3A_299, %dma_start3A] : memref<80x128xi32, #tpu.memory_space<vmem>> -> memref<1x128xi32, #tpu.memory_space<vmem>>
        %dma_start3A_301 = tpu.memref_squeeze %dma_start3A_300 : memref<1x128xi32, #tpu.memory_space<vmem>> -> memref<128xi32, #tpu.memory_space<vmem>>
        %dma_start3A_302 = arith.constant 0 : i32
        %dma_start3A_303 = tpu.memref_slice %arg7[%dma_start3A_302] : memref<10240xf32, #tpu.memory_space<vmem_shared>> -> memref<10240xf32, #tpu.memory_space<vmem_shared>>
        tpu.enqueue_indirect_dma source(%arg5 : memref<128xf32, #tpu.memory_space<vmem>>) target(%dma_start3A_303 : memref<10240xf32, #tpu.memory_space<vmem_shared>>) offsets(%dma_start3A_301 : memref<128xi32, #tpu.memory_space<vmem>>) semaphore(%run_scoped3A : memref<!tpu.dma_semaphore, #tpu.memory_space<semaphore_mem>>) {add = true}
        %dma_wait3A = arith.constant 0 : i32
        %dma_wait3A_304 = tpu.memref_slice %arg4[%scan3A_299, %dma_wait3A] : memref<80x128xi32, #tpu.memory_space<vmem>> -> memref<1x128xi32, #tpu.memory_space<vmem>>
        %dma_wait3A_305 = tpu.memref_squeeze %dma_wait3A_304 : memref<1x128xi32, #tpu.memory_space<vmem>> -> memref<128xi32, #tpu.memory_space<vmem>>
        %dma_wait3A_306 = arith.constant 0 : i32
        %dma_wait3A_307 = tpu.memref_slice %arg7[%dma_wait3A_306] : memref<10240xf32, #tpu.memory_space<vmem_shared>> -> memref<10240xf32, #tpu.memory_space<vmem_shared>>
        tpu.wait_indirect_dma semaphore(%run_scoped3A : memref<!tpu.dma_semaphore, #tpu.memory_space<semaphore_mem>>) src(%arg5 : memref<128xf32, #tpu.memory_space<vmem>>) dst(%dma_wait3A_307 : memref<10240xf32, #tpu.memory_space<vmem_shared>>)
        tpu.yield
      }) : () -> ()
    }
    %scan3A_295 = arith.constant 80 : i32
    %barrier3A_296 = arith.constant 0 : index
    tpu.barrier barrier_id(%barrier3A_296)
    %eq3A = arith.constant 0 : i32
    %eq3A_297 = arith.cmpi eq, %arg1, %eq3A : i32
    %convert_element_type3A = arith.extui %eq3A_297 : i1 to i32
    %cond3A = arith.constant 0 : i32
    %cond3A_298 = arith.cmpi ne, %convert_element_type3A, %cond3A : i32
    scf.if %cond3A_298 {
      "tpu.region"() ({
        %run_scoped3A = tpu.sem_alloc : memref<!tpu.dma_semaphore, #tpu.memory_space<semaphore_mem>>
        %dma_start3A = arith.constant 0 : i32
        %dma_start3A_299 = tpu.memref_slice %arg3[%arg0, %dma_start3A] : memref<2x10240xf32, #tpu.memory_space<hbm>> -> memref<1x10240xf32, #tpu.memory_space<hbm>>
        %dma_start3A_300 = tpu.memref_squeeze %dma_start3A_299 : memref<1x10240xf32, #tpu.memory_space<hbm>> -> memref<10240xf32, #tpu.memory_space<hbm>>
        tpu.enqueue_dma source(%arg7 : memref<10240xf32, #tpu.memory_space<vmem_shared>>) target(%dma_start3A_300 : memref<10240xf32, #tpu.memory_space<hbm>>) target_semaphore(%run_scoped3A : memref<!tpu.dma_semaphore, #tpu.memory_space<semaphore_mem>>)
        %dma_wait3A = arith.constant 0 : i32
        %dma_wait3A_301 = tpu.memref_slice %arg3[%arg0, %dma_wait3A] : memref<2x10240xf32, #tpu.memory_space<hbm>> -> memref<1x10240xf32, #tpu.memory_space<hbm>>
        %dma_wait3A_302 = tpu.memref_squeeze %dma_wait3A_301 : memref<1x10240xf32, #tpu.memory_space<hbm>> -> memref<10240xf32, #tpu.memory_space<hbm>>
        tpu.wait_dma2 semaphore(%run_scoped3A : memref<!tpu.dma_semaphore, #tpu.memory_space<semaphore_mem>>) src(%arg7 : memref<10240xf32, #tpu.memory_space<vmem_shared>>) dst(%dma_wait3A_302 : memref<10240xf32, #tpu.memory_space<hbm>>)
        tpu.yield
      }) : () -> ()
    } else {
    }
    return
  }
}

#map = affine_map<(d0, d1) -> (0, 0)>
#map1 = affine_map<(d0, d1) -> (0, 0, 0)>
module attributes {stable_mosaic.version = 14 : i64} {
  func.func @_sc_mp_body(%arg0: i32, %arg1: i32, %arg2: memref<2560x128xi32, #tpu.memory_space<hbm>>, %arg3: memref<2560x128xi32, #tpu.memory_space<hbm>>, %arg4: memref<10000x128xf32, #tpu.memory_space<hbm>>, %arg5: memref<2x10240x128xf32, #tpu.memory_space<hbm>>, %arg6: memref<40x128xi32, #tpu.memory_space<vmem>>, %arg7: memref<40x128xi32, #tpu.memory_space<vmem>>, %arg8: memref<128x128xf32, #tpu.memory_space<vmem>>, %arg9: memref<128x128xf32, #tpu.memory_space<vmem>>, %arg10: memref<!tpu.dma_semaphore, #tpu.memory_space<semaphore_mem>>, %arg11: memref<!tpu.dma_semaphore, #tpu.memory_space<semaphore_mem>>, %arg12: memref<!tpu.dma_semaphore, #tpu.memory_space<semaphore_mem>>, %arg13: memref<!tpu.dma_semaphore, #tpu.memory_space<semaphore_mem>>, %arg14: memref<10240x128xf32, #tpu.memory_space<vmem_shared>>) attributes {dimension_semantics = [#tpu.dimension_semantics<core_parallel>, #tpu.dimension_semantics<subcore_parallel>], iteration_bounds = array<i64: 2, 16>, scalar_prefetch = 0 : i64, scratch_operands = 9 : i64, tpu.core_type = #tpu.core_type<sc_vector_subcore>, window_params = [{transform_indices = #map}, {transform_indices = #map}, {transform_indices = #map}, {transform_indices = #map1}]} {
    %scan3A = arith.constant 0 : i32
    %scan3A_0 = arith.constant 0 : i32
    %scan3A_1 = arith.constant 128 : i32
    %scan3A_2 = arith.addi %scan3A_0, %scan3A_1 : i32
    %scan3A_3 = arith.constant 1 : i32
    scf.for %scan3A_39 = %scan3A_0 to %scan3A_2 step %scan3A_3  : i32 {
      %broadcast_in_dim3A = arith.constant 0.000000e+00 : f32
      %broadcast_in_dim3A_40 = vector.broadcast %broadcast_in_dim3A : f32 to vector<16xf32>
      %swap3A = arith.index_cast %scan3A_39 : i32 to index
      %swap3A_41 = arith.constant 0 : index
      %swap3A_42 = tpu.vector_load %arg8[%swap3A, %swap3A_41] {strides = array<i32>} : memref<128x128xf32, #tpu.memory_space<vmem>>, vector<1x16xf32>,
      %swap3A_43 = vector.shape_cast %swap3A_42 : vector<1x16xf32> to vector<16xf32>
      %swap3A_44 = vector.shape_cast %broadcast_in_dim3A_40 : vector<16xf32> to vector<1x16xf32>
      tpu.vector_store %arg8[%swap3A, %swap3A_41], %swap3A_44 {strides = array<i32>} : memref<128x128xf32, #tpu.memory_space<vmem>>, vector<1x16xf32>,
      %broadcast_in_dim3A_45 = arith.constant 0.000000e+00 : f32
      %broadcast_in_dim3A_46 = vector.broadcast %broadcast_in_dim3A_45 : f32 to vector<16xf32>
      %swap3A_47 = arith.index_cast %scan3A_39 : i32 to index
      %swap3A_48 = arith.constant 16 : index
      %swap3A_49 = tpu.vector_load %arg8[%swap3A_47, %swap3A_48] {strides = array<i32>} : memref<128x128xf32, #tpu.memory_space<vmem>>, vector<1x16xf32>,
      %swap3A_50 = vector.shape_cast %swap3A_49 : vector<1x16xf32> to vector<16xf32>
      %swap3A_51 = vector.shape_cast %broadcast_in_dim3A_46 : vector<16xf32> to vector<1x16xf32>
      tpu.vector_store %arg8[%swap3A_47, %swap3A_48], %swap3A_51 {strides = array<i32>} : memref<128x128xf32, #tpu.memory_space<vmem>>, vector<1x16xf32>,
      %broadcast_in_dim3A_52 = arith.constant 0.000000e+00 : f32
      %broadcast_in_dim3A_53 = vector.broadcast %broadcast_in_dim3A_52 : f32 to vector<16xf32>
      %swap3A_54 = arith.index_cast %scan3A_39 : i32 to index
      %swap3A_55 = arith.constant 32 : index
      %swap3A_56 = tpu.vector_load %arg8[%swap3A_54, %swap3A_55] {strides = array<i32>} : memref<128x128xf32, #tpu.memory_space<vmem>>, vector<1x16xf32>,
      %swap3A_57 = vector.shape_cast %swap3A_56 : vector<1x16xf32> to vector<16xf32>
      %swap3A_58 = vector.shape_cast %broadcast_in_dim3A_53 : vector<16xf32> to vector<1x16xf32>
      tpu.vector_store %arg8[%swap3A_54, %swap3A_55], %swap3A_58 {strides = array<i32>} : memref<128x128xf32, #tpu.memory_space<vmem>>, vector<1x16xf32>,
      %broadcast_in_dim3A_59 = arith.constant 0.000000e+00 : f32
      %broadcast_in_dim3A_60 = vector.broadcast %broadcast_in_dim3A_59 : f32 to vector<16xf32>
      %swap3A_61 = arith.index_cast %scan3A_39 : i32 to index
      %swap3A_62 = arith.constant 48 : index
      %swap3A_63 = tpu.vector_load %arg8[%swap3A_61, %swap3A_62] {strides = array<i32>} : memref<128x128xf32, #tpu.memory_space<vmem>>, vector<1x16xf32>,
      %swap3A_64 = vector.shape_cast %swap3A_63 : vector<1x16xf32> to vector<16xf32>
      %swap3A_65 = vector.shape_cast %broadcast_in_dim3A_60 : vector<16xf32> to vector<1x16xf32>
      tpu.vector_store %arg8[%swap3A_61, %swap3A_62], %swap3A_65 {strides = array<i32>} : memref<128x128xf32, #tpu.memory_space<vmem>>, vector<1x16xf32>,
      %broadcast_in_dim3A_66 = arith.constant 0.000000e+00 : f32
      %broadcast_in_dim3A_67 = vector.broadcast %broadcast_in_dim3A_66 : f32 to vector<16xf32>
      %swap3A_68 = arith.index_cast %scan3A_39 : i32 to index
      %swap3A_69 = arith.constant 64 : index
      %swap3A_70 = tpu.vector_load %arg8[%swap3A_68, %swap3A_69] {strides = array<i32>} : memref<128x128xf32, #tpu.memory_space<vmem>>, vector<1x16xf32>,
      %swap3A_71 = vector.shape_cast %swap3A_70 : vector<1x16xf32> to vector<16xf32>
      %swap3A_72 = vector.shape_cast %broadcast_in_dim3A_67 : vector<16xf32> to vector<1x16xf32>
      tpu.vector_store %arg8[%swap3A_68, %swap3A_69], %swap3A_72 {strides = array<i32>} : memref<128x128xf32, #tpu.memory_space<vmem>>, vector<1x16xf32>,
      %broadcast_in_dim3A_73 = arith.constant 0.000000e+00 : f32
      %broadcast_in_dim3A_74 = vector.broadcast %broadcast_in_dim3A_73 : f32 to vector<16xf32>
      %swap3A_75 = arith.index_cast %scan3A_39 : i32 to index
      %swap3A_76 = arith.constant 80 : index
      %swap3A_77 = tpu.vector_load %arg8[%swap3A_75, %swap3A_76] {strides = array<i32>} : memref<128x128xf32, #tpu.memory_space<vmem>>, vector<1x16xf32>,
      %swap3A_78 = vector.shape_cast %swap3A_77 : vector<1x16xf32> to vector<16xf32>
      %swap3A_79 = vector.shape_cast %broadcast_in_dim3A_74 : vector<16xf32> to vector<1x16xf32>
      tpu.vector_store %arg8[%swap3A_75, %swap3A_76], %swap3A_79 {strides = array<i32>} : memref<128x128xf32, #tpu.memory_space<vmem>>, vector<1x16xf32>,
      %broadcast_in_dim3A_80 = arith.constant 0.000000e+00 : f32
      %broadcast_in_dim3A_81 = vector.broadcast %broadcast_in_dim3A_80 : f32 to vector<16xf32>
      %swap3A_82 = arith.index_cast %scan3A_39 : i32 to index
      %swap3A_83 = arith.constant 96 : index
      %swap3A_84 = tpu.vector_load %arg8[%swap3A_82, %swap3A_83] {strides = array<i32>} : memref<128x128xf32, #tpu.memory_space<vmem>>, vector<1x16xf32>,
      %swap3A_85 = vector.shape_cast %swap3A_84 : vector<1x16xf32> to vector<16xf32>
      %swap3A_86 = vector.shape_cast %broadcast_in_dim3A_81 : vector<16xf32> to vector<1x16xf32>
      tpu.vector_store %arg8[%swap3A_82, %swap3A_83], %swap3A_86 {strides = array<i32>} : memref<128x128xf32, #tpu.memory_space<vmem>>, vector<1x16xf32>,
      %broadcast_in_dim3A_87 = arith.constant 0.000000e+00 : f32
      %broadcast_in_dim3A_88 = vector.broadcast %broadcast_in_dim3A_87 : f32 to vector<16xf32>
      %swap3A_89 = arith.index_cast %scan3A_39 : i32 to index
      %swap3A_90 = arith.constant 112 : index
      %swap3A_91 = tpu.vector_load %arg8[%swap3A_89, %swap3A_90] {strides = array<i32>} : memref<128x128xf32, #tpu.memory_space<vmem>>, vector<1x16xf32>,
      %swap3A_92 = vector.shape_cast %swap3A_91 : vector<1x16xf32> to vector<16xf32>
      %swap3A_93 = vector.shape_cast %broadcast_in_dim3A_88 : vector<16xf32> to vector<1x16xf32>
      tpu.vector_store %arg8[%swap3A_89, %swap3A_90], %swap3A_93 {strides = array<i32>} : memref<128x128xf32, #tpu.memory_space<vmem>>, vector<1x16xf32>,
    }
    %scan3A_4 = arith.constant 128 : i32
    %mul3A = arith.constant 640 : i32
    %mul3A_5 = arith.muli %arg1, %mul3A : i32
    %add3A = arith.constant 0 : i32
    %add3A_6 = arith.addi %mul3A_5, %add3A : i32
    "tpu.region"() ({
      %run_scoped3A = tpu.sem_alloc : memref<!tpu.dma_semaphore, #tpu.memory_space<semaphore_mem>>
      %dma_start3A = arith.constant 0 : i32
      %dma_start3A_39 = tpu.memref_slice %arg14[%add3A_6, %dma_start3A] : memref<10240x128xf32, #tpu.memory_space<vmem_shared>> -> memref<128x128xf32, #tpu.memory_space<vmem_shared>>
      %dma_start3A_40 = arith.constant 0 : i32
      %dma_start3A_41 = tpu.memref_slice %arg14[%add3A_6, %dma_start3A_40] : memref<10240x128xf32, #tpu.memory_space<vmem_shared>> -> memref<128x128xf32, #tpu.memory_space<vmem_shared>>
      tpu.enqueue_dma source(%arg8 : memref<128x128xf32, #tpu.memory_space<vmem>>) target(%dma_start3A_41 : memref<128x128xf32, #tpu.memory_space<vmem_shared>>) target_semaphore(%run_scoped3A : memref<!tpu.dma_semaphore, #tpu.memory_space<semaphore_mem>>)
      %dma_wait3A = arith.constant 0 : i32
      %dma_wait3A_42 = tpu.memref_slice %arg14[%add3A_6, %dma_wait3A] : memref<10240x128xf32, #tpu.memory_space<vmem_shared>> -> memref<128x128xf32, #tpu.memory_space<vmem_shared>>
      %dma_wait3A_43 = arith.constant 0 : i32
      %dma_wait3A_44 = tpu.memref_slice %arg14[%add3A_6, %dma_wait3A_43] : memref<10240x128xf32, #tpu.memory_space<vmem_shared>> -> memref<128x128xf32, #tpu.memory_space<vmem_shared>>
      tpu.wait_dma2 semaphore(%run_scoped3A : memref<!tpu.dma_semaphore, #tpu.memory_space<semaphore_mem>>) src(%arg8 : memref<128x128xf32, #tpu.memory_space<vmem>>) dst(%dma_wait3A_44 : memref<128x128xf32, #tpu.memory_space<vmem_shared>>)
      tpu.yield
    }) : () -> ()
    %mul3A_7 = arith.constant 640 : i32
    %mul3A_8 = arith.muli %arg1, %mul3A_7 : i32
    %add3A_9 = arith.constant 128 : i32
    %add3A_10 = arith.addi %mul3A_8, %add3A_9 : i32
    "tpu.region"() ({
      %run_scoped3A = tpu.sem_alloc : memref<!tpu.dma_semaphore, #tpu.memory_space<semaphore_mem>>
      %dma_start3A = arith.constant 0 : i32
      %dma_start3A_39 = tpu.memref_slice %arg14[%add3A_10, %dma_start3A] : memref<10240x128xf32, #tpu.memory_space<vmem_shared>> -> memref<128x128xf32, #tpu.memory_space<vmem_shared>>
      %dma_start3A_40 = arith.constant 0 : i32
      %dma_start3A_41 = tpu.memref_slice %arg14[%add3A_10, %dma_start3A_40] : memref<10240x128xf32, #tpu.memory_space<vmem_shared>> -> memref<128x128xf32, #tpu.memory_space<vmem_shared>>
      tpu.enqueue_dma source(%arg8 : memref<128x128xf32, #tpu.memory_space<vmem>>) target(%dma_start3A_41 : memref<128x128xf32, #tpu.memory_space<vmem_shared>>) target_semaphore(%run_scoped3A : memref<!tpu.dma_semaphore, #tpu.memory_space<semaphore_mem>>)
      %dma_wait3A = arith.constant 0 : i32
      %dma_wait3A_42 = tpu.memref_slice %arg14[%add3A_10, %dma_wait3A] : memref<10240x128xf32, #tpu.memory_space<vmem_shared>> -> memref<128x128xf32, #tpu.memory_space<vmem_shared>>
      %dma_wait3A_43 = arith.constant 0 : i32
      %dma_wait3A_44 = tpu.memref_slice %arg14[%add3A_10, %dma_wait3A_43] : memref<10240x128xf32, #tpu.memory_space<vmem_shared>> -> memref<128x128xf32, #tpu.memory_space<vmem_shared>>
      tpu.wait_dma2 semaphore(%run_scoped3A : memref<!tpu.dma_semaphore, #tpu.memory_space<semaphore_mem>>) src(%arg8 : memref<128x128xf32, #tpu.memory_space<vmem>>) dst(%dma_wait3A_44 : memref<128x128xf32, #tpu.memory_space<vmem_shared>>)
      tpu.yield
    }) : () -> ()
    %mul3A_11 = arith.constant 640 : i32
    %mul3A_12 = arith.muli %arg1, %mul3A_11 : i32
    %add3A_13 = arith.constant 256 : i32
    %add3A_14 = arith.addi %mul3A_12, %add3A_13 : i32
    "tpu.region"() ({
      %run_scoped3A = tpu.sem_alloc : memref<!tpu.dma_semaphore, #tpu.memory_space<semaphore_mem>>
      %dma_start3A = arith.constant 0 : i32
      %dma_start3A_39 = tpu.memref_slice %arg14[%add3A_14, %dma_start3A] : memref<10240x128xf32, #tpu.memory_space<vmem_shared>> -> memref<128x128xf32, #tpu.memory_space<vmem_shared>>
      %dma_start3A_40 = arith.constant 0 : i32
      %dma_start3A_41 = tpu.memref_slice %arg14[%add3A_14, %dma_start3A_40] : memref<10240x128xf32, #tpu.memory_space<vmem_shared>> -> memref<128x128xf32, #tpu.memory_space<vmem_shared>>
      tpu.enqueue_dma source(%arg8 : memref<128x128xf32, #tpu.memory_space<vmem>>) target(%dma_start3A_41 : memref<128x128xf32, #tpu.memory_space<vmem_shared>>) target_semaphore(%run_scoped3A : memref<!tpu.dma_semaphore, #tpu.memory_space<semaphore_mem>>)
      %dma_wait3A = arith.constant 0 : i32
      %dma_wait3A_42 = tpu.memref_slice %arg14[%add3A_14, %dma_wait3A] : memref<10240x128xf32, #tpu.memory_space<vmem_shared>> -> memref<128x128xf32, #tpu.memory_space<vmem_shared>>
      %dma_wait3A_43 = arith.constant 0 : i32
      %dma_wait3A_44 = tpu.memref_slice %arg14[%add3A_14, %dma_wait3A_43] : memref<10240x128xf32, #tpu.memory_space<vmem_shared>> -> memref<128x128xf32, #tpu.memory_space<vmem_shared>>
      tpu.wait_dma2 semaphore(%run_scoped3A : memref<!tpu.dma_semaphore, #tpu.memory_space<semaphore_mem>>) src(%arg8 : memref<128x128xf32, #tpu.memory_space<vmem>>) dst(%dma_wait3A_44 : memref<128x128xf32, #tpu.memory_space<vmem_shared>>)
      tpu.yield
    }) : () -> ()
    %mul3A_15 = arith.constant 640 : i32
    %mul3A_16 = arith.muli %arg1, %mul3A_15 : i32
    %add3A_17 = arith.constant 384 : i32
    %add3A_18 = arith.addi %mul3A_16, %add3A_17 : i32
    "tpu.region"() ({
      %run_scoped3A = tpu.sem_alloc : memref<!tpu.dma_semaphore, #tpu.memory_space<semaphore_mem>>
      %dma_start3A = arith.constant 0 : i32
      %dma_start3A_39 = tpu.memref_slice %arg14[%add3A_18, %dma_start3A] : memref<10240x128xf32, #tpu.memory_space<vmem_shared>> -> memref<128x128xf32, #tpu.memory_space<vmem_shared>>
      %dma_start3A_40 = arith.constant 0 : i32
      %dma_start3A_41 = tpu.memref_slice %arg14[%add3A_18, %dma_start3A_40] : memref<10240x128xf32, #tpu.memory_space<vmem_shared>> -> memref<128x128xf32, #tpu.memory_space<vmem_shared>>
      tpu.enqueue_dma source(%arg8 : memref<128x128xf32, #tpu.memory_space<vmem>>) target(%dma_start3A_41 : memref<128x128xf32, #tpu.memory_space<vmem_shared>>) target_semaphore(%run_scoped3A : memref<!tpu.dma_semaphore, #tpu.memory_space<semaphore_mem>>)
      %dma_wait3A = arith.constant 0 : i32
      %dma_wait3A_42 = tpu.memref_slice %arg14[%add3A_18, %dma_wait3A] : memref<10240x128xf32, #tpu.memory_space<vmem_shared>> -> memref<128x128xf32, #tpu.memory_space<vmem_shared>>
      %dma_wait3A_43 = arith.constant 0 : i32
      %dma_wait3A_44 = tpu.memref_slice %arg14[%add3A_18, %dma_wait3A_43] : memref<10240x128xf32, #tpu.memory_space<vmem_shared>> -> memref<128x128xf32, #tpu.memory_space<vmem_shared>>
      tpu.wait_dma2 semaphore(%run_scoped3A : memref<!tpu.dma_semaphore, #tpu.memory_space<semaphore_mem>>) src(%arg8 : memref<128x128xf32, #tpu.memory_space<vmem>>) dst(%dma_wait3A_44 : memref<128x128xf32, #tpu.memory_space<vmem_shared>>)
      tpu.yield
    }) : () -> ()
    %mul3A_19 = arith.constant 640 : i32
    %mul3A_20 = arith.muli %arg1, %mul3A_19 : i32
    %add3A_21 = arith.constant 512 : i32
    %add3A_22 = arith.addi %mul3A_20, %add3A_21 : i32
    "tpu.region"() ({
      %run_scoped3A = tpu.sem_alloc : memref<!tpu.dma_semaphore, #tpu.memory_space<semaphore_mem>>
      %dma_start3A = arith.constant 0 : i32
      %dma_start3A_39 = tpu.memref_slice %arg14[%add3A_22, %dma_start3A] : memref<10240x128xf32, #tpu.memory_space<vmem_shared>> -> memref<128x128xf32, #tpu.memory_space<vmem_shared>>
      %dma_start3A_40 = arith.constant 0 : i32
      %dma_start3A_41 = tpu.memref_slice %arg14[%add3A_22, %dma_start3A_40] : memref<10240x128xf32, #tpu.memory_space<vmem_shared>> -> memref<128x128xf32, #tpu.memory_space<vmem_shared>>
      tpu.enqueue_dma source(%arg8 : memref<128x128xf32, #tpu.memory_space<vmem>>) target(%dma_start3A_41 : memref<128x128xf32, #tpu.memory_space<vmem_shared>>) target_semaphore(%run_scoped3A : memref<!tpu.dma_semaphore, #tpu.memory_space<semaphore_mem>>)
      %dma_wait3A = arith.constant 0 : i32
      %dma_wait3A_42 = tpu.memref_slice %arg14[%add3A_22, %dma_wait3A] : memref<10240x128xf32, #tpu.memory_space<vmem_shared>> -> memref<128x128xf32, #tpu.memory_space<vmem_shared>>
      %dma_wait3A_43 = arith.constant 0 : i32
      %dma_wait3A_44 = tpu.memref_slice %arg14[%add3A_22, %dma_wait3A_43] : memref<10240x128xf32, #tpu.memory_space<vmem_shared>> -> memref<128x128xf32, #tpu.memory_space<vmem_shared>>
      tpu.wait_dma2 semaphore(%run_scoped3A : memref<!tpu.dma_semaphore, #tpu.memory_space<semaphore_mem>>) src(%arg8 : memref<128x128xf32, #tpu.memory_space<vmem>>) dst(%dma_wait3A_44 : memref<128x128xf32, #tpu.memory_space<vmem_shared>>)
      tpu.yield
    }) : () -> ()
    %barrier3A = arith.constant 0 : index
    tpu.barrier barrier_id(%barrier3A)
    %mul3A_23 = arith.constant 16 : i32
    %mul3A_24 = arith.muli %arg0, %mul3A_23 : i32
    %add3A_25 = arith.addi %mul3A_24, %arg1 : i32
    %mul3A_26 = arith.constant 80 : i32
    %mul3A_27 = arith.muli %add3A_25, %mul3A_26 : i32
    %scan3A_28 = arith.constant 0 : i32
    %scan3A_29 = arith.constant 0 : i32
    %scan3A_30 = arith.constant 2 : i32
    %scan3A_31 = arith.addi %scan3A_29, %scan3A_30 : i32
    %scan3A_32 = arith.constant 1 : i32
    scf.for %scan3A_39 = %scan3A_29 to %scan3A_31 step %scan3A_32  : i32 {
      %mul3A_40 = arith.constant 40 : i32
      %mul3A_41 = arith.muli %scan3A_39, %mul3A_40 : i32
      %multiple_of3A = tpu.assume_multiple %mul3A_41, 8 : i32
      %add3A_42 = arith.addi %mul3A_27, %multiple_of3A : i32
      "tpu.region"() ({
        %run_scoped3A = tpu.sem_alloc : memref<!tpu.dma_semaphore, #tpu.memory_space<semaphore_mem>>
        %dma_start3A_104 = arith.constant 0 : i32
        %dma_start3A_105 = tpu.memref_slice %arg2[%add3A_42, %dma_start3A_104] : memref<2560x128xi32, #tpu.memory_space<hbm>> -> memref<40x128xi32, #tpu.memory_space<hbm>>
        %dma_start3A_106 = arith.constant 0 : i32
        %dma_start3A_107 = tpu.memref_slice %arg2[%add3A_42, %dma_start3A_106] : memref<2560x128xi32, #tpu.memory_space<hbm>> -> memref<40x128xi32, #tpu.memory_space<hbm>>
        tpu.enqueue_dma source(%dma_start3A_107 : memref<40x128xi32, #tpu.memory_space<hbm>>) target(%arg6 : memref<40x128xi32, #tpu.memory_space<vmem>>) target_semaphore(%run_scoped3A : memref<!tpu.dma_semaphore, #tpu.memory_space<semaphore_mem>>)
        %dma_wait3A_108 = arith.constant 0 : i32
        %dma_wait3A_109 = tpu.memref_slice %arg2[%add3A_42, %dma_wait3A_108] : memref<2560x128xi32, #tpu.memory_space<hbm>> -> memref<40x128xi32, #tpu.memory_space<hbm>>
        %dma_wait3A_110 = arith.constant 0 : i32
        %dma_wait3A_111 = tpu.memref_slice %arg2[%add3A_42, %dma_wait3A_110] : memref<2560x128xi32, #tpu.memory_space<hbm>> -> memref<40x128xi32, #tpu.memory_space<hbm>>
        tpu.wait_dma2 semaphore(%run_scoped3A : memref<!tpu.dma_semaphore, #tpu.memory_space<semaphore_mem>>) src(%dma_wait3A_111 : memref<40x128xi32, #tpu.memory_space<hbm>>) dst(%arg6 : memref<40x128xi32, #tpu.memory_space<vmem>>)
        tpu.yield
      }) : () -> ()
      %add3A_43 = arith.addi %mul3A_27, %multiple_of3A : i32
      "tpu.region"() ({
        %run_scoped3A = tpu.sem_alloc : memref<!tpu.dma_semaphore, #tpu.memory_space<semaphore_mem>>
        %dma_start3A_104 = arith.constant 0 : i32
        %dma_start3A_105 = tpu.memref_slice %arg3[%add3A_43, %dma_start3A_104] : memref<2560x128xi32, #tpu.memory_space<hbm>> -> memref<40x128xi32, #tpu.memory_space<hbm>>
        %dma_start3A_106 = arith.constant 0 : i32
        %dma_start3A_107 = tpu.memref_slice %arg3[%add3A_43, %dma_start3A_106] : memref<2560x128xi32, #tpu.memory_space<hbm>> -> memref<40x128xi32, #tpu.memory_space<hbm>>
        tpu.enqueue_dma source(%dma_start3A_107 : memref<40x128xi32, #tpu.memory_space<hbm>>) target(%arg7 : memref<40x128xi32, #tpu.memory_space<vmem>>) target_semaphore(%run_scoped3A : memref<!tpu.dma_semaphore, #tpu.memory_space<semaphore_mem>>)
        %dma_wait3A_108 = arith.constant 0 : i32
        %dma_wait3A_109 = tpu.memref_slice %arg3[%add3A_43, %dma_wait3A_108] : memref<2560x128xi32, #tpu.memory_space<hbm>> -> memref<40x128xi32, #tpu.memory_space<hbm>>
        %dma_wait3A_110 = arith.constant 0 : i32
        %dma_wait3A_111 = tpu.memref_slice %arg3[%add3A_43, %dma_wait3A_110] : memref<2560x128xi32, #tpu.memory_space<hbm>> -> memref<40x128xi32, #tpu.memory_space<hbm>>
        tpu.wait_dma2 semaphore(%run_scoped3A : memref<!tpu.dma_semaphore, #tpu.memory_space<semaphore_mem>>) src(%dma_wait3A_111 : memref<40x128xi32, #tpu.memory_space<hbm>>) dst(%arg7 : memref<40x128xi32, #tpu.memory_space<vmem>>)
        tpu.yield
      }) : () -> ()
      %dma_start3A = arith.constant 0 : i32
      %dma_start3A_44 = arith.constant 0 : i32
      %dma_start3A_45 = tpu.memref_slice %arg6[%dma_start3A, %dma_start3A_44] : memref<40x128xi32, #tpu.memory_space<vmem>> -> memref<1x128xi32, #tpu.memory_space<vmem>>
      %dma_start3A_46 = tpu.memref_squeeze %dma_start3A_45 : memref<1x128xi32, #tpu.memory_space<vmem>> -> memref<128xi32, #tpu.memory_space<vmem>>
      %dma_start3A_47 = arith.constant 0 : i32
      %dma_start3A_48 = arith.constant 0 : i32
      %dma_start3A_49 = tpu.memref_slice %arg4[%dma_start3A_47, %dma_start3A_48] : memref<10000x128xf32, #tpu.memory_space<hbm>> -> memref<10000x128xf32, #tpu.memory_space<hbm>>
      tpu.enqueue_indirect_dma source(%dma_start3A_49 : memref<10000x128xf32, #tpu.memory_space<hbm>>) target(%arg8 : memref<128x128xf32, #tpu.memory_space<vmem>>) offsets(%dma_start3A_46 : memref<128xi32, #tpu.memory_space<vmem>>) semaphore(%arg10 : memref<!tpu.dma_semaphore, #tpu.memory_space<semaphore_mem>>)
      %dma_wait3A = arith.constant 0 : i32
      %dma_wait3A_50 = arith.constant 0 : i32
      %dma_wait3A_51 = tpu.memref_slice %arg6[%dma_wait3A, %dma_wait3A_50] : memref<40x128xi32, #tpu.memory_space<vmem>> -> memref<1x128xi32, #tpu.memory_space<vmem>>
      %dma_wait3A_52 = tpu.memref_squeeze %dma_wait3A_51 : memref<1x128xi32, #tpu.memory_space<vmem>> -> memref<128xi32, #tpu.memory_space<vmem>>
      %dma_wait3A_53 = arith.constant 0 : i32
      %dma_wait3A_54 = arith.constant 0 : i32
      %dma_wait3A_55 = tpu.memref_slice %arg4[%dma_wait3A_53, %dma_wait3A_54] : memref<10000x128xf32, #tpu.memory_space<hbm>> -> memref<10000x128xf32, #tpu.memory_space<hbm>>
      tpu.wait_indirect_dma semaphore(%arg10 : memref<!tpu.dma_semaphore, #tpu.memory_space<semaphore_mem>>) src(%dma_wait3A_55 : memref<10000x128xf32, #tpu.memory_space<hbm>>) dst(%arg8 : memref<128x128xf32, #tpu.memory_space<vmem>>)
      %dma_start3A_56 = arith.constant 1 : i32
      %dma_start3A_57 = arith.constant 0 : i32
      %dma_start3A_58 = tpu.memref_slice %arg6[%dma_start3A_56, %dma_start3A_57] : memref<40x128xi32, #tpu.memory_space<vmem>> -> memref<1x128xi32, #tpu.memory_space<vmem>>
      %dma_start3A_59 = tpu.memref_squeeze %dma_start3A_58 : memref<1x128xi32, #tpu.memory_space<vmem>> -> memref<128xi32, #tpu.memory_space<vmem>>
      %dma_start3A_60 = arith.constant 0 : i32
      %dma_start3A_61 = arith.constant 0 : i32
      %dma_start3A_62 = tpu.memref_slice %arg4[%dma_start3A_60, %dma_start3A_61] : memref<10000x128xf32, #tpu.memory_space<hbm>> -> memref<10000x128xf32, #tpu.memory_space<hbm>>
      tpu.enqueue_indirect_dma source(%dma_start3A_62 : memref<10000x128xf32, #tpu.memory_space<hbm>>) target(%arg9 : memref<128x128xf32, #tpu.memory_space<vmem>>) offsets(%dma_start3A_59 : memref<128xi32, #tpu.memory_space<vmem>>) semaphore(%arg11 : memref<!tpu.dma_semaphore, #tpu.memory_space<semaphore_mem>>)
      %dma_start3A_63 = arith.constant 0 : i32
      %dma_start3A_64 = arith.constant 0 : i32
      %dma_start3A_65 = tpu.memref_slice %arg7[%dma_start3A_63, %dma_start3A_64] : memref<40x128xi32, #tpu.memory_space<vmem>> -> memref<1x128xi32, #tpu.memory_space<vmem>>
      %dma_start3A_66 = tpu.memref_squeeze %dma_start3A_65 : memref<1x128xi32, #tpu.memory_space<vmem>> -> memref<128xi32, #tpu.memory_space<vmem>>
      %dma_start3A_67 = arith.constant 0 : i32
      %dma_start3A_68 = arith.constant 0 : i32
      %dma_start3A_69 = tpu.memref_slice %arg14[%dma_start3A_67, %dma_start3A_68] : memref<10240x128xf32, #tpu.memory_space<vmem_shared>> -> memref<10240x128xf32, #tpu.memory_space<vmem_shared>>
      tpu.enqueue_indirect_dma source(%arg8 : memref<128x128xf32, #tpu.memory_space<vmem>>) target(%dma_start3A_69 : memref<10240x128xf32, #tpu.memory_space<vmem_shared>>) offsets(%dma_start3A_66 : memref<128xi32, #tpu.memory_space<vmem>>) semaphore(%arg12 : memref<!tpu.dma_semaphore, #tpu.memory_space<semaphore_mem>>) {add = true}
      %scan3A_70 = arith.constant 0 : i32
      %scan3A_71 = arith.constant 0 : i32
      %scan3A_72 = arith.constant 19 : i32
      %scan3A_73 = arith.addi %scan3A_71, %scan3A_72 : i32
      %scan3A_74 = arith.constant 1 : i32
      scf.for %scan3A_104 = %scan3A_71 to %scan3A_73 step %scan3A_74  : i32 {
        %mul3A_105 = arith.constant 2 : i32
        %mul3A_106 = arith.muli %mul3A_105, %scan3A_104 : i32
        %add3A_107 = arith.constant 1 : i32
        %add3A_108 = arith.addi %mul3A_106, %add3A_107 : i32
        %dma_wait3A_109 = arith.constant 0 : i32
        %dma_wait3A_110 = tpu.memref_slice %arg6[%add3A_108, %dma_wait3A_109] : memref<40x128xi32, #tpu.memory_space<vmem>> -> memref<1x128xi32, #tpu.memory_space<vmem>>
        %dma_wait3A_111 = tpu.memref_squeeze %dma_wait3A_110 : memref<1x128xi32, #tpu.memory_space<vmem>> -> memref<128xi32, #tpu.memory_space<vmem>>
        %dma_wait3A_112 = arith.constant 0 : i32
        %dma_wait3A_113 = arith.constant 0 : i32
        %dma_wait3A_114 = tpu.memref_slice %arg4[%dma_wait3A_112, %dma_wait3A_113] : memref<10000x128xf32, #tpu.memory_space<hbm>> -> memref<10000x128xf32, #tpu.memory_space<hbm>>
        tpu.wait_indirect_dma semaphore(%arg11 : memref<!tpu.dma_semaphore, #tpu.memory_space<semaphore_mem>>) src(%dma_wait3A_114 : memref<10000x128xf32, #tpu.memory_space<hbm>>) dst(%arg9 : memref<128x128xf32, #tpu.memory_space<vmem>>)
        %dma_wait3A_115 = arith.constant 0 : i32
        %dma_wait3A_116 = tpu.memref_slice %arg7[%mul3A_106, %dma_wait3A_115] : memref<40x128xi32, #tpu.memory_space<vmem>> -> memref<1x128xi32, #tpu.memory_space<vmem>>
        %dma_wait3A_117 = tpu.memref_squeeze %dma_wait3A_116 : memref<1x128xi32, #tpu.memory_space<vmem>> -> memref<128xi32, #tpu.memory_space<vmem>>
        %dma_wait3A_118 = arith.constant 0 : i32
        %dma_wait3A_119 = arith.constant 0 : i32
        %dma_wait3A_120 = tpu.memref_slice %arg14[%dma_wait3A_118, %dma_wait3A_119] : memref<10240x128xf32, #tpu.memory_space<vmem_shared>> -> memref<10240x128xf32, #tpu.memory_space<vmem_shared>>
        tpu.wait_indirect_dma semaphore(%arg12 : memref<!tpu.dma_semaphore, #tpu.memory_space<semaphore_mem>>) src(%arg8 : memref<128x128xf32, #tpu.memory_space<vmem>>) dst(%dma_wait3A_120 : memref<10240x128xf32, #tpu.memory_space<vmem_shared>>)
        %add3A_121 = arith.constant 2 : i32
        %add3A_122 = arith.addi %mul3A_106, %add3A_121 : i32
        %dma_start3A_123 = arith.constant 0 : i32
        %dma_start3A_124 = tpu.memref_slice %arg6[%add3A_122, %dma_start3A_123] : memref<40x128xi32, #tpu.memory_space<vmem>> -> memref<1x128xi32, #tpu.memory_space<vmem>>
        %dma_start3A_125 = tpu.memref_squeeze %dma_start3A_124 : memref<1x128xi32, #tpu.memory_space<vmem>> -> memref<128xi32, #tpu.memory_space<vmem>>
        %dma_start3A_126 = arith.constant 0 : i32
        %dma_start3A_127 = arith.constant 0 : i32
        %dma_start3A_128 = tpu.memref_slice %arg4[%dma_start3A_126, %dma_start3A_127] : memref<10000x128xf32, #tpu.memory_space<hbm>> -> memref<10000x128xf32, #tpu.memory_space<hbm>>
        tpu.enqueue_indirect_dma source(%dma_start3A_128 : memref<10000x128xf32, #tpu.memory_space<hbm>>) target(%arg8 : memref<128x128xf32, #tpu.memory_space<vmem>>) offsets(%dma_start3A_125 : memref<128xi32, #tpu.memory_space<vmem>>) semaphore(%arg10 : memref<!tpu.dma_semaphore, #tpu.memory_space<semaphore_mem>>)
        %add3A_129 = arith.constant 1 : i32
        %add3A_130 = arith.addi %mul3A_106, %add3A_129 : i32
        %dma_start3A_131 = arith.constant 0 : i32
        %dma_start3A_132 = tpu.memref_slice %arg7[%add3A_130, %dma_start3A_131] : memref<40x128xi32, #tpu.memory_space<vmem>> -> memref<1x128xi32, #tpu.memory_space<vmem>>
        %dma_start3A_133 = tpu.memref_squeeze %dma_start3A_132 : memref<1x128xi32, #tpu.memory_space<vmem>> -> memref<128xi32, #tpu.memory_space<vmem>>
        %dma_start3A_134 = arith.constant 0 : i32
        %dma_start3A_135 = arith.constant 0 : i32
        %dma_start3A_136 = tpu.memref_slice %arg14[%dma_start3A_134, %dma_start3A_135] : memref<10240x128xf32, #tpu.memory_space<vmem_shared>> -> memref<10240x128xf32, #tpu.memory_space<vmem_shared>>
        tpu.enqueue_indirect_dma source(%arg9 : memref<128x128xf32, #tpu.memory_space<vmem>>) target(%dma_start3A_136 : memref<10240x128xf32, #tpu.memory_space<vmem_shared>>) offsets(%dma_start3A_133 : memref<128xi32, #tpu.memory_space<vmem>>) semaphore(%arg13 : memref<!tpu.dma_semaphore, #tpu.memory_space<semaphore_mem>>) {add = true}
        %add3A_137 = arith.constant 2 : i32
        %add3A_138 = arith.addi %mul3A_106, %add3A_137 : i32
        %dma_wait3A_139 = arith.constant 0 : i32
        %dma_wait3A_140 = tpu.memref_slice %arg6[%add3A_138, %dma_wait3A_139] : memref<40x128xi32, #tpu.memory_space<vmem>> -> memref<1x128xi32, #tpu.memory_space<vmem>>
        %dma_wait3A_141 = tpu.memref_squeeze %dma_wait3A_140 : memref<1x128xi32, #tpu.memory_space<vmem>> -> memref<128xi32, #tpu.memory_space<vmem>>
        %dma_wait3A_142 = arith.constant 0 : i32
        %dma_wait3A_143 = arith.constant 0 : i32
        %dma_wait3A_144 = tpu.memref_slice %arg4[%dma_wait3A_142, %dma_wait3A_143] : memref<10000x128xf32, #tpu.memory_space<hbm>> -> memref<10000x128xf32, #tpu.memory_space<hbm>>
        tpu.wait_indirect_dma semaphore(%arg10 : memref<!tpu.dma_semaphore, #tpu.memory_space<semaphore_mem>>) src(%dma_wait3A_144 : memref<10000x128xf32, #tpu.memory_space<hbm>>) dst(%arg8 : memref<128x128xf32, #tpu.memory_space<vmem>>)
        %add3A_145 = arith.constant 1 : i32
        %add3A_146 = arith.addi %mul3A_106, %add3A_145 : i32
        %dma_wait3A_147 = arith.constant 0 : i32
        %dma_wait3A_148 = tpu.memref_slice %arg7[%add3A_146, %dma_wait3A_147] : memref<40x128xi32, #tpu.memory_space<vmem>> -> memref<1x128xi32, #tpu.memory_space<vmem>>
        %dma_wait3A_149 = tpu.memref_squeeze %dma_wait3A_148 : memref<1x128xi32, #tpu.memory_space<vmem>> -> memref<128xi32, #tpu.memory_space<vmem>>
        %dma_wait3A_150 = arith.constant 0 : i32
        %dma_wait3A_151 = arith.constant 0 : i32
        %dma_wait3A_152 = tpu.memref_slice %arg14[%dma_wait3A_150, %dma_wait3A_151] : memref<10240x128xf32, #tpu.memory_space<vmem_shared>> -> memref<10240x128xf32, #tpu.memory_space<vmem_shared>>
        tpu.wait_indirect_dma semaphore(%arg13 : memref<!tpu.dma_semaphore, #tpu.memory_space<semaphore_mem>>) src(%arg9 : memref<128x128xf32, #tpu.memory_space<vmem>>) dst(%dma_wait3A_152 : memref<10240x128xf32, #tpu.memory_space<vmem_shared>>)
        %add3A_153 = arith.constant 3 : i32
        %add3A_154 = arith.addi %mul3A_106, %add3A_153 : i32
        %dma_start3A_155 = arith.constant 0 : i32
        %dma_start3A_156 = tpu.memref_slice %arg6[%add3A_154, %dma_start3A_155] : memref<40x128xi32, #tpu.memory_space<vmem>> -> memref<1x128xi32, #tpu.memory_space<vmem>>
        %dma_start3A_157 = tpu.memref_squeeze %dma_start3A_156 : memref<1x128xi32, #tpu.memory_space<vmem>> -> memref<128xi32, #tpu.memory_space<vmem>>
        %dma_start3A_158 = arith.constant 0 : i32
        %dma_start3A_159 = arith.constant 0 : i32
        %dma_start3A_160 = tpu.memref_slice %arg4[%dma_start3A_158, %dma_start3A_159] : memref<10000x128xf32, #tpu.memory_space<hbm>> -> memref<10000x128xf32, #tpu.memory_space<hbm>>
        tpu.enqueue_indirect_dma source(%dma_start3A_160 : memref<10000x128xf32, #tpu.memory_space<hbm>>) target(%arg9 : memref<128x128xf32, #tpu.memory_space<vmem>>) offsets(%dma_start3A_157 : memref<128xi32, #tpu.memory_space<vmem>>) semaphore(%arg11 : memref<!tpu.dma_semaphore, #tpu.memory_space<semaphore_mem>>)
        %add3A_161 = arith.constant 2 : i32
        %add3A_162 = arith.addi %mul3A_106, %add3A_161 : i32
        %dma_start3A_163 = arith.constant 0 : i32
        %dma_start3A_164 = tpu.memref_slice %arg7[%add3A_162, %dma_start3A_163] : memref<40x128xi32, #tpu.memory_space<vmem>> -> memref<1x128xi32, #tpu.memory_space<vmem>>
        %dma_start3A_165 = tpu.memref_squeeze %dma_start3A_164 : memref<1x128xi32, #tpu.memory_space<vmem>> -> memref<128xi32, #tpu.memory_space<vmem>>
        %dma_start3A_166 = arith.constant 0 : i32
        %dma_start3A_167 = arith.constant 0 : i32
        %dma_start3A_168 = tpu.memref_slice %arg14[%dma_start3A_166, %dma_start3A_167] : memref<10240x128xf32, #tpu.memory_space<vmem_shared>> -> memref<10240x128xf32, #tpu.memory_space<vmem_shared>>
        tpu.enqueue_indirect_dma source(%arg8 : memref<128x128xf32, #tpu.memory_space<vmem>>) target(%dma_start3A_168 : memref<10240x128xf32, #tpu.memory_space<vmem_shared>>) offsets(%dma_start3A_165 : memref<128xi32, #tpu.memory_space<vmem>>) semaphore(%arg12 : memref<!tpu.dma_semaphore, #tpu.memory_space<semaphore_mem>>) {add = true}
      }
      %scan3A_75 = arith.constant 19 : i32
      %dma_wait3A_76 = arith.constant 39 : i32
      %dma_wait3A_77 = arith.constant 0 : i32
      %dma_wait3A_78 = tpu.memref_slice %arg6[%dma_wait3A_76, %dma_wait3A_77] : memref<40x128xi32, #tpu.memory_space<vmem>> -> memref<1x128xi32, #tpu.memory_space<vmem>>
      %dma_wait3A_79 = tpu.memref_squeeze %dma_wait3A_78 : memref<1x128xi32, #tpu.memory_space<vmem>> -> memref<128xi32, #tpu.memory_space<vmem>>
      %dma_wait3A_80 = arith.constant 0 : i32
      %dma_wait3A_81 = arith.constant 0 : i32
      %dma_wait3A_82 = tpu.memref_slice %arg4[%dma_wait3A_80, %dma_wait3A_81] : memref<10000x128xf32, #tpu.memory_space<hbm>> -> memref<10000x128xf32, #tpu.memory_space<hbm>>
      tpu.wait_indirect_dma semaphore(%arg11 : memref<!tpu.dma_semaphore, #tpu.memory_space<semaphore_mem>>) src(%dma_wait3A_82 : memref<10000x128xf32, #tpu.memory_space<hbm>>) dst(%arg9 : memref<128x128xf32, #tpu.memory_space<vmem>>)
      %dma_wait3A_83 = arith.constant 38 : i32
      %dma_wait3A_84 = arith.constant 0 : i32
      %dma_wait3A_85 = tpu.memref_slice %arg7[%dma_wait3A_83, %dma_wait3A_84] : memref<40x128xi32, #tpu.memory_space<vmem>> -> memref<1x128xi32, #tpu.memory_space<vmem>>
      %dma_wait3A_86 = tpu.memref_squeeze %dma_wait3A_85 : memref<1x128xi32, #tpu.memory_space<vmem>> -> memref<128xi32, #tpu.memory_space<vmem>>
      %dma_wait3A_87 = arith.constant 0 : i32
      %dma_wait3A_88 = arith.constant 0 : i32
      %dma_wait3A_89 = tpu.memref_slice %arg14[%dma_wait3A_87, %dma_wait3A_88] : memref<10240x128xf32, #tpu.memory_space<vmem_shared>> -> memref<10240x128xf32, #tpu.memory_space<vmem_shared>>
      tpu.wait_indirect_dma semaphore(%arg12 : memref<!tpu.dma_semaphore, #tpu.memory_space<semaphore_mem>>) src(%arg8 : memref<128x128xf32, #tpu.memory_space<vmem>>) dst(%dma_wait3A_89 : memref<10240x128xf32, #tpu.memory_space<vmem_shared>>)
      %dma_start3A_90 = arith.constant 39 : i32
      %dma_start3A_91 = arith.constant 0 : i32
      %dma_start3A_92 = tpu.memref_slice %arg7[%dma_start3A_90, %dma_start3A_91] : memref<40x128xi32, #tpu.memory_space<vmem>> -> memref<1x128xi32, #tpu.memory_space<vmem>>
      %dma_start3A_93 = tpu.memref_squeeze %dma_start3A_92 : memref<1x128xi32, #tpu.memory_space<vmem>> -> memref<128xi32, #tpu.memory_space<vmem>>
      %dma_start3A_94 = arith.constant 0 : i32
      %dma_start3A_95 = arith.constant 0 : i32
      %dma_start3A_96 = tpu.memref_slice %arg14[%dma_start3A_94, %dma_start3A_95] : memref<10240x128xf32, #tpu.memory_space<vmem_shared>> -> memref<10240x128xf32, #tpu.memory_space<vmem_shared>>
      tpu.enqueue_indirect_dma source(%arg9 : memref<128x128xf32, #tpu.memory_space<vmem>>) target(%dma_start3A_96 : memref<10240x128xf32, #tpu.memory_space<vmem_shared>>) offsets(%dma_start3A_93 : memref<128xi32, #tpu.memory_space<vmem>>) semaphore(%arg13 : memref<!tpu.dma_semaphore, #tpu.memory_space<semaphore_mem>>) {add = true}
      %dma_wait3A_97 = arith.constant 39 : i32
      %dma_wait3A_98 = arith.constant 0 : i32
      %dma_wait3A_99 = tpu.memref_slice %arg7[%dma_wait3A_97, %dma_wait3A_98] : memref<40x128xi32, #tpu.memory_space<vmem>> -> memref<1x128xi32, #tpu.memory_space<vmem>>
      %dma_wait3A_100 = tpu.memref_squeeze %dma_wait3A_99 : memref<1x128xi32, #tpu.memory_space<vmem>> -> memref<128xi32, #tpu.memory_space<vmem>>
      %dma_wait3A_101 = arith.constant 0 : i32
      %dma_wait3A_102 = arith.constant 0 : i32
      %dma_wait3A_103 = tpu.memref_slice %arg14[%dma_wait3A_101, %dma_wait3A_102] : memref<10240x128xf32, #tpu.memory_space<vmem_shared>> -> memref<10240x128xf32, #tpu.memory_space<vmem_shared>>
      tpu.wait_indirect_dma semaphore(%arg13 : memref<!tpu.dma_semaphore, #tpu.memory_space<semaphore_mem>>) src(%arg9 : memref<128x128xf32, #tpu.memory_space<vmem>>) dst(%dma_wait3A_103 : memref<10240x128xf32, #tpu.memory_space<vmem_shared>>)
    }
    %scan3A_33 = arith.constant 2 : i32
    %barrier3A_34 = arith.constant 0 : index
    tpu.barrier barrier_id(%barrier3A_34)
    %mul3A_35 = arith.constant 640 : i32
    %mul3A_36 = arith.muli %arg1, %mul3A_35 : i32
    %mul3A_37 = arith.constant 640 : i32
    %mul3A_38 = arith.muli %arg1, %mul3A_37 : i32
    "tpu.region"() ({
      %run_scoped3A = tpu.sem_alloc : memref<!tpu.dma_semaphore, #tpu.memory_space<semaphore_mem>>
      %dma_start3A = arith.constant 0 : i32
      %dma_start3A_39 = tpu.memref_slice %arg5[%arg0, %mul3A_38, %dma_start3A] : memref<2x10240x128xf32, #tpu.memory_space<hbm>> -> memref<1x640x128xf32, #tpu.memory_space<hbm>>
      %dma_start3A_40 = tpu.memref_squeeze %dma_start3A_39 : memref<1x640x128xf32, #tpu.memory_space<hbm>> -> memref<640x128xf32, #tpu.memory_space<hbm>>
      %dma_start3A_41 = arith.constant 0 : i32
      %dma_start3A_42 = tpu.memref_slice %arg14[%mul3A_36, %dma_start3A_41] : memref<10240x128xf32, #tpu.memory_space<vmem_shared>> -> memref<640x128xf32, #tpu.memory_space<vmem_shared>>
      tpu.enqueue_dma source(%dma_start3A_42 : memref<640x128xf32, #tpu.memory_space<vmem_shared>>) target(%dma_start3A_40 : memref<640x128xf32, #tpu.memory_space<hbm>>) target_semaphore(%run_scoped3A : memref<!tpu.dma_semaphore, #tpu.memory_space<semaphore_mem>>)
      %dma_wait3A = arith.constant 0 : i32
      %dma_wait3A_43 = tpu.memref_slice %arg5[%arg0, %mul3A_38, %dma_wait3A] : memref<2x10240x128xf32, #tpu.memory_space<hbm>> -> memref<1x640x128xf32, #tpu.memory_space<hbm>>
      %dma_wait3A_44 = tpu.memref_squeeze %dma_wait3A_43 : memref<1x640x128xf32, #tpu.memory_space<hbm>> -> memref<640x128xf32, #tpu.memory_space<hbm>>
      %dma_wait3A_45 = arith.constant 0 : i32
      %dma_wait3A_46 = tpu.memref_slice %arg14[%mul3A_36, %dma_wait3A_45] : memref<10240x128xf32, #tpu.memory_space<vmem_shared>> -> memref<640x128xf32, #tpu.memory_space<vmem_shared>>
      tpu.wait_dma2 semaphore(%run_scoped3A : memref<!tpu.dma_semaphore, #tpu.memory_space<semaphore_mem>>) src(%dma_wait3A_46 : memref<640x128xf32, #tpu.memory_space<vmem_shared>>) dst(%dma_wait3A_44 : memref<640x128xf32, #tpu.memory_space<hbm>>)
      tpu.yield
    }) : () -> ()
    return
  }
}

#map = affine_map<(d0, d1) -> (0, 0)>
#map1 = affine_map<(d0, d1) -> (0, 0, 0)>
module attributes {stable_mosaic.version = 14 : i64} {
  func.func @_sc_mp_body(%arg0: i32, %arg1: i32, %arg2: memref<2560x128xi32, #tpu.memory_space<hbm>>, %arg3: memref<2560x128xi32, #tpu.memory_space<hbm>>, %arg4: memref<10000x128xf32, #tpu.memory_space<hbm>>, %arg5: memref<2x10240x128xf32, #tpu.memory_space<hbm>>, %arg6: memref<40x128xi32, #tpu.memory_space<vmem>>, %arg7: memref<40x128xi32, #tpu.memory_space<vmem>>, %arg8: memref<128x128xf32, #tpu.memory_space<vmem>>, %arg9: memref<128x128xf32, #tpu.memory_space<vmem>>, %arg10: memref<!tpu.dma_semaphore, #tpu.memory_space<semaphore_mem>>, %arg11: memref<!tpu.dma_semaphore, #tpu.memory_space<semaphore_mem>>, %arg12: memref<!tpu.dma_semaphore, #tpu.memory_space<semaphore_mem>>, %arg13: memref<!tpu.dma_semaphore, #tpu.memory_space<semaphore_mem>>, %arg14: memref<10240x128xf32, #tpu.memory_space<vmem_shared>>) attributes {dimension_semantics = [#tpu.dimension_semantics<core_parallel>, #tpu.dimension_semantics<subcore_parallel>], iteration_bounds = array<i64: 2, 16>, scalar_prefetch = 0 : i64, scratch_operands = 9 : i64, tpu.core_type = #tpu.core_type<sc_vector_subcore>, window_params = [{transform_indices = #map}, {transform_indices = #map}, {transform_indices = #map}, {transform_indices = #map1}]} {
    %scan3A = arith.constant 0 : i32
    %scan3A_0 = arith.constant 0 : i32
    %scan3A_1 = arith.constant 128 : i32
    %scan3A_2 = arith.addi %scan3A_0, %scan3A_1 : i32
    %scan3A_3 = arith.constant 1 : i32
    scf.for %scan3A_39 = %scan3A_0 to %scan3A_2 step %scan3A_3  : i32 {
      %broadcast_in_dim3A = arith.constant 0.000000e+00 : f32
      %broadcast_in_dim3A_40 = vector.broadcast %broadcast_in_dim3A : f32 to vector<16xf32>
      %swap3A = arith.index_cast %scan3A_39 : i32 to index
      %swap3A_41 = arith.constant 0 : index
      %swap3A_42 = tpu.vector_load %arg8[%swap3A, %swap3A_41] {strides = array<i32>} : memref<128x128xf32, #tpu.memory_space<vmem>>, vector<1x16xf32>,
      %swap3A_43 = vector.shape_cast %swap3A_42 : vector<1x16xf32> to vector<16xf32>
      %swap3A_44 = vector.shape_cast %broadcast_in_dim3A_40 : vector<16xf32> to vector<1x16xf32>
      tpu.vector_store %arg8[%swap3A, %swap3A_41], %swap3A_44 {strides = array<i32>} : memref<128x128xf32, #tpu.memory_space<vmem>>, vector<1x16xf32>,
      %broadcast_in_dim3A_45 = arith.constant 0.000000e+00 : f32
      %broadcast_in_dim3A_46 = vector.broadcast %broadcast_in_dim3A_45 : f32 to vector<16xf32>
      %swap3A_47 = arith.index_cast %scan3A_39 : i32 to index
      %swap3A_48 = arith.constant 16 : index
      %swap3A_49 = tpu.vector_load %arg8[%swap3A_47, %swap3A_48] {strides = array<i32>} : memref<128x128xf32, #tpu.memory_space<vmem>>, vector<1x16xf32>,
      %swap3A_50 = vector.shape_cast %swap3A_49 : vector<1x16xf32> to vector<16xf32>
      %swap3A_51 = vector.shape_cast %broadcast_in_dim3A_46 : vector<16xf32> to vector<1x16xf32>
      tpu.vector_store %arg8[%swap3A_47, %swap3A_48], %swap3A_51 {strides = array<i32>} : memref<128x128xf32, #tpu.memory_space<vmem>>, vector<1x16xf32>,
      %broadcast_in_dim3A_52 = arith.constant 0.000000e+00 : f32
      %broadcast_in_dim3A_53 = vector.broadcast %broadcast_in_dim3A_52 : f32 to vector<16xf32>
      %swap3A_54 = arith.index_cast %scan3A_39 : i32 to index
      %swap3A_55 = arith.constant 32 : index
      %swap3A_56 = tpu.vector_load %arg8[%swap3A_54, %swap3A_55] {strides = array<i32>} : memref<128x128xf32, #tpu.memory_space<vmem>>, vector<1x16xf32>,
      %swap3A_57 = vector.shape_cast %swap3A_56 : vector<1x16xf32> to vector<16xf32>
      %swap3A_58 = vector.shape_cast %broadcast_in_dim3A_53 : vector<16xf32> to vector<1x16xf32>
      tpu.vector_store %arg8[%swap3A_54, %swap3A_55], %swap3A_58 {strides = array<i32>} : memref<128x128xf32, #tpu.memory_space<vmem>>, vector<1x16xf32>,
      %broadcast_in_dim3A_59 = arith.constant 0.000000e+00 : f32
      %broadcast_in_dim3A_60 = vector.broadcast %broadcast_in_dim3A_59 : f32 to vector<16xf32>
      %swap3A_61 = arith.index_cast %scan3A_39 : i32 to index
      %swap3A_62 = arith.constant 48 : index
      %swap3A_63 = tpu.vector_load %arg8[%swap3A_61, %swap3A_62] {strides = array<i32>} : memref<128x128xf32, #tpu.memory_space<vmem>>, vector<1x16xf32>,
      %swap3A_64 = vector.shape_cast %swap3A_63 : vector<1x16xf32> to vector<16xf32>
      %swap3A_65 = vector.shape_cast %broadcast_in_dim3A_60 : vector<16xf32> to vector<1x16xf32>
      tpu.vector_store %arg8[%swap3A_61, %swap3A_62], %swap3A_65 {strides = array<i32>} : memref<128x128xf32, #tpu.memory_space<vmem>>, vector<1x16xf32>,
      %broadcast_in_dim3A_66 = arith.constant 0.000000e+00 : f32
      %broadcast_in_dim3A_67 = vector.broadcast %broadcast_in_dim3A_66 : f32 to vector<16xf32>
      %swap3A_68 = arith.index_cast %scan3A_39 : i32 to index
      %swap3A_69 = arith.constant 64 : index
      %swap3A_70 = tpu.vector_load %arg8[%swap3A_68, %swap3A_69] {strides = array<i32>} : memref<128x128xf32, #tpu.memory_space<vmem>>, vector<1x16xf32>,
      %swap3A_71 = vector.shape_cast %swap3A_70 : vector<1x16xf32> to vector<16xf32>
      %swap3A_72 = vector.shape_cast %broadcast_in_dim3A_67 : vector<16xf32> to vector<1x16xf32>
      tpu.vector_store %arg8[%swap3A_68, %swap3A_69], %swap3A_72 {strides = array<i32>} : memref<128x128xf32, #tpu.memory_space<vmem>>, vector<1x16xf32>,
      %broadcast_in_dim3A_73 = arith.constant 0.000000e+00 : f32
      %broadcast_in_dim3A_74 = vector.broadcast %broadcast_in_dim3A_73 : f32 to vector<16xf32>
      %swap3A_75 = arith.index_cast %scan3A_39 : i32 to index
      %swap3A_76 = arith.constant 80 : index
      %swap3A_77 = tpu.vector_load %arg8[%swap3A_75, %swap3A_76] {strides = array<i32>} : memref<128x128xf32, #tpu.memory_space<vmem>>, vector<1x16xf32>,
      %swap3A_78 = vector.shape_cast %swap3A_77 : vector<1x16xf32> to vector<16xf32>
      %swap3A_79 = vector.shape_cast %broadcast_in_dim3A_74 : vector<16xf32> to vector<1x16xf32>
      tpu.vector_store %arg8[%swap3A_75, %swap3A_76], %swap3A_79 {strides = array<i32>} : memref<128x128xf32, #tpu.memory_space<vmem>>, vector<1x16xf32>,
      %broadcast_in_dim3A_80 = arith.constant 0.000000e+00 : f32
      %broadcast_in_dim3A_81 = vector.broadcast %broadcast_in_dim3A_80 : f32 to vector<16xf32>
      %swap3A_82 = arith.index_cast %scan3A_39 : i32 to index
      %swap3A_83 = arith.constant 96 : index
      %swap3A_84 = tpu.vector_load %arg8[%swap3A_82, %swap3A_83] {strides = array<i32>} : memref<128x128xf32, #tpu.memory_space<vmem>>, vector<1x16xf32>,
      %swap3A_85 = vector.shape_cast %swap3A_84 : vector<1x16xf32> to vector<16xf32>
      %swap3A_86 = vector.shape_cast %broadcast_in_dim3A_81 : vector<16xf32> to vector<1x16xf32>
      tpu.vector_store %arg8[%swap3A_82, %swap3A_83], %swap3A_86 {strides = array<i32>} : memref<128x128xf32, #tpu.memory_space<vmem>>, vector<1x16xf32>,
      %broadcast_in_dim3A_87 = arith.constant 0.000000e+00 : f32
      %broadcast_in_dim3A_88 = vector.broadcast %broadcast_in_dim3A_87 : f32 to vector<16xf32>
      %swap3A_89 = arith.index_cast %scan3A_39 : i32 to index
      %swap3A_90 = arith.constant 112 : index
      %swap3A_91 = tpu.vector_load %arg8[%swap3A_89, %swap3A_90] {strides = array<i32>} : memref<128x128xf32, #tpu.memory_space<vmem>>, vector<1x16xf32>,
      %swap3A_92 = vector.shape_cast %swap3A_91 : vector<1x16xf32> to vector<16xf32>
      %swap3A_93 = vector.shape_cast %broadcast_in_dim3A_88 : vector<16xf32> to vector<1x16xf32>
      tpu.vector_store %arg8[%swap3A_89, %swap3A_90], %swap3A_93 {strides = array<i32>} : memref<128x128xf32, #tpu.memory_space<vmem>>, vector<1x16xf32>,
    }
    %scan3A_4 = arith.constant 128 : i32
    %mul3A = arith.constant 640 : i32
    %mul3A_5 = arith.muli %arg1, %mul3A : i32
    %add3A = arith.constant 0 : i32
    %add3A_6 = arith.addi %mul3A_5, %add3A : i32
    "tpu.region"() ({
      %run_scoped3A = tpu.sem_alloc : memref<!tpu.dma_semaphore, #tpu.memory_space<semaphore_mem>>
      %dma_start3A = arith.constant 0 : i32
      %dma_start3A_39 = tpu.memref_slice %arg14[%add3A_6, %dma_start3A] : memref<10240x128xf32, #tpu.memory_space<vmem_shared>> -> memref<128x128xf32, #tpu.memory_space<vmem_shared>>
      %dma_start3A_40 = arith.constant 0 : i32
      %dma_start3A_41 = tpu.memref_slice %arg14[%add3A_6, %dma_start3A_40] : memref<10240x128xf32, #tpu.memory_space<vmem_shared>> -> memref<128x128xf32, #tpu.memory_space<vmem_shared>>
      tpu.enqueue_dma source(%arg8 : memref<128x128xf32, #tpu.memory_space<vmem>>) target(%dma_start3A_41 : memref<128x128xf32, #tpu.memory_space<vmem_shared>>) target_semaphore(%run_scoped3A : memref<!tpu.dma_semaphore, #tpu.memory_space<semaphore_mem>>)
      %dma_wait3A = arith.constant 0 : i32
      %dma_wait3A_42 = tpu.memref_slice %arg14[%add3A_6, %dma_wait3A] : memref<10240x128xf32, #tpu.memory_space<vmem_shared>> -> memref<128x128xf32, #tpu.memory_space<vmem_shared>>
      %dma_wait3A_43 = arith.constant 0 : i32
      %dma_wait3A_44 = tpu.memref_slice %arg14[%add3A_6, %dma_wait3A_43] : memref<10240x128xf32, #tpu.memory_space<vmem_shared>> -> memref<128x128xf32, #tpu.memory_space<vmem_shared>>
      tpu.wait_dma2 semaphore(%run_scoped3A : memref<!tpu.dma_semaphore, #tpu.memory_space<semaphore_mem>>) src(%arg8 : memref<128x128xf32, #tpu.memory_space<vmem>>) dst(%dma_wait3A_44 : memref<128x128xf32, #tpu.memory_space<vmem_shared>>)
      tpu.yield
    }) : () -> ()
    %mul3A_7 = arith.constant 640 : i32
    %mul3A_8 = arith.muli %arg1, %mul3A_7 : i32
    %add3A_9 = arith.constant 128 : i32
    %add3A_10 = arith.addi %mul3A_8, %add3A_9 : i32
    "tpu.region"() ({
      %run_scoped3A = tpu.sem_alloc : memref<!tpu.dma_semaphore, #tpu.memory_space<semaphore_mem>>
      %dma_start3A = arith.constant 0 : i32
      %dma_start3A_39 = tpu.memref_slice %arg14[%add3A_10, %dma_start3A] : memref<10240x128xf32, #tpu.memory_space<vmem_shared>> -> memref<128x128xf32, #tpu.memory_space<vmem_shared>>
      %dma_start3A_40 = arith.constant 0 : i32
      %dma_start3A_41 = tpu.memref_slice %arg14[%add3A_10, %dma_start3A_40] : memref<10240x128xf32, #tpu.memory_space<vmem_shared>> -> memref<128x128xf32, #tpu.memory_space<vmem_shared>>
      tpu.enqueue_dma source(%arg8 : memref<128x128xf32, #tpu.memory_space<vmem>>) target(%dma_start3A_41 : memref<128x128xf32, #tpu.memory_space<vmem_shared>>) target_semaphore(%run_scoped3A : memref<!tpu.dma_semaphore, #tpu.memory_space<semaphore_mem>>)
      %dma_wait3A = arith.constant 0 : i32
      %dma_wait3A_42 = tpu.memref_slice %arg14[%add3A_10, %dma_wait3A] : memref<10240x128xf32, #tpu.memory_space<vmem_shared>> -> memref<128x128xf32, #tpu.memory_space<vmem_shared>>
      %dma_wait3A_43 = arith.constant 0 : i32
      %dma_wait3A_44 = tpu.memref_slice %arg14[%add3A_10, %dma_wait3A_43] : memref<10240x128xf32, #tpu.memory_space<vmem_shared>> -> memref<128x128xf32, #tpu.memory_space<vmem_shared>>
      tpu.wait_dma2 semaphore(%run_scoped3A : memref<!tpu.dma_semaphore, #tpu.memory_space<semaphore_mem>>) src(%arg8 : memref<128x128xf32, #tpu.memory_space<vmem>>) dst(%dma_wait3A_44 : memref<128x128xf32, #tpu.memory_space<vmem_shared>>)
      tpu.yield
    }) : () -> ()
    %mul3A_11 = arith.constant 640 : i32
    %mul3A_12 = arith.muli %arg1, %mul3A_11 : i32
    %add3A_13 = arith.constant 256 : i32
    %add3A_14 = arith.addi %mul3A_12, %add3A_13 : i32
    "tpu.region"() ({
      %run_scoped3A = tpu.sem_alloc : memref<!tpu.dma_semaphore, #tpu.memory_space<semaphore_mem>>
      %dma_start3A = arith.constant 0 : i32
      %dma_start3A_39 = tpu.memref_slice %arg14[%add3A_14, %dma_start3A] : memref<10240x128xf32, #tpu.memory_space<vmem_shared>> -> memref<128x128xf32, #tpu.memory_space<vmem_shared>>
      %dma_start3A_40 = arith.constant 0 : i32
      %dma_start3A_41 = tpu.memref_slice %arg14[%add3A_14, %dma_start3A_40] : memref<10240x128xf32, #tpu.memory_space<vmem_shared>> -> memref<128x128xf32, #tpu.memory_space<vmem_shared>>
      tpu.enqueue_dma source(%arg8 : memref<128x128xf32, #tpu.memory_space<vmem>>) target(%dma_start3A_41 : memref<128x128xf32, #tpu.memory_space<vmem_shared>>) target_semaphore(%run_scoped3A : memref<!tpu.dma_semaphore, #tpu.memory_space<semaphore_mem>>)
      %dma_wait3A = arith.constant 0 : i32
      %dma_wait3A_42 = tpu.memref_slice %arg14[%add3A_14, %dma_wait3A] : memref<10240x128xf32, #tpu.memory_space<vmem_shared>> -> memref<128x128xf32, #tpu.memory_space<vmem_shared>>
      %dma_wait3A_43 = arith.constant 0 : i32
      %dma_wait3A_44 = tpu.memref_slice %arg14[%add3A_14, %dma_wait3A_43] : memref<10240x128xf32, #tpu.memory_space<vmem_shared>> -> memref<128x128xf32, #tpu.memory_space<vmem_shared>>
      tpu.wait_dma2 semaphore(%run_scoped3A : memref<!tpu.dma_semaphore, #tpu.memory_space<semaphore_mem>>) src(%arg8 : memref<128x128xf32, #tpu.memory_space<vmem>>) dst(%dma_wait3A_44 : memref<128x128xf32, #tpu.memory_space<vmem_shared>>)
      tpu.yield
    }) : () -> ()
    %mul3A_15 = arith.constant 640 : i32
    %mul3A_16 = arith.muli %arg1, %mul3A_15 : i32
    %add3A_17 = arith.constant 384 : i32
    %add3A_18 = arith.addi %mul3A_16, %add3A_17 : i32
    "tpu.region"() ({
      %run_scoped3A = tpu.sem_alloc : memref<!tpu.dma_semaphore, #tpu.memory_space<semaphore_mem>>
      %dma_start3A = arith.constant 0 : i32
      %dma_start3A_39 = tpu.memref_slice %arg14[%add3A_18, %dma_start3A] : memref<10240x128xf32, #tpu.memory_space<vmem_shared>> -> memref<128x128xf32, #tpu.memory_space<vmem_shared>>
      %dma_start3A_40 = arith.constant 0 : i32
      %dma_start3A_41 = tpu.memref_slice %arg14[%add3A_18, %dma_start3A_40] : memref<10240x128xf32, #tpu.memory_space<vmem_shared>> -> memref<128x128xf32, #tpu.memory_space<vmem_shared>>
      tpu.enqueue_dma source(%arg8 : memref<128x128xf32, #tpu.memory_space<vmem>>) target(%dma_start3A_41 : memref<128x128xf32, #tpu.memory_space<vmem_shared>>) target_semaphore(%run_scoped3A : memref<!tpu.dma_semaphore, #tpu.memory_space<semaphore_mem>>)
      %dma_wait3A = arith.constant 0 : i32
      %dma_wait3A_42 = tpu.memref_slice %arg14[%add3A_18, %dma_wait3A] : memref<10240x128xf32, #tpu.memory_space<vmem_shared>> -> memref<128x128xf32, #tpu.memory_space<vmem_shared>>
      %dma_wait3A_43 = arith.constant 0 : i32
      %dma_wait3A_44 = tpu.memref_slice %arg14[%add3A_18, %dma_wait3A_43] : memref<10240x128xf32, #tpu.memory_space<vmem_shared>> -> memref<128x128xf32, #tpu.memory_space<vmem_shared>>
      tpu.wait_dma2 semaphore(%run_scoped3A : memref<!tpu.dma_semaphore, #tpu.memory_space<semaphore_mem>>) src(%arg8 : memref<128x128xf32, #tpu.memory_space<vmem>>) dst(%dma_wait3A_44 : memref<128x128xf32, #tpu.memory_space<vmem_shared>>)
      tpu.yield
    }) : () -> ()
    %mul3A_19 = arith.constant 640 : i32
    %mul3A_20 = arith.muli %arg1, %mul3A_19 : i32
    %add3A_21 = arith.constant 512 : i32
    %add3A_22 = arith.addi %mul3A_20, %add3A_21 : i32
    "tpu.region"() ({
      %run_scoped3A = tpu.sem_alloc : memref<!tpu.dma_semaphore, #tpu.memory_space<semaphore_mem>>
      %dma_start3A = arith.constant 0 : i32
      %dma_start3A_39 = tpu.memref_slice %arg14[%add3A_22, %dma_start3A] : memref<10240x128xf32, #tpu.memory_space<vmem_shared>> -> memref<128x128xf32, #tpu.memory_space<vmem_shared>>
      %dma_start3A_40 = arith.constant 0 : i32
      %dma_start3A_41 = tpu.memref_slice %arg14[%add3A_22, %dma_start3A_40] : memref<10240x128xf32, #tpu.memory_space<vmem_shared>> -> memref<128x128xf32, #tpu.memory_space<vmem_shared>>
      tpu.enqueue_dma source(%arg8 : memref<128x128xf32, #tpu.memory_space<vmem>>) target(%dma_start3A_41 : memref<128x128xf32, #tpu.memory_space<vmem_shared>>) target_semaphore(%run_scoped3A : memref<!tpu.dma_semaphore, #tpu.memory_space<semaphore_mem>>)
      %dma_wait3A = arith.constant 0 : i32
      %dma_wait3A_42 = tpu.memref_slice %arg14[%add3A_22, %dma_wait3A] : memref<10240x128xf32, #tpu.memory_space<vmem_shared>> -> memref<128x128xf32, #tpu.memory_space<vmem_shared>>
      %dma_wait3A_43 = arith.constant 0 : i32
      %dma_wait3A_44 = tpu.memref_slice %arg14[%add3A_22, %dma_wait3A_43] : memref<10240x128xf32, #tpu.memory_space<vmem_shared>> -> memref<128x128xf32, #tpu.memory_space<vmem_shared>>
      tpu.wait_dma2 semaphore(%run_scoped3A : memref<!tpu.dma_semaphore, #tpu.memory_space<semaphore_mem>>) src(%arg8 : memref<128x128xf32, #tpu.memory_space<vmem>>) dst(%dma_wait3A_44 : memref<128x128xf32, #tpu.memory_space<vmem_shared>>)
      tpu.yield
    }) : () -> ()
    %barrier3A = arith.constant 0 : index
    tpu.barrier barrier_id(%barrier3A)
    %mul3A_23 = arith.constant 16 : i32
    %mul3A_24 = arith.muli %arg0, %mul3A_23 : i32
    %add3A_25 = arith.addi %mul3A_24, %arg1 : i32
    %mul3A_26 = arith.constant 80 : i32
    %mul3A_27 = arith.muli %add3A_25, %mul3A_26 : i32
    %scan3A_28 = arith.constant 0 : i32
    %scan3A_29 = arith.constant 0 : i32
    %scan3A_30 = arith.constant 2 : i32
    %scan3A_31 = arith.addi %scan3A_29, %scan3A_30 : i32
    %scan3A_32 = arith.constant 1 : i32
    scf.for %scan3A_39 = %scan3A_29 to %scan3A_31 step %scan3A_32  : i32 {
      %mul3A_40 = arith.constant 40 : i32
      %mul3A_41 = arith.muli %scan3A_39, %mul3A_40 : i32
      %multiple_of3A = tpu.assume_multiple %mul3A_41, 8 : i32
      %add3A_42 = arith.addi %mul3A_27, %multiple_of3A : i32
      "tpu.region"() ({
        %run_scoped3A = tpu.sem_alloc : memref<!tpu.dma_semaphore, #tpu.memory_space<semaphore_mem>>
        %dma_start3A_104 = arith.constant 0 : i32
        %dma_start3A_105 = tpu.memref_slice %arg2[%add3A_42, %dma_start3A_104] : memref<2560x128xi32, #tpu.memory_space<hbm>> -> memref<40x128xi32, #tpu.memory_space<hbm>>
        %dma_start3A_106 = arith.constant 0 : i32
        %dma_start3A_107 = tpu.memref_slice %arg2[%add3A_42, %dma_start3A_106] : memref<2560x128xi32, #tpu.memory_space<hbm>> -> memref<40x128xi32, #tpu.memory_space<hbm>>
        tpu.enqueue_dma source(%dma_start3A_107 : memref<40x128xi32, #tpu.memory_space<hbm>>) target(%arg6 : memref<40x128xi32, #tpu.memory_space<vmem>>) target_semaphore(%run_scoped3A : memref<!tpu.dma_semaphore, #tpu.memory_space<semaphore_mem>>)
        %dma_wait3A_108 = arith.constant 0 : i32
        %dma_wait3A_109 = tpu.memref_slice %arg2[%add3A_42, %dma_wait3A_108] : memref<2560x128xi32, #tpu.memory_space<hbm>> -> memref<40x128xi32, #tpu.memory_space<hbm>>
        %dma_wait3A_110 = arith.constant 0 : i32
        %dma_wait3A_111 = tpu.memref_slice %arg2[%add3A_42, %dma_wait3A_110] : memref<2560x128xi32, #tpu.memory_space<hbm>> -> memref<40x128xi32, #tpu.memory_space<hbm>>
        tpu.wait_dma2 semaphore(%run_scoped3A : memref<!tpu.dma_semaphore, #tpu.memory_space<semaphore_mem>>) src(%dma_wait3A_111 : memref<40x128xi32, #tpu.memory_space<hbm>>) dst(%arg6 : memref<40x128xi32, #tpu.memory_space<vmem>>)
        tpu.yield
      }) : () -> ()
      %add3A_43 = arith.addi %mul3A_27, %multiple_of3A : i32
      "tpu.region"() ({
        %run_scoped3A = tpu.sem_alloc : memref<!tpu.dma_semaphore, #tpu.memory_space<semaphore_mem>>
        %dma_start3A_104 = arith.constant 0 : i32
        %dma_start3A_105 = tpu.memref_slice %arg3[%add3A_43, %dma_start3A_104] : memref<2560x128xi32, #tpu.memory_space<hbm>> -> memref<40x128xi32, #tpu.memory_space<hbm>>
        %dma_start3A_106 = arith.constant 0 : i32
        %dma_start3A_107 = tpu.memref_slice %arg3[%add3A_43, %dma_start3A_106] : memref<2560x128xi32, #tpu.memory_space<hbm>> -> memref<40x128xi32, #tpu.memory_space<hbm>>
        tpu.enqueue_dma source(%dma_start3A_107 : memref<40x128xi32, #tpu.memory_space<hbm>>) target(%arg7 : memref<40x128xi32, #tpu.memory_space<vmem>>) target_semaphore(%run_scoped3A : memref<!tpu.dma_semaphore, #tpu.memory_space<semaphore_mem>>)
        %dma_wait3A_108 = arith.constant 0 : i32
        %dma_wait3A_109 = tpu.memref_slice %arg3[%add3A_43, %dma_wait3A_108] : memref<2560x128xi32, #tpu.memory_space<hbm>> -> memref<40x128xi32, #tpu.memory_space<hbm>>
        %dma_wait3A_110 = arith.constant 0 : i32
        %dma_wait3A_111 = tpu.memref_slice %arg3[%add3A_43, %dma_wait3A_110] : memref<2560x128xi32, #tpu.memory_space<hbm>> -> memref<40x128xi32, #tpu.memory_space<hbm>>
        tpu.wait_dma2 semaphore(%run_scoped3A : memref<!tpu.dma_semaphore, #tpu.memory_space<semaphore_mem>>) src(%dma_wait3A_111 : memref<40x128xi32, #tpu.memory_space<hbm>>) dst(%arg7 : memref<40x128xi32, #tpu.memory_space<vmem>>)
        tpu.yield
      }) : () -> ()
      %dma_start3A = arith.constant 0 : i32
      %dma_start3A_44 = arith.constant 0 : i32
      %dma_start3A_45 = tpu.memref_slice %arg6[%dma_start3A, %dma_start3A_44] : memref<40x128xi32, #tpu.memory_space<vmem>> -> memref<1x128xi32, #tpu.memory_space<vmem>>
      %dma_start3A_46 = tpu.memref_squeeze %dma_start3A_45 : memref<1x128xi32, #tpu.memory_space<vmem>> -> memref<128xi32, #tpu.memory_space<vmem>>
      %dma_start3A_47 = arith.constant 0 : i32
      %dma_start3A_48 = arith.constant 0 : i32
      %dma_start3A_49 = tpu.memref_slice %arg4[%dma_start3A_47, %dma_start3A_48] : memref<10000x128xf32, #tpu.memory_space<hbm>> -> memref<10000x128xf32, #tpu.memory_space<hbm>>
      tpu.enqueue_indirect_dma source(%dma_start3A_49 : memref<10000x128xf32, #tpu.memory_space<hbm>>) target(%arg8 : memref<128x128xf32, #tpu.memory_space<vmem>>) offsets(%dma_start3A_46 : memref<128xi32, #tpu.memory_space<vmem>>) semaphore(%arg10 : memref<!tpu.dma_semaphore, #tpu.memory_space<semaphore_mem>>)
      %dma_wait3A = arith.constant 0 : i32
      %dma_wait3A_50 = arith.constant 0 : i32
      %dma_wait3A_51 = tpu.memref_slice %arg6[%dma_wait3A, %dma_wait3A_50] : memref<40x128xi32, #tpu.memory_space<vmem>> -> memref<1x128xi32, #tpu.memory_space<vmem>>
      %dma_wait3A_52 = tpu.memref_squeeze %dma_wait3A_51 : memref<1x128xi32, #tpu.memory_space<vmem>> -> memref<128xi32, #tpu.memory_space<vmem>>
      %dma_wait3A_53 = arith.constant 0 : i32
      %dma_wait3A_54 = arith.constant 0 : i32
      %dma_wait3A_55 = tpu.memref_slice %arg4[%dma_wait3A_53, %dma_wait3A_54] : memref<10000x128xf32, #tpu.memory_space<hbm>> -> memref<10000x128xf32, #tpu.memory_space<hbm>>
      tpu.wait_indirect_dma semaphore(%arg10 : memref<!tpu.dma_semaphore, #tpu.memory_space<semaphore_mem>>) src(%dma_wait3A_55 : memref<10000x128xf32, #tpu.memory_space<hbm>>) dst(%arg8 : memref<128x128xf32, #tpu.memory_space<vmem>>)
      %dma_start3A_56 = arith.constant 1 : i32
      %dma_start3A_57 = arith.constant 0 : i32
      %dma_start3A_58 = tpu.memref_slice %arg6[%dma_start3A_56, %dma_start3A_57] : memref<40x128xi32, #tpu.memory_space<vmem>> -> memref<1x128xi32, #tpu.memory_space<vmem>>
      %dma_start3A_59 = tpu.memref_squeeze %dma_start3A_58 : memref<1x128xi32, #tpu.memory_space<vmem>> -> memref<128xi32, #tpu.memory_space<vmem>>
      %dma_start3A_60 = arith.constant 0 : i32
      %dma_start3A_61 = arith.constant 0 : i32
      %dma_start3A_62 = tpu.memref_slice %arg4[%dma_start3A_60, %dma_start3A_61] : memref<10000x128xf32, #tpu.memory_space<hbm>> -> memref<10000x128xf32, #tpu.memory_space<hbm>>
      tpu.enqueue_indirect_dma source(%dma_start3A_62 : memref<10000x128xf32, #tpu.memory_space<hbm>>) target(%arg9 : memref<128x128xf32, #tpu.memory_space<vmem>>) offsets(%dma_start3A_59 : memref<128xi32, #tpu.memory_space<vmem>>) semaphore(%arg11 : memref<!tpu.dma_semaphore, #tpu.memory_space<semaphore_mem>>)
      %dma_start3A_63 = arith.constant 0 : i32
      %dma_start3A_64 = arith.constant 0 : i32
      %dma_start3A_65 = tpu.memref_slice %arg7[%dma_start3A_63, %dma_start3A_64] : memref<40x128xi32, #tpu.memory_space<vmem>> -> memref<1x128xi32, #tpu.memory_space<vmem>>
      %dma_start3A_66 = tpu.memref_squeeze %dma_start3A_65 : memref<1x128xi32, #tpu.memory_space<vmem>> -> memref<128xi32, #tpu.memory_space<vmem>>
      %dma_start3A_67 = arith.constant 0 : i32
      %dma_start3A_68 = arith.constant 0 : i32
      %dma_start3A_69 = tpu.memref_slice %arg14[%dma_start3A_67, %dma_start3A_68] : memref<10240x128xf32, #tpu.memory_space<vmem_shared>> -> memref<10240x128xf32, #tpu.memory_space<vmem_shared>>
      tpu.enqueue_indirect_dma source(%arg8 : memref<128x128xf32, #tpu.memory_space<vmem>>) target(%dma_start3A_69 : memref<10240x128xf32, #tpu.memory_space<vmem_shared>>) offsets(%dma_start3A_66 : memref<128xi32, #tpu.memory_space<vmem>>) semaphore(%arg12 : memref<!tpu.dma_semaphore, #tpu.memory_space<semaphore_mem>>) {add = true}
      %scan3A_70 = arith.constant 0 : i32
      %scan3A_71 = arith.constant 0 : i32
      %scan3A_72 = arith.constant 19 : i32
      %scan3A_73 = arith.addi %scan3A_71, %scan3A_72 : i32
      %scan3A_74 = arith.constant 1 : i32
      scf.for %scan3A_104 = %scan3A_71 to %scan3A_73 step %scan3A_74  : i32 {
        %mul3A_105 = arith.constant 2 : i32
        %mul3A_106 = arith.muli %mul3A_105, %scan3A_104 : i32
        %add3A_107 = arith.constant 1 : i32
        %add3A_108 = arith.addi %mul3A_106, %add3A_107 : i32
        %dma_wait3A_109 = arith.constant 0 : i32
        %dma_wait3A_110 = tpu.memref_slice %arg6[%add3A_108, %dma_wait3A_109] : memref<40x128xi32, #tpu.memory_space<vmem>> -> memref<1x128xi32, #tpu.memory_space<vmem>>
        %dma_wait3A_111 = tpu.memref_squeeze %dma_wait3A_110 : memref<1x128xi32, #tpu.memory_space<vmem>> -> memref<128xi32, #tpu.memory_space<vmem>>
        %dma_wait3A_112 = arith.constant 0 : i32
        %dma_wait3A_113 = arith.constant 0 : i32
        %dma_wait3A_114 = tpu.memref_slice %arg4[%dma_wait3A_112, %dma_wait3A_113] : memref<10000x128xf32, #tpu.memory_space<hbm>> -> memref<10000x128xf32, #tpu.memory_space<hbm>>
        tpu.wait_indirect_dma semaphore(%arg11 : memref<!tpu.dma_semaphore, #tpu.memory_space<semaphore_mem>>) src(%dma_wait3A_114 : memref<10000x128xf32, #tpu.memory_space<hbm>>) dst(%arg9 : memref<128x128xf32, #tpu.memory_space<vmem>>)
        %dma_wait3A_115 = arith.constant 0 : i32
        %dma_wait3A_116 = tpu.memref_slice %arg7[%mul3A_106, %dma_wait3A_115] : memref<40x128xi32, #tpu.memory_space<vmem>> -> memref<1x128xi32, #tpu.memory_space<vmem>>
        %dma_wait3A_117 = tpu.memref_squeeze %dma_wait3A_116 : memref<1x128xi32, #tpu.memory_space<vmem>> -> memref<128xi32, #tpu.memory_space<vmem>>
        %dma_wait3A_118 = arith.constant 0 : i32
        %dma_wait3A_119 = arith.constant 0 : i32
        %dma_wait3A_120 = tpu.memref_slice %arg14[%dma_wait3A_118, %dma_wait3A_119] : memref<10240x128xf32, #tpu.memory_space<vmem_shared>> -> memref<10240x128xf32, #tpu.memory_space<vmem_shared>>
        tpu.wait_indirect_dma semaphore(%arg12 : memref<!tpu.dma_semaphore, #tpu.memory_space<semaphore_mem>>) src(%arg8 : memref<128x128xf32, #tpu.memory_space<vmem>>) dst(%dma_wait3A_120 : memref<10240x128xf32, #tpu.memory_space<vmem_shared>>)
        %add3A_121 = arith.constant 2 : i32
        %add3A_122 = arith.addi %mul3A_106, %add3A_121 : i32
        %dma_start3A_123 = arith.constant 0 : i32
        %dma_start3A_124 = tpu.memref_slice %arg6[%add3A_122, %dma_start3A_123] : memref<40x128xi32, #tpu.memory_space<vmem>> -> memref<1x128xi32, #tpu.memory_space<vmem>>
        %dma_start3A_125 = tpu.memref_squeeze %dma_start3A_124 : memref<1x128xi32, #tpu.memory_space<vmem>> -> memref<128xi32, #tpu.memory_space<vmem>>
        %dma_start3A_126 = arith.constant 0 : i32
        %dma_start3A_127 = arith.constant 0 : i32
        %dma_start3A_128 = tpu.memref_slice %arg4[%dma_start3A_126, %dma_start3A_127] : memref<10000x128xf32, #tpu.memory_space<hbm>> -> memref<10000x128xf32, #tpu.memory_space<hbm>>
        tpu.enqueue_indirect_dma source(%dma_start3A_128 : memref<10000x128xf32, #tpu.memory_space<hbm>>) target(%arg8 : memref<128x128xf32, #tpu.memory_space<vmem>>) offsets(%dma_start3A_125 : memref<128xi32, #tpu.memory_space<vmem>>) semaphore(%arg10 : memref<!tpu.dma_semaphore, #tpu.memory_space<semaphore_mem>>)
        %add3A_129 = arith.constant 1 : i32
        %add3A_130 = arith.addi %mul3A_106, %add3A_129 : i32
        %dma_start3A_131 = arith.constant 0 : i32
        %dma_start3A_132 = tpu.memref_slice %arg7[%add3A_130, %dma_start3A_131] : memref<40x128xi32, #tpu.memory_space<vmem>> -> memref<1x128xi32, #tpu.memory_space<vmem>>
        %dma_start3A_133 = tpu.memref_squeeze %dma_start3A_132 : memref<1x128xi32, #tpu.memory_space<vmem>> -> memref<128xi32, #tpu.memory_space<vmem>>
        %dma_start3A_134 = arith.constant 0 : i32
        %dma_start3A_135 = arith.constant 0 : i32
        %dma_start3A_136 = tpu.memref_slice %arg14[%dma_start3A_134, %dma_start3A_135] : memref<10240x128xf32, #tpu.memory_space<vmem_shared>> -> memref<10240x128xf32, #tpu.memory_space<vmem_shared>>
        tpu.enqueue_indirect_dma source(%arg9 : memref<128x128xf32, #tpu.memory_space<vmem>>) target(%dma_start3A_136 : memref<10240x128xf32, #tpu.memory_space<vmem_shared>>) offsets(%dma_start3A_133 : memref<128xi32, #tpu.memory_space<vmem>>) semaphore(%arg13 : memref<!tpu.dma_semaphore, #tpu.memory_space<semaphore_mem>>) {add = true}
        %add3A_137 = arith.constant 2 : i32
        %add3A_138 = arith.addi %mul3A_106, %add3A_137 : i32
        %dma_wait3A_139 = arith.constant 0 : i32
        %dma_wait3A_140 = tpu.memref_slice %arg6[%add3A_138, %dma_wait3A_139] : memref<40x128xi32, #tpu.memory_space<vmem>> -> memref<1x128xi32, #tpu.memory_space<vmem>>
        %dma_wait3A_141 = tpu.memref_squeeze %dma_wait3A_140 : memref<1x128xi32, #tpu.memory_space<vmem>> -> memref<128xi32, #tpu.memory_space<vmem>>
        %dma_wait3A_142 = arith.constant 0 : i32
        %dma_wait3A_143 = arith.constant 0 : i32
        %dma_wait3A_144 = tpu.memref_slice %arg4[%dma_wait3A_142, %dma_wait3A_143] : memref<10000x128xf32, #tpu.memory_space<hbm>> -> memref<10000x128xf32, #tpu.memory_space<hbm>>
        tpu.wait_indirect_dma semaphore(%arg10 : memref<!tpu.dma_semaphore, #tpu.memory_space<semaphore_mem>>) src(%dma_wait3A_144 : memref<10000x128xf32, #tpu.memory_space<hbm>>) dst(%arg8 : memref<128x128xf32, #tpu.memory_space<vmem>>)
        %add3A_145 = arith.constant 1 : i32
        %add3A_146 = arith.addi %mul3A_106, %add3A_145 : i32
        %dma_wait3A_147 = arith.constant 0 : i32
        %dma_wait3A_148 = tpu.memref_slice %arg7[%add3A_146, %dma_wait3A_147] : memref<40x128xi32, #tpu.memory_space<vmem>> -> memref<1x128xi32, #tpu.memory_space<vmem>>
        %dma_wait3A_149 = tpu.memref_squeeze %dma_wait3A_148 : memref<1x128xi32, #tpu.memory_space<vmem>> -> memref<128xi32, #tpu.memory_space<vmem>>
        %dma_wait3A_150 = arith.constant 0 : i32
        %dma_wait3A_151 = arith.constant 0 : i32
        %dma_wait3A_152 = tpu.memref_slice %arg14[%dma_wait3A_150, %dma_wait3A_151] : memref<10240x128xf32, #tpu.memory_space<vmem_shared>> -> memref<10240x128xf32, #tpu.memory_space<vmem_shared>>
        tpu.wait_indirect_dma semaphore(%arg13 : memref<!tpu.dma_semaphore, #tpu.memory_space<semaphore_mem>>) src(%arg9 : memref<128x128xf32, #tpu.memory_space<vmem>>) dst(%dma_wait3A_152 : memref<10240x128xf32, #tpu.memory_space<vmem_shared>>)
        %add3A_153 = arith.constant 3 : i32
        %add3A_154 = arith.addi %mul3A_106, %add3A_153 : i32
        %dma_start3A_155 = arith.constant 0 : i32
        %dma_start3A_156 = tpu.memref_slice %arg6[%add3A_154, %dma_start3A_155] : memref<40x128xi32, #tpu.memory_space<vmem>> -> memref<1x128xi32, #tpu.memory_space<vmem>>
        %dma_start3A_157 = tpu.memref_squeeze %dma_start3A_156 : memref<1x128xi32, #tpu.memory_space<vmem>> -> memref<128xi32, #tpu.memory_space<vmem>>
        %dma_start3A_158 = arith.constant 0 : i32
        %dma_start3A_159 = arith.constant 0 : i32
        %dma_start3A_160 = tpu.memref_slice %arg4[%dma_start3A_158, %dma_start3A_159] : memref<10000x128xf32, #tpu.memory_space<hbm>> -> memref<10000x128xf32, #tpu.memory_space<hbm>>
        tpu.enqueue_indirect_dma source(%dma_start3A_160 : memref<10000x128xf32, #tpu.memory_space<hbm>>) target(%arg9 : memref<128x128xf32, #tpu.memory_space<vmem>>) offsets(%dma_start3A_157 : memref<128xi32, #tpu.memory_space<vmem>>) semaphore(%arg11 : memref<!tpu.dma_semaphore, #tpu.memory_space<semaphore_mem>>)
        %add3A_161 = arith.constant 2 : i32
        %add3A_162 = arith.addi %mul3A_106, %add3A_161 : i32
        %dma_start3A_163 = arith.constant 0 : i32
        %dma_start3A_164 = tpu.memref_slice %arg7[%add3A_162, %dma_start3A_163] : memref<40x128xi32, #tpu.memory_space<vmem>> -> memref<1x128xi32, #tpu.memory_space<vmem>>
        %dma_start3A_165 = tpu.memref_squeeze %dma_start3A_164 : memref<1x128xi32, #tpu.memory_space<vmem>> -> memref<128xi32, #tpu.memory_space<vmem>>
        %dma_start3A_166 = arith.constant 0 : i32
        %dma_start3A_167 = arith.constant 0 : i32
        %dma_start3A_168 = tpu.memref_slice %arg14[%dma_start3A_166, %dma_start3A_167] : memref<10240x128xf32, #tpu.memory_space<vmem_shared>> -> memref<10240x128xf32, #tpu.memory_space<vmem_shared>>
        tpu.enqueue_indirect_dma source(%arg8 : memref<128x128xf32, #tpu.memory_space<vmem>>) target(%dma_start3A_168 : memref<10240x128xf32, #tpu.memory_space<vmem_shared>>) offsets(%dma_start3A_165 : memref<128xi32, #tpu.memory_space<vmem>>) semaphore(%arg12 : memref<!tpu.dma_semaphore, #tpu.memory_space<semaphore_mem>>) {add = true}
      }
      %scan3A_75 = arith.constant 19 : i32
      %dma_wait3A_76 = arith.constant 39 : i32
      %dma_wait3A_77 = arith.constant 0 : i32
      %dma_wait3A_78 = tpu.memref_slice %arg6[%dma_wait3A_76, %dma_wait3A_77] : memref<40x128xi32, #tpu.memory_space<vmem>> -> memref<1x128xi32, #tpu.memory_space<vmem>>
      %dma_wait3A_79 = tpu.memref_squeeze %dma_wait3A_78 : memref<1x128xi32, #tpu.memory_space<vmem>> -> memref<128xi32, #tpu.memory_space<vmem>>
      %dma_wait3A_80 = arith.constant 0 : i32
      %dma_wait3A_81 = arith.constant 0 : i32
      %dma_wait3A_82 = tpu.memref_slice %arg4[%dma_wait3A_80, %dma_wait3A_81] : memref<10000x128xf32, #tpu.memory_space<hbm>> -> memref<10000x128xf32, #tpu.memory_space<hbm>>
      tpu.wait_indirect_dma semaphore(%arg11 : memref<!tpu.dma_semaphore, #tpu.memory_space<semaphore_mem>>) src(%dma_wait3A_82 : memref<10000x128xf32, #tpu.memory_space<hbm>>) dst(%arg9 : memref<128x128xf32, #tpu.memory_space<vmem>>)
      %dma_wait3A_83 = arith.constant 38 : i32
      %dma_wait3A_84 = arith.constant 0 : i32
      %dma_wait3A_85 = tpu.memref_slice %arg7[%dma_wait3A_83, %dma_wait3A_84] : memref<40x128xi32, #tpu.memory_space<vmem>> -> memref<1x128xi32, #tpu.memory_space<vmem>>
      %dma_wait3A_86 = tpu.memref_squeeze %dma_wait3A_85 : memref<1x128xi32, #tpu.memory_space<vmem>> -> memref<128xi32, #tpu.memory_space<vmem>>
      %dma_wait3A_87 = arith.constant 0 : i32
      %dma_wait3A_88 = arith.constant 0 : i32
      %dma_wait3A_89 = tpu.memref_slice %arg14[%dma_wait3A_87, %dma_wait3A_88] : memref<10240x128xf32, #tpu.memory_space<vmem_shared>> -> memref<10240x128xf32, #tpu.memory_space<vmem_shared>>
      tpu.wait_indirect_dma semaphore(%arg12 : memref<!tpu.dma_semaphore, #tpu.memory_space<semaphore_mem>>) src(%arg8 : memref<128x128xf32, #tpu.memory_space<vmem>>) dst(%dma_wait3A_89 : memref<10240x128xf32, #tpu.memory_space<vmem_shared>>)
      %dma_start3A_90 = arith.constant 39 : i32
      %dma_start3A_91 = arith.constant 0 : i32
      %dma_start3A_92 = tpu.memref_slice %arg7[%dma_start3A_90, %dma_start3A_91] : memref<40x128xi32, #tpu.memory_space<vmem>> -> memref<1x128xi32, #tpu.memory_space<vmem>>
      %dma_start3A_93 = tpu.memref_squeeze %dma_start3A_92 : memref<1x128xi32, #tpu.memory_space<vmem>> -> memref<128xi32, #tpu.memory_space<vmem>>
      %dma_start3A_94 = arith.constant 0 : i32
      %dma_start3A_95 = arith.constant 0 : i32
      %dma_start3A_96 = tpu.memref_slice %arg14[%dma_start3A_94, %dma_start3A_95] : memref<10240x128xf32, #tpu.memory_space<vmem_shared>> -> memref<10240x128xf32, #tpu.memory_space<vmem_shared>>
      tpu.enqueue_indirect_dma source(%arg9 : memref<128x128xf32, #tpu.memory_space<vmem>>) target(%dma_start3A_96 : memref<10240x128xf32, #tpu.memory_space<vmem_shared>>) offsets(%dma_start3A_93 : memref<128xi32, #tpu.memory_space<vmem>>) semaphore(%arg13 : memref<!tpu.dma_semaphore, #tpu.memory_space<semaphore_mem>>) {add = true}
      %dma_wait3A_97 = arith.constant 39 : i32
      %dma_wait3A_98 = arith.constant 0 : i32
      %dma_wait3A_99 = tpu.memref_slice %arg7[%dma_wait3A_97, %dma_wait3A_98] : memref<40x128xi32, #tpu.memory_space<vmem>> -> memref<1x128xi32, #tpu.memory_space<vmem>>
      %dma_wait3A_100 = tpu.memref_squeeze %dma_wait3A_99 : memref<1x128xi32, #tpu.memory_space<vmem>> -> memref<128xi32, #tpu.memory_space<vmem>>
      %dma_wait3A_101 = arith.constant 0 : i32
      %dma_wait3A_102 = arith.constant 0 : i32
      %dma_wait3A_103 = tpu.memref_slice %arg14[%dma_wait3A_101, %dma_wait3A_102] : memref<10240x128xf32, #tpu.memory_space<vmem_shared>> -> memref<10240x128xf32, #tpu.memory_space<vmem_shared>>
      tpu.wait_indirect_dma semaphore(%arg13 : memref<!tpu.dma_semaphore, #tpu.memory_space<semaphore_mem>>) src(%arg9 : memref<128x128xf32, #tpu.memory_space<vmem>>) dst(%dma_wait3A_103 : memref<10240x128xf32, #tpu.memory_space<vmem_shared>>)
    }
    %scan3A_33 = arith.constant 2 : i32
    %barrier3A_34 = arith.constant 0 : index
    tpu.barrier barrier_id(%barrier3A_34)
    %mul3A_35 = arith.constant 640 : i32
    %mul3A_36 = arith.muli %arg1, %mul3A_35 : i32
    %mul3A_37 = arith.constant 640 : i32
    %mul3A_38 = arith.muli %arg1, %mul3A_37 : i32
    "tpu.region"() ({
      %run_scoped3A = tpu.sem_alloc : memref<!tpu.dma_semaphore, #tpu.memory_space<semaphore_mem>>
      %dma_start3A = arith.constant 0 : i32
      %dma_start3A_39 = tpu.memref_slice %arg5[%arg0, %mul3A_38, %dma_start3A] : memref<2x10240x128xf32, #tpu.memory_space<hbm>> -> memref<1x640x128xf32, #tpu.memory_space<hbm>>
      %dma_start3A_40 = tpu.memref_squeeze %dma_start3A_39 : memref<1x640x128xf32, #tpu.memory_space<hbm>> -> memref<640x128xf32, #tpu.memory_space<hbm>>
      %dma_start3A_41 = arith.constant 0 : i32
      %dma_start3A_42 = tpu.memref_slice %arg14[%mul3A_36, %dma_start3A_41] : memref<10240x128xf32, #tpu.memory_space<vmem_shared>> -> memref<640x128xf32, #tpu.memory_space<vmem_shared>>
      tpu.enqueue_dma source(%dma_start3A_42 : memref<640x128xf32, #tpu.memory_space<vmem_shared>>) target(%dma_start3A_40 : memref<640x128xf32, #tpu.memory_space<hbm>>) target_semaphore(%run_scoped3A : memref<!tpu.dma_semaphore, #tpu.memory_space<semaphore_mem>>)
      %dma_wait3A = arith.constant 0 : i32
      %dma_wait3A_43 = tpu.memref_slice %arg5[%arg0, %mul3A_38, %dma_wait3A] : memref<2x10240x128xf32, #tpu.memory_space<hbm>> -> memref<1x640x128xf32, #tpu.memory_space<hbm>>
      %dma_wait3A_44 = tpu.memref_squeeze %dma_wait3A_43 : memref<1x640x128xf32, #tpu.memory_space<hbm>> -> memref<640x128xf32, #tpu.memory_space<hbm>>
      %dma_wait3A_45 = arith.constant 0 : i32
      %dma_wait3A_46 = tpu.memref_slice %arg14[%mul3A_36, %dma_wait3A_45] : memref<10240x128xf32, #tpu.memory_space<vmem_shared>> -> memref<640x128xf32, #tpu.memory_space<vmem_shared>>
      tpu.wait_dma2 semaphore(%run_scoped3A : memref<!tpu.dma_semaphore, #tpu.memory_space<semaphore_mem>>) src(%dma_wait3A_46 : memref<640x128xf32, #tpu.memory_space<vmem_shared>>) dst(%dma_wait3A_44 : memref<640x128xf32, #tpu.memory_space<hbm>>)
      tpu.yield
    }) : () -> ()
    return
  }
}

module attributes {stable_mosaic.version = 14 : i64} {
  func.func @_tmin_body(%arg0: i32, %arg1: memref<1000x128xf32, #tpu.memory_space<vmem>>, %arg2: memref<1x1xi32, #tpu.memory_space<smem>>, %arg3: memref<1xi32, #tpu.memory_space<smem>>) attributes {dimension_semantics = [#tpu.dimension_semantics<arbitrary>], iteration_bounds = array<i64: 10>, scalar_prefetch = 0 : i64, scratch_operands = 1 : i64, tpu.core_type = #tpu.core_type<tc>, window_params = [{transform_indices = @transform_0, window_bounds = array<i64: 1000, 128>}, {transform_indices = @transform_1, window_bounds = array<i64: 1, 1>}]} {
    %eq3A = arith.constant 0 : i32
    %eq3A_0 = arith.cmpi eq, %arg0, %eq3A : i32
    %convert_element_type3A = arith.extui %eq3A_0 : i1 to i32
    %cond3A = arith.constant 0 : i32
    %cond3A_1 = arith.cmpi ne, %convert_element_type3A, %cond3A : i32
    scf.if %cond3A_1 {
      %swap3A_17 = arith.constant 2147483647 : i32
      %swap3A_18 = arith.constant 0 : index
      %swap3A_19 = memref.load %arg3[%swap3A_18] : memref<1xi32, #tpu.memory_space<smem>>
      memref.store %swap3A_17, %arg3[%swap3A_18] : memref<1xi32, #tpu.memory_space<smem>>
    } else {
    }
    %get3A = arith.constant 0 : index
    %get3A_2 = arith.constant 0 : index
    %get3A_3 = vector.load %arg1[%get3A, %get3A_2] : memref<1000x128xf32, #tpu.memory_space<vmem>>, vector<1000x128xf32>
    %convert_element_type3A_4 = arith.fptosi %get3A_3 : vector<1000x128xf32> to vector<1000x128xi32>
    %get3A_5 = arith.constant 0 : index
    %get3A_6 = memref.load %arg3[%get3A_5] : memref<1xi32, #tpu.memory_space<smem>>
    %slice3A = vector.extract_strided_slice %convert_element_type3A_4 {offsets = [0, 5], sizes = [1000, 1], strides = [1, 1]} : vector<1000x128xi32> to vector<1000x1xi32>
    %reduce_min3A = vector.shape_cast %slice3A : vector<1000x1xi32> to vector<1x1000x1xi32>
    %reduce_min3A_7 = arith.constant dense<2147483647> : vector<1xi32>
    %reduce_min3A_8 = vector.multi_reduction <minsi>, %reduce_min3A, %reduce_min3A_7 [1, 2] : vector<1x1000x1xi32> to vector<1xi32>
    %reduce_min3A_9 = vector.shape_cast %reduce_min3A_8 : vector<1xi32> to vector<1x1x1xi32>
    %reduce_min3A_10 = vector.extract %reduce_min3A_9[0, 0, 0] : i32 from vector<1x1x1xi32>
    %min3A = arith.minsi %get3A_6, %reduce_min3A_10 : i32
    %swap3A = arith.constant 0 : index
    %swap3A_11 = memref.load %arg3[%swap3A] : memref<1xi32, #tpu.memory_space<smem>>
    memref.store %min3A, %arg3[%swap3A] : memref<1xi32, #tpu.memory_space<smem>>
    %eq3A_12 = arith.constant 9 : i32
    %eq3A_13 = arith.cmpi eq, %arg0, %eq3A_12 : i32
    %convert_element_type3A_14 = arith.extui %eq3A_13 : i1 to i32
    %cond3A_15 = arith.constant 0 : i32
    %cond3A_16 = arith.cmpi ne, %convert_element_type3A_14, %cond3A_15 : i32
    scf.if %cond3A_16 {
      %get3A_17 = arith.constant 0 : index
      %get3A_18 = memref.load %arg3[%get3A_17] : memref<1xi32, #tpu.memory_space<smem>>
      %swap3A_19 = arith.constant 0 : index
      %swap3A_20 = arith.constant 0 : index
      %swap3A_21 = memref.load %arg2[%swap3A_19, %swap3A_20] : memref<1x1xi32, #tpu.memory_space<smem>>
      memref.store %get3A_18, %arg2[%swap3A_19, %swap3A_20] : memref<1x1xi32, #tpu.memory_space<smem>>
    } else {
    }
    return
  }
  func.func @transform_0(%arg0: i32) -> (i32, i32) {
    %c0_i32 = arith.constant 0 : i32
    %c0_i32_0 = arith.constant 0 : i32
    return %arg0, %c0_i32 : i32, i32
  }
  func.func @transform_1(%arg0: i32) -> (i32, i32) {
    %c0_i32 = arith.constant 0 : i32
    %c0_i32_0 = arith.constant 0 : i32
    %c0_i32_1 = arith.constant 0 : i32
    return %c0_i32, %c0_i32_0 : i32, i32
  }
}

module attributes {stable_mosaic.version = 14 : i64} {
  func.func @_seg_body(%arg0: i32, %arg1: memref<1x1xi32, #tpu.memory_space<smem>>, %arg2: memref<1000x128xf32, #tpu.memory_space<vmem>>, %arg3: memref<64x128xf32, #tpu.memory_space<vmem>>, %arg4: memref<64x1xf32, #tpu.memory_space<vmem>>) attributes {dimension_semantics = [#tpu.dimension_semantics<arbitrary>], iteration_bounds = array<i64: 10>, scalar_prefetch = 0 : i64, scratch_operands = 0 : i64, tpu.core_type = #tpu.core_type<tc>, window_params = [{transform_indices = @transform_0, window_bounds = array<i64: 1, 1>}, {transform_indices = @transform_1, window_bounds = array<i64: 1000, 128>}, {pipeline_mode = #tpu.pipeline_mode<synchronous>, transform_indices = @transform_2, window_bounds = array<i64: 64, 128>}, {pipeline_mode = #tpu.pipeline_mode<synchronous>, transform_indices = @transform_3, window_bounds = array<i64: 64, 1>}]} {
    %eq3A = arith.constant 0 : i32
    %eq3A_0 = arith.cmpi eq, %arg0, %eq3A : i32
    %convert_element_type3A = arith.extui %eq3A_0 : i1 to i32
    %cond3A = arith.constant 0 : i32
    %cond3A_1 = arith.cmpi ne, %convert_element_type3A, %cond3A : i32
    scf.if %cond3A_1 {
      %broadcast_in_dim3A_33 = arith.constant 0.000000e+00 : f32
      %broadcast_in_dim3A_34 = vector.broadcast %broadcast_in_dim3A_33 : f32 to vector<64x128xf32>
      %swap3A_35 = arith.constant 0 : index
      %swap3A_36 = arith.constant 0 : index
      %swap3A_37 = vector.load %arg3[%swap3A_35, %swap3A_36] : memref<64x128xf32, #tpu.memory_space<vmem>>, vector<64x128xf32>
      tpu.vector_store %arg3[%swap3A_35, %swap3A_36], %broadcast_in_dim3A_34 {strides = array<i32>} : memref<64x128xf32, #tpu.memory_space<vmem>>, vector<64x128xf32>,
      %broadcast_in_dim3A_38 = arith.constant 0.000000e+00 : f32
      %broadcast_in_dim3A_39 = vector.broadcast %broadcast_in_dim3A_38 : f32 to vector<64x1xf32>
      %swap3A_40 = arith.constant 0 : index
      %swap3A_41 = arith.constant 0 : index
      %swap3A_42 = vector.load %arg4[%swap3A_40, %swap3A_41] : memref<64x1xf32, #tpu.memory_space<vmem>>, vector<64x1xf32>
      tpu.vector_store %arg4[%swap3A_40, %swap3A_41], %broadcast_in_dim3A_39 {strides = array<i32>} : memref<64x1xf32, #tpu.memory_space<vmem>>, vector<64x1xf32>,
    } else {
    }
    %get3A = arith.constant 0 : index
    %get3A_2 = arith.constant 0 : index
    %get3A_3 = vector.load %arg2[%get3A, %get3A_2] : memref<1000x128xf32, #tpu.memory_space<vmem>>, vector<1000x128xf32>
    %slice3A = vector.extract_strided_slice %get3A_3 {offsets = [0, 5], sizes = [1000, 1], strides = [1, 1]} : vector<1000x128xf32> to vector<1000x1xf32>
    %convert_element_type3A_4 = arith.fptosi %slice3A : vector<1000x1xf32> to vector<1000x1xi32>
    %get3A_5 = arith.constant 0 : index
    %get3A_6 = arith.constant 0 : index
    %get3A_7 = memref.load %arg1[%get3A_5, %get3A_6] : memref<1x1xi32, #tpu.memory_space<smem>>
    %sub3A = vector.broadcast %get3A_7 : i32 to vector<1000x1xi32>
    %sub3A_8 = arith.subi %convert_element_type3A_4, %sub3A : vector<1000x1xi32>
    %iota3A = tpu.iota {dimensions = array<i32: 1>} : vector<1000x64xi32>
    %eq3A_9 = vector.broadcast %sub3A_8 : vector<1000x1xi32> to vector<1000x64xi32>
    %eq3A_10 = arith.cmpi eq, %iota3A, %eq3A_9 : vector<1000x64xi32>
    %lt3A = arith.constant 64 : i32
    %lt3A_11 = vector.broadcast %lt3A : i32 to vector<1000x1xi32>
    %lt3A_12 = arith.cmpi slt, %sub3A_8, %lt3A_11 : vector<1000x1xi32>
    %and3A = vector.broadcast %lt3A_12 : vector<1000x1xi1> to vector<1000x64xi1>
    %and3A_13 = arith.andi %eq3A_10, %and3A : vector<1000x64xi1>
    %jit3A = arith.constant 1.000000e+00 : f32
    %jit3A_14 = arith.constant 0.000000e+00 : f32
    %broadcast_in_dim3A = vector.broadcast %jit3A : f32 to vector<1000x64xf32>
    %broadcast_in_dim3A_15 = vector.broadcast %jit3A_14 : f32 to vector<1000x64xf32>
    %select_n3A = arith.select %and3A_13, %broadcast_in_dim3A, %broadcast_in_dim3A_15 : vector<1000x64xi1>, vector<1000x64xf32>
    %get3A_16 = arith.constant 0 : index
    %get3A_17 = arith.constant 0 : index
    %get3A_18 = vector.load %arg3[%get3A_16, %get3A_17] : memref<64x128xf32, #tpu.memory_space<vmem>>, vector<64x128xf32>
    %dot_general3A = arith.constant dense<0.000000e+00> : vector<64x128xf32>
    %dot_general3A_19 = tpu.matmul %select_n3A, %get3A_3, %dot_general3A {dimension_numbers = #tpu.dot_dimension_numbers<[0], [0], [1], [1], [0, 1, 1, 1], [], []>, transpose_lhs_hint = false} : vector<1000x64xf32>, vector<1000x128xf32>, vector<64x128xf32> -> vector<64x128xf32>
    %add3A = arith.addf %get3A_18, %dot_general3A_19 : vector<64x128xf32>
    %swap3A = arith.constant 0 : index
    %swap3A_20 = arith.constant 0 : index
    %swap3A_21 = vector.load %arg3[%swap3A, %swap3A_20] : memref<64x128xf32, #tpu.memory_space<vmem>>, vector<64x128xf32>
    tpu.vector_store %arg3[%swap3A, %swap3A_20], %add3A {strides = array<i32>} : memref<64x128xf32, #tpu.memory_space<vmem>>, vector<64x128xf32>,
    %get3A_22 = arith.constant 0 : index
    %get3A_23 = arith.constant 0 : index
    %get3A_24 = vector.load %arg4[%get3A_22, %get3A_23] : memref<64x1xf32, #tpu.memory_space<vmem>>, vector<64x1xf32>
    %broadcast_in_dim3A_25 = arith.constant 1.000000e+00 : f32
    %broadcast_in_dim3A_26 = vector.broadcast %broadcast_in_dim3A_25 : f32 to vector<1000x1xf32>
    %dot_general3A_27 = arith.constant dense<0.000000e+00> : vector<64x1xf32>
    %dot_general3A_28 = tpu.matmul %select_n3A, %broadcast_in_dim3A_26, %dot_general3A_27 {dimension_numbers = #tpu.dot_dimension_numbers<[0], [0], [1], [1], [0, 1, 1, 1], [], []>, transpose_lhs_hint = false} : vector<1000x64xf32>, vector<1000x1xf32>, vector<64x1xf32> -> vector<64x1xf32>
    %add3A_29 = arith.addf %get3A_24, %dot_general3A_28 : vector<64x1xf32>
    %swap3A_30 = arith.constant 0 : index
    %swap3A_31 = arith.constant 0 : index
    %swap3A_32 = vector.load %arg4[%swap3A_30, %swap3A_31] : memref<64x1xf32, #tpu.memory_space<vmem>>, vector<64x1xf32>
    tpu.vector_store %arg4[%swap3A_30, %swap3A_31], %add3A_29 {strides = array<i32>} : memref<64x1xf32, #tpu.memory_space<vmem>>, vector<64x1xf32>,
    return
  }
  func.func @transform_0(%arg0: i32) -> (i32, i32) {
    %c0_i32 = arith.constant 0 : i32
    %c0_i32_0 = arith.constant 0 : i32
    %c0_i32_1 = arith.constant 0 : i32
    return %c0_i32, %c0_i32_0 : i32, i32
  }
  func.func @transform_1(%arg0: i32) -> (i32, i32) {
    %c0_i32 = arith.constant 0 : i32
    %c0_i32_0 = arith.constant 0 : i32
    return %arg0, %c0_i32 : i32, i32
  }
  func.func @transform_2(%arg0: i32) -> (i32, i32) {
    %c0_i32 = arith.constant 0 : i32
    %c0_i32_0 = arith.constant 0 : i32
    %c0_i32_1 = arith.constant 0 : i32
    return %c0_i32, %c0_i32_0 : i32, i32
  }
  func.func @transform_3(%arg0: i32) -> (i32, i32) {
    %c0_i32 = arith.constant 0 : i32
    %c0_i32_0 = arith.constant 0 : i32
    %c0_i32_1 = arith.constant 0 : i32
    return %c0_i32, %c0_i32_0 : i32, i32
  }
}

module attributes {stable_mosaic.version = 14 : i64} {
  func.func @_attn_body(%arg0: memref<64x128xf32, #tpu.memory_space<vmem>>, %arg1: memref<64x1xf32, #tpu.memory_space<vmem>>, %arg2: memref<128x64xf32, #tpu.memory_space<vmem>>, %arg3: memref<1x64xf32, #tpu.memory_space<vmem>>, %arg4: memref<64x1xf32, #tpu.memory_space<vmem>>, %arg5: memref<64x1xf32, #tpu.memory_space<vmem>>) attributes {dimension_semantics = [], scalar_prefetch = 0 : i64, scratch_operands = 0 : i64, tpu.core_type = #tpu.core_type<tc>} {
    %get3A = arith.constant 0 : index
    %get3A_0 = arith.constant 0 : index
    %get3A_1 = vector.load %arg1[%get3A, %get3A_0] : memref<64x1xf32, #tpu.memory_space<vmem>>, vector<64x1xf32>
    %get3A_2 = arith.constant 0 : index
    %get3A_3 = arith.constant 0 : index
    %get3A_4 = vector.load %arg0[%get3A_2, %get3A_3] : memref<64x128xf32, #tpu.memory_space<vmem>>, vector<64x128xf32>
    %max3A = arith.constant 1.000000e+00 : f32
    %max3A_5 = vector.broadcast %max3A : f32 to vector<64x1xf32>
    %max3A_6 = arith.maximumf %get3A_1, %max3A_5 : vector<64x1xf32>
    %div3A = vector.broadcast %max3A_6 : vector<64x1xf32> to vector<64x128xf32>
    %div3A_7 = arith.divf %get3A_4, %div3A : vector<64x128xf32>
    %get3A_8 = arith.constant 0 : index
    %get3A_9 = arith.constant 0 : index
    %get3A_10 = vector.load %arg2[%get3A_8, %get3A_9] : memref<128x64xf32, #tpu.memory_space<vmem>>, vector<128x64xf32>
    %dot_general3A = arith.constant dense<0.000000e+00> : vector<64x64xf32>
    %dot_general3A_11 = tpu.matmul %div3A_7, %get3A_10, %dot_general3A {dimension_numbers = #tpu.dot_dimension_numbers<[1], [0], [0], [1], [0, 0, 1, 1], [], []>, transpose_lhs_hint = false} : vector<64x128xf32>, vector<128x64xf32>, vector<64x64xf32> -> vector<64x64xf32>
    %get3A_12 = arith.constant 0 : index
    %get3A_13 = arith.constant 0 : index
    %get3A_14 = vector.load %arg3[%get3A_12, %get3A_13] : memref<1x64xf32, #tpu.memory_space<vmem>>, vector<1x64xf32>
    %add3A = vector.broadcast %get3A_14 : vector<1x64xf32> to vector<64x64xf32>
    %add3A_15 = arith.addf %dot_general3A_11, %add3A : vector<64x64xf32>
    %tanh3A = math.tanh %add3A_15 : vector<64x64xf32>
    %get3A_16 = arith.constant 0 : index
    %get3A_17 = arith.constant 0 : index
    %get3A_18 = vector.load %arg4[%get3A_16, %get3A_17] : memref<64x1xf32, #tpu.memory_space<vmem>>, vector<64x1xf32>
    %dot_general3A_19 = arith.constant dense<0.000000e+00> : vector<64x1xf32>
    %dot_general3A_20 = tpu.matmul %tanh3A, %get3A_18, %dot_general3A_19 {dimension_numbers = #tpu.dot_dimension_numbers<[1], [0], [0], [1], [0, 0, 1, 1], [], []>, transpose_lhs_hint = false} : vector<64x64xf32>, vector<64x1xf32>, vector<64x1xf32> -> vector<64x1xf32>
    %gt3A = arith.constant 0.000000e+00 : f32
    %gt3A_21 = vector.broadcast %gt3A : f32 to vector<64x1xf32>
    %gt3A_22 = arith.cmpf ogt, %get3A_1, %gt3A_21 : vector<64x1xf32>
    %jit3A = arith.constant -1.000000e+30 : f32
    %broadcast_in_dim3A = vector.broadcast %jit3A : f32 to vector<64x1xf32>
    %select_n3A = arith.select %gt3A_22, %dot_general3A_20, %broadcast_in_dim3A : vector<64x1xi1>, vector<64x1xf32>
    %reduce_max3A = arith.constant dense<0xFF800000> : vector<1xf32>
    %reduce_max3A_23 = vector.multi_reduction <maximumf>, %select_n3A, %reduce_max3A [0] : vector<64x1xf32> to vector<1xf32>
    %broadcast_in_dim3A_24 = vector.shape_cast %reduce_max3A_23 : vector<1xf32> to vector<1x1xf32>
    %sub3A = vector.broadcast %broadcast_in_dim3A_24 : vector<1x1xf32> to vector<64x1xf32>
    %sub3A_25 = arith.subf %select_n3A, %sub3A : vector<64x1xf32>
    %exp3A = math.exp %sub3A_25 : vector<64x1xf32>
    %reduce_sum3A = arith.constant dense<0.000000e+00> : vector<1xf32>
    %reduce_sum3A_26 = vector.multi_reduction <add>, %exp3A, %reduce_sum3A [0] : vector<64x1xf32> to vector<1xf32>
    %broadcast_in_dim3A_27 = vector.shape_cast %reduce_sum3A_26 : vector<1xf32> to vector<1x1xf32>
    %div3A_28 = vector.broadcast %broadcast_in_dim3A_27 : vector<1x1xf32> to vector<64x1xf32>
    %div3A_29 = arith.divf %exp3A, %div3A_28 : vector<64x1xf32>
    %swap3A = arith.constant 0 : index
    %swap3A_30 = arith.constant 0 : index
    %swap3A_31 = vector.load %arg5[%swap3A, %swap3A_30] : memref<64x1xf32, #tpu.memory_space<vmem>>, vector<64x1xf32>
    tpu.vector_store %arg5[%swap3A, %swap3A_30], %div3A_29 {strides = array<i32>} : memref<64x1xf32, #tpu.memory_space<vmem>>, vector<64x1xf32>,
    return
  }
}

module attributes {stable_mosaic.version = 14 : i64} {
  func.func @_k0_body(%arg0: i32, %arg1: memref<1x1xi32, #tpu.memory_space<smem>>, %arg2: memref<1000x128xf32, #tpu.memory_space<vmem>>, %arg3: memref<1000x2xf32, #tpu.memory_space<vmem>>, %arg4: memref<64x1xf32, #tpu.memory_space<vmem>>, %arg5: memref<128x128xf32, #tpu.memory_space<vmem>>, %arg6: memref<1x128xf32, #tpu.memory_space<vmem>>, %arg7: memref<1000x128xf32, #tpu.memory_space<vmem>>, %arg8: memref<1000x1xf32, #tpu.memory_space<vmem>>) attributes {dimension_semantics = [#tpu.dimension_semantics<arbitrary>], iteration_bounds = array<i64: 10>, scalar_prefetch = 0 : i64, scratch_operands = 0 : i64, tpu.core_type = #tpu.core_type<tc>, window_params = [{transform_indices = @transform_0, window_bounds = array<i64: 1, 1>}, {transform_indices = @transform_1, window_bounds = array<i64: 1000, 128>}, {transform_indices = @transform_2, window_bounds = array<i64: 1000, 2>}, {pipeline_mode = #tpu.pipeline_mode<synchronous>, transform_indices = @transform_3, window_bounds = array<i64: 64, 1>}, {pipeline_mode = #tpu.pipeline_mode<synchronous>, transform_indices = @transform_4, window_bounds = array<i64: 128, 128>}, {pipeline_mode = #tpu.pipeline_mode<synchronous>, transform_indices = @transform_5, window_bounds = array<i64: 1, 128>}, {transform_indices = @transform_6, window_bounds = array<i64: 1000, 128>}, {transform_indices = @transform_7, window_bounds = array<i64: 1000, 1>}]} {
    %get3A = arith.constant 0 : index
    %get3A_0 = arith.constant 0 : index
    %get3A_1 = vector.load %arg2[%get3A, %get3A_0] : memref<1000x128xf32, #tpu.memory_space<vmem>>, vector<1000x128xf32>
    %get3A_2 = arith.constant 0 : index
    %get3A_3 = arith.constant 0 : index
    %get3A_4 = vector.load %arg3[%get3A_2, %get3A_3] : memref<1000x2xf32, #tpu.memory_space<vmem>>, vector<1000x1xf32>
    %get3A_5 = arith.constant 0 : index
    %get3A_6 = arith.constant 1 : index
    %get3A_7 = vector.load %arg3[%get3A_5, %get3A_6] : memref<1000x2xf32, #tpu.memory_space<vmem>>, vector<1000x1xf32>
    %add3A = arith.addf %get3A_4, %get3A_7 : vector<1000x1xf32>
    %add3A_8 = arith.constant 1.000000e+00 : f32
    %add3A_9 = vector.broadcast %add3A_8 : f32 to vector<1000x1xf32>
    %add3A_10 = arith.addf %add3A, %add3A_9 : vector<1000x1xf32>
    %rsqrt3A = math.rsqrt %add3A_10 : vector<1000x1xf32>
    %slice3A = vector.extract_strided_slice %get3A_1 {offsets = [0, 5], sizes = [1000, 1], strides = [1, 1]} : vector<1000x128xf32> to vector<1000x1xf32>
    %convert_element_type3A = arith.fptosi %slice3A : vector<1000x1xf32> to vector<1000x1xi32>
    %get3A_11 = arith.constant 0 : index
    %get3A_12 = arith.constant 0 : index
    %get3A_13 = memref.load %arg1[%get3A_11, %get3A_12] : memref<1x1xi32, #tpu.memory_space<smem>>
    %sub3A = vector.broadcast %get3A_13 : i32 to vector<1000x1xi32>
    %sub3A_14 = arith.subi %convert_element_type3A, %sub3A : vector<1000x1xi32>
    %min3A = arith.constant 63 : i32
    %min3A_15 = vector.broadcast %min3A : i32 to vector<1000x1xi32>
    %min3A_16 = arith.minsi %sub3A_14, %min3A_15 : vector<1000x1xi32>
    %iota3A = tpu.iota {dimensions = array<i32: 1>} : vector<1000x64xi32>
    %eq3A = vector.broadcast %min3A_16 : vector<1000x1xi32> to vector<1000x64xi32>
    %eq3A_17 = arith.cmpi eq, %iota3A, %eq3A : vector<1000x64xi32>
    %jit3A = arith.constant 1.000000e+00 : f32
    %jit3A_18 = arith.constant 0.000000e+00 : f32
    %broadcast_in_dim3A = vector.broadcast %jit3A : f32 to vector<1000x64xf32>
    %broadcast_in_dim3A_19 = vector.broadcast %jit3A_18 : f32 to vector<1000x64xf32>
    %select_n3A = arith.select %eq3A_17, %broadcast_in_dim3A, %broadcast_in_dim3A_19 : vector<1000x64xi1>, vector<1000x64xf32>
    %get3A_20 = arith.constant 0 : index
    %get3A_21 = arith.constant 0 : index
    %get3A_22 = vector.load %arg4[%get3A_20, %get3A_21] : memref<64x1xf32, #tpu.memory_space<vmem>>, vector<64x1xf32>
    %dot_general3A = arith.constant dense<0.000000e+00> : vector<1000x1xf32>
    %dot_general3A_23 = tpu.matmul %select_n3A, %get3A_22, %dot_general3A {dimension_numbers = #tpu.dot_dimension_numbers<[1], [0], [0], [1], [0, 0, 1, 1], [], []>, transpose_lhs_hint = false} : vector<1000x64xf32>, vector<64x1xf32>, vector<1000x1xf32> -> vector<1000x1xf32>
    %get3A_24 = arith.constant 0 : index
    %get3A_25 = arith.constant 0 : index
    %get3A_26 = vector.load %arg5[%get3A_24, %get3A_25] : memref<128x128xf32, #tpu.memory_space<vmem>>, vector<128x128xf32>
    %dot_general3A_27 = arith.constant dense<0.000000e+00> : vector<1000x128xf32>
    %dot_general3A_28 = tpu.matmul %get3A_1, %get3A_26, %dot_general3A_27 {dimension_numbers = #tpu.dot_dimension_numbers<[1], [0], [0], [1], [0, 0, 1, 1], [], []>, transpose_lhs_hint = false} : vector<1000x128xf32>, vector<128x128xf32>, vector<1000x128xf32> -> vector<1000x128xf32>
    %get3A_29 = arith.constant 0 : index
    %get3A_30 = arith.constant 0 : index
    %get3A_31 = vector.load %arg6[%get3A_29, %get3A_30] : memref<1x128xf32, #tpu.memory_space<vmem>>, vector<1x128xf32>
    %mul3A = vector.broadcast %dot_general3A_23 : vector<1000x1xf32> to vector<1000x128xf32>
    %mul3A_32 = vector.broadcast %get3A_31 : vector<1x128xf32> to vector<1000x128xf32>
    %mul3A_33 = arith.mulf %mul3A, %mul3A_32 : vector<1000x128xf32>
    %add3A_34 = arith.addf %dot_general3A_28, %mul3A_33 : vector<1000x128xf32>
    %mul3A_35 = vector.broadcast %rsqrt3A : vector<1000x1xf32> to vector<1000x128xf32>
    %mul3A_36 = arith.mulf %mul3A_35, %add3A_34 : vector<1000x128xf32>
    %swap3A = arith.constant 0 : index
    %swap3A_37 = arith.constant 0 : index
    %swap3A_38 = vector.load %arg7[%swap3A, %swap3A_37] : memref<1000x128xf32, #tpu.memory_space<vmem>>, vector<1000x128xf32>
    tpu.vector_store %arg7[%swap3A, %swap3A_37], %mul3A_36 {strides = array<i32>} : memref<1000x128xf32, #tpu.memory_space<vmem>>, vector<1000x128xf32>,
    %swap3A_39 = arith.constant 0 : index
    %swap3A_40 = arith.constant 0 : index
    %swap3A_41 = vector.load %arg8[%swap3A_39, %swap3A_40] : memref<1000x1xf32, #tpu.memory_space<vmem>>, vector<1000x1xf32>
    tpu.vector_store %arg8[%swap3A_39, %swap3A_40], %rsqrt3A {strides = array<i32>} : memref<1000x1xf32, #tpu.memory_space<vmem>>, vector<1000x1xf32>,
    return
  }
  func.func @transform_0(%arg0: i32) -> (i32, i32) {
    %c0_i32 = arith.constant 0 : i32
    %c0_i32_0 = arith.constant 0 : i32
    %c0_i32_1 = arith.constant 0 : i32
    return %c0_i32, %c0_i32_0 : i32, i32
  }
  func.func @transform_1(%arg0: i32) -> (i32, i32) {
    %c0_i32 = arith.constant 0 : i32
    %c0_i32_0 = arith.constant 0 : i32
    return %arg0, %c0_i32 : i32, i32
  }
  func.func @transform_2(%arg0: i32) -> (i32, i32) {
    %c0_i32 = arith.constant 0 : i32
    %c0_i32_0 = arith.constant 0 : i32
    return %arg0, %c0_i32 : i32, i32
  }
  func.func @transform_3(%arg0: i32) -> (i32, i32) {
    %c0_i32 = arith.constant 0 : i32
    %c0_i32_0 = arith.constant 0 : i32
    %c0_i32_1 = arith.constant 0 : i32
    return %c0_i32, %c0_i32_0 : i32, i32
  }
  func.func @transform_4(%arg0: i32) -> (i32, i32) {
    %c0_i32 = arith.constant 0 : i32
    %c0_i32_0 = arith.constant 0 : i32
    %c0_i32_1 = arith.constant 0 : i32
    return %c0_i32, %c0_i32_0 : i32, i32
  }
  func.func @transform_5(%arg0: i32) -> (i32, i32) {
    %c0_i32 = arith.constant 0 : i32
    %c0_i32_0 = arith.constant 0 : i32
    %c0_i32_1 = arith.constant 0 : i32
    return %c0_i32, %c0_i32_0 : i32, i32
  }
  func.func @transform_6(%arg0: i32) -> (i32, i32) {
    %c0_i32 = arith.constant 0 : i32
    %c0_i32_0 = arith.constant 0 : i32
    return %arg0, %c0_i32 : i32, i32
  }
  func.func @transform_7(%arg0: i32) -> (i32, i32) {
    %c0_i32 = arith.constant 0 : i32
    %c0_i32_0 = arith.constant 0 : i32
    return %arg0, %c0_i32 : i32, i32
  }
}

module attributes {stable_mosaic.version = 14 : i64} {
  func.func @_layer_body(%arg0: i32, %arg1: i32, %arg2: memref<2x1000x128xf32, #tpu.memory_space<vmem>>, %arg3: memref<1000x128xf32, #tpu.memory_space<vmem>>, %arg4: memref<1000x1xf32, #tpu.memory_space<vmem>>, %arg5: memref<1x128xf32, #tpu.memory_space<vmem>>, %arg6: memref<1x128xf32, #tpu.memory_space<vmem>>, %arg7: memref<1x128xf32, #tpu.memory_space<vmem>>, %arg8: memref<128x128xf32, #tpu.memory_space<vmem>>, %arg9: memref<1000x128xf32, #tpu.memory_space<vmem>>, %arg10: memref<10000x128xf32, #tpu.memory_space<vmem>>, %arg11: memref<2x128xf32, #tpu.memory_space<vmem>>) attributes {dimension_semantics = [#tpu.dimension_semantics<arbitrary>, #tpu.dimension_semantics<arbitrary>], iteration_bounds = array<i64: 2, 10>, scalar_prefetch = 0 : i64, scratch_operands = 2 : i64, tpu.core_type = #tpu.core_type<tc>, window_params = [{transform_indices = @transform_0, window_bounds = array<i64: 2, 1000, 128>}, {transform_indices = @transform_1, window_bounds = array<i64: 1000, 128>}, {transform_indices = @transform_2, window_bounds = array<i64: 1000, 1>}, {pipeline_mode = #tpu.pipeline_mode<synchronous>, transform_indices = @transform_3, window_bounds = array<i64: 1, 128>}, {pipeline_mode = #tpu.pipeline_mode<synchronous>, transform_indices = @transform_4, window_bounds = array<i64: 1, 128>}, {pipeline_mode = #tpu.pipeline_mode<synchronous>, transform_indices = @transform_5, window_bounds = array<i64: 1, 128>}, {pipeline_mode = #tpu.pipeline_mode<synchronous>, transform_indices = @transform_6, window_bounds = array<i64: 128, 128>}, {transform_indices = @transform_7, window_bounds = array<i64: 1000, 128>}]} {
    %eq3A = arith.constant 0 : i32
    %eq3A_0 = arith.cmpi eq, %arg0, %eq3A : i32
    %eq3A_1 = arith.constant 0 : i32
    %eq3A_2 = arith.cmpi eq, %arg1, %eq3A_1 : i32
    %and3A = arith.andi %eq3A_0, %eq3A_2 : i1
    %convert_element_type3A = arith.extui %and3A : i1 to i32
    %cond3A = arith.constant 0 : i32
    %cond3A_3 = arith.cmpi ne, %convert_element_type3A, %cond3A : i32
    scf.if %cond3A_3 {
      %broadcast_in_dim3A = arith.constant 0.000000e+00 : f32
      %broadcast_in_dim3A_14 = vector.broadcast %broadcast_in_dim3A : f32 to vector<2x128xf32>
      %swap3A = arith.constant 0 : index
      %swap3A_15 = arith.constant 0 : index
      %swap3A_16 = vector.load %arg11[%swap3A, %swap3A_15] : memref<2x128xf32, #tpu.memory_space<vmem>>, vector<2x128xf32>
      tpu.vector_store %arg11[%swap3A, %swap3A_15], %broadcast_in_dim3A_14 {strides = array<i32>} : memref<2x128xf32, #tpu.memory_space<vmem>>, vector<2x128xf32>,
    } else {
    }
    %eq3A_4 = arith.constant 0 : i32
    %eq3A_5 = arith.cmpi eq, %arg0, %eq3A_4 : i32
    %convert_element_type3A_6 = arith.extui %eq3A_5 : i1 to i32
    %cond3A_7 = arith.constant 0 : i32
    %cond3A_8 = arith.cmpi ne, %convert_element_type3A_6, %cond3A_7 : i32
    scf.if %cond3A_8 {
      %get3A = arith.constant 0 : index
      %get3A_14 = arith.constant 0 : index
      %get3A_15 = vector.load %arg4[%get3A, %get3A_14] : memref<1000x1xf32, #tpu.memory_space<vmem>>, vector<1000x1xf32>
      %get3A_16 = arith.constant 0 : index
      %get3A_17 = arith.constant 0 : index
      %get3A_18 = arith.constant 0 : index
      %get3A_19 = vector.load %arg2[%get3A_16, %get3A_17, %get3A_18] : memref<2x1000x128xf32, #tpu.memory_space<vmem>>, vector<1x1000x128xf32>
      %get3A_20 = vector.shape_cast %get3A_19 : vector<1x1000x128xf32> to vector<1000x128xf32>
      %get3A_21 = arith.constant 1 : index
      %get3A_22 = arith.constant 0 : index
      %get3A_23 = arith.constant 0 : index
      %get3A_24 = vector.load %arg2[%get3A_21, %get3A_22, %get3A_23] : memref<2x1000x128xf32, #tpu.memory_space<vmem>>, vector<1x1000x128xf32>
      %get3A_25 = vector.shape_cast %get3A_24 : vector<1x1000x128xf32> to vector<1000x128xf32>
      %add3A = arith.addf %get3A_20, %get3A_25 : vector<1000x128xf32>
      %get3A_26 = arith.constant 0 : index
      %get3A_27 = arith.constant 0 : index
      %get3A_28 = vector.load %arg3[%get3A_26, %get3A_27] : memref<1000x128xf32, #tpu.memory_space<vmem>>, vector<1000x128xf32>
      %add3A_29 = arith.addf %add3A, %get3A_28 : vector<1000x128xf32>
      %mul3A = vector.broadcast %get3A_15 : vector<1000x1xf32> to vector<1000x128xf32>
      %mul3A_30 = arith.mulf %mul3A, %add3A_29 : vector<1000x128xf32>
      %get3A_31 = arith.constant 0 : index
      %get3A_32 = arith.constant 0 : index
      %get3A_33 = vector.load %arg5[%get3A_31, %get3A_32] : memref<1x128xf32, #tpu.memory_space<vmem>>, vector<1x128xf32>
      %add3A_34 = vector.broadcast %get3A_33 : vector<1x128xf32> to vector<1000x128xf32>
      %add3A_35 = arith.addf %mul3A_30, %add3A_34 : vector<1000x128xf32>
      %mul3A_36 = arith.constant 1000 : i32
      %mul3A_37 = arith.muli %arg1, %mul3A_36 : i32
      %swap3A = arith.index_cast %mul3A_37 : i32 to index
      %swap3A_38 = arith.constant 0 : index
      %swap3A_39 = vector.load %arg10[%swap3A, %swap3A_38] : memref<10000x128xf32, #tpu.memory_space<vmem>>, vector<1000x128xf32>
      tpu.vector_store %arg10[%swap3A, %swap3A_38], %add3A_35 {strides = array<i32>} : memref<10000x128xf32, #tpu.memory_space<vmem>>, vector<1000x128xf32>,
      %get3A_40 = arith.constant 0 : index
      %get3A_41 = arith.constant 0 : index
      %get3A_42 = vector.load %arg11[%get3A_40, %get3A_41] : memref<2x128xf32, #tpu.memory_space<vmem>>, vector<1x128xf32>
      %reduce_sum3A = arith.constant dense<0.000000e+00> : vector<128xf32>
      %reduce_sum3A_43 = vector.multi_reduction <add>, %add3A_35, %reduce_sum3A [0] : vector<1000x128xf32> to vector<128xf32>
      %broadcast_in_dim3A = vector.shape_cast %reduce_sum3A_43 : vector<128xf32> to vector<1x128xf32>
      %add3A_44 = arith.addf %get3A_42, %broadcast_in_dim3A : vector<1x128xf32>
      %swap3A_45 = arith.constant 0 : index
      %swap3A_46 = arith.constant 0 : index
      %swap3A_47 = vector.load %arg11[%swap3A_45, %swap3A_46] : memref<2x128xf32, #tpu.memory_space<vmem>>, vector<1x128xf32>
      tpu.vector_store %arg11[%swap3A_45, %swap3A_46], %add3A_44 {strides = array<i32>} : memref<2x128xf32, #tpu.memory_space<vmem>>, vector<1x128xf32>,
      %get3A_48 = arith.constant 1 : index
      %get3A_49 = arith.constant 0 : index
      %get3A_50 = vector.load %arg11[%get3A_48, %get3A_49] : memref<2x128xf32, #tpu.memory_space<vmem>>, vector<1x128xf32>
      %mul3A_51 = arith.mulf %add3A_35, %add3A_35 : vector<1000x128xf32>
      %reduce_sum3A_52 = arith.constant dense<0.000000e+00> : vector<128xf32>
      %reduce_sum3A_53 = vector.multi_reduction <add>, %mul3A_51, %reduce_sum3A_52 [0] : vector<1000x128xf32> to vector<128xf32>
      %broadcast_in_dim3A_54 = vector.shape_cast %reduce_sum3A_53 : vector<128xf32> to vector<1x128xf32>
      %add3A_55 = arith.addf %get3A_50, %broadcast_in_dim3A_54 : vector<1x128xf32>
      %swap3A_56 = arith.constant 1 : index
      %swap3A_57 = arith.constant 0 : index
      %swap3A_58 = vector.load %arg11[%swap3A_56, %swap3A_57] : memref<2x128xf32, #tpu.memory_space<vmem>>, vector<1x128xf32>
      tpu.vector_store %arg11[%swap3A_56, %swap3A_57], %add3A_55 {strides = array<i32>} : memref<2x128xf32, #tpu.memory_space<vmem>>, vector<1x128xf32>,
    } else {
    }
    %eq3A_9 = arith.constant 1 : i32
    %eq3A_10 = arith.cmpi eq, %arg0, %eq3A_9 : i32
    %convert_element_type3A_11 = arith.extui %eq3A_10 : i1 to i32
    %cond3A_12 = arith.constant 0 : i32
    %cond3A_13 = arith.cmpi ne, %convert_element_type3A_11, %cond3A_12 : i32
    scf.if %cond3A_13 {
      %get3A = arith.constant 0 : index
      %get3A_14 = arith.constant 0 : index
      %get3A_15 = vector.load %arg11[%get3A, %get3A_14] : memref<2x128xf32, #tpu.memory_space<vmem>>, vector<2x128xf32>
      %slice3A = vector.extract_strided_slice %get3A_15 {offsets = [0, 0], sizes = [1, 128], strides = [1, 1]} : vector<2x128xf32> to vector<1x128xf32>
      %mul3A = arith.constant 9.99999974E-5 : f32
      %mul3A_16 = vector.broadcast %mul3A : f32 to vector<1x128xf32>
      %mul3A_17 = arith.mulf %slice3A, %mul3A_16 : vector<1x128xf32>
      %slice3A_18 = vector.extract_strided_slice %get3A_15 {offsets = [1, 0], sizes = [1, 128], strides = [1, 1]} : vector<2x128xf32> to vector<1x128xf32>
      %mul3A_19 = arith.constant 9.99999974E-5 : f32
      %mul3A_20 = vector.broadcast %mul3A_19 : f32 to vector<1x128xf32>
      %mul3A_21 = arith.mulf %slice3A_18, %mul3A_20 : vector<1x128xf32>
      %mul3A_22 = arith.mulf %mul3A_17, %mul3A_17 : vector<1x128xf32>
      %sub3A = arith.subf %mul3A_21, %mul3A_22 : vector<1x128xf32>
      %add3A = arith.constant 9.99999974E-6 : f32
      %add3A_23 = vector.broadcast %add3A : f32 to vector<1x128xf32>
      %add3A_24 = arith.addf %sub3A, %add3A_23 : vector<1x128xf32>
      %rsqrt3A = math.rsqrt %add3A_24 : vector<1x128xf32>
      %mul3A_25 = arith.constant 1000 : i32
      %mul3A_26 = arith.muli %arg1, %mul3A_25 : i32
      %get3A_27 = arith.index_cast %mul3A_26 : i32 to index
      %get3A_28 = arith.constant 0 : index
      %get3A_29 = vector.load %arg10[%get3A_27, %get3A_28] : memref<10000x128xf32, #tpu.memory_space<vmem>>, vector<1000x128xf32>
      %sub3A_30 = vector.broadcast %mul3A_17 : vector<1x128xf32> to vector<1000x128xf32>
      %sub3A_31 = arith.subf %get3A_29, %sub3A_30 : vector<1000x128xf32>
      %get3A_32 = arith.constant 0 : index
      %get3A_33 = arith.constant 0 : index
      %get3A_34 = vector.load %arg6[%get3A_32, %get3A_33] : memref<1x128xf32, #tpu.memory_space<vmem>>, vector<1x128xf32>
      %mul3A_35 = arith.mulf %rsqrt3A, %get3A_34 : vector<1x128xf32>
      %mul3A_36 = vector.broadcast %mul3A_35 : vector<1x128xf32> to vector<1000x128xf32>
      %mul3A_37 = arith.mulf %sub3A_31, %mul3A_36 : vector<1000x128xf32>
      %get3A_38 = arith.constant 0 : index
      %get3A_39 = arith.constant 0 : index
      %get3A_40 = vector.load %arg7[%get3A_38, %get3A_39] : memref<1x128xf32, #tpu.memory_space<vmem>>, vector<1x128xf32>
      %add3A_41 = vector.broadcast %get3A_40 : vector<1x128xf32> to vector<1000x128xf32>
      %add3A_42 = arith.addf %mul3A_37, %add3A_41 : vector<1000x128xf32>
      %gt3A = arith.constant 0.000000e+00 : f32
      %gt3A_43 = vector.broadcast %gt3A : f32 to vector<1000x128xf32>
      %gt3A_44 = arith.cmpf ogt, %add3A_42, %gt3A_43 : vector<1000x128xf32>
      %exp3A = math.exp %add3A_42 : vector<1000x128xf32>
      %sub3A_45 = arith.constant 1.000000e+00 : f32
      %sub3A_46 = vector.broadcast %sub3A_45 : f32 to vector<1000x128xf32>
      %sub3A_47 = arith.subf %exp3A, %sub3A_46 : vector<1000x128xf32>
      %select_n3A = arith.select %gt3A_44, %add3A_42, %sub3A_47 : vector<1000x128xi1>, vector<1000x128xf32>
      %get3A_48 = arith.constant 0 : index
      %get3A_49 = arith.constant 0 : index
      %get3A_50 = vector.load %arg4[%get3A_48, %get3A_49] : memref<1000x1xf32, #tpu.memory_space<vmem>>, vector<1000x1xf32>
      %get3A_51 = arith.constant 0 : index
      %get3A_52 = arith.constant 0 : index
      %get3A_53 = vector.load %arg8[%get3A_51, %get3A_52] : memref<128x128xf32, #tpu.memory_space<vmem>>, vector<128x128xf32>
      %dot_general3A = arith.constant dense<0.000000e+00> : vector<1000x128xf32>
      %dot_general3A_54 = tpu.matmul %select_n3A, %get3A_53, %dot_general3A {dimension_numbers = #tpu.dot_dimension_numbers<[1], [0], [0], [1], [0, 0, 1, 1], [], []>, transpose_lhs_hint = false} : vector<1000x128xf32>, vector<128x128xf32>, vector<1000x128xf32> -> vector<1000x128xf32>
      %mul3A_55 = vector.broadcast %get3A_50 : vector<1000x1xf32> to vector<1000x128xf32>
      %mul3A_56 = arith.mulf %mul3A_55, %dot_general3A_54 : vector<1000x128xf32>
      %swap3A = arith.constant 0 : index
      %swap3A_57 = arith.constant 0 : index
      %swap3A_58 = vector.load %arg9[%swap3A, %swap3A_57] : memref<1000x128xf32, #tpu.memory_space<vmem>>, vector<1000x128xf32>
      tpu.vector_store %arg9[%swap3A, %swap3A_57], %mul3A_56 {strides = array<i32>} : memref<1000x128xf32, #tpu.memory_space<vmem>>, vector<1000x128xf32>,
    } else {
    }
    return
  }
  func.func @transform_0(%arg0: i32, %arg1: i32) -> (i32, i32, i32) {
    %eq3A = arith.constant 0 : i32
    %eq3A_0 = arith.cmpi eq, %arg0, %eq3A : i32
    %jit3A = arith.constant 0 : i32
    %select_n3A = arith.select %eq3A_0, %arg1, %jit3A : i32
    %c0_i32 = arith.constant 0 : i32
    %c0_i32_1 = arith.constant 0 : i32
    %c0_i32_2 = arith.constant 0 : i32
    return %c0_i32, %select_n3A, %c0_i32_1 : i32, i32, i32
  }
  func.func @transform_1(%arg0: i32, %arg1: i32) -> (i32, i32) {
    %eq3A = arith.constant 0 : i32
    %eq3A_0 = arith.cmpi eq, %arg0, %eq3A : i32
    %jit3A = arith.constant 0 : i32
    %select_n3A = arith.select %eq3A_0, %arg1, %jit3A : i32
    %c0_i32 = arith.constant 0 : i32
    %c0_i32_1 = arith.constant 0 : i32
    return %select_n3A, %c0_i32 : i32, i32
  }
  func.func @transform_2(%arg0: i32, %arg1: i32) -> (i32, i32) {
    %c0_i32 = arith.constant 0 : i32
    %c0_i32_0 = arith.constant 0 : i32
    return %arg1, %c0_i32 : i32, i32
  }
  func.func @transform_3(%arg0: i32, %arg1: i32) -> (i32, i32) {
    %c0_i32 = arith.constant 0 : i32
    %c0_i32_0 = arith.constant 0 : i32
    %c0_i32_1 = arith.constant 0 : i32
    return %c0_i32, %c0_i32_0 : i32, i32
  }
  func.func @transform_4(%arg0: i32, %arg1: i32) -> (i32, i32) {
    %c0_i32 = arith.constant 0 : i32
    %c0_i32_0 = arith.constant 0 : i32
    %c0_i32_1 = arith.constant 0 : i32
    return %c0_i32, %c0_i32_0 : i32, i32
  }
  func.func @transform_5(%arg0: i32, %arg1: i32) -> (i32, i32) {
    %c0_i32 = arith.constant 0 : i32
    %c0_i32_0 = arith.constant 0 : i32
    %c0_i32_1 = arith.constant 0 : i32
    return %c0_i32, %c0_i32_0 : i32, i32
  }
  func.func @transform_6(%arg0: i32, %arg1: i32) -> (i32, i32) {
    %c0_i32 = arith.constant 0 : i32
    %c0_i32_0 = arith.constant 0 : i32
    %c0_i32_1 = arith.constant 0 : i32
    return %c0_i32, %c0_i32_0 : i32, i32
  }
  func.func @transform_7(%arg0: i32, %arg1: i32) -> (i32, i32) {
    %eq3A = arith.constant 1 : i32
    %eq3A_0 = arith.cmpi eq, %arg0, %eq3A : i32
    %jit3A = arith.constant 0 : i32
    %select_n3A = arith.select %eq3A_0, %arg1, %jit3A : i32
    %c0_i32 = arith.constant 0 : i32
    %c0_i32_1 = arith.constant 0 : i32
    return %select_n3A, %c0_i32 : i32, i32
  }
}

module attributes {stable_mosaic.version = 14 : i64} {
  func.func @_lpool_body(%arg0: i32, %arg1: i32, %arg2: memref<2x1000x128xf32, #tpu.memory_space<vmem>>, %arg3: memref<1000x128xf32, #tpu.memory_space<vmem>>, %arg4: memref<1000x1xf32, #tpu.memory_space<vmem>>, %arg5: memref<1x128xf32, #tpu.memory_space<vmem>>, %arg6: memref<1x128xf32, #tpu.memory_space<vmem>>, %arg7: memref<1x128xf32, #tpu.memory_space<vmem>>, %arg8: memref<1000x1xi32, #tpu.memory_space<vmem>>, %arg9: memref<512x128xf32, #tpu.memory_space<vmem>>, %arg10: memref<512x1xf32, #tpu.memory_space<vmem>>, %arg11: memref<10000x128xf32, #tpu.memory_space<vmem>>, %arg12: memref<2x128xf32, #tpu.memory_space<vmem>>) attributes {dimension_semantics = [#tpu.dimension_semantics<arbitrary>, #tpu.dimension_semantics<arbitrary>], iteration_bounds = array<i64: 2, 10>, scalar_prefetch = 0 : i64, scratch_operands = 2 : i64, tpu.core_type = #tpu.core_type<tc>, window_params = [{transform_indices = @transform_0, window_bounds = array<i64: 2, 1000, 128>}, {transform_indices = @transform_1, window_bounds = array<i64: 1000, 128>}, {transform_indices = @transform_2, window_bounds = array<i64: 1000, 1>}, {pipeline_mode = #tpu.pipeline_mode<synchronous>, transform_indices = @transform_3, window_bounds = array<i64: 1, 128>}, {pipeline_mode = #tpu.pipeline_mode<synchronous>, transform_indices = @transform_4, window_bounds = array<i64: 1, 128>}, {pipeline_mode = #tpu.pipeline_mode<synchronous>, transform_indices = @transform_5, window_bounds = array<i64: 1, 128>}, {transform_indices = @transform_6, window_bounds = array<i64: 1000, 1>}, {pipeline_mode = #tpu.pipeline_mode<synchronous>, transform_indices = @transform_7, window_bounds = array<i64: 512, 128>}, {pipeline_mode = #tpu.pipeline_mode<synchronous>, transform_indices = @transform_8, window_bounds = array<i64: 512, 1>}]} {
    %eq3A = arith.constant 0 : i32
    %eq3A_0 = arith.cmpi eq, %arg0, %eq3A : i32
    %eq3A_1 = arith.constant 0 : i32
    %eq3A_2 = arith.cmpi eq, %arg1, %eq3A_1 : i32
    %and3A = arith.andi %eq3A_0, %eq3A_2 : i1
    %convert_element_type3A = arith.extui %and3A : i1 to i32
    %cond3A = arith.constant 0 : i32
    %cond3A_3 = arith.cmpi ne, %convert_element_type3A, %cond3A : i32
    scf.if %cond3A_3 {
      %broadcast_in_dim3A = arith.constant 0.000000e+00 : f32
      %broadcast_in_dim3A_22 = vector.broadcast %broadcast_in_dim3A : f32 to vector<2x128xf32>
      %swap3A = arith.constant 0 : index
      %swap3A_23 = arith.constant 0 : index
      %swap3A_24 = vector.load %arg12[%swap3A, %swap3A_23] : memref<2x128xf32, #tpu.memory_space<vmem>>, vector<2x128xf32>
      tpu.vector_store %arg12[%swap3A, %swap3A_23], %broadcast_in_dim3A_22 {strides = array<i32>} : memref<2x128xf32, #tpu.memory_space<vmem>>, vector<2x128xf32>,
    } else {
    }
    %eq3A_4 = arith.constant 0 : i32
    %eq3A_5 = arith.cmpi eq, %arg0, %eq3A_4 : i32
    %convert_element_type3A_6 = arith.extui %eq3A_5 : i1 to i32
    %cond3A_7 = arith.constant 0 : i32
    %cond3A_8 = arith.cmpi ne, %convert_element_type3A_6, %cond3A_7 : i32
    scf.if %cond3A_8 {
      %get3A = arith.constant 0 : index
      %get3A_22 = arith.constant 0 : index
      %get3A_23 = vector.load %arg4[%get3A, %get3A_22] : memref<1000x1xf32, #tpu.memory_space<vmem>>, vector<1000x1xf32>
      %get3A_24 = arith.constant 0 : index
      %get3A_25 = arith.constant 0 : index
      %get3A_26 = arith.constant 0 : index
      %get3A_27 = vector.load %arg2[%get3A_24, %get3A_25, %get3A_26] : memref<2x1000x128xf32, #tpu.memory_space<vmem>>, vector<1x1000x128xf32>
      %get3A_28 = vector.shape_cast %get3A_27 : vector<1x1000x128xf32> to vector<1000x128xf32>
      %get3A_29 = arith.constant 1 : index
      %get3A_30 = arith.constant 0 : index
      %get3A_31 = arith.constant 0 : index
      %get3A_32 = vector.load %arg2[%get3A_29, %get3A_30, %get3A_31] : memref<2x1000x128xf32, #tpu.memory_space<vmem>>, vector<1x1000x128xf32>
      %get3A_33 = vector.shape_cast %get3A_32 : vector<1x1000x128xf32> to vector<1000x128xf32>
      %add3A = arith.addf %get3A_28, %get3A_33 : vector<1000x128xf32>
      %get3A_34 = arith.constant 0 : index
      %get3A_35 = arith.constant 0 : index
      %get3A_36 = vector.load %arg3[%get3A_34, %get3A_35] : memref<1000x128xf32, #tpu.memory_space<vmem>>, vector<1000x128xf32>
      %add3A_37 = arith.addf %add3A, %get3A_36 : vector<1000x128xf32>
      %mul3A = vector.broadcast %get3A_23 : vector<1000x1xf32> to vector<1000x128xf32>
      %mul3A_38 = arith.mulf %mul3A, %add3A_37 : vector<1000x128xf32>
      %get3A_39 = arith.constant 0 : index
      %get3A_40 = arith.constant 0 : index
      %get3A_41 = vector.load %arg5[%get3A_39, %get3A_40] : memref<1x128xf32, #tpu.memory_space<vmem>>, vector<1x128xf32>
      %add3A_42 = vector.broadcast %get3A_41 : vector<1x128xf32> to vector<1000x128xf32>
      %add3A_43 = arith.addf %mul3A_38, %add3A_42 : vector<1000x128xf32>
      %mul3A_44 = arith.constant 1000 : i32
      %mul3A_45 = arith.muli %arg1, %mul3A_44 : i32
      %swap3A = arith.index_cast %mul3A_45 : i32 to index
      %swap3A_46 = arith.constant 0 : index
      %swap3A_47 = vector.load %arg11[%swap3A, %swap3A_46] : memref<10000x128xf32, #tpu.memory_space<vmem>>, vector<1000x128xf32>
      tpu.vector_store %arg11[%swap3A, %swap3A_46], %add3A_43 {strides = array<i32>} : memref<10000x128xf32, #tpu.memory_space<vmem>>, vector<1000x128xf32>,
      %get3A_48 = arith.constant 0 : index
      %get3A_49 = arith.constant 0 : index
      %get3A_50 = vector.load %arg12[%get3A_48, %get3A_49] : memref<2x128xf32, #tpu.memory_space<vmem>>, vector<1x128xf32>
      %reduce_sum3A = arith.constant dense<0.000000e+00> : vector<128xf32>
      %reduce_sum3A_51 = vector.multi_reduction <add>, %add3A_43, %reduce_sum3A [0] : vector<1000x128xf32> to vector<128xf32>
      %broadcast_in_dim3A = vector.shape_cast %reduce_sum3A_51 : vector<128xf32> to vector<1x128xf32>
      %add3A_52 = arith.addf %get3A_50, %broadcast_in_dim3A : vector<1x128xf32>
      %swap3A_53 = arith.constant 0 : index
      %swap3A_54 = arith.constant 0 : index
      %swap3A_55 = vector.load %arg12[%swap3A_53, %swap3A_54] : memref<2x128xf32, #tpu.memory_space<vmem>>, vector<1x128xf32>
      tpu.vector_store %arg12[%swap3A_53, %swap3A_54], %add3A_52 {strides = array<i32>} : memref<2x128xf32, #tpu.memory_space<vmem>>, vector<1x128xf32>,
      %get3A_56 = arith.constant 1 : index
      %get3A_57 = arith.constant 0 : index
      %get3A_58 = vector.load %arg12[%get3A_56, %get3A_57] : memref<2x128xf32, #tpu.memory_space<vmem>>, vector<1x128xf32>
      %mul3A_59 = arith.mulf %add3A_43, %add3A_43 : vector<1000x128xf32>
      %reduce_sum3A_60 = arith.constant dense<0.000000e+00> : vector<128xf32>
      %reduce_sum3A_61 = vector.multi_reduction <add>, %mul3A_59, %reduce_sum3A_60 [0] : vector<1000x128xf32> to vector<128xf32>
      %broadcast_in_dim3A_62 = vector.shape_cast %reduce_sum3A_61 : vector<128xf32> to vector<1x128xf32>
      %add3A_63 = arith.addf %get3A_58, %broadcast_in_dim3A_62 : vector<1x128xf32>
      %swap3A_64 = arith.constant 1 : index
      %swap3A_65 = arith.constant 0 : index
      %swap3A_66 = vector.load %arg12[%swap3A_64, %swap3A_65] : memref<2x128xf32, #tpu.memory_space<vmem>>, vector<1x128xf32>
      tpu.vector_store %arg12[%swap3A_64, %swap3A_65], %add3A_63 {strides = array<i32>} : memref<2x128xf32, #tpu.memory_space<vmem>>, vector<1x128xf32>,
    } else {
    }
    %eq3A_9 = arith.constant 1 : i32
    %eq3A_10 = arith.cmpi eq, %arg0, %eq3A_9 : i32
    %eq3A_11 = arith.constant 0 : i32
    %eq3A_12 = arith.cmpi eq, %arg1, %eq3A_11 : i32
    %and3A_13 = arith.andi %eq3A_10, %eq3A_12 : i1
    %convert_element_type3A_14 = arith.extui %and3A_13 : i1 to i32
    %cond3A_15 = arith.constant 0 : i32
    %cond3A_16 = arith.cmpi ne, %convert_element_type3A_14, %cond3A_15 : i32
    scf.if %cond3A_16 {
      %broadcast_in_dim3A = arith.constant 0.000000e+00 : f32
      %broadcast_in_dim3A_22 = vector.broadcast %broadcast_in_dim3A : f32 to vector<512x128xf32>
      %swap3A = arith.constant 0 : index
      %swap3A_23 = arith.constant 0 : index
      %swap3A_24 = vector.load %arg9[%swap3A, %swap3A_23] : memref<512x128xf32, #tpu.memory_space<vmem>>, vector<512x128xf32>
      tpu.vector_store %arg9[%swap3A, %swap3A_23], %broadcast_in_dim3A_22 {strides = array<i32>} : memref<512x128xf32, #tpu.memory_space<vmem>>, vector<512x128xf32>,
      %broadcast_in_dim3A_25 = arith.constant 0.000000e+00 : f32
      %broadcast_in_dim3A_26 = vector.broadcast %broadcast_in_dim3A_25 : f32 to vector<512x1xf32>
      %swap3A_27 = arith.constant 0 : index
      %swap3A_28 = arith.constant 0 : index
      %swap3A_29 = vector.load %arg10[%swap3A_27, %swap3A_28] : memref<512x1xf32, #tpu.memory_space<vmem>>, vector<512x1xf32>
      tpu.vector_store %arg10[%swap3A_27, %swap3A_28], %broadcast_in_dim3A_26 {strides = array<i32>} : memref<512x1xf32, #tpu.memory_space<vmem>>, vector<512x1xf32>,
    } else {
    }
    %eq3A_17 = arith.constant 1 : i32
    %eq3A_18 = arith.cmpi eq, %arg0, %eq3A_17 : i32
    %convert_element_type3A_19 = arith.extui %eq3A_18 : i1 to i32
    %cond3A_20 = arith.constant 0 : i32
    %cond3A_21 = arith.cmpi ne, %convert_element_type3A_19, %cond3A_20 : i32
    scf.if %cond3A_21 {
      %get3A = arith.constant 0 : index
      %get3A_22 = arith.constant 0 : index
      %get3A_23 = vector.load %arg12[%get3A, %get3A_22] : memref<2x128xf32, #tpu.memory_space<vmem>>, vector<2x128xf32>
      %slice3A = vector.extract_strided_slice %get3A_23 {offsets = [0, 0], sizes = [1, 128], strides = [1, 1]} : vector<2x128xf32> to vector<1x128xf32>
      %mul3A = arith.constant 9.99999974E-5 : f32
      %mul3A_24 = vector.broadcast %mul3A : f32 to vector<1x128xf32>
      %mul3A_25 = arith.mulf %slice3A, %mul3A_24 : vector<1x128xf32>
      %slice3A_26 = vector.extract_strided_slice %get3A_23 {offsets = [1, 0], sizes = [1, 128], strides = [1, 1]} : vector<2x128xf32> to vector<1x128xf32>
      %mul3A_27 = arith.constant 9.99999974E-5 : f32
      %mul3A_28 = vector.broadcast %mul3A_27 : f32 to vector<1x128xf32>
      %mul3A_29 = arith.mulf %slice3A_26, %mul3A_28 : vector<1x128xf32>
      %mul3A_30 = arith.mulf %mul3A_25, %mul3A_25 : vector<1x128xf32>
      %sub3A = arith.subf %mul3A_29, %mul3A_30 : vector<1x128xf32>
      %add3A = arith.constant 9.99999974E-6 : f32
      %add3A_31 = vector.broadcast %add3A : f32 to vector<1x128xf32>
      %add3A_32 = arith.addf %sub3A, %add3A_31 : vector<1x128xf32>
      %rsqrt3A = math.rsqrt %add3A_32 : vector<1x128xf32>
      %mul3A_33 = arith.constant 1000 : i32
      %mul3A_34 = arith.muli %arg1, %mul3A_33 : i32
      %get3A_35 = arith.index_cast %mul3A_34 : i32 to index
      %get3A_36 = arith.constant 0 : index
      %get3A_37 = vector.load %arg11[%get3A_35, %get3A_36] : memref<10000x128xf32, #tpu.memory_space<vmem>>, vector<1000x128xf32>
      %sub3A_38 = vector.broadcast %mul3A_25 : vector<1x128xf32> to vector<1000x128xf32>
      %sub3A_39 = arith.subf %get3A_37, %sub3A_38 : vector<1000x128xf32>
      %get3A_40 = arith.constant 0 : index
      %get3A_41 = arith.constant 0 : index
      %get3A_42 = vector.load %arg6[%get3A_40, %get3A_41] : memref<1x128xf32, #tpu.memory_space<vmem>>, vector<1x128xf32>
      %mul3A_43 = arith.mulf %rsqrt3A, %get3A_42 : vector<1x128xf32>
      %mul3A_44 = vector.broadcast %mul3A_43 : vector<1x128xf32> to vector<1000x128xf32>
      %mul3A_45 = arith.mulf %sub3A_39, %mul3A_44 : vector<1000x128xf32>
      %get3A_46 = arith.constant 0 : index
      %get3A_47 = arith.constant 0 : index
      %get3A_48 = vector.load %arg7[%get3A_46, %get3A_47] : memref<1x128xf32, #tpu.memory_space<vmem>>, vector<1x128xf32>
      %add3A_49 = vector.broadcast %get3A_48 : vector<1x128xf32> to vector<1000x128xf32>
      %add3A_50 = arith.addf %mul3A_45, %add3A_49 : vector<1000x128xf32>
      %max3A = arith.constant 0.000000e+00 : f32
      %max3A_51 = vector.broadcast %max3A : f32 to vector<1000x128xf32>
      %max3A_52 = arith.maximumf %add3A_50, %max3A_51 : vector<1000x128xf32>
      %get3A_53 = arith.constant 0 : index
      %get3A_54 = arith.constant 0 : index
      %get3A_55 = vector.load %arg8[%get3A_53, %get3A_54] : memref<1000x1xi32, #tpu.memory_space<vmem>>, vector<1000x1xi32>
      %iota3A = tpu.iota {dimensions = array<i32: 1>} : vector<1000x512xi32>
      %eq3A_56 = vector.broadcast %get3A_55 : vector<1000x1xi32> to vector<1000x512xi32>
      %eq3A_57 = arith.cmpi eq, %iota3A, %eq3A_56 : vector<1000x512xi32>
      %jit3A = arith.constant 1.000000e+00 : f32
      %jit3A_58 = arith.constant 0.000000e+00 : f32
      %broadcast_in_dim3A = vector.broadcast %jit3A : f32 to vector<1000x512xf32>
      %broadcast_in_dim3A_59 = vector.broadcast %jit3A_58 : f32 to vector<1000x512xf32>
      %select_n3A = arith.select %eq3A_57, %broadcast_in_dim3A, %broadcast_in_dim3A_59 : vector<1000x512xi1>, vector<1000x512xf32>
      %get3A_60 = arith.constant 0 : index
      %get3A_61 = arith.constant 0 : index
      %get3A_62 = vector.load %arg9[%get3A_60, %get3A_61] : memref<512x128xf32, #tpu.memory_space<vmem>>, vector<512x128xf32>
      %dot_general3A = arith.constant dense<0.000000e+00> : vector<512x128xf32>
      %dot_general3A_63 = tpu.matmul %select_n3A, %max3A_52, %dot_general3A {dimension_numbers = #tpu.dot_dimension_numbers<[0], [0], [1], [1], [0, 1, 1, 1], [], []>, transpose_lhs_hint = false} : vector<1000x512xf32>, vector<1000x128xf32>, vector<512x128xf32> -> vector<512x128xf32>
      %add3A_64 = arith.addf %get3A_62, %dot_general3A_63 : vector<512x128xf32>
      %swap3A = arith.constant 0 : index
      %swap3A_65 = arith.constant 0 : index
      %swap3A_66 = vector.load %arg9[%swap3A, %swap3A_65] : memref<512x128xf32, #tpu.memory_space<vmem>>, vector<512x128xf32>
      tpu.vector_store %arg9[%swap3A, %swap3A_65], %add3A_64 {strides = array<i32>} : memref<512x128xf32, #tpu.memory_space<vmem>>, vector<512x128xf32>,
      %get3A_67 = arith.constant 0 : index
      %get3A_68 = arith.constant 0 : index
      %get3A_69 = vector.load %arg10[%get3A_67, %get3A_68] : memref<512x1xf32, #tpu.memory_space<vmem>>, vector<512x1xf32>
      %broadcast_in_dim3A_70 = arith.constant 1.000000e+00 : f32
      %broadcast_in_dim3A_71 = vector.broadcast %broadcast_in_dim3A_70 : f32 to vector<1000x1xf32>
      %dot_general3A_72 = arith.constant dense<0.000000e+00> : vector<512x1xf32>
      %dot_general3A_73 = tpu.matmul %select_n3A, %broadcast_in_dim3A_71, %dot_general3A_72 {dimension_numbers = #tpu.dot_dimension_numbers<[0], [0], [1], [1], [0, 1, 1, 1], [], []>, transpose_lhs_hint = false} : vector<1000x512xf32>, vector<1000x1xf32>, vector<512x1xf32> -> vector<512x1xf32>
      %add3A_74 = arith.addf %get3A_69, %dot_general3A_73 : vector<512x1xf32>
      %swap3A_75 = arith.constant 0 : index
      %swap3A_76 = arith.constant 0 : index
      %swap3A_77 = vector.load %arg10[%swap3A_75, %swap3A_76] : memref<512x1xf32, #tpu.memory_space<vmem>>, vector<512x1xf32>
      tpu.vector_store %arg10[%swap3A_75, %swap3A_76], %add3A_74 {strides = array<i32>} : memref<512x1xf32, #tpu.memory_space<vmem>>, vector<512x1xf32>,
    } else {
    }
    return
  }
  func.func @transform_0(%arg0: i32, %arg1: i32) -> (i32, i32, i32) {
    %eq3A = arith.constant 0 : i32
    %eq3A_0 = arith.cmpi eq, %arg0, %eq3A : i32
    %jit3A = arith.constant 0 : i32
    %select_n3A = arith.select %eq3A_0, %arg1, %jit3A : i32
    %c0_i32 = arith.constant 0 : i32
    %c0_i32_1 = arith.constant 0 : i32
    %c0_i32_2 = arith.constant 0 : i32
    return %c0_i32, %select_n3A, %c0_i32_1 : i32, i32, i32
  }
  func.func @transform_1(%arg0: i32, %arg1: i32) -> (i32, i32) {
    %eq3A = arith.constant 0 : i32
    %eq3A_0 = arith.cmpi eq, %arg0, %eq3A : i32
    %jit3A = arith.constant 0 : i32
    %select_n3A = arith.select %eq3A_0, %arg1, %jit3A : i32
    %c0_i32 = arith.constant 0 : i32
    %c0_i32_1 = arith.constant 0 : i32
    return %select_n3A, %c0_i32 : i32, i32
  }
  func.func @transform_2(%arg0: i32, %arg1: i32) -> (i32, i32) {
    %c0_i32 = arith.constant 0 : i32
    %c0_i32_0 = arith.constant 0 : i32
    return %arg1, %c0_i32 : i32, i32
  }
  func.func @transform_3(%arg0: i32, %arg1: i32) -> (i32, i32) {
    %c0_i32 = arith.constant 0 : i32
    %c0_i32_0 = arith.constant 0 : i32
    %c0_i32_1 = arith.constant 0 : i32
    return %c0_i32, %c0_i32_0 : i32, i32
  }
  func.func @transform_4(%arg0: i32, %arg1: i32) -> (i32, i32) {
    %c0_i32 = arith.constant 0 : i32
    %c0_i32_0 = arith.constant 0 : i32
    %c0_i32_1 = arith.constant 0 : i32
    return %c0_i32, %c0_i32_0 : i32, i32
  }
  func.func @transform_5(%arg0: i32, %arg1: i32) -> (i32, i32) {
    %c0_i32 = arith.constant 0 : i32
    %c0_i32_0 = arith.constant 0 : i32
    %c0_i32_1 = arith.constant 0 : i32
    return %c0_i32, %c0_i32_0 : i32, i32
  }
  func.func @transform_6(%arg0: i32, %arg1: i32) -> (i32, i32) {
    %eq3A = arith.constant 1 : i32
    %eq3A_0 = arith.cmpi eq, %arg0, %eq3A : i32
    %jit3A = arith.constant 0 : i32
    %select_n3A = arith.select %eq3A_0, %arg1, %jit3A : i32
    %c0_i32 = arith.constant 0 : i32
    %c0_i32_1 = arith.constant 0 : i32
    return %select_n3A, %c0_i32 : i32, i32
  }
  func.func @transform_7(%arg0: i32, %arg1: i32) -> (i32, i32) {
    %c0_i32 = arith.constant 0 : i32
    %c0_i32_0 = arith.constant 0 : i32
    %c0_i32_1 = arith.constant 0 : i32
    return %c0_i32, %c0_i32_0 : i32, i32
  }
  func.func @transform_8(%arg0: i32, %arg1: i32) -> (i32, i32) {
    %c0_i32 = arith.constant 0 : i32
    %c0_i32_0 = arith.constant 0 : i32
    %c0_i32_1 = arith.constant 0 : i32
    return %c0_i32, %c0_i32_0 : i32, i32
  }
}

module attributes {stable_mosaic.version = 14 : i64} {
  func.func @_final_body(%arg0: memref<512x128xf32, #tpu.memory_space<vmem>>, %arg1: memref<512x1xf32, #tpu.memory_space<vmem>>, %arg2: memref<128x64xf32, #tpu.memory_space<vmem>>, %arg3: memref<1x64xf32, #tpu.memory_space<vmem>>, %arg4: memref<64x1xf32, #tpu.memory_space<vmem>>, %arg5: memref<1x1xf32, #tpu.memory_space<vmem>>, %arg6: memref<512x1xf32, #tpu.memory_space<vmem>>) attributes {dimension_semantics = [], scalar_prefetch = 0 : i64, scratch_operands = 0 : i64, tpu.core_type = #tpu.core_type<tc>} {
    %get3A = arith.constant 0 : index
    %get3A_0 = arith.constant 0 : index
    %get3A_1 = vector.load %arg0[%get3A, %get3A_0] : memref<512x128xf32, #tpu.memory_space<vmem>>, vector<512x128xf32>
    %get3A_2 = arith.constant 0 : index
    %get3A_3 = arith.constant 0 : index
    %get3A_4 = vector.load %arg1[%get3A_2, %get3A_3] : memref<512x1xf32, #tpu.memory_space<vmem>>, vector<512x1xf32>
    %max3A = arith.constant 1.000000e+00 : f32
    %max3A_5 = vector.broadcast %max3A : f32 to vector<512x1xf32>
    %max3A_6 = arith.maximumf %get3A_4, %max3A_5 : vector<512x1xf32>
    %div3A = vector.broadcast %max3A_6 : vector<512x1xf32> to vector<512x128xf32>
    %div3A_7 = arith.divf %get3A_1, %div3A : vector<512x128xf32>
    %get3A_8 = arith.constant 0 : index
    %get3A_9 = arith.constant 0 : index
    %get3A_10 = vector.load %arg2[%get3A_8, %get3A_9] : memref<128x64xf32, #tpu.memory_space<vmem>>, vector<128x64xf32>
    %dot_general3A = arith.constant dense<0.000000e+00> : vector<512x64xf32>
    %dot_general3A_11 = tpu.matmul %div3A_7, %get3A_10, %dot_general3A {dimension_numbers = #tpu.dot_dimension_numbers<[1], [0], [0], [1], [0, 0, 1, 1], [], []>, transpose_lhs_hint = false} : vector<512x128xf32>, vector<128x64xf32>, vector<512x64xf32> -> vector<512x64xf32>
    %get3A_12 = arith.constant 0 : index
    %get3A_13 = arith.constant 0 : index
    %get3A_14 = vector.load %arg3[%get3A_12, %get3A_13] : memref<1x64xf32, #tpu.memory_space<vmem>>, vector<1x64xf32>
    %add3A = vector.broadcast %get3A_14 : vector<1x64xf32> to vector<512x64xf32>
    %add3A_15 = arith.addf %dot_general3A_11, %add3A : vector<512x64xf32>
    %gt3A = arith.constant 0.000000e+00 : f32
    %gt3A_16 = vector.broadcast %gt3A : f32 to vector<512x64xf32>
    %gt3A_17 = arith.cmpf ogt, %add3A_15, %gt3A_16 : vector<512x64xf32>
    %exp3A = math.exp %add3A_15 : vector<512x64xf32>
    %sub3A = arith.constant 1.000000e+00 : f32
    %sub3A_18 = vector.broadcast %sub3A : f32 to vector<512x64xf32>
    %sub3A_19 = arith.subf %exp3A, %sub3A_18 : vector<512x64xf32>
    %select_n3A = arith.select %gt3A_17, %add3A_15, %sub3A_19 : vector<512x64xi1>, vector<512x64xf32>
    %get3A_20 = arith.constant 0 : index
    %get3A_21 = arith.constant 0 : index
    %get3A_22 = vector.load %arg4[%get3A_20, %get3A_21] : memref<64x1xf32, #tpu.memory_space<vmem>>, vector<64x1xf32>
    %dot_general3A_23 = arith.constant dense<0.000000e+00> : vector<512x1xf32>
    %dot_general3A_24 = tpu.matmul %select_n3A, %get3A_22, %dot_general3A_23 {dimension_numbers = #tpu.dot_dimension_numbers<[1], [0], [0], [1], [0, 0, 1, 1], [], []>, transpose_lhs_hint = false} : vector<512x64xf32>, vector<64x1xf32>, vector<512x1xf32> -> vector<512x1xf32>
    %get3A_25 = arith.constant 0 : index
    %get3A_26 = arith.constant 0 : index
    %get3A_27 = vector.load %arg5[%get3A_25, %get3A_26] : memref<1x1xf32, #tpu.memory_space<vmem>>, vector<1x1xf32>
    %add3A_28 = vector.broadcast %get3A_27 : vector<1x1xf32> to vector<512x1xf32>
    %add3A_29 = arith.addf %dot_general3A_24, %add3A_28 : vector<512x1xf32>
    %swap3A = arith.constant 0 : index
    %swap3A_30 = arith.constant 0 : index
    %swap3A_31 = vector.load %arg6[%swap3A, %swap3A_30] : memref<512x1xf32, #tpu.memory_space<vmem>>, vector<512x1xf32>
    tpu.vector_store %arg6[%swap3A, %swap3A_30], %add3A_29 {strides = array<i32>} : memref<512x1xf32, #tpu.memory_space<vmem>>, vector<512x1xf32>,
    return
  }
}

</mosaic_0001>

<sc_bundles>
// kernel: kernel.16.cloned.1.call-start
scs
__scs_entry_jumppad:
0x0: {  	(pc) =	sbr.rel $0x88, $3  }
0x1: {  	(tag) =	ssettag $0x0;
	lr =	simm.s32 $0x1  }
0x2: {  	[smem:$0x3F87] =	sst lr;
	_ =	strace $0xD0000000  }
0x3: {  	_ = 	snop  }
0x4: {  	_ = 	snop  }
0x5: {  	_ = 	snop  }
0x6: {  	_ = 	snop  }
0x7: {  	_ = 	snop  }
__scs_overlays_trampoline_lowered:
0x8: {  	[smem:$0x3F96] =	sst s0  }
0x9: {  	[smem:$0x3F97] =	sst s1  }
0xa: {  	[smem:$0x3F98] =	sst s2  }
0xb: {  	[smem:$0x3F99] =	sst s3  }
0xc: {  	[smem:$0x3F9A] =	sst s4  }
0xd: {  	[smem:$0x3F9B] =	sst s5  }
0xe: {  	[smem:$0x3F9C] =	sst s6  }
0xf: {  	[smem:$0x3F9D] =	sst s7  }
0x10: {  	[smem:$0x3F9E] =	sst s8  }
0x11: {  	[smem:$0x3F9F] =	sst s9;
	s0 =	simm.s32 @!p0 $0x0  }
0x12: {  	s1 =	sld [smem:$0x3F85];
	s0 =	simm.s32 @p0 $0x1  }
0x13: {  	[smem:$0x3FA0] =	sst s0;
	s0 =	simm.s32 @!p1 $0x0  }
0x14: {  	s2 =	sld [smem:$0x3F84];
	s0 =	simm.s32 @p1 $0x1  }
0x15: {  	[smem:$0x3FA1] =	sst s0;
	s0 =	simm.s32 @!p2 $0x0  }
0x16: {  	s3 =	sld [smem:$0x3FDB];
	s0 =	simm.s32 @p2 $0x1  }
0x17: {  	s4 =	simm.s32 $0x1BF5;
	[smem:$0x3FA3] =	sst s0  }
0x18: {  	s0 =	sld [smem:$0x3F86];
	_ =	swait.ge [sflag:s4], $0x0  }
0x19: {  	s7 =	sld [smem:$0x3F87]  }
0x1a: {  	s8 =	sadd.s32 $0xFFFFE003, lr  }
0x1b: {  	s9 =	sadd.s32 $0xFFFFFEF7, lr;
	s5 =	simm.s32 $0xFFFFFFFF;
	p2 =	slt.u32 s8, $0xFFFFF086  }
0x1c: {  	p1 =	slt.u32 s9, $0xF7A;
	s5 =	simm.s32 @!p2 $0x0  }
0x1d: {  	s5 =	simm.s32 @p1 $0x1;
	p0 =	seq.s32 s7, s2  }
0x1e: {  	s7 =	smul.u32 @!p0 $0xF7A, s2;
	p2 =	seq.s32 @!p0 s5, $0x0  }
0x1f: {  	s9 =	smul.u32 $0xF7A, s1;
	s8 =	simm.s32 @!p0 $0x1BF5;
	p2 =	por !p2, p0  }
0x20: {  	[sflag:s8] =	ssyncset.s32 @!p0 $0xFFFFF086;
	s6 =	sadd.s32 @!p0 s3, s7;
	s7 =	simm.s32 @!p0 $0x108  }
0x21: {  	s3 =	sadd.s32 s3, s9;
	s6 =	sadd.s32 @!p0 $0x88, s6;
	s7 =	simm.s32 @p2 $0x1082  }
0x22: {  	[simem:s7], [sflag:s8] =	dma.local @!p0 [hbm:s6], $0xF7A  }
0x23: {  	s9 =	sor.u32 $0xD0000000, s2;
	s6 =	simm.s32 $0x108;
	_ =	swait.ge @!p0 [sflag:s8], $0x0  }
0x24: {  	s3 =	sadd.s32 $0x88, s3;
	s6 =	simm.s32 @!p1 $0x1082;
	[sflag:s4] =	ssyncset.s32 $0xFFFFF086  }
0x25: {  	[simem:s6], [sflag:s4] =	dma.local [hbm:s3], $0xF7A  }
0x26: {  	[smem:$0x3F87] =	sst s1;
	(tag) =	ssettag s2;
	_ =	strace s9  }
0x27: {  	s1 =	sld [smem:$0x3F97]  }
0x28: {  	s2 =	sld [smem:$0x3F98]  }
0x29: {  	s4 =	sld [smem:$0x3F9A]  }
0x2a: {  	p0 =	seq.s32 s5, $0x0;
	s5 =	sld [smem:$0x3F9B]  }
0x2b: {  	s6 =	sld [smem:$0x3F9C]  }
0x2c: {  	s7 =	sld [smem:$0x3F9D]  }
0x2d: {  	s3 =	simm.s32 $0x108;
	s8 =	sld [smem:$0x3F9E]  }
0x2e: {  	s3 =	simm.s32 @!p0 $0x1082;
	s9 =	sld [smem:$0x3F9F]  }
0x2f: {  	lr =	sadd.s32 s0, s3;
	s0 =	sld [smem:$0x3F96]  }
0x30: {  	s3 =	sld [smem:$0x3F99]  }
0x31: {  	[smem:$0x3FA2] =	sst s10  }
0x32: {  	s10 =	sld [smem:$0x3FA0];
	_ =	sdelay $0x3  }
0x33: {  	p0 =	seq.s32 s10, $0x1;
	s10 =	sld [smem:$0x3FA2];
	_ =	sdelay $0x3  }
0x34: {  	[smem:$0x3FA2] =	sst s10  }
0x35: {  	s10 =	sld [smem:$0x3FA1];
	_ =	sdelay $0x3  }
0x36: {  	p1 =	seq.s32 s10, $0x1;
	s10 =	sld [smem:$0x3FA2];
	_ =	sdelay $0x3  }
0x37: {  	[smem:$0x3FA2] =	sst s10  }
0x38: {  	s10 =	sld [smem:$0x3FA3]  }
0x39: {  	_ = 	snop;
	(pc) =	sbr.ind lr, $3  }
0x3a: {  	_ = 	snop  }
0x3b: {  	_ = 	snop  }
0x3c: {  	p2 =	seq.s32 s10, $0x1;
	s10 =	sld [smem:$0x3FA2]  }
0x3d: {  	_ =	shalt  }
0x3e: {  	_ =	shalt  }
0x3f: {  	_ =	shalt  }
0x40: {  	_ =	shalt  }
0x41: {  	_ =	shalt  }
0x42: {  	_ =	shalt  }
0x43: {  	_ =	shalt  }
0x44: {  	_ =	shalt  }
0x45: {  	_ =	shalt  }
0x46: {  	_ =	shalt  }
0x47: {  	_ =	shalt  }
0x48: {  	_ =	shalt  }
0x49: {  	_ =	shalt  }
0x4a: {  	_ =	shalt  }
0x4b: {  	_ =	shalt  }
0x4c: {  	_ =	shalt  }
0x4d: {  	_ =	shalt  }
0x4e: {  	_ =	shalt  }
0x4f: {  	_ =	shalt  }
0x50: {  	_ =	shalt  }
0x51: {  	_ =	shalt  }
0x52: {  	_ =	shalt  }
0x53: {  	_ =	shalt  }
0x54: {  	_ =	shalt  }
0x55: {  	_ =	shalt  }
0x56: {  	_ =	shalt  }
0x57: {  	_ =	shalt  }
0x58: {  	_ =	shalt  }
0x59: {  	_ =	shalt  }
0x5a: {  	_ =	shalt  }
0x5b: {  	_ =	shalt  }
0x5c: {  	_ =	shalt  }
0x5d: {  	_ =	shalt  }
0x5e: {  	_ =	shalt  }
0x5f: {  	_ =	shalt  }
0x60: {  	_ =	shalt  }
0x61: {  	_ =	shalt  }
0x62: {  	_ =	shalt  }
0x63: {  	_ =	shalt  }
0x64: {  	_ =	shalt  }
0x65: {  	_ =	shalt  }
0x66: {  	_ =	shalt  }
0x67: {  	_ =	shalt  }
0x68: {  	_ =	shalt  }
0x69: {  	_ =	shalt  }
0x6a: {  	_ =	shalt  }
0x6b: {  	_ =	shalt  }
0x6c: {  	_ =	shalt  }
0x6d: {  	_ =	shalt  }
0x6e: {  	_ =	shalt  }
0x6f: {  	_ =	shalt  }
0x70: {  	_ =	shalt  }
0x71: {  	_ =	shalt  }
0x72: {  	_ =	shalt  }
0x73: {  	_ =	shalt  }
0x74: {  	_ =	shalt  }
0x75: {  	_ =	shalt  }
0x76: {  	_ =	shalt  }
0x77: {  	_ =	shalt  }
0x78: {  	_ =	shalt  }
0x79: {  	_ =	shalt  }
0x7a: {  	_ =	shalt  }
0x7b: {  	_ =	shalt  }
0x7c: {  	_ =	shalt  }
0x7d: {  	_ =	shalt  }
0x7e: {  	_ =	shalt  }
0x7f: {  	_ =	shalt  }
0x80: {  	_ =	shalt  }
0x81: {  	_ =	shalt  }
0x82: {  	_ =	shalt  }
0x83: {  	_ =	shalt  }
0x84: {  	_ =	shalt  }
0x85: {  	_ =	shalt  }
0x86: {  	_ =	shalt  }
0x87: {  	_ =	shalt  }
.Lfunc_end0:
.L_simem_size_0:
called_computation_lowered:
.L_overlay_start_0:
0x88: {  	s2 =	sld [smem:$0x3FD9]  }
0x89: {  	s3 =	sld [smem:$0x3FFE];
	_ =	sdelay $0x1  }
0x8a: {  	s1 =	srdreg.scid  }
0x8b: {  	s0 =	sand.u32 $0x1, s1  }
0x8c: {  	s16 =	sshll.u32 s0, $0xA;
	s2 =	sadd.s32 s3, s2  }
0x8d: {  	s2 =	sadd.s32 s2, s16  }
0x8e: {  	[smem:$0x3FAE] =	sst s2  }
0x8f: {  	_ = 	snop  }
0x90: {  	(tm) =	ssettm $0x1  }
0x91: {  	s17 =	sld [smem:$0x3FFB];
	_ =	sdelay $0x3  }
0x92: {  	_ =	strace s17  }
0x93: {  	s2 =	sld [smem:$0x3FFC];
	_ =	sdelay $0x3  }
0x94: {  	_ =	strace s2  }
0x95: {  	s2 =	sld [smem:$0x3FFD];
	_ =	sdelay $0x3  }
0x96: {  	_ =	strace s2  }
0x97: {  	_ =	strace $0x8FFFFFFF  }
0x98: {  	s18 =	sld [smem:$0x3FDB];
	_ =	sdelay $0x1  }
0x99: {  	s19 =	simm.s32 $_scs_section_size  }
0x9a: {  	s4 =	simm.s32 $_size__tile_overlayer_lowered;
	s5 =	simm.s32 $_tile_overlayer_lowered  }
0x9b: {  	s22 =	simm.s32 $0x1BFF;
	s21 =	sshll.u32 s5, $0x1;
	s2 =	sadd.s32 s19, s18  }
0x9c: {  	s6 =	simm.s32 $0x0;
	s20 =	sshll.u32 s4, $0x1;
	s4 =	sadd.s32 s21, s2  }
0x9d: {  	[timem:s6], [sflag:s22] =	dma.local [hbm:s4], s20  }
0x9e: {  	_ =	swait.ge [sflag:s22], s20  }
0x9f: {  	s3 =	ssub.s32 $0x0, s20;
	[sflag:s22] =	ssyncset.done $0x0  }
0xa0: {  	[sflag:s22] =	ssyncadd.s32 s3;
	_ =	sdelay $0x1  }
0xa1: {  	s23 =	simm.s32 $0x1B8B  }
0xa2: {  	_ =	swait.ge [sflag:s23], $0x1  }
0xa3: {  	[sflag:s23] =	ssyncset.done $0x0  }
0xa4: {  	s25 =	simm.s32 $0x1B8E;
	s24 =	sld [smem:$0x3FFE];
	[sflag:s23] =	ssyncadd.s32 $0xFFFFFFFF  }
0xa5: {  	s26 =	simm.s32 $execute0_lowered;
	[smem:$0x3FD2] =	sst s25  }
0xa6: {  	s4 =	sshll.u32 s26, $0x1;
	_ =	strace $0x80000046;
	[dreg:$0x1] =	wrdreg $0xFFFFFFFF  }
0xa7: {  	s28 =	simm.s32 $_size_execute0_lowered;
	s2 =	sadd.s32 s2, s4;
	[dreg:$0x0] =	wrdreg $0x0  }
0xa8: {  	s4 =	sshll.u32 s28, $0x1;
	[dreg:$0x2] =	wrdreg s2  }
0xa9: {  	[dreg:$0x3] =	wrdreg s4  }
0xaa: {  	[dreg:$0x4] =	wrdreg $0xC0  }
0xab: {  	_ =	task [dreg:s6], $0x5FFFF  }
0xac: {  	[dreg:$0x1] =	wrdreg $0xFFFFFFFF  }
0xad: {  	[dreg:$0x0] =	wrdreg $0x60  }
0xae: {  	[dreg:$0x2] =	wrdreg s24  }
0xaf: {  	[dreg:$0x3] =	wrdreg $0x2B000  }
0xb0: {  	[dreg:$0x4] =	wrdreg $0x9  }
0xb1: {  	_ =	task.clear_ibuf [dreg:s6], $0x5FFFF;
	_ =	strace $0x90000046  }
0xb2: {  	s29 =	simm.s32 $0x9;
	_ =	strace $0x80000048  }
0xb3: {  	_ =	swait.ge [sflag:s29], $0x1  }
0xb4: {  	[sflag:s29] =	ssyncadd.s32 $0xFFFFFFFF  }
0xb5: {  	_ =	strace $0x90000048  }
0xb6: {  	_ =	sfence  }
0xb7: {  	s30 =	sld [smem:$0x0];
	_ =	sdelay $0x2  }
0xb8: {  	s31 =	sshll.u32 s1, $0xD;
	s1 =	sshrl.u32 s1, $0x2  }
0xb9: {  	s3 =	sand.u32 $0x4000, s31;
	s1 =	sadd.s32 s1, s30  }
0xba: {  	s0 =	sor.u32 s3, s0;
	s1 =	sshll.u32 s1, $0x11  }
0xbb: {  	s0 =	sor.u32 s1, s0  }
0xbc: {  	s0 =	sadd.s32 $0x8F2B, s0  }
0xbd: {  	[sflag:s0] =	ssyncadd.remote.s32 $0x1  }
0xbe: {  	_ =	sfence.sel $0xFFFF  }
0xbf: {  	[dreg:$0x0] =	wrdreg $0xFFFFFFFF;
	(pc) =	sbr.abs _section_cstart, $3  }
0xc0: {  	[dreg:$0x1] =	wrdreg $0xFFFFFFFF  }
0xc1: {  	_ =	task.clear_ibuf [dreg:s6], $0x2FFFF;
	_ =	strace $0x9FFFFFFF  }
0xc2: {  	(tm) =	ssettm $0x7FFFFFFF  }
0xc3: {  	_ =	shalt  }
tec
execute0_lowered:
.L_overlay_start_1:
0x0: {  	(tag) =	ssettag $0x1  }
0x1: {  	s0 =	srdreg.scid  }
0x2: {  	s4 =	rddreg [dreg:$0x0];
	s10 =	stileid.u32  }
0x3: {  	s1 =	rddreg [dreg:$0x1];
	s2 =	simm.s32 $0x0;
	s9 =	simm.s32 $0x80  }
0x4: {  	s12 =	simm.s32 $0x0;
	s3 =	sand.u32 $0x1, s0;
	s0 =	rddreg [dreg:$0x2]  }
0x5: {  	[smem:$0x7FF] =	sst s2;
	s7 =	smul.u32 $0xA00, s10;
	p0 =	sne.s32 s10, $0x0  }
0x6: {  	s5 =	sshll.u32 s3, $0x4;
	_ =	strace $0x80000047;
	s3 =	ssub.s32 $0x2, s3  }
0x7: {  	s11 =	sshrl.u32 @!p0 s1, $0x3;
	s6 =	sor.u32 s10, s5;
	s5 =	sadd.s32 s5, s4  }
0x8: {  	s31 =	sshrl.u32 s3, $0x1;
	s7 =	sshrl.u32 s7, $0x2;
	s6 =	smul.u32 $0x500, s6  }
0x9: {  	s10 =	simm.s32 $0x2800;
	s8 =	ssub.s32 s3, s31;
	s3 =	sadd.s32 s7, s1  }
0xa: {  	s5 =	sadd.s32 $0x1A000, s5;
	s7 =	simm.s32 $0x2880;
	s6 =	sadd.s32 s6, s4  }
0xb: {  	v0 =	vimm.f32 $1.000000000e+00;
	v1 =	vimm.f32 $0.0e+00;
	s4 =	sadd.s32 $0x10000, s6;
	s6 =	smax.u32 s8, $0x1;
	s8 =	simm.s32 $0x1  }
.LBB2_1:
0xc: {  	[tilespmem:$0x2800] =	vst v0  }
0xd: {  	[tilespmem:$0x2810] =	vst v0  }
0xe: {  	[tilespmem:$0x2820] =	vst v0  }
0xf: {  	[tilespmem:$0x2830] =	vst v0  }
0x10: {  	[tilespmem:$0x2840] =	vst v0  }
0x11: {  	[tilespmem:$0x2850] =	vst v0  }
0x12: {  	[tilespmem:$0x2860] =	vst v0  }
0x13: {  	[tilespmem:$0x2870] =	vst v0  }
0x14: {  	[tilespmem:$0x2880] =	vst v1  }
0x15: {  	[tilespmem:$0x2890] =	vst v1  }
0x16: {  	[tilespmem:$0x28A0] =	vst v1  }
0x17: {  	[tilespmem:$0x28B0] =	vst v1  }
0x18: {  	[tilespmem:$0x28C0] =	vst v1  }
0x19: {  	[tilespmem:$0x28D0] =	vst v1  }
0x1a: {  	[tilespmem:$0x28E0] =	vst v1  }
0x1b: {  	[tilespmem:$0x28F0] =	vst v1  }
0x1c: {  	[tilespmem:$0x2900] =	vst v1  }
0x1d: {  	[tilespmem:$0x2910] =	vst v1  }
0x1e: {  	[tilespmem:$0x2920] =	vst v1  }
0x1f: {  	[tilespmem:$0x2930] =	vst v1  }
0x20: {  	[tilespmem:$0x2940] =	vst v1  }
0x21: {  	[tilespmem:$0x2950] =	vst v1  }
0x22: {  	[tilespmem:$0x2960] =	vst v1  }
0x23: {  	[tilespmem:$0x2970] =	vst v1  }
0x24: {  	[tilespmem:$0x2980] =	vst v1  }
0x25: {  	[tilespmem:$0x2990] =	vst v1  }
0x26: {  	[tilespmem:$0x29A0] =	vst v1  }
0x27: {  	[tilespmem:$0x29B0] =	vst v1  }
0x28: {  	[tilespmem:$0x29C0] =	vst v1  }
0x29: {  	[tilespmem:$0x29D0] =	vst v1  }
0x2a: {  	[tilespmem:$0x29E0] =	vst v1  }
0x2b: {  	[tilespmem:$0x29F0] =	vst v1  }
0x2c: {  	[tilespmem:$0x2A00] =	vst v1  }
0x2d: {  	[tilespmem:$0x2A10] =	vst v1  }
0x2e: {  	[tilespmem:$0x2A20] =	vst v1  }
0x2f: {  	[tilespmem:$0x2A30] =	vst v1  }
0x30: {  	[tilespmem:$0x2A40] =	vst v1  }
0x31: {  	[tilespmem:$0x2A50] =	vst v1  }
0x32: {  	[tilespmem:$0x2A60] =	vst v1  }
0x33: {  	[tilespmem:$0x2A70] =	vst v1  }
0x34: {  	[tilespmem:$0x2A80] =	vst v1  }
0x35: {  	[tilespmem:$0x2A90] =	vst v1  }
0x36: {  	[tilespmem:$0x2AA0] =	vst v1  }
0x37: {  	[tilespmem:$0x2AB0] =	vst v1  }
0x38: {  	[tilespmem:$0x2AC0] =	vst v1  }
0x39: {  	[tilespmem:$0x2AD0] =	vst v1  }
0x3a: {  	[tilespmem:$0x2AE0] =	vst v1  }
0x3b: {  	[tilespmem:$0x2AF0] =	vst v1  }
0x3c: {  	[spmem:s3] =	stream.linear.scatter [tilespmem:s7], [sflag:$0x1], $0x280, $0x38;
	[tilespmem:$0x2D80] =	vst v63  }
0x3d: {  	_ =	swait.ge [sflag:s8], $0x280  }
0x3e: {  	[sflag:s8] =	ssyncset.done $0x0  }
0x3f: {  	[sflag:s8] =	ssyncadd.s32 $0xFFFFFD80  }
0x40: {  	[tilespmem:s2], [sflag:$0x1] =	stream.linear.gather [hbm4b:s4+s2], $0x2800, $0x38;
	[tilespmem:$0x2D80] =	vst v63  }
0x41: {  	_ =	swait.ge [sflag:s8], $0x2800  }
0x42: {  	[sflag:s8] =	ssyncset.done $0x0  }
0x43: {  	[sflag:s8] =	ssyncadd.s32 $0xFFFFD800  }
0x44: {  	s13 =	simm.s32 $0x0;
	[bflag:$0x0] =	sbarrier.arrive $0xFFFF  }
0x45: {  	[spmem:s1] =	stream.indirect.scatter.add.f32 [tilespmem:s10], [sflag:$0x1], $0x1, s13, s9, $0xb8;
	[tilespmem:$0x2D80] =	vst v63  }
0x46: {  	_ =	swait.ge [sflag:s8], $0x80  }
0x47: {  	s13 =	simm.s32 $0x200;
	[sflag:s8] =	ssyncset.done $0x0  }
.LBB2_2:
0x48: {  	s14 =	sshra.s32 s13, $0x2;
	[sflag:s8] =	ssyncadd.s32 $0xFFFFFF80;
	p1 =	sne.s32 s13, $0x9E00  }
0x49: {  	[spmem:s1] =	stream.indirect.scatter.add.f32 [tilespmem:s10], [sflag:$0x1], $0x1, s14, s9, $0xb8;
	[tilespmem:$0x2D80] =	vst v63  }
.Ltmp0:
0x4a: {  	_ = 	snop;
	(pc) =	sbr.rel @p1 .LBB2_2-.Ltmp0, $4  }
0x4b: {  	_ = 	snop  }
0x4c: {  	s13 =	sadd.s32 $0x200, s13  }
0x4d: {  	_ =	swait.ge [sflag:s8], $0x80  }
0x4e: {  	[sflag:s8] =	ssyncset.done $0x0  }
0x4f: {  	[sflag:s8] =	ssyncadd.s32 $0xFFFFFF80;
	s13 =	simm.s32 @!p0 $0x1;
	s12 =	sadd.s32 $0x1, s12  }
0x50: {  	s14 =	simm.s32 @!p0 $0x20;
	s15 =	simm.s32 @!p0 $0x10;
	p1 =	sne.s32 s12, s6  }
.Ltmp1:
0x51: {  	s16 =	simm.s32 @!p0 $0x1C01;
	[bflag:$0x0] =	sbarrier.arrive $0xFFFF;
	(pc) =	sbr.rel @p1 .LBB2_1-.Ltmp1, $4  }
0x52: {  	[hbm:s5@s14], [sflag:s16] =	dma.strided @!p0 [spmem:s11@s15], $0x500, s13, $0x10   }
0x53: {  	_ =	swait.ge @!p0 [sflag:s13], $0x500  }
0x54: {  	[sflag:s13] =	ssyncset.done @!p0 $0x0  }
0x55: {  	[sflag:s13] =	ssyncadd.s32 @!p0 $0xFFFFFB00  }
0x56: {  	_ =	sfence.sel $0x180000  }
0x57: {  	[bflag:$0x0] =	sbarrier.arrive $0xFFFF  }
0x58: {  	_ =	strace $0x90000047  }
0x59: {  	s0 =	sadd.s32 @!p0 $0x100000, s0;
	[bflag:$0x2] =	sbarrier.arrive $0xFFFF  }
0x5a: {  	[sflag:s0] =	ssyncadd.tile.s32 @!p0 $0x1;
	_ =	shalt  }
.Lfunc_end2:
_tile_overlayer_lowered:
.L_overlay_start_2:
0x5b: {  	(tag) =	ssettag $0x2  }
0x5c: {  	s0 =	rddreg [dreg:$0x0];
	s2 =	stileid.u32  }
0x5d: {  	s1 =	rddreg [dreg:$0x1];
	p0 =	sne.s32 s2, $0x0  }
0x5e: {  	s3 =	rddreg [dreg:$0x2];
	[bflag:$0x3] =	sbarrier.arrive $0xFFFF;
	s2 =	simm.s32 @!p0 $0x1C01  }
0x5f: {  	[timem:s3], [sflag:s2] =	dma.local @!p0 [hbm:s0], s1  }
0x60: {  	s0 =	simm.s32 @!p0 $0x1  }
0x61: {  	_ =	swait.ge @!p0 [sflag:s0], s1  }
0x62: {  	s1 =	ssub.s32 @!p0 $0x0, s1;
	[sflag:s0] =	ssyncset.done @!p0 $0x0  }
0x63: {  	[sflag:s0] =	ssyncadd.s32 @!p0 s1  }
0x64: {  	[bflag:$0x3] =	sbarrier.arrive $0xFFFF  }
0x65: {  	_ =	shalt  }

// kernel: kernel.19.cloned.1.call-start
scs
__scs_entry_jumppad:
0x0: {  	(pc) =	sbr.rel $0x88, $3  }
0x1: {  	(tag) =	ssettag $0x0;
	lr =	simm.s32 $0x1  }
0x2: {  	[smem:$0x3F87] =	sst lr;
	_ =	strace $0xD0000000  }
0x3: {  	_ = 	snop  }
0x4: {  	_ = 	snop  }
0x5: {  	_ = 	snop  }
0x6: {  	_ = 	snop  }
0x7: {  	_ = 	snop  }
__scs_overlays_trampoline_lowered:
0x8: {  	[smem:$0x3F96] =	sst s0  }
0x9: {  	[smem:$0x3F97] =	sst s1  }
0xa: {  	[smem:$0x3F98] =	sst s2  }
0xb: {  	[smem:$0x3F99] =	sst s3  }
0xc: {  	[smem:$0x3F9A] =	sst s4  }
0xd: {  	[smem:$0x3F9B] =	sst s5  }
0xe: {  	[smem:$0x3F9C] =	sst s6  }
0xf: {  	[smem:$0x3F9D] =	sst s7  }
0x10: {  	[smem:$0x3F9E] =	sst s8  }
0x11: {  	[smem:$0x3F9F] =	sst s9;
	s0 =	simm.s32 @!p0 $0x0  }
0x12: {  	s1 =	sld [smem:$0x3F85];
	s0 =	simm.s32 @p0 $0x1  }
0x13: {  	[smem:$0x3FA0] =	sst s0;
	s0 =	simm.s32 @!p1 $0x0  }
0x14: {  	s2 =	sld [smem:$0x3F84];
	s0 =	simm.s32 @p1 $0x1  }
0x15: {  	[smem:$0x3FA1] =	sst s0;
	s0 =	simm.s32 @!p2 $0x0  }
0x16: {  	s3 =	sld [smem:$0x3FDB];
	s0 =	simm.s32 @p2 $0x1  }
0x17: {  	s4 =	simm.s32 $0x1BF5;
	[smem:$0x3FA3] =	sst s0  }
0x18: {  	s0 =	sld [smem:$0x3F86];
	_ =	swait.ge [sflag:s4], $0x0  }
0x19: {  	s7 =	sld [smem:$0x3F87]  }
0x1a: {  	s8 =	sadd.s32 $0xFFFFE003, lr  }
0x1b: {  	s9 =	sadd.s32 $0xFFFFFEF7, lr;
	s5 =	simm.s32 $0xFFFFFFFF;
	p2 =	slt.u32 s8, $0xFFFFF086  }
0x1c: {  	p1 =	slt.u32 s9, $0xF7A;
	s5 =	simm.s32 @!p2 $0x0  }
0x1d: {  	s5 =	simm.s32 @p1 $0x1;
	p0 =	seq.s32 s7, s2  }
0x1e: {  	s7 =	smul.u32 @!p0 $0xF7A, s2;
	p2 =	seq.s32 @!p0 s5, $0x0  }
0x1f: {  	s9 =	smul.u32 $0xF7A, s1;
	s8 =	simm.s32 @!p0 $0x1BF5;
	p2 =	por !p2, p0  }
0x20: {  	[sflag:s8] =	ssyncset.s32 @!p0 $0xFFFFF086;
	s6 =	sadd.s32 @!p0 s3, s7;
	s7 =	simm.s32 @!p0 $0x108  }
0x21: {  	s3 =	sadd.s32 s3, s9;
	s6 =	sadd.s32 @!p0 $0x88, s6;
	s7 =	simm.s32 @p2 $0x1082  }
0x22: {  	[simem:s7], [sflag:s8] =	dma.local @!p0 [hbm:s6], $0xF7A  }
0x23: {  	s9 =	sor.u32 $0xD0000000, s2;
	s6 =	simm.s32 $0x108;
	_ =	swait.ge @!p0 [sflag:s8], $0x0  }
0x24: {  	s3 =	sadd.s32 $0x88, s3;
	s6 =	simm.s32 @!p1 $0x1082;
	[sflag:s4] =	ssyncset.s32 $0xFFFFF086  }
0x25: {  	[simem:s6], [sflag:s4] =	dma.local [hbm:s3], $0xF7A  }
0x26: {  	[smem:$0x3F87] =	sst s1;
	(tag) =	ssettag s2;
	_ =	strace s9  }
0x27: {  	s1 =	sld [smem:$0x3F97]  }
0x28: {  	s2 =	sld [smem:$0x3F98]  }
0x29: {  	s4 =	sld [smem:$0x3F9A]  }
0x2a: {  	p0 =	seq.s32 s5, $0x0;
	s5 =	sld [smem:$0x3F9B]  }
0x2b: {  	s6 =	sld [smem:$0x3F9C]  }
0x2c: {  	s7 =	sld [smem:$0x3F9D]  }
0x2d: {  	s3 =	simm.s32 $0x108;
	s8 =	sld [smem:$0x3F9E]  }
0x2e: {  	s3 =	simm.s32 @!p0 $0x1082;
	s9 =	sld [smem:$0x3F9F]  }
0x2f: {  	lr =	sadd.s32 s0, s3;
	s0 =	sld [smem:$0x3F96]  }
0x30: {  	s3 =	sld [smem:$0x3F99]  }
0x31: {  	[smem:$0x3FA2] =	sst s10  }
0x32: {  	s10 =	sld [smem:$0x3FA0];
	_ =	sdelay $0x3  }
0x33: {  	p0 =	seq.s32 s10, $0x1;
	s10 =	sld [smem:$0x3FA2];
	_ =	sdelay $0x3  }
0x34: {  	[smem:$0x3FA2] =	sst s10  }
0x35: {  	s10 =	sld [smem:$0x3FA1];
	_ =	sdelay $0x3  }
0x36: {  	p1 =	seq.s32 s10, $0x1;
	s10 =	sld [smem:$0x3FA2];
	_ =	sdelay $0x3  }
0x37: {  	[smem:$0x3FA2] =	sst s10  }
0x38: {  	s10 =	sld [smem:$0x3FA3]  }
0x39: {  	_ = 	snop;
	(pc) =	sbr.ind lr, $3  }
0x3a: {  	_ = 	snop  }
0x3b: {  	_ = 	snop  }
0x3c: {  	p2 =	seq.s32 s10, $0x1;
	s10 =	sld [smem:$0x3FA2]  }
0x3d: {  	_ =	shalt  }
0x3e: {  	_ =	shalt  }
0x3f: {  	_ =	shalt  }
0x40: {  	_ =	shalt  }
0x41: {  	_ =	shalt  }
0x42: {  	_ =	shalt  }
0x43: {  	_ =	shalt  }
0x44: {  	_ =	shalt  }
0x45: {  	_ =	shalt  }
0x46: {  	_ =	shalt  }
0x47: {  	_ =	shalt  }
0x48: {  	_ =	shalt  }
0x49: {  	_ =	shalt  }
0x4a: {  	_ =	shalt  }
0x4b: {  	_ =	shalt  }
0x4c: {  	_ =	shalt  }
0x4d: {  	_ =	shalt  }
0x4e: {  	_ =	shalt  }
0x4f: {  	_ =	shalt  }
0x50: {  	_ =	shalt  }
0x51: {  	_ =	shalt  }
0x52: {  	_ =	shalt  }
0x53: {  	_ =	shalt  }
0x54: {  	_ =	shalt  }
0x55: {  	_ =	shalt  }
0x56: {  	_ =	shalt  }
0x57: {  	_ =	shalt  }
0x58: {  	_ =	shalt  }
0x59: {  	_ =	shalt  }
0x5a: {  	_ =	shalt  }
0x5b: {  	_ =	shalt  }
0x5c: {  	_ =	shalt  }
0x5d: {  	_ =	shalt  }
0x5e: {  	_ =	shalt  }
0x5f: {  	_ =	shalt  }
0x60: {  	_ =	shalt  }
0x61: {  	_ =	shalt  }
0x62: {  	_ =	shalt  }
0x63: {  	_ =	shalt  }
0x64: {  	_ =	shalt  }
0x65: {  	_ =	shalt  }
0x66: {  	_ =	shalt  }
0x67: {  	_ =	shalt  }
0x68: {  	_ =	shalt  }
0x69: {  	_ =	shalt  }
0x6a: {  	_ =	shalt  }
0x6b: {  	_ =	shalt  }
0x6c: {  	_ =	shalt  }
0x6d: {  	_ =	shalt  }
0x6e: {  	_ =	shalt  }
0x6f: {  	_ =	shalt  }
0x70: {  	_ =	shalt  }
0x71: {  	_ =	shalt  }
0x72: {  	_ =	shalt  }
0x73: {  	_ =	shalt  }
0x74: {  	_ =	shalt  }
0x75: {  	_ =	shalt  }
0x76: {  	_ =	shalt  }
0x77: {  	_ =	shalt  }
0x78: {  	_ =	shalt  }
0x79: {  	_ =	shalt  }
0x7a: {  	_ =	shalt  }
0x7b: {  	_ =	shalt  }
0x7c: {  	_ =	shalt  }
0x7d: {  	_ =	shalt  }
0x7e: {  	_ =	shalt  }
0x7f: {  	_ =	shalt  }
0x80: {  	_ =	shalt  }
0x81: {  	_ =	shalt  }
0x82: {  	_ =	shalt  }
0x83: {  	_ =	shalt  }
0x84: {  	_ =	shalt  }
0x85: {  	_ =	shalt  }
0x86: {  	_ =	shalt  }
0x87: {  	_ =	shalt  }
.Lfunc_end0:
.L_simem_size_0:
called_computation.1_lowered:
.L_overlay_start_0:
0x88: {  	s2 =	sld [smem:$0x3FD9]  }
0x89: {  	s3 =	sld [smem:$0x3FFE];
	_ =	sdelay $0x1  }
0x8a: {  	s1 =	srdreg.scid  }
0x8b: {  	s0 =	sand.u32 $0x1, s1  }
0x8c: {  	s16 =	sshll.u32 s0, $0xA;
	s2 =	sadd.s32 s3, s2  }
0x8d: {  	s2 =	sadd.s32 s2, s16  }
0x8e: {  	[smem:$0x3FAE] =	sst s2  }
0x8f: {  	_ = 	snop  }
0x90: {  	(tm) =	ssettm $0x1  }
0x91: {  	s17 =	sld [smem:$0x3FFB];
	_ =	sdelay $0x3  }
0x92: {  	_ =	strace s17  }
0x93: {  	s2 =	sld [smem:$0x3FFC];
	_ =	sdelay $0x3  }
0x94: {  	_ =	strace s2  }
0x95: {  	s2 =	sld [smem:$0x3FFD];
	_ =	sdelay $0x3  }
0x96: {  	_ =	strace s2  }
0x97: {  	_ =	strace $0x8FFFFFFF  }
0x98: {  	s18 =	sld [smem:$0x3FDB];
	_ =	sdelay $0x1  }
0x99: {  	s19 =	simm.s32 $_scs_section_size  }
0x9a: {  	s4 =	simm.s32 $_size__tile_overlayer_lowered;
	s5 =	simm.s32 $_tile_overlayer_lowered  }
0x9b: {  	s22 =	simm.s32 $0x1BFF;
	s21 =	sshll.u32 s5, $0x1;
	s2 =	sadd.s32 s19, s18  }
0x9c: {  	s6 =	simm.s32 $0x0;
	s20 =	sshll.u32 s4, $0x1;
	s4 =	sadd.s32 s21, s2  }
0x9d: {  	[timem:s6], [sflag:s22] =	dma.local [hbm:s4], s20  }
0x9e: {  	_ =	swait.ge [sflag:s22], s20  }
0x9f: {  	s3 =	ssub.s32 $0x0, s20;
	[sflag:s22] =	ssyncset.done $0x0  }
0xa0: {  	[sflag:s22] =	ssyncadd.s32 s3;
	_ =	sdelay $0x1  }
0xa1: {  	s23 =	simm.s32 $0x1B8B  }
0xa2: {  	_ =	swait.ge [sflag:s23], $0x1  }
0xa3: {  	[sflag:s23] =	ssyncset.done $0x0  }
0xa4: {  	s25 =	simm.s32 $0x1B8E;
	s24 =	sld [smem:$0x3FFE];
	[sflag:s23] =	ssyncadd.s32 $0xFFFFFFFF  }
0xa5: {  	s26 =	simm.s32 $execute0_lowered;
	[smem:$0x3FD2] =	sst s25  }
0xa6: {  	s4 =	sshll.u32 s26, $0x1;
	_ =	strace $0x80000049;
	[dreg:$0x1] =	wrdreg $0xFFFFFFFF  }
0xa7: {  	s28 =	simm.s32 $_size_execute0_lowered;
	s2 =	sadd.s32 s2, s4;
	[dreg:$0x0] =	wrdreg $0x0  }
0xa8: {  	s4 =	sshll.u32 s28, $0x1;
	[dreg:$0x2] =	wrdreg s2  }
0xa9: {  	[dreg:$0x3] =	wrdreg s4  }
0xaa: {  	[dreg:$0x4] =	wrdreg $0xC0  }
0xab: {  	_ =	task [dreg:s6], $0x5FFFF  }
0xac: {  	[dreg:$0x1] =	wrdreg $0xFFFFFFFF  }
0xad: {  	[dreg:$0x0] =	wrdreg $0x60  }
0xae: {  	[dreg:$0x2] =	wrdreg s24  }
0xaf: {  	[dreg:$0x3] =	wrdreg $0xA8000  }
0xb0: {  	[dreg:$0x4] =	wrdreg $0x9  }
0xb1: {  	_ =	task.clear_ibuf [dreg:s6], $0x5FFFF;
	_ =	strace $0x90000049  }
0xb2: {  	s29 =	simm.s32 $0x9;
	_ =	strace $0x8000004B  }
0xb3: {  	_ =	swait.ge [sflag:s29], $0x1  }
0xb4: {  	[sflag:s29] =	ssyncadd.s32 $0xFFFFFFFF  }
0xb5: {  	_ =	strace $0x9000004B  }
0xb6: {  	_ =	sfence  }
0xb7: {  	s30 =	sld [smem:$0x0];
	_ =	sdelay $0x2  }
0xb8: {  	s31 =	sshll.u32 s1, $0xD;
	s1 =	sshrl.u32 s1, $0x2  }
0xb9: {  	s3 =	sand.u32 $0x4000, s31;
	s1 =	sadd.s32 s1, s30  }
0xba: {  	s0 =	sor.u32 s3, s0;
	s1 =	sshll.u32 s1, $0x11  }
0xbb: {  	s0 =	sor.u32 s1, s0  }
0xbc: {  	s0 =	sadd.s32 $0x8F2B, s0  }
0xbd: {  	[sflag:s0] =	ssyncadd.remote.s32 $0x1  }
0xbe: {  	_ =	sfence.sel $0xFFFF  }
0xbf: {  	[dreg:$0x0] =	wrdreg $0xFFFFFFFF;
	(pc) =	sbr.abs _section_cstart, $3  }
0xc0: {  	[dreg:$0x1] =	wrdreg $0xFFFFFFFF  }
0xc1: {  	_ =	task.clear_ibuf [dreg:s6], $0x2FFFF;
	_ =	strace $0x9FFFFFFF  }
0xc2: {  	(tm) =	ssettm $0x7FFFFFFF  }
0xc3: {  	_ =	shalt  }
tec
execute0_lowered:
.L_overlay_start_1:
0x0: {  	(tag) =	ssettag $0x1  }
0x1: {  	s5 =	rddreg [dreg:$0x0]  }
0x2: {  	s0 =	srdreg.scid;
	s2 =	rddreg [dreg:$0x1]  }
0x3: {  	s1 =	stileid.u32;
	s3 =	simm.s32 $0x0;
	s17 =	simm.s32 $0x5  }
0x4: {  	s18 =	simm.s32 $0x1400;
	s19 =	simm.s32 $0x80;
	s20 =	simm.s32 $0x1  }
0x5: {  	s21 =	simm.s32 $0x6800;
	s22 =	simm.s32 $0x2;
	s23 =	simm.s32 $0x3  }
0x6: {  	s24 =	simm.s32 $0x4;
	s25 =	simm.s32 $0x2780;
	s26 =	simm.s32 $0x0  }
0x7: {  	s6 =	sand.u32 $0x1, s0;
	s0 =	rddreg [dreg:$0x2];
	s7 =	smul.u32 $0x14000, s1  }
0x8: {  	[smem:$0x7FF] =	sst s3;
	s14 =	sadd.s32 $0x6000, s5;
	s8 =	smul.u32 $0x50000, s1  }
0x9: {  	s15 =	sadd.s32 $0x10000, s5;
	s4 =	smul.u32 $0x140000, s6;
	_ =	strace $0x8000004A  }
0xa: {  	s29 =	ssub.s32 $0x2, s6;
	s6 =	sshll.u32 s6, $0x4;
	s30 =	sshrl.u32 s8, $0x2  }
0xb: {  	s31 =	sshrl.u32 s29, $0x1;
	s9 =	sor.u32 s1, s6;
	s4 =	sadd.s32 s7, s4  }
0xc: {  	s11 =	ssub.s32 s29, s31;
	s13 =	smul.u32 $0x500, s9;
	s7 =	sshrl.u32 s4, $0x3  }
0xd: {  	s4 =	sadd.s32 $0x1A000, s5;
	s11 =	smax.u32 s11, $0x1;
	s10 =	sadd.s32 s7, s5  }
0xe: {  	s5 =	sadd.s32 s30, s2;
	s16 =	sadd.s32 $0x280, s13;
	s12 =	sadd.s32 s14, s13  }
0xf: {  	s13 =	sadd.s32 s15, s13;
	s6 =	sadd.s32 $0x4000, s5;
	s7 =	sadd.s32 $0x8000, s5  }
0x10: {  	s8 =	sadd.s32 $0xC000, s5;
	s9 =	sadd.s32 $0x10000, s5;
	s10 =	sadd.s32 $0x41200, s10  }
0x11: {  	v0 =	vimm.f32 $0.0e+00;
	s14 =	sadd.s32 s14, s16;
	s15 =	sadd.s32 s15, s16;
	s16 =	simm.s32 $0x2800  }
.LBB2_1:
0x12: {  	s28 =	simm.s32 $0x0;
	s29 =	simm.s32 $0x200  }
.LBB2_2:
0x13: {  	p0 =	sne.s32 s29, $0xFE00;
	[tilespmem:s28+$0x2870] =	vst v0  }
0x14: {  	[tilespmem:s28+$0x2800] =	vst v0  }
0x15: {  	[tilespmem:s28+$0x2810] =	vst v0  }
.Ltmp0:
0x16: {  	[tilespmem:s28+$0x2820] =	vst v0;
	(pc) =	sbr.rel @p0 .LBB2_2-.Ltmp0, $4  }
0x17: {  	[tilespmem:s28+$0x2830] =	vst v0  }
0x18: {  	[tilespmem:s28+$0x2840] =	vst v0  }
0x19: {  	[tilespmem:s28+$0x2850] =	vst v0  }
0x1a: {  	[tilespmem:s28+$0x2860] =	vst v0;
	s28 =	sshra.s32 s29, $0x2;
	s29 =	sadd.s32 $0x200, s29  }
0x1b: {  	[tilespmem:s28+$0x2870] =	vst v0  }
0x1c: {  	[tilespmem:s28+$0x2800] =	vst v0  }
0x1d: {  	[tilespmem:s28+$0x2810] =	vst v0  }
0x1e: {  	[tilespmem:s28+$0x2820] =	vst v0  }
0x1f: {  	[tilespmem:s28+$0x2830] =	vst v0  }
0x20: {  	[tilespmem:s28+$0x2840] =	vst v0  }
0x21: {  	[tilespmem:s28+$0x2850] =	vst v0  }
0x22: {  	[tilespmem:s28+$0x2860] =	vst v0  }
0x23: {  	[spmem:s5] =	stream.linear.scatter [tilespmem:s16], [sflag:$0x5], $0x4000, $0x38;
	[tilespmem:$0x1E800] =	vst v63  }
0x24: {  	_ =	swait.ge [sflag:s17], $0x4000  }
0x25: {  	[sflag:s17] =	ssyncset.done $0x0  }
0x26: {  	[sflag:s17] =	ssyncadd.s32 $0xFFFFC000  }
0x27: {  	[spmem:s6] =	stream.linear.scatter [tilespmem:s16], [sflag:$0x5], $0x4000, $0x38;
	[tilespmem:$0x1E800] =	vst v63  }
0x28: {  	_ =	swait.ge [sflag:s17], $0x4000  }
0x29: {  	[sflag:s17] =	ssyncset.done $0x0  }
0x2a: {  	[sflag:s17] =	ssyncadd.s32 $0xFFFFC000  }
0x2b: {  	[spmem:s7] =	stream.linear.scatter [tilespmem:s16], [sflag:$0x5], $0x4000, $0x38;
	[tilespmem:$0x1E800] =	vst v63  }
0x2c: {  	_ =	swait.ge [sflag:s17], $0x4000  }
0x2d: {  	[sflag:s17] =	ssyncset.done $0x0  }
0x2e: {  	[sflag:s17] =	ssyncadd.s32 $0xFFFFC000  }
0x2f: {  	[spmem:s8] =	stream.linear.scatter [tilespmem:s16], [sflag:$0x5], $0x4000, $0x38;
	[tilespmem:$0x1E800] =	vst v63  }
0x30: {  	_ =	swait.ge [sflag:s17], $0x4000  }
0x31: {  	[sflag:s17] =	ssyncset.done $0x0  }
0x32: {  	[sflag:s17] =	ssyncadd.s32 $0xFFFFC000  }
0x33: {  	[spmem:s9] =	stream.linear.scatter [tilespmem:s16], [sflag:$0x5], $0x4000, $0x38;
	[tilespmem:$0x1E800] =	vst v63  }
0x34: {  	_ =	swait.ge [sflag:s17], $0x4000  }
0x35: {  	[sflag:s17] =	ssyncset.done $0x0  }
0x36: {  	[sflag:s17] =	ssyncadd.s32 $0xFFFFC000  }
0x37: {  	[bflag:$0x0] =	sbarrier.arrive $0xFFFF  }
0x38: {  	[tilespmem:s3], [sflag:$0x5] =	stream.linear.gather [hbm4b:s12+s3], $0x1400, $0x38;
	[tilespmem:$0x1E800] =	vst v63  }
0x39: {  	_ =	swait.ge [sflag:s17], $0x1400  }
0x3a: {  	[sflag:s17] =	ssyncset.done $0x0  }
0x3b: {  	[sflag:s17] =	ssyncadd.s32 $0xFFFFEC00  }
0x3c: {  	[tilespmem:s18], [sflag:$0x5] =	stream.linear.gather [hbm4b:s13+s3], $0x1400, $0x38;
	[tilespmem:$0x1E800] =	vst v63  }
0x3d: {  	_ =	swait.ge [sflag:s17], $0x1400  }
0x3e: {  	[sflag:s17] =	ssyncset.done $0x0  }
0x3f: {  	[sflag:s17] =	ssyncadd.s32 $0xFFFFEC00  }
0x40: {  	[tilespmem:s16], [sflag:$0x1] =	stream.indirect.gather [hbm4b:s4+s19], $0x80, s3, s19, $0xb8;
	[tilespmem:$0x1E800] =	vst v63  }
0x41: {  	_ =	swait.ge [sflag:s20], $0x4000  }
0x42: {  	[sflag:s20] =	ssyncset.done $0x0  }
0x43: {  	[sflag:s20] =	ssyncadd.s32 $0xFFFFC000  }
0x44: {  	[tilespmem:s21], [sflag:$0x2] =	stream.indirect.gather [hbm4b:s4+s19], $0x80, s19, s19, $0xb8;
	[tilespmem:$0x1E800] =	vst v63  }
0x45: {  	_ = 	snop  }
0x46: {  	[spmem:s2] =	stream.indirect.scatter.add.f32 [tilespmem:s16], [sflag:$0x3], $0x80, s18, s19, $0xb8;
	[tilespmem:$0x1E800] =	vst v63  }
0x47: {  	_ =	swait.ge [sflag:s22], $0x4000  }
0x48: {  	[sflag:s22] =	ssyncset.done $0x0  }
0x49: {  	[sflag:s22] =	ssyncadd.s32 $0xFFFFC000  }
0x4a: {  	_ =	swait.ge [sflag:s23], $0x4000  }
0x4b: {  	[sflag:s23] =	ssyncset.done $0x0  }
0x4c: {  	s28 =	simm.s32 $0x100;
	[sflag:s23] =	ssyncadd.s32 $0xFFFFC000  }
0x4d: {  	[tilespmem:s16], [sflag:$0x1] =	stream.indirect.gather [hbm4b:s4+s19], $0x80, s28, s19, $0xb8;
	[tilespmem:$0x1E800] =	vst v63  }
0x4e: {  	s28 =	simm.s32 $0x1480  }
0x4f: {  	[spmem:s2] =	stream.indirect.scatter.add.f32 [tilespmem:s21], [sflag:$0x4], $0x80, s28, s19, $0xb8;
	[tilespmem:$0x1E800] =	vst v63  }
0x50: {  	_ =	swait.ge [sflag:s20], $0x4000  }
0x51: {  	[sflag:s20] =	ssyncset.done $0x0  }
0x52: {  	[sflag:s20] =	ssyncadd.s32 $0xFFFFC000  }
0x53: {  	_ =	swait.ge [sflag:s24], $0x4000  }
0x54: {  	[sflag:s24] =	ssyncset.done $0x0  }
0x55: {  	s28 =	simm.s32 $0x180;
	[sflag:s24] =	ssyncadd.s32 $0xFFFFC000  }
0x56: {  	[tilespmem:s21], [sflag:$0x2] =	stream.indirect.gather [hbm4b:s4+s19], $0x80, s28, s19, $0xb8;
	[tilespmem:$0x1E800] =	vst v63  }
0x57: {  	s29 =	simm.s32 $0x1500;
	s28 =	simm.s32 $0xFFFFB800  }
.LBB2_4:
0x58: {  	[spmem:s2] =	stream.indirect.scatter.add.f32 [tilespmem:s16], [sflag:$0x3], $0x80, s29, s19, $0xb8;
	[tilespmem:$0x1E800] =	vst v63  }
0x59: {  	s29 =	smov.u32 s28  }
0x5a: {  	p0 =	sne.s32 s28, $0xFFFFFC00;
	s28 =	sadd.s32 $0x400, s28;
	_ =	swait.ge [sflag:s22], $0x4000  }
0x5b: {  	[sflag:s22] =	ssyncset.done $0x0  }
0x5c: {  	[sflag:s22] =	ssyncadd.s32 $0xFFFFC000  }
0x5d: {  	_ =	swait.ge [sflag:s23], $0x4000  }
0x5e: {  	s29 =	sshra.s32 s29, $0x2;
	[sflag:s23] =	ssyncset.done $0x0  }
0x5f: {  	s30 =	sadd.s32 $0x1400, s29;
	[sflag:s23] =	ssyncadd.s32 $0xFFFFC000  }
0x60: {  	[tilespmem:s16], [sflag:$0x1] =	stream.indirect.gather [hbm4b:s4+s19], $0x80, s30, s19, $0xb8;
	[tilespmem:$0x1E800] =	vst v63  }
0x61: {  	s30 =	sadd.s32 $0x2780, s29  }
0x62: {  	[spmem:s2] =	stream.indirect.scatter.add.f32 [tilespmem:s21], [sflag:$0x4], $0x80, s30, s19, $0xb8;
	[tilespmem:$0x1E800] =	vst v63  }
0x63: {  	_ =	swait.ge [sflag:s20], $0x4000  }
0x64: {  	[sflag:s20] =	ssyncset.done $0x0  }
0x65: {  	[sflag:s20] =	ssyncadd.s32 $0xFFFFC000  }
.Ltmp1:
0x66: {  	_ =	swait.ge [sflag:s24], $0x4000;
	(pc) =	sbr.rel @p0 .LBB2_4-.Ltmp1, $4  }
0x67: {  	[sflag:s24] =	ssyncset.done $0x0  }
0x68: {  	s30 =	sadd.s32 $0x1480, s29;
	[sflag:s24] =	ssyncadd.s32 $0xFFFFC000  }
0x69: {  	[tilespmem:s21], [sflag:$0x2] =	stream.indirect.gather [hbm4b:s4+s19], $0x80, s30, s19, $0xb8;
	[tilespmem:$0x1E800] =	vst v63  }
0x6a: {  	s29 =	sadd.s32 $0x2800, s29  }
0x6b: {  	[spmem:s2] =	stream.indirect.scatter.add.f32 [tilespmem:s16], [sflag:$0x3], $0x80, s29, s19, $0xb8;
	[tilespmem:$0x1E800] =	vst v63  }
0x6c: {  	_ =	swait.ge [sflag:s22], $0x4000  }
0x6d: {  	[sflag:s22] =	ssyncset.done $0x0  }
0x6e: {  	[sflag:s22] =	ssyncadd.s32 $0xFFFFC000  }
0x6f: {  	_ =	swait.ge [sflag:s23], $0x4000  }
0x70: {  	[sflag:s23] =	ssyncset.done $0x0  }
0x71: {  	[sflag:s23] =	ssyncadd.s32 $0xFFFFC000  }
0x72: {  	[spmem:s2] =	stream.indirect.scatter.add.f32 [tilespmem:s21], [sflag:$0x4], $0x80, s25, s19, $0xb8;
	[tilespmem:$0x1E800] =	vst v63  }
0x73: {  	_ =	swait.ge [sflag:s24], $0x4000  }
0x74: {  	[sflag:s24] =	ssyncset.done $0x0  }
0x75: {  	[sflag:s24] =	ssyncadd.s32 $0xFFFFC000  }
0x76: {  	[tilespmem:s3], [sflag:$0x5] =	stream.linear.gather [hbm4b:s14+s3], $0x1400, $0x38;
	[tilespmem:$0x1E800] =	vst v63  }
0x77: {  	_ =	swait.ge [sflag:s17], $0x1400  }
0x78: {  	[sflag:s17] =	ssyncset.done $0x0  }
0x79: {  	[sflag:s17] =	ssyncadd.s32 $0xFFFFEC00  }
0x7a: {  	[tilespmem:s18], [sflag:$0x5] =	stream.linear.gather [hbm4b:s15+s3], $0x1400, $0x38;
	[tilespmem:$0x1E800] =	vst v63  }
0x7b: {  	_ =	swait.ge [sflag:s17], $0x1400  }
0x7c: {  	[sflag:s17] =	ssyncset.done $0x0  }
0x7d: {  	[sflag:s17] =	ssyncadd.s32 $0xFFFFEC00  }
0x7e: {  	[tilespmem:s16], [sflag:$0x1] =	stream.indirect.gather [hbm4b:s4+s19], $0x80, s3, s19, $0xb8;
	[tilespmem:$0x1E800] =	vst v63  }
0x7f: {  	_ =	swait.ge [sflag:s20], $0x4000  }
0x80: {  	[sflag:s20] =	ssyncset.done $0x0  }
0x81: {  	[sflag:s20] =	ssyncadd.s32 $0xFFFFC000  }
0x82: {  	[tilespmem:s21], [sflag:$0x2] =	stream.indirect.gather [hbm4b:s4+s19], $0x80, s19, s19, $0xb8;
	[tilespmem:$0x1E800] =	vst v63  }
0x83: {  	_ = 	snop  }
0x84: {  	[spmem:s2] =	stream.indirect.scatter.add.f32 [tilespmem:s16], [sflag:$0x3], $0x80, s18, s19, $0xb8;
	[tilespmem:$0x1E800] =	vst v63  }
0x85: {  	_ =	swait.ge [sflag:s22], $0x4000  }
0x86: {  	[sflag:s22] =	ssyncset.done $0x0  }
0x87: {  	[sflag:s22] =	ssyncadd.s32 $0xFFFFC000  }
0x88: {  	_ =	swait.ge [sflag:s23], $0x4000  }
0x89: {  	[sflag:s23] =	ssyncset.done $0x0  }
0x8a: {  	s28 =	simm.s32 $0x100;
	[sflag:s23] =	ssyncadd.s32 $0xFFFFC000  }
0x8b: {  	[tilespmem:s16], [sflag:$0x1] =	stream.indirect.gather [hbm4b:s4+s19], $0x80, s28, s19, $0xb8;
	[tilespmem:$0x1E800] =	vst v63  }
0x8c: {  	s28 =	simm.s32 $0x1480  }
0x8d: {  	[spmem:s2] =	stream.indirect.scatter.add.f32 [tilespmem:s21], [sflag:$0x4], $0x80, s28, s19, $0xb8;
	[tilespmem:$0x1E800] =	vst v63  }
0x8e: {  	_ =	swait.ge [sflag:s20], $0x4000  }
0x8f: {  	[sflag:s20] =	ssyncset.done $0x0  }
0x90: {  	[sflag:s20] =	ssyncadd.s32 $0xFFFFC000  }
0x91: {  	_ =	swait.ge [sflag:s24], $0x4000  }
0x92: {  	[sflag:s24] =	ssyncset.done $0x0  }
0x93: {  	s28 =	simm.s32 $0x180;
	[sflag:s24] =	ssyncadd.s32 $0xFFFFC000  }
0x94: {  	[tilespmem:s21], [sflag:$0x2] =	stream.indirect.gather [hbm4b:s4+s19], $0x80, s28, s19, $0xb8;
	[tilespmem:$0x1E800] =	vst v63  }
0x95: {  	s29 =	simm.s32 $0x1500;
	s28 =	simm.s32 $0xFFFFB800  }
.LBB2_6:
0x96: {  	[spmem:s2] =	stream.indirect.scatter.add.f32 [tilespmem:s16], [sflag:$0x3], $0x80, s29, s19, $0xb8;
	[tilespmem:$0x1E800] =	vst v63  }
0x97: {  	s29 =	smov.u32 s28  }
0x98: {  	p0 =	sne.s32 s28, $0xFFFFFC00;
	s28 =	sadd.s32 $0x400, s28;
	_ =	swait.ge [sflag:s22], $0x4000  }
0x99: {  	[sflag:s22] =	ssyncset.done $0x0  }
0x9a: {  	[sflag:s22] =	ssyncadd.s32 $0xFFFFC000  }
0x9b: {  	_ =	swait.ge [sflag:s23], $0x4000  }
0x9c: {  	s29 =	sshra.s32 s29, $0x2;
	[sflag:s23] =	ssyncset.done $0x0  }
0x9d: {  	s30 =	sadd.s32 $0x1400, s29;
	[sflag:s23] =	ssyncadd.s32 $0xFFFFC000  }
0x9e: {  	[tilespmem:s16], [sflag:$0x1] =	stream.indirect.gather [hbm4b:s4+s19], $0x80, s30, s19, $0xb8;
	[tilespmem:$0x1E800] =	vst v63  }
0x9f: {  	s30 =	sadd.s32 $0x2780, s29  }
0xa0: {  	[spmem:s2] =	stream.indirect.scatter.add.f32 [tilespmem:s21], [sflag:$0x4], $0x80, s30, s19, $0xb8;
	[tilespmem:$0x1E800] =	vst v63  }
0xa1: {  	_ =	swait.ge [sflag:s20], $0x4000  }
0xa2: {  	[sflag:s20] =	ssyncset.done $0x0  }
0xa3: {  	[sflag:s20] =	ssyncadd.s32 $0xFFFFC000  }
.Ltmp2:
0xa4: {  	_ =	swait.ge [sflag:s24], $0x4000;
	(pc) =	sbr.rel @p0 .LBB2_6-.Ltmp2, $4  }
0xa5: {  	[sflag:s24] =	ssyncset.done $0x0  }
0xa6: {  	s30 =	sadd.s32 $0x1480, s29;
	[sflag:s24] =	ssyncadd.s32 $0xFFFFC000  }
0xa7: {  	[tilespmem:s21], [sflag:$0x2] =	stream.indirect.gather [hbm4b:s4+s19], $0x80, s30, s19, $0xb8;
	[tilespmem:$0x1E800] =	vst v63  }
0xa8: {  	s29 =	sadd.s32 $0x2800, s29  }
0xa9: {  	[spmem:s2] =	stream.indirect.scatter.add.f32 [tilespmem:s16], [sflag:$0x3], $0x80, s29, s19, $0xb8;
	[tilespmem:$0x1E800] =	vst v63  }
0xaa: {  	_ =	swait.ge [sflag:s22], $0x4000  }
0xab: {  	[sflag:s22] =	ssyncset.done $0x0  }
0xac: {  	[sflag:s22] =	ssyncadd.s32 $0xFFFFC000  }
0xad: {  	_ =	swait.ge [sflag:s23], $0x4000  }
0xae: {  	[sflag:s23] =	ssyncset.done $0x0  }
0xaf: {  	[sflag:s23] =	ssyncadd.s32 $0xFFFFC000  }
0xb0: {  	[spmem:s2] =	stream.indirect.scatter.add.f32 [tilespmem:s21], [sflag:$0x4], $0x80, s25, s19, $0xb8;
	[tilespmem:$0x1E800] =	vst v63  }
0xb1: {  	_ =	swait.ge [sflag:s24], $0x4000  }
0xb2: {  	s28 =	sshll.u32 s1, $0x6;
	s26 =	sadd.s32 $0x1, s26;
	[sflag:s24] =	ssyncset.done $0x0  }
0xb3: {  	s31 =	sshrl.u32 s5, $0x3;
	p0 =	sne.s32 s26, s11;
	[sflag:s24] =	ssyncadd.s32 $0xFFFFC000  }
.Ltmp3:
0xb4: {  	s28 =	sor.u32 $0x1C05, s28;
	[bflag:$0x0] =	sbarrier.arrive $0xFFFF;
	(pc) =	sbr.rel @p0 .LBB2_1-.Ltmp3, $4  }
0xb5: {  	[hbm:s10], [sflag:s28] =	dma.local [spmem:s31], $0x2800  }
0xb6: {  	_ =	swait.ge [sflag:s17], $0x2800  }
0xb7: {  	[sflag:s17] =	ssyncset.done $0x0  }
0xb8: {  	[sflag:s17] =	ssyncadd.s32 $0xFFFFD800  }
0xb9: {  	_ =	sfence.sel $0x180000  }
0xba: {  	[bflag:$0x0] =	sbarrier.arrive $0xFFFF  }
0xbb: {  	p0 =	sne.s32 s1, $0x0;
	_ =	strace $0x9000004A  }
0xbc: {  	s0 =	sadd.s32 @!p0 $0x100000, s0;
	[bflag:$0x2] =	sbarrier.arrive $0xFFFF  }
0xbd: {  	[sflag:s0] =	ssyncadd.tile.s32 @!p0 $0x1;
	_ =	shalt  }
.Lfunc_end2:
_tile_overlayer_lowered:
.L_overlay_start_2:
0xbe: {  	(tag) =	ssettag $0x2  }
0xbf: {  	s0 =	rddreg [dreg:$0x0];
	s2 =	stileid.u32  }
0xc0: {  	s1 =	rddreg [dreg:$0x1];
	p0 =	sne.s32 s2, $0x0  }
0xc1: {  	s3 =	rddreg [dreg:$0x2];
	[bflag:$0x3] =	sbarrier.arrive $0xFFFF;
	s2 =	simm.s32 @!p0 $0x1C05  }
0xc2: {  	[timem:s3], [sflag:s2] =	dma.local @!p0 [hbm:s0], s1  }
0xc3: {  	s0 =	simm.s32 @!p0 $0x5  }
0xc4: {  	_ =	swait.ge @!p0 [sflag:s0], s1  }
0xc5: {  	s1 =	ssub.s32 @!p0 $0x0, s1;
	[sflag:s0] =	ssyncset.done @!p0 $0x0  }
0xc6: {  	[sflag:s0] =	ssyncadd.s32 @!p0 s1  }
0xc7: {  	[bflag:$0x3] =	sbarrier.arrive $0xFFFF  }
0xc8: {  	_ =	shalt  }

// kernel: kernel.22.cloned.1.call-start
scs
__scs_entry_jumppad:
0x0: {  	(pc) =	sbr.rel $0x88, $3  }
0x1: {  	(tag) =	ssettag $0x0;
	lr =	simm.s32 $0x1  }
0x2: {  	[smem:$0x3F87] =	sst lr;
	_ =	strace $0xD0000000  }
0x3: {  	_ = 	snop  }
0x4: {  	_ = 	snop  }
0x5: {  	_ = 	snop  }
0x6: {  	_ = 	snop  }
0x7: {  	_ = 	snop  }
__scs_overlays_trampoline_lowered:
0x8: {  	[smem:$0x3F96] =	sst s0  }
0x9: {  	[smem:$0x3F97] =	sst s1  }
0xa: {  	[smem:$0x3F98] =	sst s2  }
0xb: {  	[smem:$0x3F99] =	sst s3  }
0xc: {  	[smem:$0x3F9A] =	sst s4  }
0xd: {  	[smem:$0x3F9B] =	sst s5  }
0xe: {  	[smem:$0x3F9C] =	sst s6  }
0xf: {  	[smem:$0x3F9D] =	sst s7  }
0x10: {  	[smem:$0x3F9E] =	sst s8  }
0x11: {  	[smem:$0x3F9F] =	sst s9;
	s0 =	simm.s32 @!p0 $0x0  }
0x12: {  	s1 =	sld [smem:$0x3F85];
	s0 =	simm.s32 @p0 $0x1  }
0x13: {  	[smem:$0x3FA0] =	sst s0;
	s0 =	simm.s32 @!p1 $0x0  }
0x14: {  	s2 =	sld [smem:$0x3F84];
	s0 =	simm.s32 @p1 $0x1  }
0x15: {  	[smem:$0x3FA1] =	sst s0;
	s0 =	simm.s32 @!p2 $0x0  }
0x16: {  	s3 =	sld [smem:$0x3FDB];
	s0 =	simm.s32 @p2 $0x1  }
0x17: {  	s4 =	simm.s32 $0x1BF5;
	[smem:$0x3FA3] =	sst s0  }
0x18: {  	s0 =	sld [smem:$0x3F86];
	_ =	swait.ge [sflag:s4], $0x0  }
0x19: {  	s7 =	sld [smem:$0x3F87]  }
0x1a: {  	s8 =	sadd.s32 $0xFFFFE003, lr  }
0x1b: {  	s9 =	sadd.s32 $0xFFFFFEF7, lr;
	s5 =	simm.s32 $0xFFFFFFFF;
	p2 =	slt.u32 s8, $0xFFFFF086  }
0x1c: {  	p1 =	slt.u32 s9, $0xF7A;
	s5 =	simm.s32 @!p2 $0x0  }
0x1d: {  	s5 =	simm.s32 @p1 $0x1;
	p0 =	seq.s32 s7, s2  }
0x1e: {  	s7 =	smul.u32 @!p0 $0xF7A, s2;
	p2 =	seq.s32 @!p0 s5, $0x0  }
0x1f: {  	s9 =	smul.u32 $0xF7A, s1;
	s8 =	simm.s32 @!p0 $0x1BF5;
	p2 =	por !p2, p0  }
0x20: {  	[sflag:s8] =	ssyncset.s32 @!p0 $0xFFFFF086;
	s6 =	sadd.s32 @!p0 s3, s7;
	s7 =	simm.s32 @!p0 $0x108  }
0x21: {  	s3 =	sadd.s32 s3, s9;
	s6 =	sadd.s32 @!p0 $0x88, s6;
	s7 =	simm.s32 @p2 $0x1082  }
0x22: {  	[simem:s7], [sflag:s8] =	dma.local @!p0 [hbm:s6], $0xF7A  }
0x23: {  	s9 =	sor.u32 $0xD0000000, s2;
	s6 =	simm.s32 $0x108;
	_ =	swait.ge @!p0 [sflag:s8], $0x0  }
0x24: {  	s3 =	sadd.s32 $0x88, s3;
	s6 =	simm.s32 @!p1 $0x1082;
	[sflag:s4] =	ssyncset.s32 $0xFFFFF086  }
0x25: {  	[simem:s6], [sflag:s4] =	dma.local [hbm:s3], $0xF7A  }
0x26: {  	[smem:$0x3F87] =	sst s1;
	(tag) =	ssettag s2;
	_ =	strace s9  }
0x27: {  	s1 =	sld [smem:$0x3F97]  }
0x28: {  	s2 =	sld [smem:$0x3F98]  }
0x29: {  	s4 =	sld [smem:$0x3F9A]  }
0x2a: {  	p0 =	seq.s32 s5, $0x0;
	s5 =	sld [smem:$0x3F9B]  }
0x2b: {  	s6 =	sld [smem:$0x3F9C]  }
0x2c: {  	s7 =	sld [smem:$0x3F9D]  }
0x2d: {  	s3 =	simm.s32 $0x108;
	s8 =	sld [smem:$0x3F9E]  }
0x2e: {  	s3 =	simm.s32 @!p0 $0x1082;
	s9 =	sld [smem:$0x3F9F]  }
0x2f: {  	lr =	sadd.s32 s0, s3;
	s0 =	sld [smem:$0x3F96]  }
0x30: {  	s3 =	sld [smem:$0x3F99]  }
0x31: {  	[smem:$0x3FA2] =	sst s10  }
0x32: {  	s10 =	sld [smem:$0x3FA0];
	_ =	sdelay $0x3  }
0x33: {  	p0 =	seq.s32 s10, $0x1;
	s10 =	sld [smem:$0x3FA2];
	_ =	sdelay $0x3  }
0x34: {  	[smem:$0x3FA2] =	sst s10  }
0x35: {  	s10 =	sld [smem:$0x3FA1];
	_ =	sdelay $0x3  }
0x36: {  	p1 =	seq.s32 s10, $0x1;
	s10 =	sld [smem:$0x3FA2];
	_ =	sdelay $0x3  }
0x37: {  	[smem:$0x3FA2] =	sst s10  }
0x38: {  	s10 =	sld [smem:$0x3FA3]  }
0x39: {  	_ = 	snop;
	(pc) =	sbr.ind lr, $3  }
0x3a: {  	_ = 	snop  }
0x3b: {  	_ = 	snop  }
0x3c: {  	p2 =	seq.s32 s10, $0x1;
	s10 =	sld [smem:$0x3FA2]  }
0x3d: {  	_ =	shalt  }
0x3e: {  	_ =	shalt  }
0x3f: {  	_ =	shalt  }
0x40: {  	_ =	shalt  }
0x41: {  	_ =	shalt  }
0x42: {  	_ =	shalt  }
0x43: {  	_ =	shalt  }
0x44: {  	_ =	shalt  }
0x45: {  	_ =	shalt  }
0x46: {  	_ =	shalt  }
0x47: {  	_ =	shalt  }
0x48: {  	_ =	shalt  }
0x49: {  	_ =	shalt  }
0x4a: {  	_ =	shalt  }
0x4b: {  	_ =	shalt  }
0x4c: {  	_ =	shalt  }
0x4d: {  	_ =	shalt  }
0x4e: {  	_ =	shalt  }
0x4f: {  	_ =	shalt  }
0x50: {  	_ =	shalt  }
0x51: {  	_ =	shalt  }
0x52: {  	_ =	shalt  }
0x53: {  	_ =	shalt  }
0x54: {  	_ =	shalt  }
0x55: {  	_ =	shalt  }
0x56: {  	_ =	shalt  }
0x57: {  	_ =	shalt  }
0x58: {  	_ =	shalt  }
0x59: {  	_ =	shalt  }
0x5a: {  	_ =	shalt  }
0x5b: {  	_ =	shalt  }
0x5c: {  	_ =	shalt  }
0x5d: {  	_ =	shalt  }
0x5e: {  	_ =	shalt  }
0x5f: {  	_ =	shalt  }
0x60: {  	_ =	shalt  }
0x61: {  	_ =	shalt  }
0x62: {  	_ =	shalt  }
0x63: {  	_ =	shalt  }
0x64: {  	_ =	shalt  }
0x65: {  	_ =	shalt  }
0x66: {  	_ =	shalt  }
0x67: {  	_ =	shalt  }
0x68: {  	_ =	shalt  }
0x69: {  	_ =	shalt  }
0x6a: {  	_ =	shalt  }
0x6b: {  	_ =	shalt  }
0x6c: {  	_ =	shalt  }
0x6d: {  	_ =	shalt  }
0x6e: {  	_ =	shalt  }
0x6f: {  	_ =	shalt  }
0x70: {  	_ =	shalt  }
0x71: {  	_ =	shalt  }
0x72: {  	_ =	shalt  }
0x73: {  	_ =	shalt  }
0x74: {  	_ =	shalt  }
0x75: {  	_ =	shalt  }
0x76: {  	_ =	shalt  }
0x77: {  	_ =	shalt  }
0x78: {  	_ =	shalt  }
0x79: {  	_ =	shalt  }
0x7a: {  	_ =	shalt  }
0x7b: {  	_ =	shalt  }
0x7c: {  	_ =	shalt  }
0x7d: {  	_ =	shalt  }
0x7e: {  	_ =	shalt  }
0x7f: {  	_ =	shalt  }
0x80: {  	_ =	shalt  }
0x81: {  	_ =	shalt  }
0x82: {  	_ =	shalt  }
0x83: {  	_ =	shalt  }
0x84: {  	_ =	shalt  }
0x85: {  	_ =	shalt  }
0x86: {  	_ =	shalt  }
0x87: {  	_ =	shalt  }
.Lfunc_end0:
.L_simem_size_0:
called_computation.2_lowered:
.L_overlay_start_0:
0x88: {  	s2 =	sld [smem:$0x3FD9]  }
0x89: {  	s3 =	sld [smem:$0x3FFE];
	_ =	sdelay $0x1  }
0x8a: {  	s1 =	srdreg.scid  }
0x8b: {  	s0 =	sand.u32 $0x1, s1  }
0x8c: {  	s16 =	sshll.u32 s0, $0xA;
	s2 =	sadd.s32 s3, s2  }
0x8d: {  	s2 =	sadd.s32 s2, s16  }
0x8e: {  	[smem:$0x3FAE] =	sst s2  }
0x8f: {  	_ = 	snop  }
0x90: {  	(tm) =	ssettm $0x1  }
0x91: {  	s17 =	sld [smem:$0x3FFB];
	_ =	sdelay $0x3  }
0x92: {  	_ =	strace s17  }
0x93: {  	s2 =	sld [smem:$0x3FFC];
	_ =	sdelay $0x3  }
0x94: {  	_ =	strace s2  }
0x95: {  	s2 =	sld [smem:$0x3FFD];
	_ =	sdelay $0x3  }
0x96: {  	_ =	strace s2  }
0x97: {  	_ =	strace $0x8FFFFFFF  }
0x98: {  	s18 =	sld [smem:$0x3FDB];
	_ =	sdelay $0x1  }
0x99: {  	s19 =	simm.s32 $_scs_section_size  }
0x9a: {  	s4 =	simm.s32 $_size__tile_overlayer_lowered;
	s5 =	simm.s32 $_tile_overlayer_lowered  }
0x9b: {  	s22 =	simm.s32 $0x1BFF;
	s21 =	sshll.u32 s5, $0x1;
	s2 =	sadd.s32 s19, s18  }
0x9c: {  	s6 =	simm.s32 $0x0;
	s20 =	sshll.u32 s4, $0x1;
	s4 =	sadd.s32 s21, s2  }
0x9d: {  	[timem:s6], [sflag:s22] =	dma.local [hbm:s4], s20  }
0x9e: {  	_ =	swait.ge [sflag:s22], s20  }
0x9f: {  	s3 =	ssub.s32 $0x0, s20;
	[sflag:s22] =	ssyncset.done $0x0  }
0xa0: {  	[sflag:s22] =	ssyncadd.s32 s3;
	_ =	sdelay $0x1  }
0xa1: {  	s23 =	simm.s32 $0x1B8B  }
0xa2: {  	_ =	swait.ge [sflag:s23], $0x1  }
0xa3: {  	[sflag:s23] =	ssyncset.done $0x0  }
0xa4: {  	s25 =	simm.s32 $0x1B8E;
	s24 =	sld [smem:$0x3FFE];
	[sflag:s23] =	ssyncadd.s32 $0xFFFFFFFF  }
0xa5: {  	s26 =	simm.s32 $execute0_lowered;
	[smem:$0x3FD2] =	sst s25  }
0xa6: {  	s4 =	sshll.u32 s26, $0x1;
	_ =	strace $0x8000004C;
	[dreg:$0x1] =	wrdreg $0xFFFFFFFF  }
0xa7: {  	s28 =	simm.s32 $_size_execute0_lowered;
	s2 =	sadd.s32 s2, s4;
	[dreg:$0x0] =	wrdreg $0x0  }
0xa8: {  	s4 =	sshll.u32 s28, $0x1;
	[dreg:$0x2] =	wrdreg s2  }
0xa9: {  	[dreg:$0x3] =	wrdreg s4  }
0xaa: {  	[dreg:$0x4] =	wrdreg $0xC0  }
0xab: {  	_ =	task [dreg:s6], $0x5FFFF  }
0xac: {  	[dreg:$0x1] =	wrdreg $0xFFFFFFFF  }
0xad: {  	[dreg:$0x0] =	wrdreg $0x60  }
0xae: {  	[dreg:$0x2] =	wrdreg s24  }
0xaf: {  	[dreg:$0x3] =	wrdreg $0xA8000  }
0xb0: {  	[dreg:$0x4] =	wrdreg $0x9  }
0xb1: {  	_ =	task.clear_ibuf [dreg:s6], $0x5FFFF;
	_ =	strace $0x9000004C  }
0xb2: {  	s29 =	simm.s32 $0x9;
	_ =	strace $0x8000004E  }
0xb3: {  	_ =	swait.ge [sflag:s29], $0x1  }
0xb4: {  	[sflag:s29] =	ssyncadd.s32 $0xFFFFFFFF  }
0xb5: {  	_ =	strace $0x9000004E  }
0xb6: {  	_ =	sfence  }
0xb7: {  	s30 =	sld [smem:$0x0];
	_ =	sdelay $0x2  }
0xb8: {  	s31 =	sshll.u32 s1, $0xD;
	s1 =	sshrl.u32 s1, $0x2  }
0xb9: {  	s3 =	sand.u32 $0x4000, s31;
	s1 =	sadd.s32 s1, s30  }
0xba: {  	s0 =	sor.u32 s3, s0;
	s1 =	sshll.u32 s1, $0x11  }
0xbb: {  	s0 =	sor.u32 s1, s0  }
0xbc: {  	s0 =	sadd.s32 $0x8F2B, s0  }
0xbd: {  	[sflag:s0] =	ssyncadd.remote.s32 $0x1  }
0xbe: {  	_ =	sfence.sel $0xFFFF  }
0xbf: {  	[dreg:$0x0] =	wrdreg $0xFFFFFFFF;
	(pc) =	sbr.abs _section_cstart, $3  }
0xc0: {  	[dreg:$0x1] =	wrdreg $0xFFFFFFFF  }
0xc1: {  	_ =	task.clear_ibuf [dreg:s6], $0x2FFFF;
	_ =	strace $0x9FFFFFFF  }
0xc2: {  	(tm) =	ssettm $0x7FFFFFFF  }
0xc3: {  	_ =	shalt  }
tec
execute0_lowered:
.L_overlay_start_1:
0x0: {  	(tag) =	ssettag $0x1  }
0x1: {  	s5 =	rddreg [dreg:$0x0]  }
0x2: {  	s0 =	srdreg.scid;
	s2 =	rddreg [dreg:$0x1]  }
0x3: {  	s1 =	stileid.u32;
	s3 =	simm.s32 $0x0;
	s17 =	simm.s32 $0x5  }
0x4: {  	s18 =	simm.s32 $0x1400;
	s19 =	simm.s32 $0x80;
	s20 =	simm.s32 $0x1  }
0x5: {  	s21 =	simm.s32 $0x6800;
	s22 =	simm.s32 $0x2;
	s23 =	simm.s32 $0x3  }
0x6: {  	s24 =	simm.s32 $0x4;
	s25 =	simm.s32 $0x2780;
	s26 =	simm.s32 $0x0  }
0x7: {  	s6 =	sand.u32 $0x1, s0;
	s0 =	rddreg [dreg:$0x2];
	s7 =	smul.u32 $0x14000, s1  }
0x8: {  	[smem:$0x7FF] =	sst s3;
	s14 =	sadd.s32 $0x6000, s5;
	s8 =	smul.u32 $0x50000, s1  }
0x9: {  	s15 =	sadd.s32 $0x10000, s5;
	s4 =	smul.u32 $0x140000, s6;
	_ =	strace $0x8000004D  }
0xa: {  	s29 =	ssub.s32 $0x2, s6;
	s6 =	sshll.u32 s6, $0x4;
	s30 =	sshrl.u32 s8, $0x2  }
0xb: {  	s31 =	sshrl.u32 s29, $0x1;
	s9 =	sor.u32 s1, s6;
	s4 =	sadd.s32 s7, s4  }
0xc: {  	s11 =	ssub.s32 s29, s31;
	s13 =	smul.u32 $0x500, s9;
	s7 =	sshrl.u32 s4, $0x3  }
0xd: {  	s4 =	sadd.s32 $0x1A000, s5;
	s11 =	smax.u32 s11, $0x1;
	s10 =	sadd.s32 s7, s5  }
0xe: {  	s5 =	sadd.s32 s30, s2;
	s16 =	sadd.s32 $0x280, s13;
	s12 =	sadd.s32 s14, s13  }
0xf: {  	s13 =	sadd.s32 s15, s13;
	s6 =	sadd.s32 $0x4000, s5;
	s7 =	sadd.s32 $0x8000, s5  }
0x10: {  	s8 =	sadd.s32 $0xC000, s5;
	s9 =	sadd.s32 $0x10000, s5;
	s10 =	sadd.s32 $0x41200, s10  }
0x11: {  	v0 =	vimm.f32 $0.0e+00;
	s14 =	sadd.s32 s14, s16;
	s15 =	sadd.s32 s15, s16;
	s16 =	simm.s32 $0x2800  }
.LBB2_1:
0x12: {  	s28 =	simm.s32 $0x0;
	s29 =	simm.s32 $0x200  }
.LBB2_2:
0x13: {  	p0 =	sne.s32 s29, $0xFE00;
	[tilespmem:s28+$0x2870] =	vst v0  }
0x14: {  	[tilespmem:s28+$0x2800] =	vst v0  }
0x15: {  	[tilespmem:s28+$0x2810] =	vst v0  }
.Ltmp0:
0x16: {  	[tilespmem:s28+$0x2820] =	vst v0;
	(pc) =	sbr.rel @p0 .LBB2_2-.Ltmp0, $4  }
0x17: {  	[tilespmem:s28+$0x2830] =	vst v0  }
0x18: {  	[tilespmem:s28+$0x2840] =	vst v0  }
0x19: {  	[tilespmem:s28+$0x2850] =	vst v0  }
0x1a: {  	[tilespmem:s28+$0x2860] =	vst v0;
	s28 =	sshra.s32 s29, $0x2;
	s29 =	sadd.s32 $0x200, s29  }
0x1b: {  	[tilespmem:s28+$0x2870] =	vst v0  }
0x1c: {  	[tilespmem:s28+$0x2800] =	vst v0  }
0x1d: {  	[tilespmem:s28+$0x2810] =	vst v0  }
0x1e: {  	[tilespmem:s28+$0x2820] =	vst v0  }
0x1f: {  	[tilespmem:s28+$0x2830] =	vst v0  }
0x20: {  	[tilespmem:s28+$0x2840] =	vst v0  }
0x21: {  	[tilespmem:s28+$0x2850] =	vst v0  }
0x22: {  	[tilespmem:s28+$0x2860] =	vst v0  }
0x23: {  	[spmem:s5] =	stream.linear.scatter [tilespmem:s16], [sflag:$0x5], $0x4000, $0x38;
	[tilespmem:$0x1E800] =	vst v63  }
0x24: {  	_ =	swait.ge [sflag:s17], $0x4000  }
0x25: {  	[sflag:s17] =	ssyncset.done $0x0  }
0x26: {  	[sflag:s17] =	ssyncadd.s32 $0xFFFFC000  }
0x27: {  	[spmem:s6] =	stream.linear.scatter [tilespmem:s16], [sflag:$0x5], $0x4000, $0x38;
	[tilespmem:$0x1E800] =	vst v63  }
0x28: {  	_ =	swait.ge [sflag:s17], $0x4000  }
0x29: {  	[sflag:s17] =	ssyncset.done $0x0  }
0x2a: {  	[sflag:s17] =	ssyncadd.s32 $0xFFFFC000  }
0x2b: {  	[spmem:s7] =	stream.linear.scatter [tilespmem:s16], [sflag:$0x5], $0x4000, $0x38;
	[tilespmem:$0x1E800] =	vst v63  }
0x2c: {  	_ =	swait.ge [sflag:s17], $0x4000  }
0x2d: {  	[sflag:s17] =	ssyncset.done $0x0  }
0x2e: {  	[sflag:s17] =	ssyncadd.s32 $0xFFFFC000  }
0x2f: {  	[spmem:s8] =	stream.linear.scatter [tilespmem:s16], [sflag:$0x5], $0x4000, $0x38;
	[tilespmem:$0x1E800] =	vst v63  }
0x30: {  	_ =	swait.ge [sflag:s17], $0x4000  }
0x31: {  	[sflag:s17] =	ssyncset.done $0x0  }
0x32: {  	[sflag:s17] =	ssyncadd.s32 $0xFFFFC000  }
0x33: {  	[spmem:s9] =	stream.linear.scatter [tilespmem:s16], [sflag:$0x5], $0x4000, $0x38;
	[tilespmem:$0x1E800] =	vst v63  }
0x34: {  	_ =	swait.ge [sflag:s17], $0x4000  }
0x35: {  	[sflag:s17] =	ssyncset.done $0x0  }
0x36: {  	[sflag:s17] =	ssyncadd.s32 $0xFFFFC000  }
0x37: {  	[bflag:$0x0] =	sbarrier.arrive $0xFFFF  }
0x38: {  	[tilespmem:s3], [sflag:$0x5] =	stream.linear.gather [hbm4b:s12+s3], $0x1400, $0x38;
	[tilespmem:$0x1E800] =	vst v63  }
0x39: {  	_ =	swait.ge [sflag:s17], $0x1400  }
0x3a: {  	[sflag:s17] =	ssyncset.done $0x0  }
0x3b: {  	[sflag:s17] =	ssyncadd.s32 $0xFFFFEC00  }
0x3c: {  	[tilespmem:s18], [sflag:$0x5] =	stream.linear.gather [hbm4b:s13+s3], $0x1400, $0x38;
	[tilespmem:$0x1E800] =	vst v63  }
0x3d: {  	_ =	swait.ge [sflag:s17], $0x1400  }
0x3e: {  	[sflag:s17] =	ssyncset.done $0x0  }
0x3f: {  	[sflag:s17] =	ssyncadd.s32 $0xFFFFEC00  }
0x40: {  	[tilespmem:s16], [sflag:$0x1] =	stream.indirect.gather [hbm4b:s4+s19], $0x80, s3, s19, $0xb8;
	[tilespmem:$0x1E800] =	vst v63  }
0x41: {  	_ =	swait.ge [sflag:s20], $0x4000  }
0x42: {  	[sflag:s20] =	ssyncset.done $0x0  }
0x43: {  	[sflag:s20] =	ssyncadd.s32 $0xFFFFC000  }
0x44: {  	[tilespmem:s21], [sflag:$0x2] =	stream.indirect.gather [hbm4b:s4+s19], $0x80, s19, s19, $0xb8;
	[tilespmem:$0x1E800] =	vst v63  }
0x45: {  	_ = 	snop  }
0x46: {  	[spmem:s2] =	stream.indirect.scatter.add.f32 [tilespmem:s16], [sflag:$0x3], $0x80, s18, s19, $0xb8;
	[tilespmem:$0x1E800] =	vst v63  }
0x47: {  	_ =	swait.ge [sflag:s22], $0x4000  }
0x48: {  	[sflag:s22] =	ssyncset.done $0x0  }
0x49: {  	[sflag:s22] =	ssyncadd.s32 $0xFFFFC000  }
0x4a: {  	_ =	swait.ge [sflag:s23], $0x4000  }
0x4b: {  	[sflag:s23] =	ssyncset.done $0x0  }
0x4c: {  	s28 =	simm.s32 $0x100;
	[sflag:s23] =	ssyncadd.s32 $0xFFFFC000  }
0x4d: {  	[tilespmem:s16], [sflag:$0x1] =	stream.indirect.gather [hbm4b:s4+s19], $0x80, s28, s19, $0xb8;
	[tilespmem:$0x1E800] =	vst v63  }
0x4e: {  	s28 =	simm.s32 $0x1480  }
0x4f: {  	[spmem:s2] =	stream.indirect.scatter.add.f32 [tilespmem:s21], [sflag:$0x4], $0x80, s28, s19, $0xb8;
	[tilespmem:$0x1E800] =	vst v63  }
0x50: {  	_ =	swait.ge [sflag:s20], $0x4000  }
0x51: {  	[sflag:s20] =	ssyncset.done $0x0  }
0x52: {  	[sflag:s20] =	ssyncadd.s32 $0xFFFFC000  }
0x53: {  	_ =	swait.ge [sflag:s24], $0x4000  }
0x54: {  	[sflag:s24] =	ssyncset.done $0x0  }
0x55: {  	s28 =	simm.s32 $0x180;
	[sflag:s24] =	ssyncadd.s32 $0xFFFFC000  }
0x56: {  	[tilespmem:s21], [sflag:$0x2] =	stream.indirect.gather [hbm4b:s4+s19], $0x80, s28, s19, $0xb8;
	[tilespmem:$0x1E800] =	vst v63  }
0x57: {  	s29 =	simm.s32 $0x1500;
	s28 =	simm.s32 $0xFFFFB800  }
.LBB2_4:
0x58: {  	[spmem:s2] =	stream.indirect.scatter.add.f32 [tilespmem:s16], [sflag:$0x3], $0x80, s29, s19, $0xb8;
	[tilespmem:$0x1E800] =	vst v63  }
0x59: {  	s29 =	smov.u32 s28  }
0x5a: {  	p0 =	sne.s32 s28, $0xFFFFFC00;
	s28 =	sadd.s32 $0x400, s28;
	_ =	swait.ge [sflag:s22], $0x4000  }
0x5b: {  	[sflag:s22] =	ssyncset.done $0x0  }
0x5c: {  	[sflag:s22] =	ssyncadd.s32 $0xFFFFC000  }
0x5d: {  	_ =	swait.ge [sflag:s23], $0x4000  }
0x5e: {  	s29 =	sshra.s32 s29, $0x2;
	[sflag:s23] =	ssyncset.done $0x0  }
0x5f: {  	s30 =	sadd.s32 $0x1400, s29;
	[sflag:s23] =	ssyncadd.s32 $0xFFFFC000  }
0x60: {  	[tilespmem:s16], [sflag:$0x1] =	stream.indirect.gather [hbm4b:s4+s19], $0x80, s30, s19, $0xb8;
	[tilespmem:$0x1E800] =	vst v63  }
0x61: {  	s30 =	sadd.s32 $0x2780, s29  }
0x62: {  	[spmem:s2] =	stream.indirect.scatter.add.f32 [tilespmem:s21], [sflag:$0x4], $0x80, s30, s19, $0xb8;
	[tilespmem:$0x1E800] =	vst v63  }
0x63: {  	_ =	swait.ge [sflag:s20], $0x4000  }
0x64: {  	[sflag:s20] =	ssyncset.done $0x0  }
0x65: {  	[sflag:s20] =	ssyncadd.s32 $0xFFFFC000  }
.Ltmp1:
0x66: {  	_ =	swait.ge [sflag:s24], $0x4000;
	(pc) =	sbr.rel @p0 .LBB2_4-.Ltmp1, $4  }
0x67: {  	[sflag:s24] =	ssyncset.done $0x0  }
0x68: {  	s30 =	sadd.s32 $0x1480, s29;
	[sflag:s24] =	ssyncadd.s32 $0xFFFFC000  }
0x69: {  	[tilespmem:s21], [sflag:$0x2] =	stream.indirect.gather [hbm4b:s4+s19], $0x80, s30, s19, $0xb8;
	[tilespmem:$0x1E800] =	vst v63  }
0x6a: {  	s29 =	sadd.s32 $0x2800, s29  }
0x6b: {  	[spmem:s2] =	stream.indirect.scatter.add.f32 [tilespmem:s16], [sflag:$0x3], $0x80, s29, s19, $0xb8;
	[tilespmem:$0x1E800] =	vst v63  }
0x6c: {  	_ =	swait.ge [sflag:s22], $0x4000  }
0x6d: {  	[sflag:s22] =	ssyncset.done $0x0  }
0x6e: {  	[sflag:s22] =	ssyncadd.s32 $0xFFFFC000  }
0x6f: {  	_ =	swait.ge [sflag:s23], $0x4000  }
0x70: {  	[sflag:s23] =	ssyncset.done $0x0  }
0x71: {  	[sflag:s23] =	ssyncadd.s32 $0xFFFFC000  }
0x72: {  	[spmem:s2] =	stream.indirect.scatter.add.f32 [tilespmem:s21], [sflag:$0x4], $0x80, s25, s19, $0xb8;
	[tilespmem:$0x1E800] =	vst v63  }
0x73: {  	_ =	swait.ge [sflag:s24], $0x4000  }
0x74: {  	[sflag:s24] =	ssyncset.done $0x0  }
0x75: {  	[sflag:s24] =	ssyncadd.s32 $0xFFFFC000  }
0x76: {  	[tilespmem:s3], [sflag:$0x5] =	stream.linear.gather [hbm4b:s14+s3], $0x1400, $0x38;
	[tilespmem:$0x1E800] =	vst v63  }
0x77: {  	_ =	swait.ge [sflag:s17], $0x1400  }
0x78: {  	[sflag:s17] =	ssyncset.done $0x0  }
0x79: {  	[sflag:s17] =	ssyncadd.s32 $0xFFFFEC00  }
0x7a: {  	[tilespmem:s18], [sflag:$0x5] =	stream.linear.gather [hbm4b:s15+s3], $0x1400, $0x38;
	[tilespmem:$0x1E800] =	vst v63  }
0x7b: {  	_ =	swait.ge [sflag:s17], $0x1400  }
0x7c: {  	[sflag:s17] =	ssyncset.done $0x0  }
0x7d: {  	[sflag:s17] =	ssyncadd.s32 $0xFFFFEC00  }
0x7e: {  	[tilespmem:s16], [sflag:$0x1] =	stream.indirect.gather [hbm4b:s4+s19], $0x80, s3, s19, $0xb8;
	[tilespmem:$0x1E800] =	vst v63  }
0x7f: {  	_ =	swait.ge [sflag:s20], $0x4000  }
0x80: {  	[sflag:s20] =	ssyncset.done $0x0  }
0x81: {  	[sflag:s20] =	ssyncadd.s32 $0xFFFFC000  }
0x82: {  	[tilespmem:s21], [sflag:$0x2] =	stream.indirect.gather [hbm4b:s4+s19], $0x80, s19, s19, $0xb8;
	[tilespmem:$0x1E800] =	vst v63  }
0x83: {  	_ = 	snop  }
0x84: {  	[spmem:s2] =	stream.indirect.scatter.add.f32 [tilespmem:s16], [sflag:$0x3], $0x80, s18, s19, $0xb8;
	[tilespmem:$0x1E800] =	vst v63  }
0x85: {  	_ =	swait.ge [sflag:s22], $0x4000  }
0x86: {  	[sflag:s22] =	ssyncset.done $0x0  }
0x87: {  	[sflag:s22] =	ssyncadd.s32 $0xFFFFC000  }
0x88: {  	_ =	swait.ge [sflag:s23], $0x4000  }
0x89: {  	[sflag:s23] =	ssyncset.done $0x0  }
0x8a: {  	s28 =	simm.s32 $0x100;
	[sflag:s23] =	ssyncadd.s32 $0xFFFFC000  }
0x8b: {  	[tilespmem:s16], [sflag:$0x1] =	stream.indirect.gather [hbm4b:s4+s19], $0x80, s28, s19, $0xb8;
	[tilespmem:$0x1E800] =	vst v63  }
0x8c: {  	s28 =	simm.s32 $0x1480  }
0x8d: {  	[spmem:s2] =	stream.indirect.scatter.add.f32 [tilespmem:s21], [sflag:$0x4], $0x80, s28, s19, $0xb8;
	[tilespmem:$0x1E800] =	vst v63  }
0x8e: {  	_ =	swait.ge [sflag:s20], $0x4000  }
0x8f: {  	[sflag:s20] =	ssyncset.done $0x0  }
0x90: {  	[sflag:s20] =	ssyncadd.s32 $0xFFFFC000  }
0x91: {  	_ =	swait.ge [sflag:s24], $0x4000  }
0x92: {  	[sflag:s24] =	ssyncset.done $0x0  }
0x93: {  	s28 =	simm.s32 $0x180;
	[sflag:s24] =	ssyncadd.s32 $0xFFFFC000  }
0x94: {  	[tilespmem:s21], [sflag:$0x2] =	stream.indirect.gather [hbm4b:s4+s19], $0x80, s28, s19, $0xb8;
	[tilespmem:$0x1E800] =	vst v63  }
0x95: {  	s29 =	simm.s32 $0x1500;
	s28 =	simm.s32 $0xFFFFB800  }
.LBB2_6:
0x96: {  	[spmem:s2] =	stream.indirect.scatter.add.f32 [tilespmem:s16], [sflag:$0x3], $0x80, s29, s19, $0xb8;
	[tilespmem:$0x1E800] =	vst v63  }
0x97: {  	s29 =	smov.u32 s28  }
0x98: {  	p0 =	sne.s32 s28, $0xFFFFFC00;
	s28 =	sadd.s32 $0x400, s28;
	_ =	swait.ge [sflag:s22], $0x4000  }
0x99: {  	[sflag:s22] =	ssyncset.done $0x0  }
0x9a: {  	[sflag:s22] =	ssyncadd.s32 $0xFFFFC000  }
0x9b: {  	_ =	swait.ge [sflag:s23], $0x4000  }
0x9c: {  	s29 =	sshra.s32 s29, $0x2;
	[sflag:s23] =	ssyncset.done $0x0  }
0x9d: {  	s30 =	sadd.s32 $0x1400, s29;
	[sflag:s23] =	ssyncadd.s32 $0xFFFFC000  }
0x9e: {  	[tilespmem:s16], [sflag:$0x1] =	stream.indirect.gather [hbm4b:s4+s19], $0x80, s30, s19, $0xb8;
	[tilespmem:$0x1E800] =	vst v63  }
0x9f: {  	s30 =	sadd.s32 $0x2780, s29  }
0xa0: {  	[spmem:s2] =	stream.indirect.scatter.add.f32 [tilespmem:s21], [sflag:$0x4], $0x80, s30, s19, $0xb8;
	[tilespmem:$0x1E800] =	vst v63  }
0xa1: {  	_ =	swait.ge [sflag:s20], $0x4000  }
0xa2: {  	[sflag:s20] =	ssyncset.done $0x0  }
0xa3: {  	[sflag:s20] =	ssyncadd.s32 $0xFFFFC000  }
.Ltmp2:
0xa4: {  	_ =	swait.ge [sflag:s24], $0x4000;
	(pc) =	sbr.rel @p0 .LBB2_6-.Ltmp2, $4  }
0xa5: {  	[sflag:s24] =	ssyncset.done $0x0  }
0xa6: {  	s30 =	sadd.s32 $0x1480, s29;
	[sflag:s24] =	ssyncadd.s32 $0xFFFFC000  }
0xa7: {  	[tilespmem:s21], [sflag:$0x2] =	stream.indirect.gather [hbm4b:s4+s19], $0x80, s30, s19, $0xb8;
	[tilespmem:$0x1E800] =	vst v63  }
0xa8: {  	s29 =	sadd.s32 $0x2800, s29  }
0xa9: {  	[spmem:s2] =	stream.indirect.scatter.add.f32 [tilespmem:s16], [sflag:$0x3], $0x80, s29, s19, $0xb8;
	[tilespmem:$0x1E800] =	vst v63  }
0xaa: {  	_ =	swait.ge [sflag:s22], $0x4000  }
0xab: {  	[sflag:s22] =	ssyncset.done $0x0  }
0xac: {  	[sflag:s22] =	ssyncadd.s32 $0xFFFFC000  }
0xad: {  	_ =	swait.ge [sflag:s23], $0x4000  }
0xae: {  	[sflag:s23] =	ssyncset.done $0x0  }
0xaf: {  	[sflag:s23] =	ssyncadd.s32 $0xFFFFC000  }
0xb0: {  	[spmem:s2] =	stream.indirect.scatter.add.f32 [tilespmem:s21], [sflag:$0x4], $0x80, s25, s19, $0xb8;
	[tilespmem:$0x1E800] =	vst v63  }
0xb1: {  	_ =	swait.ge [sflag:s24], $0x4000  }
0xb2: {  	s28 =	sshll.u32 s1, $0x6;
	s26 =	sadd.s32 $0x1, s26;
	[sflag:s24] =	ssyncset.done $0x0  }
0xb3: {  	s31 =	sshrl.u32 s5, $0x3;
	p0 =	sne.s32 s26, s11;
	[sflag:s24] =	ssyncadd.s32 $0xFFFFC000  }
.Ltmp3:
0xb4: {  	s28 =	sor.u32 $0x1C05, s28;
	[bflag:$0x0] =	sbarrier.arrive $0xFFFF;
	(pc) =	sbr.rel @p0 .LBB2_1-.Ltmp3, $4  }
0xb5: {  	[hbm:s10], [sflag:s28] =	dma.local [spmem:s31], $0x2800  }
0xb6: {  	_ =	swait.ge [sflag:s17], $0x2800  }
0xb7: {  	[sflag:s17] =	ssyncset.done $0x0  }
0xb8: {  	[sflag:s17] =	ssyncadd.s32 $0xFFFFD800  }
0xb9: {  	_ =	sfence.sel $0x180000  }
0xba: {  	[bflag:$0x0] =	sbarrier.arrive $0xFFFF  }
0xbb: {  	p0 =	sne.s32 s1, $0x0;
	_ =	strace $0x9000004D  }
0xbc: {  	s0 =	sadd.s32 @!p0 $0x100000, s0;
	[bflag:$0x2] =	sbarrier.arrive $0xFFFF  }
0xbd: {  	[sflag:s0] =	ssyncadd.tile.s32 @!p0 $0x1;
	_ =	shalt  }
.Lfunc_end2:
_tile_overlayer_lowered:
.L_overlay_start_2:
0xbe: {  	(tag) =	ssettag $0x2  }
0xbf: {  	s0 =	rddreg [dreg:$0x0];
	s2 =	stileid.u32  }
0xc0: {  	s1 =	rddreg [dreg:$0x1];
	p0 =	sne.s32 s2, $0x0  }
0xc1: {  	s3 =	rddreg [dreg:$0x2];
	[bflag:$0x3] =	sbarrier.arrive $0xFFFF;
	s2 =	simm.s32 @!p0 $0x1C05  }
0xc2: {  	[timem:s3], [sflag:s2] =	dma.local @!p0 [hbm:s0], s1  }
0xc3: {  	s0 =	simm.s32 @!p0 $0x5  }
0xc4: {  	_ =	swait.ge @!p0 [sflag:s0], s1  }
0xc5: {  	s1 =	ssub.s32 @!p0 $0x0, s1;
	[sflag:s0] =	ssyncset.done @!p0 $0x0  }
0xc6: {  	[sflag:s0] =	ssyncadd.s32 @!p0 s1  }
0xc7: {  	[bflag:$0x3] =	sbarrier.arrive $0xFFFF  }
0xc8: {  	_ =	shalt  }

// kernel: kernel.25.cloned.1.call-start
scs
__scs_entry_jumppad:
0x0: {  	(pc) =	sbr.rel $0x88, $3  }
0x1: {  	(tag) =	ssettag $0x0;
	lr =	simm.s32 $0x1  }
0x2: {  	[smem:$0x3F87] =	sst lr;
	_ =	strace $0xD0000000  }
0x3: {  	_ = 	snop  }
0x4: {  	_ = 	snop  }
0x5: {  	_ = 	snop  }
0x6: {  	_ = 	snop  }
0x7: {  	_ = 	snop  }
__scs_overlays_trampoline_lowered:
0x8: {  	[smem:$0x3F96] =	sst s0  }
0x9: {  	[smem:$0x3F97] =	sst s1  }
0xa: {  	[smem:$0x3F98] =	sst s2  }
0xb: {  	[smem:$0x3F99] =	sst s3  }
0xc: {  	[smem:$0x3F9A] =	sst s4  }
0xd: {  	[smem:$0x3F9B] =	sst s5  }
0xe: {  	[smem:$0x3F9C] =	sst s6  }
0xf: {  	[smem:$0x3F9D] =	sst s7  }
0x10: {  	[smem:$0x3F9E] =	sst s8  }
0x11: {  	[smem:$0x3F9F] =	sst s9;
	s0 =	simm.s32 @!p0 $0x0  }
0x12: {  	s1 =	sld [smem:$0x3F85];
	s0 =	simm.s32 @p0 $0x1  }
0x13: {  	[smem:$0x3FA0] =	sst s0;
	s0 =	simm.s32 @!p1 $0x0  }
0x14: {  	s2 =	sld [smem:$0x3F84];
	s0 =	simm.s32 @p1 $0x1  }
0x15: {  	[smem:$0x3FA1] =	sst s0;
	s0 =	simm.s32 @!p2 $0x0  }
0x16: {  	s3 =	sld [smem:$0x3FDB];
	s0 =	simm.s32 @p2 $0x1  }
0x17: {  	s4 =	simm.s32 $0x1BF5;
	[smem:$0x3FA3] =	sst s0  }
0x18: {  	s0 =	sld [smem:$0x3F86];
	_ =	swait.ge [sflag:s4], $0x0  }
0x19: {  	s7 =	sld [smem:$0x3F87]  }
0x1a: {  	s8 =	sadd.s32 $0xFFFFE003, lr  }
0x1b: {  	s9 =	sadd.s32 $0xFFFFFEF7, lr;
	s5 =	simm.s32 $0xFFFFFFFF;
	p2 =	slt.u32 s8, $0xFFFFF086  }
0x1c: {  	p1 =	slt.u32 s9, $0xF7A;
	s5 =	simm.s32 @!p2 $0x0  }
0x1d: {  	s5 =	simm.s32 @p1 $0x1;
	p0 =	seq.s32 s7, s2  }
0x1e: {  	s7 =	smul.u32 @!p0 $0xF7A, s2;
	p2 =	seq.s32 @!p0 s5, $0x0  }
0x1f: {  	s9 =	smul.u32 $0xF7A, s1;
	s8 =	simm.s32 @!p0 $0x1BF5;
	p2 =	por !p2, p0  }
0x20: {  	[sflag:s8] =	ssyncset.s32 @!p0 $0xFFFFF086;
	s6 =	sadd.s32 @!p0 s3, s7;
	s7 =	simm.s32 @!p0 $0x108  }
0x21: {  	s3 =	sadd.s32 s3, s9;
	s6 =	sadd.s32 @!p0 $0x88, s6;
	s7 =	simm.s32 @p2 $0x1082  }
0x22: {  	[simem:s7], [sflag:s8] =	dma.local @!p0 [hbm:s6], $0xF7A  }
0x23: {  	s9 =	sor.u32 $0xD0000000, s2;
	s6 =	simm.s32 $0x108;
	_ =	swait.ge @!p0 [sflag:s8], $0x0  }
0x24: {  	s3 =	sadd.s32 $0x88, s3;
	s6 =	simm.s32 @!p1 $0x1082;
	[sflag:s4] =	ssyncset.s32 $0xFFFFF086  }
0x25: {  	[simem:s6], [sflag:s4] =	dma.local [hbm:s3], $0xF7A  }
0x26: {  	[smem:$0x3F87] =	sst s1;
	(tag) =	ssettag s2;
	_ =	strace s9  }
0x27: {  	s1 =	sld [smem:$0x3F97]  }
0x28: {  	s2 =	sld [smem:$0x3F98]  }
0x29: {  	s4 =	sld [smem:$0x3F9A]  }
0x2a: {  	p0 =	seq.s32 s5, $0x0;
	s5 =	sld [smem:$0x3F9B]  }
0x2b: {  	s6 =	sld [smem:$0x3F9C]  }
0x2c: {  	s7 =	sld [smem:$0x3F9D]  }
0x2d: {  	s3 =	simm.s32 $0x108;
	s8 =	sld [smem:$0x3F9E]  }
0x2e: {  	s3 =	simm.s32 @!p0 $0x1082;
	s9 =	sld [smem:$0x3F9F]  }
0x2f: {  	lr =	sadd.s32 s0, s3;
	s0 =	sld [smem:$0x3F96]  }
0x30: {  	s3 =	sld [smem:$0x3F99]  }
0x31: {  	[smem:$0x3FA2] =	sst s10  }
0x32: {  	s10 =	sld [smem:$0x3FA0];
	_ =	sdelay $0x3  }
0x33: {  	p0 =	seq.s32 s10, $0x1;
	s10 =	sld [smem:$0x3FA2];
	_ =	sdelay $0x3  }
0x34: {  	[smem:$0x3FA2] =	sst s10  }
0x35: {  	s10 =	sld [smem:$0x3FA1];
	_ =	sdelay $0x3  }
0x36: {  	p1 =	seq.s32 s10, $0x1;
	s10 =	sld [smem:$0x3FA2];
	_ =	sdelay $0x3  }
0x37: {  	[smem:$0x3FA2] =	sst s10  }
0x38: {  	s10 =	sld [smem:$0x3FA3]  }
0x39: {  	_ = 	snop;
	(pc) =	sbr.ind lr, $3  }
0x3a: {  	_ = 	snop  }
0x3b: {  	_ = 	snop  }
0x3c: {  	p2 =	seq.s32 s10, $0x1;
	s10 =	sld [smem:$0x3FA2]  }
0x3d: {  	_ =	shalt  }
0x3e: {  	_ =	shalt  }
0x3f: {  	_ =	shalt  }
0x40: {  	_ =	shalt  }
0x41: {  	_ =	shalt  }
0x42: {  	_ =	shalt  }
0x43: {  	_ =	shalt  }
0x44: {  	_ =	shalt  }
0x45: {  	_ =	shalt  }
0x46: {  	_ =	shalt  }
0x47: {  	_ =	shalt  }
0x48: {  	_ =	shalt  }
0x49: {  	_ =	shalt  }
0x4a: {  	_ =	shalt  }
0x4b: {  	_ =	shalt  }
0x4c: {  	_ =	shalt  }
0x4d: {  	_ =	shalt  }
0x4e: {  	_ =	shalt  }
0x4f: {  	_ =	shalt  }
0x50: {  	_ =	shalt  }
0x51: {  	_ =	shalt  }
0x52: {  	_ =	shalt  }
0x53: {  	_ =	shalt  }
0x54: {  	_ =	shalt  }
0x55: {  	_ =	shalt  }
0x56: {  	_ =	shalt  }
0x57: {  	_ =	shalt  }
0x58: {  	_ =	shalt  }
0x59: {  	_ =	shalt  }
0x5a: {  	_ =	shalt  }
0x5b: {  	_ =	shalt  }
0x5c: {  	_ =	shalt  }
0x5d: {  	_ =	shalt  }
0x5e: {  	_ =	shalt  }
0x5f: {  	_ =	shalt  }
0x60: {  	_ =	shalt  }
0x61: {  	_ =	shalt  }
0x62: {  	_ =	shalt  }
0x63: {  	_ =	shalt  }
0x64: {  	_ =	shalt  }
0x65: {  	_ =	shalt  }
0x66: {  	_ =	shalt  }
0x67: {  	_ =	shalt  }
0x68: {  	_ =	shalt  }
0x69: {  	_ =	shalt  }
0x6a: {  	_ =	shalt  }
0x6b: {  	_ =	shalt  }
0x6c: {  	_ =	shalt  }
0x6d: {  	_ =	shalt  }
0x6e: {  	_ =	shalt  }
0x6f: {  	_ =	shalt  }
0x70: {  	_ =	shalt  }
0x71: {  	_ =	shalt  }
0x72: {  	_ =	shalt  }
0x73: {  	_ =	shalt  }
0x74: {  	_ =	shalt  }
0x75: {  	_ =	shalt  }
0x76: {  	_ =	shalt  }
0x77: {  	_ =	shalt  }
0x78: {  	_ =	shalt  }
0x79: {  	_ =	shalt  }
0x7a: {  	_ =	shalt  }
0x7b: {  	_ =	shalt  }
0x7c: {  	_ =	shalt  }
0x7d: {  	_ =	shalt  }
0x7e: {  	_ =	shalt  }
0x7f: {  	_ =	shalt  }
0x80: {  	_ =	shalt  }
0x81: {  	_ =	shalt  }
0x82: {  	_ =	shalt  }
0x83: {  	_ =	shalt  }
0x84: {  	_ =	shalt  }
0x85: {  	_ =	shalt  }
0x86: {  	_ =	shalt  }
0x87: {  	_ =	shalt  }
.Lfunc_end0:
.L_simem_size_0:
called_computation.3_lowered:
.L_overlay_start_0:
0x88: {  	s2 =	sld [smem:$0x3FD9]  }
0x89: {  	s3 =	sld [smem:$0x3FFE];
	_ =	sdelay $0x1  }
0x8a: {  	s1 =	srdreg.scid  }
0x8b: {  	s0 =	sand.u32 $0x1, s1  }
0x8c: {  	s16 =	sshll.u32 s0, $0xA;
	s2 =	sadd.s32 s3, s2  }
0x8d: {  	s2 =	sadd.s32 s2, s16  }
0x8e: {  	[smem:$0x3FAE] =	sst s2  }
0x8f: {  	_ = 	snop  }
0x90: {  	(tm) =	ssettm $0x1  }
0x91: {  	s17 =	sld [smem:$0x3FFB];
	_ =	sdelay $0x3  }
0x92: {  	_ =	strace s17  }
0x93: {  	s2 =	sld [smem:$0x3FFC];
	_ =	sdelay $0x3  }
0x94: {  	_ =	strace s2  }
0x95: {  	s2 =	sld [smem:$0x3FFD];
	_ =	sdelay $0x3  }
0x96: {  	_ =	strace s2  }
0x97: {  	_ =	strace $0x8FFFFFFF  }
0x98: {  	s18 =	sld [smem:$0x3FDB];
	_ =	sdelay $0x1  }
0x99: {  	s19 =	simm.s32 $_scs_section_size  }
0x9a: {  	s4 =	simm.s32 $_size__tile_overlayer_lowered;
	s5 =	simm.s32 $_tile_overlayer_lowered  }
0x9b: {  	s22 =	simm.s32 $0x1BFF;
	s21 =	sshll.u32 s5, $0x1;
	s2 =	sadd.s32 s19, s18  }
0x9c: {  	s6 =	simm.s32 $0x0;
	s20 =	sshll.u32 s4, $0x1;
	s4 =	sadd.s32 s21, s2  }
0x9d: {  	[timem:s6], [sflag:s22] =	dma.local [hbm:s4], s20  }
0x9e: {  	_ =	swait.ge [sflag:s22], s20  }
0x9f: {  	s3 =	ssub.s32 $0x0, s20;
	[sflag:s22] =	ssyncset.done $0x0  }
0xa0: {  	[sflag:s22] =	ssyncadd.s32 s3;
	_ =	sdelay $0x1  }
0xa1: {  	s23 =	simm.s32 $0x1B8B  }
0xa2: {  	_ =	swait.ge [sflag:s23], $0x1  }
0xa3: {  	[sflag:s23] =	ssyncset.done $0x0  }
0xa4: {  	s25 =	simm.s32 $0x1B8E;
	s24 =	sld [smem:$0x3FFE];
	[sflag:s23] =	ssyncadd.s32 $0xFFFFFFFF  }
0xa5: {  	s26 =	simm.s32 $execute0_lowered;
	[smem:$0x3FD2] =	sst s25  }
0xa6: {  	s4 =	sshll.u32 s26, $0x1;
	_ =	strace $0x8000004F;
	[dreg:$0x1] =	wrdreg $0xFFFFFFFF  }
0xa7: {  	s28 =	simm.s32 $_size_execute0_lowered;
	s2 =	sadd.s32 s2, s4;
	[dreg:$0x0] =	wrdreg $0x0  }
0xa8: {  	s4 =	sshll.u32 s28, $0x1;
	[dreg:$0x2] =	wrdreg s2  }
0xa9: {  	[dreg:$0x3] =	wrdreg s4  }
0xaa: {  	[dreg:$0x4] =	wrdreg $0xC0  }
0xab: {  	_ =	task [dreg:s6], $0x5FFFF  }
0xac: {  	[dreg:$0x1] =	wrdreg $0xFFFFFFFF  }
0xad: {  	[dreg:$0x0] =	wrdreg $0x60  }
0xae: {  	[dreg:$0x2] =	wrdreg s24  }
0xaf: {  	[dreg:$0x3] =	wrdreg $0xA8000  }
0xb0: {  	[dreg:$0x4] =	wrdreg $0x9  }
0xb1: {  	_ =	task.clear_ibuf [dreg:s6], $0x5FFFF;
	_ =	strace $0x9000004F  }
0xb2: {  	s29 =	simm.s32 $0x9;
	_ =	strace $0x80000051  }
0xb3: {  	_ =	swait.ge [sflag:s29], $0x1  }
0xb4: {  	[sflag:s29] =	ssyncadd.s32 $0xFFFFFFFF  }
0xb5: {  	_ =	strace $0x90000051  }
0xb6: {  	_ =	sfence  }
0xb7: {  	s30 =	sld [smem:$0x0];
	_ =	sdelay $0x2  }
0xb8: {  	s31 =	sshll.u32 s1, $0xD;
	s1 =	sshrl.u32 s1, $0x2  }
0xb9: {  	s3 =	sand.u32 $0x4000, s31;
	s1 =	sadd.s32 s1, s30  }
0xba: {  	s0 =	sor.u32 s3, s0;
	s1 =	sshll.u32 s1, $0x11  }
0xbb: {  	s0 =	sor.u32 s1, s0  }
0xbc: {  	s0 =	sadd.s32 $0x8F2B, s0  }
0xbd: {  	[sflag:s0] =	ssyncadd.remote.s32 $0x1  }
0xbe: {  	_ =	sfence.sel $0xFFFF  }
0xbf: {  	[dreg:$0x0] =	wrdreg $0xFFFFFFFF;
	(pc) =	sbr.abs _section_cstart, $3  }
0xc0: {  	[dreg:$0x1] =	wrdreg $0xFFFFFFFF  }
0xc1: {  	_ =	task.clear_ibuf [dreg:s6], $0x2FFFF;
	_ =	strace $0x9FFFFFFF  }
0xc2: {  	(tm) =	ssettm $0x7FFFFFFF  }
0xc3: {  	_ =	shalt  }
tec
execute0_lowered:
.L_overlay_start_1:
0x0: {  	(tag) =	ssettag $0x1  }
0x1: {  	s5 =	rddreg [dreg:$0x0]  }
0x2: {  	s0 =	srdreg.scid;
	s2 =	rddreg [dreg:$0x1]  }
0x3: {  	s1 =	stileid.u32;
	s3 =	simm.s32 $0x0;
	s17 =	simm.s32 $0x5  }
0x4: {  	s18 =	simm.s32 $0x1400;
	s19 =	simm.s32 $0x80;
	s20 =	simm.s32 $0x1  }
0x5: {  	s21 =	simm.s32 $0x6800;
	s22 =	simm.s32 $0x2;
	s23 =	simm.s32 $0x3  }
0x6: {  	s24 =	simm.s32 $0x4;
	s25 =	simm.s32 $0x2780;
	s26 =	simm.s32 $0x0  }
0x7: {  	s6 =	sand.u32 $0x1, s0;
	s0 =	rddreg [dreg:$0x2];
	s7 =	smul.u32 $0x14000, s1  }
0x8: {  	[smem:$0x7FF] =	sst s3;
	s14 =	sadd.s32 $0x6000, s5;
	s8 =	smul.u32 $0x50000, s1  }
0x9: {  	s15 =	sadd.s32 $0x10000, s5;
	s4 =	smul.u32 $0x140000, s6;
	_ =	strace $0x80000050  }
0xa: {  	s29 =	ssub.s32 $0x2, s6;
	s6 =	sshll.u32 s6, $0x4;
	s30 =	sshrl.u32 s8, $0x2  }
0xb: {  	s31 =	sshrl.u32 s29, $0x1;
	s9 =	sor.u32 s1, s6;
	s4 =	sadd.s32 s7, s4  }
0xc: {  	s11 =	ssub.s32 s29, s31;
	s13 =	smul.u32 $0x500, s9;
	s7 =	sshrl.u32 s4, $0x3  }
0xd: {  	s4 =	sadd.s32 $0x1A000, s5;
	s11 =	smax.u32 s11, $0x1;
	s10 =	sadd.s32 s7, s5  }
0xe: {  	s5 =	sadd.s32 s30, s2;
	s16 =	sadd.s32 $0x280, s13;
	s12 =	sadd.s32 s14, s13  }
0xf: {  	s13 =	sadd.s32 s15, s13;
	s6 =	sadd.s32 $0x4000, s5;
	s7 =	sadd.s32 $0x8000, s5  }
0x10: {  	s8 =	sadd.s32 $0xC000, s5;
	s9 =	sadd.s32 $0x10000, s5;
	s10 =	sadd.s32 $0x41200, s10  }
0x11: {  	v0 =	vimm.f32 $0.0e+00;
	s14 =	sadd.s32 s14, s16;
	s15 =	sadd.s32 s15, s16;
	s16 =	simm.s32 $0x2800  }
.LBB2_1:
0x12: {  	s28 =	simm.s32 $0x0;
	s29 =	simm.s32 $0x200  }
.LBB2_2:
0x13: {  	p0 =	sne.s32 s29, $0xFE00;
	[tilespmem:s28+$0x2870] =	vst v0  }
0x14: {  	[tilespmem:s28+$0x2800] =	vst v0  }
0x15: {  	[tilespmem:s28+$0x2810] =	vst v0  }
.Ltmp0:
0x16: {  	[tilespmem:s28+$0x2820] =	vst v0;
	(pc) =	sbr.rel @p0 .LBB2_2-.Ltmp0, $4  }
0x17: {  	[tilespmem:s28+$0x2830] =	vst v0  }
0x18: {  	[tilespmem:s28+$0x2840] =	vst v0  }
0x19: {  	[tilespmem:s28+$0x2850] =	vst v0  }
0x1a: {  	[tilespmem:s28+$0x2860] =	vst v0;
	s28 =	sshra.s32 s29, $0x2;
	s29 =	sadd.s32 $0x200, s29  }
0x1b: {  	[tilespmem:s28+$0x2870] =	vst v0  }
0x1c: {  	[tilespmem:s28+$0x2800] =	vst v0  }
0x1d: {  	[tilespmem:s28+$0x2810] =	vst v0  }
0x1e: {  	[tilespmem:s28+$0x2820] =	vst v0  }
0x1f: {  	[tilespmem:s28+$0x2830] =	vst v0  }
0x20: {  	[tilespmem:s28+$0x2840] =	vst v0  }
0x21: {  	[tilespmem:s28+$0x2850] =	vst v0  }
0x22: {  	[tilespmem:s28+$0x2860] =	vst v0  }
0x23: {  	[spmem:s5] =	stream.linear.scatter [tilespmem:s16], [sflag:$0x5], $0x4000, $0x38;
	[tilespmem:$0x1E800] =	vst v63  }
0x24: {  	_ =	swait.ge [sflag:s17], $0x4000  }
0x25: {  	[sflag:s17] =	ssyncset.done $0x0  }
0x26: {  	[sflag:s17] =	ssyncadd.s32 $0xFFFFC000  }
0x27: {  	[spmem:s6] =	stream.linear.scatter [tilespmem:s16], [sflag:$0x5], $0x4000, $0x38;
	[tilespmem:$0x1E800] =	vst v63  }
0x28: {  	_ =	swait.ge [sflag:s17], $0x4000  }
0x29: {  	[sflag:s17] =	ssyncset.done $0x0  }
0x2a: {  	[sflag:s17] =	ssyncadd.s32 $0xFFFFC000  }
0x2b: {  	[spmem:s7] =	stream.linear.scatter [tilespmem:s16], [sflag:$0x5], $0x4000, $0x38;
	[tilespmem:$0x1E800] =	vst v63  }
0x2c: {  	_ =	swait.ge [sflag:s17], $0x4000  }
0x2d: {  	[sflag:s17] =	ssyncset.done $0x0  }
0x2e: {  	[sflag:s17] =	ssyncadd.s32 $0xFFFFC000  }
0x2f: {  	[spmem:s8] =	stream.linear.scatter [tilespmem:s16], [sflag:$0x5], $0x4000, $0x38;
	[tilespmem:$0x1E800] =	vst v63  }
0x30: {  	_ =	swait.ge [sflag:s17], $0x4000  }
0x31: {  	[sflag:s17] =	ssyncset.done $0x0  }
0x32: {  	[sflag:s17] =	ssyncadd.s32 $0xFFFFC000  }
0x33: {  	[spmem:s9] =	stream.linear.scatter [tilespmem:s16], [sflag:$0x5], $0x4000, $0x38;
	[tilespmem:$0x1E800] =	vst v63  }
0x34: {  	_ =	swait.ge [sflag:s17], $0x4000  }
0x35: {  	[sflag:s17] =	ssyncset.done $0x0  }
0x36: {  	[sflag:s17] =	ssyncadd.s32 $0xFFFFC000  }
0x37: {  	[bflag:$0x0] =	sbarrier.arrive $0xFFFF  }
0x38: {  	[tilespmem:s3], [sflag:$0x5] =	stream.linear.gather [hbm4b:s12+s3], $0x1400, $0x38;
	[tilespmem:$0x1E800] =	vst v63  }
0x39: {  	_ =	swait.ge [sflag:s17], $0x1400  }
0x3a: {  	[sflag:s17] =	ssyncset.done $0x0  }
0x3b: {  	[sflag:s17] =	ssyncadd.s32 $0xFFFFEC00  }
0x3c: {  	[tilespmem:s18], [sflag:$0x5] =	stream.linear.gather [hbm4b:s13+s3], $0x1400, $0x38;
	[tilespmem:$0x1E800] =	vst v63  }
0x3d: {  	_ =	swait.ge [sflag:s17], $0x1400  }
0x3e: {  	[sflag:s17] =	ssyncset.done $0x0  }
0x3f: {  	[sflag:s17] =	ssyncadd.s32 $0xFFFFEC00  }
0x40: {  	[tilespmem:s16], [sflag:$0x1] =	stream.indirect.gather [hbm4b:s4+s19], $0x80, s3, s19, $0xb8;
	[tilespmem:$0x1E800] =	vst v63  }
0x41: {  	_ =	swait.ge [sflag:s20], $0x4000  }
0x42: {  	[sflag:s20] =	ssyncset.done $0x0  }
0x43: {  	[sflag:s20] =	ssyncadd.s32 $0xFFFFC000  }
0x44: {  	[tilespmem:s21], [sflag:$0x2] =	stream.indirect.gather [hbm4b:s4+s19], $0x80, s19, s19, $0xb8;
	[tilespmem:$0x1E800] =	vst v63  }
0x45: {  	_ = 	snop  }
0x46: {  	[spmem:s2] =	stream.indirect.scatter.add.f32 [tilespmem:s16], [sflag:$0x3], $0x80, s18, s19, $0xb8;
	[tilespmem:$0x1E800] =	vst v63  }
0x47: {  	_ =	swait.ge [sflag:s22], $0x4000  }
0x48: {  	[sflag:s22] =	ssyncset.done $0x0  }
0x49: {  	[sflag:s22] =	ssyncadd.s32 $0xFFFFC000  }
0x4a: {  	_ =	swait.ge [sflag:s23], $0x4000  }
0x4b: {  	[sflag:s23] =	ssyncset.done $0x0  }
0x4c: {  	s28 =	simm.s32 $0x100;
	[sflag:s23] =	ssyncadd.s32 $0xFFFFC000  }
0x4d: {  	[tilespmem:s16], [sflag:$0x1] =	stream.indirect.gather [hbm4b:s4+s19], $0x80, s28, s19, $0xb8;
	[tilespmem:$0x1E800] =	vst v63  }
0x4e: {  	s28 =	simm.s32 $0x1480  }
0x4f: {  	[spmem:s2] =	stream.indirect.scatter.add.f32 [tilespmem:s21], [sflag:$0x4], $0x80, s28, s19, $0xb8;
	[tilespmem:$0x1E800] =	vst v63  }
0x50: {  	_ =	swait.ge [sflag:s20], $0x4000  }
0x51: {  	[sflag:s20] =	ssyncset.done $0x0  }
0x52: {  	[sflag:s20] =	ssyncadd.s32 $0xFFFFC000  }
0x53: {  	_ =	swait.ge [sflag:s24], $0x4000  }
0x54: {  	[sflag:s24] =	ssyncset.done $0x0  }
0x55: {  	s28 =	simm.s32 $0x180;
	[sflag:s24] =	ssyncadd.s32 $0xFFFFC000  }
0x56: {  	[tilespmem:s21], [sflag:$0x2] =	stream.indirect.gather [hbm4b:s4+s19], $0x80, s28, s19, $0xb8;
	[tilespmem:$0x1E800] =	vst v63  }
0x57: {  	s29 =	simm.s32 $0x1500;
	s28 =	simm.s32 $0xFFFFB800  }
.LBB2_4:
0x58: {  	[spmem:s2] =	stream.indirect.scatter.add.f32 [tilespmem:s16], [sflag:$0x3], $0x80, s29, s19, $0xb8;
	[tilespmem:$0x1E800] =	vst v63  }
0x59: {  	s29 =	smov.u32 s28  }
0x5a: {  	p0 =	sne.s32 s28, $0xFFFFFC00;
	s28 =	sadd.s32 $0x400, s28;
	_ =	swait.ge [sflag:s22], $0x4000  }
0x5b: {  	[sflag:s22] =	ssyncset.done $0x0  }
0x5c: {  	[sflag:s22] =	ssyncadd.s32 $0xFFFFC000  }
0x5d: {  	_ =	swait.ge [sflag:s23], $0x4000  }
0x5e: {  	s29 =	sshra.s32 s29, $0x2;
	[sflag:s23] =	ssyncset.done $0x0  }
0x5f: {  	s30 =	sadd.s32 $0x1400, s29;
	[sflag:s23] =	ssyncadd.s32 $0xFFFFC000  }
0x60: {  	[tilespmem:s16], [sflag:$0x1] =	stream.indirect.gather [hbm4b:s4+s19], $0x80, s30, s19, $0xb8;
	[tilespmem:$0x1E800] =	vst v63  }
0x61: {  	s30 =	sadd.s32 $0x2780, s29  }
0x62: {  	[spmem:s2] =	stream.indirect.scatter.add.f32 [tilespmem:s21], [sflag:$0x4], $0x80, s30, s19, $0xb8;
	[tilespmem:$0x1E800] =	vst v63  }
0x63: {  	_ =	swait.ge [sflag:s20], $0x4000  }
0x64: {  	[sflag:s20] =	ssyncset.done $0x0  }
0x65: {  	[sflag:s20] =	ssyncadd.s32 $0xFFFFC000  }
.Ltmp1:
0x66: {  	_ =	swait.ge [sflag:s24], $0x4000;
	(pc) =	sbr.rel @p0 .LBB2_4-.Ltmp1, $4  }
0x67: {  	[sflag:s24] =	ssyncset.done $0x0  }
0x68: {  	s30 =	sadd.s32 $0x1480, s29;
	[sflag:s24] =	ssyncadd.s32 $0xFFFFC000  }
0x69: {  	[tilespmem:s21], [sflag:$0x2] =	stream.indirect.gather [hbm4b:s4+s19], $0x80, s30, s19, $0xb8;
	[tilespmem:$0x1E800] =	vst v63  }
0x6a: {  	s29 =	sadd.s32 $0x2800, s29  }
0x6b: {  	[spmem:s2] =	stream.indirect.scatter.add.f32 [tilespmem:s16], [sflag:$0x3], $0x80, s29, s19, $0xb8;
	[tilespmem:$0x1E800] =	vst v63  }
0x6c: {  	_ =	swait.ge [sflag:s22], $0x4000  }
0x6d: {  	[sflag:s22] =	ssyncset.done $0x0  }
0x6e: {  	[sflag:s22] =	ssyncadd.s32 $0xFFFFC000  }
0x6f: {  	_ =	swait.ge [sflag:s23], $0x4000  }
0x70: {  	[sflag:s23] =	ssyncset.done $0x0  }
0x71: {  	[sflag:s23] =	ssyncadd.s32 $0xFFFFC000  }
0x72: {  	[spmem:s2] =	stream.indirect.scatter.add.f32 [tilespmem:s21], [sflag:$0x4], $0x80, s25, s19, $0xb8;
	[tilespmem:$0x1E800] =	vst v63  }
0x73: {  	_ =	swait.ge [sflag:s24], $0x4000  }
0x74: {  	[sflag:s24] =	ssyncset.done $0x0  }
0x75: {  	[sflag:s24] =	ssyncadd.s32 $0xFFFFC000  }
0x76: {  	[tilespmem:s3], [sflag:$0x5] =	stream.linear.gather [hbm4b:s14+s3], $0x1400, $0x38;
	[tilespmem:$0x1E800] =	vst v63  }
0x77: {  	_ =	swait.ge [sflag:s17], $0x1400  }
0x78: {  	[sflag:s17] =	ssyncset.done $0x0  }
0x79: {  	[sflag:s17] =	ssyncadd.s32 $0xFFFFEC00  }
0x7a: {  	[tilespmem:s18], [sflag:$0x5] =	stream.linear.gather [hbm4b:s15+s3], $0x1400, $0x38;
	[tilespmem:$0x1E800] =	vst v63  }
0x7b: {  	_ =	swait.ge [sflag:s17], $0x1400  }
0x7c: {  	[sflag:s17] =	ssyncset.done $0x0  }
0x7d: {  	[sflag:s17] =	ssyncadd.s32 $0xFFFFEC00  }
0x7e: {  	[tilespmem:s16], [sflag:$0x1] =	stream.indirect.gather [hbm4b:s4+s19], $0x80, s3, s19, $0xb8;
	[tilespmem:$0x1E800] =	vst v63  }
0x7f: {  	_ =	swait.ge [sflag:s20], $0x4000  }
0x80: {  	[sflag:s20] =	ssyncset.done $0x0  }
0x81: {  	[sflag:s20] =	ssyncadd.s32 $0xFFFFC000  }
0x82: {  	[tilespmem:s21], [sflag:$0x2] =	stream.indirect.gather [hbm4b:s4+s19], $0x80, s19, s19, $0xb8;
	[tilespmem:$0x1E800] =	vst v63  }
0x83: {  	_ = 	snop  }
0x84: {  	[spmem:s2] =	stream.indirect.scatter.add.f32 [tilespmem:s16], [sflag:$0x3], $0x80, s18, s19, $0xb8;
	[tilespmem:$0x1E800] =	vst v63  }
0x85: {  	_ =	swait.ge [sflag:s22], $0x4000  }
0x86: {  	[sflag:s22] =	ssyncset.done $0x0  }
0x87: {  	[sflag:s22] =	ssyncadd.s32 $0xFFFFC000  }
0x88: {  	_ =	swait.ge [sflag:s23], $0x4000  }
0x89: {  	[sflag:s23] =	ssyncset.done $0x0  }
0x8a: {  	s28 =	simm.s32 $0x100;
	[sflag:s23] =	ssyncadd.s32 $0xFFFFC000  }
0x8b: {  	[tilespmem:s16], [sflag:$0x1] =	stream.indirect.gather [hbm4b:s4+s19], $0x80, s28, s19, $0xb8;
	[tilespmem:$0x1E800] =	vst v63  }
0x8c: {  	s28 =	simm.s32 $0x1480  }
0x8d: {  	[spmem:s2] =	stream.indirect.scatter.add.f32 [tilespmem:s21], [sflag:$0x4], $0x80, s28, s19, $0xb8;
	[tilespmem:$0x1E800] =	vst v63  }
0x8e: {  	_ =	swait.ge [sflag:s20], $0x4000  }
0x8f: {  	[sflag:s20] =	ssyncset.done $0x0  }
0x90: {  	[sflag:s20] =	ssyncadd.s32 $0xFFFFC000  }
0x91: {  	_ =	swait.ge [sflag:s24], $0x4000  }
0x92: {  	[sflag:s24] =	ssyncset.done $0x0  }
0x93: {  	s28 =	simm.s32 $0x180;
	[sflag:s24] =	ssyncadd.s32 $0xFFFFC000  }
0x94: {  	[tilespmem:s21], [sflag:$0x2] =	stream.indirect.gather [hbm4b:s4+s19], $0x80, s28, s19, $0xb8;
	[tilespmem:$0x1E800] =	vst v63  }
0x95: {  	s29 =	simm.s32 $0x1500;
	s28 =	simm.s32 $0xFFFFB800  }
.LBB2_6:
0x96: {  	[spmem:s2] =	stream.indirect.scatter.add.f32 [tilespmem:s16], [sflag:$0x3], $0x80, s29, s19, $0xb8;
	[tilespmem:$0x1E800] =	vst v63  }
0x97: {  	s29 =	smov.u32 s28  }
0x98: {  	p0 =	sne.s32 s28, $0xFFFFFC00;
	s28 =	sadd.s32 $0x400, s28;
	_ =	swait.ge [sflag:s22], $0x4000  }
0x99: {  	[sflag:s22] =	ssyncset.done $0x0  }
0x9a: {  	[sflag:s22] =	ssyncadd.s32 $0xFFFFC000  }
0x9b: {  	_ =	swait.ge [sflag:s23], $0x4000  }
0x9c: {  	s29 =	sshra.s32 s29, $0x2;
	[sflag:s23] =	ssyncset.done $0x0  }
0x9d: {  	s30 =	sadd.s32 $0x1400, s29;
	[sflag:s23] =	ssyncadd.s32 $0xFFFFC000  }
0x9e: {  	[tilespmem:s16], [sflag:$0x1] =	stream.indirect.gather [hbm4b:s4+s19], $0x80, s30, s19, $0xb8;
	[tilespmem:$0x1E800] =	vst v63  }
0x9f: {  	s30 =	sadd.s32 $0x2780, s29  }
0xa0: {  	[spmem:s2] =	stream.indirect.scatter.add.f32 [tilespmem:s21], [sflag:$0x4], $0x80, s30, s19, $0xb8;
	[tilespmem:$0x1E800] =	vst v63  }
0xa1: {  	_ =	swait.ge [sflag:s20], $0x4000  }
0xa2: {  	[sflag:s20] =	ssyncset.done $0x0  }
0xa3: {  	[sflag:s20] =	ssyncadd.s32 $0xFFFFC000  }
.Ltmp2:
0xa4: {  	_ =	swait.ge [sflag:s24], $0x4000;
	(pc) =	sbr.rel @p0 .LBB2_6-.Ltmp2, $4  }
0xa5: {  	[sflag:s24] =	ssyncset.done $0x0  }
0xa6: {  	s30 =	sadd.s32 $0x1480, s29;
	[sflag:s24] =	ssyncadd.s32 $0xFFFFC000  }
0xa7: {  	[tilespmem:s21], [sflag:$0x2] =	stream.indirect.gather [hbm4b:s4+s19], $0x80, s30, s19, $0xb8;
	[tilespmem:$0x1E800] =	vst v63  }
0xa8: {  	s29 =	sadd.s32 $0x2800, s29  }
0xa9: {  	[spmem:s2] =	stream.indirect.scatter.add.f32 [tilespmem:s16], [sflag:$0x3], $0x80, s29, s19, $0xb8;
	[tilespmem:$0x1E800] =	vst v63  }
0xaa: {  	_ =	swait.ge [sflag:s22], $0x4000  }
0xab: {  	[sflag:s22] =	ssyncset.done $0x0  }
0xac: {  	[sflag:s22] =	ssyncadd.s32 $0xFFFFC000  }
0xad: {  	_ =	swait.ge [sflag:s23], $0x4000  }
0xae: {  	[sflag:s23] =	ssyncset.done $0x0  }
0xaf: {  	[sflag:s23] =	ssyncadd.s32 $0xFFFFC000  }
0xb0: {  	[spmem:s2] =	stream.indirect.scatter.add.f32 [tilespmem:s21], [sflag:$0x4], $0x80, s25, s19, $0xb8;
	[tilespmem:$0x1E800] =	vst v63  }
0xb1: {  	_ =	swait.ge [sflag:s24], $0x4000  }
0xb2: {  	s28 =	sshll.u32 s1, $0x6;
	s26 =	sadd.s32 $0x1, s26;
	[sflag:s24] =	ssyncset.done $0x0  }
0xb3: {  	s31 =	sshrl.u32 s5, $0x3;
	p0 =	sne.s32 s26, s11;
	[sflag:s24] =	ssyncadd.s32 $0xFFFFC000  }
.Ltmp3:
0xb4: {  	s28 =	sor.u32 $0x1C05, s28;
	[bflag:$0x0] =	sbarrier.arrive $0xFFFF;
	(pc) =	sbr.rel @p0 .LBB2_1-.Ltmp3, $4  }
0xb5: {  	[hbm:s10], [sflag:s28] =	dma.local [spmem:s31], $0x2800  }
0xb6: {  	_ =	swait.ge [sflag:s17], $0x2800  }
0xb7: {  	[sflag:s17] =	ssyncset.done $0x0  }
0xb8: {  	[sflag:s17] =	ssyncadd.s32 $0xFFFFD800  }
0xb9: {  	_ =	sfence.sel $0x180000  }
0xba: {  	[bflag:$0x0] =	sbarrier.arrive $0xFFFF  }
0xbb: {  	p0 =	sne.s32 s1, $0x0;
	_ =	strace $0x90000050  }
0xbc: {  	s0 =	sadd.s32 @!p0 $0x100000, s0;
	[bflag:$0x2] =	sbarrier.arrive $0xFFFF  }
0xbd: {  	[sflag:s0] =	ssyncadd.tile.s32 @!p0 $0x1;
	_ =	shalt  }
.Lfunc_end2:
_tile_overlayer_lowered:
.L_overlay_start_2:
0xbe: {  	(tag) =	ssettag $0x2  }
0xbf: {  	s0 =	rddreg [dreg:$0x0];
	s2 =	stileid.u32  }
0xc0: {  	s1 =	rddreg [dreg:$0x1];
	p0 =	sne.s32 s2, $0x0  }
0xc1: {  	s3 =	rddreg [dreg:$0x2];
	[bflag:$0x3] =	sbarrier.arrive $0xFFFF;
	s2 =	simm.s32 @!p0 $0x1C05  }
0xc2: {  	[timem:s3], [sflag:s2] =	dma.local @!p0 [hbm:s0], s1  }
0xc3: {  	s0 =	simm.s32 @!p0 $0x5  }
0xc4: {  	_ =	swait.ge @!p0 [sflag:s0], s1  }
0xc5: {  	s1 =	ssub.s32 @!p0 $0x0, s1;
	[sflag:s0] =	ssyncset.done @!p0 $0x0  }
0xc6: {  	[sflag:s0] =	ssyncadd.s32 @!p0 s1  }
0xc7: {  	[bflag:$0x3] =	sbarrier.arrive $0xFFFF  }
0xc8: {  	_ =	shalt  }

// kernel: kernel.28.cloned.1.call-start
scs
__scs_entry_jumppad:
0x0: {  	(pc) =	sbr.rel $0x88, $3  }
0x1: {  	(tag) =	ssettag $0x0;
	lr =	simm.s32 $0x1  }
0x2: {  	[smem:$0x3F87] =	sst lr;
	_ =	strace $0xD0000000  }
0x3: {  	_ = 	snop  }
0x4: {  	_ = 	snop  }
0x5: {  	_ = 	snop  }
0x6: {  	_ = 	snop  }
0x7: {  	_ = 	snop  }
__scs_overlays_trampoline_lowered:
0x8: {  	[smem:$0x3F96] =	sst s0  }
0x9: {  	[smem:$0x3F97] =	sst s1  }
0xa: {  	[smem:$0x3F98] =	sst s2  }
0xb: {  	[smem:$0x3F99] =	sst s3  }
0xc: {  	[smem:$0x3F9A] =	sst s4  }
0xd: {  	[smem:$0x3F9B] =	sst s5  }
0xe: {  	[smem:$0x3F9C] =	sst s6  }
0xf: {  	[smem:$0x3F9D] =	sst s7  }
0x10: {  	[smem:$0x3F9E] =	sst s8  }
0x11: {  	[smem:$0x3F9F] =	sst s9;
	s0 =	simm.s32 @!p0 $0x0  }
0x12: {  	s1 =	sld [smem:$0x3F85];
	s0 =	simm.s32 @p0 $0x1  }
0x13: {  	[smem:$0x3FA0] =	sst s0;
	s0 =	simm.s32 @!p1 $0x0  }
0x14: {  	s2 =	sld [smem:$0x3F84];
	s0 =	simm.s32 @p1 $0x1  }
0x15: {  	[smem:$0x3FA1] =	sst s0;
	s0 =	simm.s32 @!p2 $0x0  }
0x16: {  	s3 =	sld [smem:$0x3FDB];
	s0 =	simm.s32 @p2 $0x1  }
0x17: {  	s4 =	simm.s32 $0x1BF5;
	[smem:$0x3FA3] =	sst s0  }
0x18: {  	s0 =	sld [smem:$0x3F86];
	_ =	swait.ge [sflag:s4], $0x0  }
0x19: {  	s7 =	sld [smem:$0x3F87]  }
0x1a: {  	s8 =	sadd.s32 $0xFFFFE003, lr  }
0x1b: {  	s9 =	sadd.s32 $0xFFFFFEF7, lr;
	s5 =	simm.s32 $0xFFFFFFFF;
	p2 =	slt.u32 s8, $0xFFFFF086  }
0x1c: {  	p1 =	slt.u32 s9, $0xF7A;
	s5 =	simm.s32 @!p2 $0x0  }
0x1d: {  	s5 =	simm.s32 @p1 $0x1;
	p0 =	seq.s32 s7, s2  }
0x1e: {  	s7 =	smul.u32 @!p0 $0xF7A, s2;
	p2 =	seq.s32 @!p0 s5, $0x0  }
0x1f: {  	s9 =	smul.u32 $0xF7A, s1;
	s8 =	simm.s32 @!p0 $0x1BF5;
	p2 =	por !p2, p0  }
0x20: {  	[sflag:s8] =	ssyncset.s32 @!p0 $0xFFFFF086;
	s6 =	sadd.s32 @!p0 s3, s7;
	s7 =	simm.s32 @!p0 $0x108  }
0x21: {  	s3 =	sadd.s32 s3, s9;
	s6 =	sadd.s32 @!p0 $0x88, s6;
	s7 =	simm.s32 @p2 $0x1082  }
0x22: {  	[simem:s7], [sflag:s8] =	dma.local @!p0 [hbm:s6], $0xF7A  }
0x23: {  	s9 =	sor.u32 $0xD0000000, s2;
	s6 =	simm.s32 $0x108;
	_ =	swait.ge @!p0 [sflag:s8], $0x0  }
0x24: {  	s3 =	sadd.s32 $0x88, s3;
	s6 =	simm.s32 @!p1 $0x1082;
	[sflag:s4] =	ssyncset.s32 $0xFFFFF086  }
0x25: {  	[simem:s6], [sflag:s4] =	dma.local [hbm:s3], $0xF7A  }
0x26: {  	[smem:$0x3F87] =	sst s1;
	(tag) =	ssettag s2;
	_ =	strace s9  }
0x27: {  	s1 =	sld [smem:$0x3F97]  }
0x28: {  	s2 =	sld [smem:$0x3F98]  }
0x29: {  	s4 =	sld [smem:$0x3F9A]  }
0x2a: {  	p0 =	seq.s32 s5, $0x0;
	s5 =	sld [smem:$0x3F9B]  }
0x2b: {  	s6 =	sld [smem:$0x3F9C]  }
0x2c: {  	s7 =	sld [smem:$0x3F9D]  }
0x2d: {  	s3 =	simm.s32 $0x108;
	s8 =	sld [smem:$0x3F9E]  }
0x2e: {  	s3 =	simm.s32 @!p0 $0x1082;
	s9 =	sld [smem:$0x3F9F]  }
0x2f: {  	lr =	sadd.s32 s0, s3;
	s0 =	sld [smem:$0x3F96]  }
0x30: {  	s3 =	sld [smem:$0x3F99]  }
0x31: {  	[smem:$0x3FA2] =	sst s10  }
0x32: {  	s10 =	sld [smem:$0x3FA0];
	_ =	sdelay $0x3  }
0x33: {  	p0 =	seq.s32 s10, $0x1;
	s10 =	sld [smem:$0x3FA2];
	_ =	sdelay $0x3  }
0x34: {  	[smem:$0x3FA2] =	sst s10  }
0x35: {  	s10 =	sld [smem:$0x3FA1];
	_ =	sdelay $0x3  }
0x36: {  	p1 =	seq.s32 s10, $0x1;
	s10 =	sld [smem:$0x3FA2];
	_ =	sdelay $0x3  }
0x37: {  	[smem:$0x3FA2] =	sst s10  }
0x38: {  	s10 =	sld [smem:$0x3FA3]  }
0x39: {  	_ = 	snop;
	(pc) =	sbr.ind lr, $3  }
0x3a: {  	_ = 	snop  }
0x3b: {  	_ = 	snop  }
0x3c: {  	p2 =	seq.s32 s10, $0x1;
	s10 =	sld [smem:$0x3FA2]  }
0x3d: {  	_ =	shalt  }
0x3e: {  	_ =	shalt  }
0x3f: {  	_ =	shalt  }
0x40: {  	_ =	shalt  }
0x41: {  	_ =	shalt  }
0x42: {  	_ =	shalt  }
0x43: {  	_ =	shalt  }
0x44: {  	_ =	shalt  }
0x45: {  	_ =	shalt  }
0x46: {  	_ =	shalt  }
0x47: {  	_ =	shalt  }
0x48: {  	_ =	shalt  }
0x49: {  	_ =	shalt  }
0x4a: {  	_ =	shalt  }
0x4b: {  	_ =	shalt  }
0x4c: {  	_ =	shalt  }
0x4d: {  	_ =	shalt  }
0x4e: {  	_ =	shalt  }
0x4f: {  	_ =	shalt  }
0x50: {  	_ =	shalt  }
0x51: {  	_ =	shalt  }
0x52: {  	_ =	shalt  }
0x53: {  	_ =	shalt  }
0x54: {  	_ =	shalt  }
0x55: {  	_ =	shalt  }
0x56: {  	_ =	shalt  }
0x57: {  	_ =	shalt  }
0x58: {  	_ =	shalt  }
0x59: {  	_ =	shalt  }
0x5a: {  	_ =	shalt  }
0x5b: {  	_ =	shalt  }
0x5c: {  	_ =	shalt  }
0x5d: {  	_ =	shalt  }
0x5e: {  	_ =	shalt  }
0x5f: {  	_ =	shalt  }
0x60: {  	_ =	shalt  }
0x61: {  	_ =	shalt  }
0x62: {  	_ =	shalt  }
0x63: {  	_ =	shalt  }
0x64: {  	_ =	shalt  }
0x65: {  	_ =	shalt  }
0x66: {  	_ =	shalt  }
0x67: {  	_ =	shalt  }
0x68: {  	_ =	shalt  }
0x69: {  	_ =	shalt  }
0x6a: {  	_ =	shalt  }
0x6b: {  	_ =	shalt  }
0x6c: {  	_ =	shalt  }
0x6d: {  	_ =	shalt  }
0x6e: {  	_ =	shalt  }
0x6f: {  	_ =	shalt  }
0x70: {  	_ =	shalt  }
0x71: {  	_ =	shalt  }
0x72: {  	_ =	shalt  }
0x73: {  	_ =	shalt  }
0x74: {  	_ =	shalt  }
0x75: {  	_ =	shalt  }
0x76: {  	_ =	shalt  }
0x77: {  	_ =	shalt  }
0x78: {  	_ =	shalt  }
0x79: {  	_ =	shalt  }
0x7a: {  	_ =	shalt  }
0x7b: {  	_ =	shalt  }
0x7c: {  	_ =	shalt  }
0x7d: {  	_ =	shalt  }
0x7e: {  	_ =	shalt  }
0x7f: {  	_ =	shalt  }
0x80: {  	_ =	shalt  }
0x81: {  	_ =	shalt  }
0x82: {  	_ =	shalt  }
0x83: {  	_ =	shalt  }
0x84: {  	_ =	shalt  }
0x85: {  	_ =	shalt  }
0x86: {  	_ =	shalt  }
0x87: {  	_ =	shalt  }
.Lfunc_end0:
.L_simem_size_0:
called_computation.4_lowered:
.L_overlay_start_0:
0x88: {  	s2 =	sld [smem:$0x3FD9]  }
0x89: {  	s3 =	sld [smem:$0x3FFE];
	_ =	sdelay $0x1  }
0x8a: {  	s1 =	srdreg.scid  }
0x8b: {  	s0 =	sand.u32 $0x1, s1  }
0x8c: {  	s16 =	sshll.u32 s0, $0xA;
	s2 =	sadd.s32 s3, s2  }
0x8d: {  	s2 =	sadd.s32 s2, s16  }
0x8e: {  	[smem:$0x3FAE] =	sst s2  }
0x8f: {  	_ = 	snop  }
0x90: {  	(tm) =	ssettm $0x1  }
0x91: {  	s17 =	sld [smem:$0x3FFB];
	_ =	sdelay $0x3  }
0x92: {  	_ =	strace s17  }
0x93: {  	s2 =	sld [smem:$0x3FFC];
	_ =	sdelay $0x3  }
0x94: {  	_ =	strace s2  }
0x95: {  	s2 =	sld [smem:$0x3FFD];
	_ =	sdelay $0x3  }
0x96: {  	_ =	strace s2  }
0x97: {  	_ =	strace $0x8FFFFFFF  }
0x98: {  	s18 =	sld [smem:$0x3FDB];
	_ =	sdelay $0x1  }
0x99: {  	s19 =	simm.s32 $_scs_section_size  }
0x9a: {  	s4 =	simm.s32 $_size__tile_overlayer_lowered;
	s5 =	simm.s32 $_tile_overlayer_lowered  }
0x9b: {  	s22 =	simm.s32 $0x1BFF;
	s21 =	sshll.u32 s5, $0x1;
	s2 =	sadd.s32 s19, s18  }
0x9c: {  	s6 =	simm.s32 $0x0;
	s20 =	sshll.u32 s4, $0x1;
	s4 =	sadd.s32 s21, s2  }
0x9d: {  	[timem:s6], [sflag:s22] =	dma.local [hbm:s4], s20  }
0x9e: {  	_ =	swait.ge [sflag:s22], s20  }
0x9f: {  	s3 =	ssub.s32 $0x0, s20;
	[sflag:s22] =	ssyncset.done $0x0  }
0xa0: {  	[sflag:s22] =	ssyncadd.s32 s3;
	_ =	sdelay $0x1  }
0xa1: {  	s23 =	simm.s32 $0x1B8B  }
0xa2: {  	_ =	swait.ge [sflag:s23], $0x1  }
0xa3: {  	[sflag:s23] =	ssyncset.done $0x0  }
0xa4: {  	s25 =	simm.s32 $0x1B8E;
	s24 =	sld [smem:$0x3FFE];
	[sflag:s23] =	ssyncadd.s32 $0xFFFFFFFF  }
0xa5: {  	s26 =	simm.s32 $execute0_lowered;
	[smem:$0x3FD2] =	sst s25  }
0xa6: {  	s4 =	sshll.u32 s26, $0x1;
	_ =	strace $0x80000052;
	[dreg:$0x1] =	wrdreg $0xFFFFFFFF  }
0xa7: {  	s28 =	simm.s32 $_size_execute0_lowered;
	s2 =	sadd.s32 s2, s4;
	[dreg:$0x0] =	wrdreg $0x0  }
0xa8: {  	s4 =	sshll.u32 s28, $0x1;
	[dreg:$0x2] =	wrdreg s2  }
0xa9: {  	[dreg:$0x3] =	wrdreg s4  }
0xaa: {  	[dreg:$0x4] =	wrdreg $0xC0  }
0xab: {  	_ =	task [dreg:s6], $0x5FFFF  }
0xac: {  	[dreg:$0x1] =	wrdreg $0xFFFFFFFF  }
0xad: {  	[dreg:$0x0] =	wrdreg $0x60  }
0xae: {  	[dreg:$0x2] =	wrdreg s24  }
0xaf: {  	[dreg:$0x3] =	wrdreg $0xA8000  }
0xb0: {  	[dreg:$0x4] =	wrdreg $0x9  }
0xb1: {  	_ =	task.clear_ibuf [dreg:s6], $0x5FFFF;
	_ =	strace $0x90000052  }
0xb2: {  	s29 =	simm.s32 $0x9;
	_ =	strace $0x80000054  }
0xb3: {  	_ =	swait.ge [sflag:s29], $0x1  }
0xb4: {  	[sflag:s29] =	ssyncadd.s32 $0xFFFFFFFF  }
0xb5: {  	_ =	strace $0x90000054  }
0xb6: {  	_ =	sfence  }
0xb7: {  	s30 =	sld [smem:$0x0];
	_ =	sdelay $0x2  }
0xb8: {  	s31 =	sshll.u32 s1, $0xD;
	s1 =	sshrl.u32 s1, $0x2  }
0xb9: {  	s3 =	sand.u32 $0x4000, s31;
	s1 =	sadd.s32 s1, s30  }
0xba: {  	s0 =	sor.u32 s3, s0;
	s1 =	sshll.u32 s1, $0x11  }
0xbb: {  	s0 =	sor.u32 s1, s0  }
0xbc: {  	s0 =	sadd.s32 $0x8F2B, s0  }
0xbd: {  	[sflag:s0] =	ssyncadd.remote.s32 $0x1  }
0xbe: {  	_ =	sfence.sel $0xFFFF  }
0xbf: {  	[dreg:$0x0] =	wrdreg $0xFFFFFFFF;
	(pc) =	sbr.abs _section_cstart, $3  }
0xc0: {  	[dreg:$0x1] =	wrdreg $0xFFFFFFFF  }
0xc1: {  	_ =	task.clear_ibuf [dreg:s6], $0x2FFFF;
	_ =	strace $0x9FFFFFFF  }
0xc2: {  	(tm) =	ssettm $0x7FFFFFFF  }
0xc3: {  	_ =	shalt  }
tec
execute0_lowered:
.L_overlay_start_1:
0x0: {  	(tag) =	ssettag $0x1  }
0x1: {  	s5 =	rddreg [dreg:$0x0]  }
0x2: {  	s0 =	srdreg.scid;
	s2 =	rddreg [dreg:$0x1]  }
0x3: {  	s1 =	stileid.u32;
	s3 =	simm.s32 $0x0;
	s17 =	simm.s32 $0x5  }
0x4: {  	s18 =	simm.s32 $0x1400;
	s19 =	simm.s32 $0x80;
	s20 =	simm.s32 $0x1  }
0x5: {  	s21 =	simm.s32 $0x6800;
	s22 =	simm.s32 $0x2;
	s23 =	simm.s32 $0x3  }
0x6: {  	s24 =	simm.s32 $0x4;
	s25 =	simm.s32 $0x2780;
	s26 =	simm.s32 $0x0  }
0x7: {  	s6 =	sand.u32 $0x1, s0;
	s0 =	rddreg [dreg:$0x2];
	s7 =	smul.u32 $0x14000, s1  }
0x8: {  	[smem:$0x7FF] =	sst s3;
	s14 =	sadd.s32 $0x6000, s5;
	s8 =	smul.u32 $0x50000, s1  }
0x9: {  	s15 =	sadd.s32 $0x10000, s5;
	s4 =	smul.u32 $0x140000, s6;
	_ =	strace $0x80000053  }
0xa: {  	s29 =	ssub.s32 $0x2, s6;
	s6 =	sshll.u32 s6, $0x4;
	s30 =	sshrl.u32 s8, $0x2  }
0xb: {  	s31 =	sshrl.u32 s29, $0x1;
	s9 =	sor.u32 s1, s6;
	s4 =	sadd.s32 s7, s4  }
0xc: {  	s11 =	ssub.s32 s29, s31;
	s13 =	smul.u32 $0x500, s9;
	s7 =	sshrl.u32 s4, $0x3  }
0xd: {  	s4 =	sadd.s32 $0x1A000, s5;
	s11 =	smax.u32 s11, $0x1;
	s10 =	sadd.s32 s7, s5  }
0xe: {  	s5 =	sadd.s32 s30, s2;
	s16 =	sadd.s32 $0x280, s13;
	s12 =	sadd.s32 s14, s13  }
0xf: {  	s13 =	sadd.s32 s15, s13;
	s6 =	sadd.s32 $0x4000, s5;
	s7 =	sadd.s32 $0x8000, s5  }
0x10: {  	s8 =	sadd.s32 $0xC000, s5;
	s9 =	sadd.s32 $0x10000, s5;
	s10 =	sadd.s32 $0x41200, s10  }
0x11: {  	v0 =	vimm.f32 $0.0e+00;
	s14 =	sadd.s32 s14, s16;
	s15 =	sadd.s32 s15, s16;
	s16 =	simm.s32 $0x2800  }
.LBB2_1:
0x12: {  	s28 =	simm.s32 $0x0;
	s29 =	simm.s32 $0x200  }
.LBB2_2:
0x13: {  	p0 =	sne.s32 s29, $0xFE00;
	[tilespmem:s28+$0x2870] =	vst v0  }
0x14: {  	[tilespmem:s28+$0x2800] =	vst v0  }
0x15: {  	[tilespmem:s28+$0x2810] =	vst v0  }
.Ltmp0:
0x16: {  	[tilespmem:s28+$0x2820] =	vst v0;
	(pc) =	sbr.rel @p0 .LBB2_2-.Ltmp0, $4  }
0x17: {  	[tilespmem:s28+$0x2830] =	vst v0  }
0x18: {  	[tilespmem:s28+$0x2840] =	vst v0  }
0x19: {  	[tilespmem:s28+$0x2850] =	vst v0  }
0x1a: {  	[tilespmem:s28+$0x2860] =	vst v0;
	s28 =	sshra.s32 s29, $0x2;
	s29 =	sadd.s32 $0x200, s29  }
0x1b: {  	[tilespmem:s28+$0x2870] =	vst v0  }
0x1c: {  	[tilespmem:s28+$0x2800] =	vst v0  }
0x1d: {  	[tilespmem:s28+$0x2810] =	vst v0  }
0x1e: {  	[tilespmem:s28+$0x2820] =	vst v0  }
0x1f: {  	[tilespmem:s28+$0x2830] =	vst v0  }
0x20: {  	[tilespmem:s28+$0x2840] =	vst v0  }
0x21: {  	[tilespmem:s28+$0x2850] =	vst v0  }
0x22: {  	[tilespmem:s28+$0x2860] =	vst v0  }
0x23: {  	[spmem:s5] =	stream.linear.scatter [tilespmem:s16], [sflag:$0x5], $0x4000, $0x38;
	[tilespmem:$0x1E800] =	vst v63  }
0x24: {  	_ =	swait.ge [sflag:s17], $0x4000  }
0x25: {  	[sflag:s17] =	ssyncset.done $0x0  }
0x26: {  	[sflag:s17] =	ssyncadd.s32 $0xFFFFC000  }
0x27: {  	[spmem:s6] =	stream.linear.scatter [tilespmem:s16], [sflag:$0x5], $0x4000, $0x38;
	[tilespmem:$0x1E800] =	vst v63  }
0x28: {  	_ =	swait.ge [sflag:s17], $0x4000  }
0x29: {  	[sflag:s17] =	ssyncset.done $0x0  }
0x2a: {  	[sflag:s17] =	ssyncadd.s32 $0xFFFFC000  }
0x2b: {  	[spmem:s7] =	stream.linear.scatter [tilespmem:s16], [sflag:$0x5], $0x4000, $0x38;
	[tilespmem:$0x1E800] =	vst v63  }
0x2c: {  	_ =	swait.ge [sflag:s17], $0x4000  }
0x2d: {  	[sflag:s17] =	ssyncset.done $0x0  }
0x2e: {  	[sflag:s17] =	ssyncadd.s32 $0xFFFFC000  }
0x2f: {  	[spmem:s8] =	stream.linear.scatter [tilespmem:s16], [sflag:$0x5], $0x4000, $0x38;
	[tilespmem:$0x1E800] =	vst v63  }
0x30: {  	_ =	swait.ge [sflag:s17], $0x4000  }
0x31: {  	[sflag:s17] =	ssyncset.done $0x0  }
0x32: {  	[sflag:s17] =	ssyncadd.s32 $0xFFFFC000  }
0x33: {  	[spmem:s9] =	stream.linear.scatter [tilespmem:s16], [sflag:$0x5], $0x4000, $0x38;
	[tilespmem:$0x1E800] =	vst v63  }
0x34: {  	_ =	swait.ge [sflag:s17], $0x4000  }
0x35: {  	[sflag:s17] =	ssyncset.done $0x0  }
0x36: {  	[sflag:s17] =	ssyncadd.s32 $0xFFFFC000  }
0x37: {  	[bflag:$0x0] =	sbarrier.arrive $0xFFFF  }
0x38: {  	[tilespmem:s3], [sflag:$0x5] =	stream.linear.gather [hbm4b:s12+s3], $0x1400, $0x38;
	[tilespmem:$0x1E800] =	vst v63  }
0x39: {  	_ =	swait.ge [sflag:s17], $0x1400  }
0x3a: {  	[sflag:s17] =	ssyncset.done $0x0  }
0x3b: {  	[sflag:s17] =	ssyncadd.s32 $0xFFFFEC00  }
0x3c: {  	[tilespmem:s18], [sflag:$0x5] =	stream.linear.gather [hbm4b:s13+s3], $0x1400, $0x38;
	[tilespmem:$0x1E800] =	vst v63  }
0x3d: {  	_ =	swait.ge [sflag:s17], $0x1400  }
0x3e: {  	[sflag:s17] =	ssyncset.done $0x0  }
0x3f: {  	[sflag:s17] =	ssyncadd.s32 $0xFFFFEC00  }
0x40: {  	[tilespmem:s16], [sflag:$0x1] =	stream.indirect.gather [hbm4b:s4+s19], $0x80, s3, s19, $0xb8;
	[tilespmem:$0x1E800] =	vst v63  }
0x41: {  	_ =	swait.ge [sflag:s20], $0x4000  }
0x42: {  	[sflag:s20] =	ssyncset.done $0x0  }
0x43: {  	[sflag:s20] =	ssyncadd.s32 $0xFFFFC000  }
0x44: {  	[tilespmem:s21], [sflag:$0x2] =	stream.indirect.gather [hbm4b:s4+s19], $0x80, s19, s19, $0xb8;
	[tilespmem:$0x1E800] =	vst v63  }
0x45: {  	_ = 	snop  }
0x46: {  	[spmem:s2] =	stream.indirect.scatter.add.f32 [tilespmem:s16], [sflag:$0x3], $0x80, s18, s19, $0xb8;
	[tilespmem:$0x1E800] =	vst v63  }
0x47: {  	_ =	swait.ge [sflag:s22], $0x4000  }
0x48: {  	[sflag:s22] =	ssyncset.done $0x0  }
0x49: {  	[sflag:s22] =	ssyncadd.s32 $0xFFFFC000  }
0x4a: {  	_ =	swait.ge [sflag:s23], $0x4000  }
0x4b: {  	[sflag:s23] =	ssyncset.done $0x0  }
0x4c: {  	s28 =	simm.s32 $0x100;
	[sflag:s23] =	ssyncadd.s32 $0xFFFFC000  }
0x4d: {  	[tilespmem:s16], [sflag:$0x1] =	stream.indirect.gather [hbm4b:s4+s19], $0x80, s28, s19, $0xb8;
	[tilespmem:$0x1E800] =	vst v63  }
0x4e: {  	s28 =	simm.s32 $0x1480  }
0x4f: {  	[spmem:s2] =	stream.indirect.scatter.add.f32 [tilespmem:s21], [sflag:$0x4], $0x80, s28, s19, $0xb8;
	[tilespmem:$0x1E800] =	vst v63  }
0x50: {  	_ =	swait.ge [sflag:s20], $0x4000  }
0x51: {  	[sflag:s20] =	ssyncset.done $0x0  }
0x52: {  	[sflag:s20] =	ssyncadd.s32 $0xFFFFC000  }
0x53: {  	_ =	swait.ge [sflag:s24], $0x4000  }
0x54: {  	[sflag:s24] =	ssyncset.done $0x0  }
0x55: {  	s28 =	simm.s32 $0x180;
	[sflag:s24] =	ssyncadd.s32 $0xFFFFC000  }
0x56: {  	[tilespmem:s21], [sflag:$0x2] =	stream.indirect.gather [hbm4b:s4+s19], $0x80, s28, s19, $0xb8;
	[tilespmem:$0x1E800] =	vst v63  }
0x57: {  	s29 =	simm.s32 $0x1500;
	s28 =	simm.s32 $0xFFFFB800  }
.LBB2_4:
0x58: {  	[spmem:s2] =	stream.indirect.scatter.add.f32 [tilespmem:s16], [sflag:$0x3], $0x80, s29, s19, $0xb8;
	[tilespmem:$0x1E800] =	vst v63  }
0x59: {  	s29 =	smov.u32 s28  }
0x5a: {  	p0 =	sne.s32 s28, $0xFFFFFC00;
	s28 =	sadd.s32 $0x400, s28;
	_ =	swait.ge [sflag:s22], $0x4000  }
0x5b: {  	[sflag:s22] =	ssyncset.done $0x0  }
0x5c: {  	[sflag:s22] =	ssyncadd.s32 $0xFFFFC000  }
0x5d: {  	_ =	swait.ge [sflag:s23], $0x4000  }
0x5e: {  	s29 =	sshra.s32 s29, $0x2;
	[sflag:s23] =	ssyncset.done $0x0  }
0x5f: {  	s30 =	sadd.s32 $0x1400, s29;
	[sflag:s23] =	ssyncadd.s32 $0xFFFFC000  }
0x60: {  	[tilespmem:s16], [sflag:$0x1] =	stream.indirect.gather [hbm4b:s4+s19], $0x80, s30, s19, $0xb8;
	[tilespmem:$0x1E800] =	vst v63  }
0x61: {  	s30 =	sadd.s32 $0x2780, s29  }
0x62: {  	[spmem:s2] =	stream.indirect.scatter.add.f32 [tilespmem:s21], [sflag:$0x4], $0x80, s30, s19, $0xb8;
	[tilespmem:$0x1E800] =	vst v63  }
0x63: {  	_ =	swait.ge [sflag:s20], $0x4000  }
0x64: {  	[sflag:s20] =	ssyncset.done $0x0  }
0x65: {  	[sflag:s20] =	ssyncadd.s32 $0xFFFFC000  }
.Ltmp1:
0x66: {  	_ =	swait.ge [sflag:s24], $0x4000;
	(pc) =	sbr.rel @p0 .LBB2_4-.Ltmp1, $4  }
0x67: {  	[sflag:s24] =	ssyncset.done $0x0  }
0x68: {  	s30 =	sadd.s32 $0x1480, s29;
	[sflag:s24] =	ssyncadd.s32 $0xFFFFC000  }
0x69: {  	[tilespmem:s21], [sflag:$0x2] =	stream.indirect.gather [hbm4b:s4+s19], $0x80, s30, s19, $0xb8;
	[tilespmem:$0x1E800] =	vst v63  }
0x6a: {  	s29 =	sadd.s32 $0x2800, s29  }
0x6b: {  	[spmem:s2] =	stream.indirect.scatter.add.f32 [tilespmem:s16], [sflag:$0x3], $0x80, s29, s19, $0xb8;
	[tilespmem:$0x1E800] =	vst v63  }
0x6c: {  	_ =	swait.ge [sflag:s22], $0x4000  }
0x6d: {  	[sflag:s22] =	ssyncset.done $0x0  }
0x6e: {  	[sflag:s22] =	ssyncadd.s32 $0xFFFFC000  }
0x6f: {  	_ =	swait.ge [sflag:s23], $0x4000  }
0x70: {  	[sflag:s23] =	ssyncset.done $0x0  }
0x71: {  	[sflag:s23] =	ssyncadd.s32 $0xFFFFC000  }
0x72: {  	[spmem:s2] =	stream.indirect.scatter.add.f32 [tilespmem:s21], [sflag:$0x4], $0x80, s25, s19, $0xb8;
	[tilespmem:$0x1E800] =	vst v63  }
0x73: {  	_ =	swait.ge [sflag:s24], $0x4000  }
0x74: {  	[sflag:s24] =	ssyncset.done $0x0  }
0x75: {  	[sflag:s24] =	ssyncadd.s32 $0xFFFFC000  }
0x76: {  	[tilespmem:s3], [sflag:$0x5] =	stream.linear.gather [hbm4b:s14+s3], $0x1400, $0x38;
	[tilespmem:$0x1E800] =	vst v63  }
0x77: {  	_ =	swait.ge [sflag:s17], $0x1400  }
0x78: {  	[sflag:s17] =	ssyncset.done $0x0  }
0x79: {  	[sflag:s17] =	ssyncadd.s32 $0xFFFFEC00  }
0x7a: {  	[tilespmem:s18], [sflag:$0x5] =	stream.linear.gather [hbm4b:s15+s3], $0x1400, $0x38;
	[tilespmem:$0x1E800] =	vst v63  }
0x7b: {  	_ =	swait.ge [sflag:s17], $0x1400  }
0x7c: {  	[sflag:s17] =	ssyncset.done $0x0  }
0x7d: {  	[sflag:s17] =	ssyncadd.s32 $0xFFFFEC00  }
0x7e: {  	[tilespmem:s16], [sflag:$0x1] =	stream.indirect.gather [hbm4b:s4+s19], $0x80, s3, s19, $0xb8;
	[tilespmem:$0x1E800] =	vst v63  }
0x7f: {  	_ =	swait.ge [sflag:s20], $0x4000  }
0x80: {  	[sflag:s20] =	ssyncset.done $0x0  }
0x81: {  	[sflag:s20] =	ssyncadd.s32 $0xFFFFC000  }
0x82: {  	[tilespmem:s21], [sflag:$0x2] =	stream.indirect.gather [hbm4b:s4+s19], $0x80, s19, s19, $0xb8;
	[tilespmem:$0x1E800] =	vst v63  }
0x83: {  	_ = 	snop  }
0x84: {  	[spmem:s2] =	stream.indirect.scatter.add.f32 [tilespmem:s16], [sflag:$0x3], $0x80, s18, s19, $0xb8;
	[tilespmem:$0x1E800] =	vst v63  }
0x85: {  	_ =	swait.ge [sflag:s22], $0x4000  }
0x86: {  	[sflag:s22] =	ssyncset.done $0x0  }
0x87: {  	[sflag:s22] =	ssyncadd.s32 $0xFFFFC000  }
0x88: {  	_ =	swait.ge [sflag:s23], $0x4000  }
0x89: {  	[sflag:s23] =	ssyncset.done $0x0  }
0x8a: {  	s28 =	simm.s32 $0x100;
	[sflag:s23] =	ssyncadd.s32 $0xFFFFC000  }
0x8b: {  	[tilespmem:s16], [sflag:$0x1] =	stream.indirect.gather [hbm4b:s4+s19], $0x80, s28, s19, $0xb8;
	[tilespmem:$0x1E800] =	vst v63  }
0x8c: {  	s28 =	simm.s32 $0x1480  }
0x8d: {  	[spmem:s2] =	stream.indirect.scatter.add.f32 [tilespmem:s21], [sflag:$0x4], $0x80, s28, s19, $0xb8;
	[tilespmem:$0x1E800] =	vst v63  }
0x8e: {  	_ =	swait.ge [sflag:s20], $0x4000  }
0x8f: {  	[sflag:s20] =	ssyncset.done $0x0  }
0x90: {  	[sflag:s20] =	ssyncadd.s32 $0xFFFFC000  }
0x91: {  	_ =	swait.ge [sflag:s24], $0x4000  }
0x92: {  	[sflag:s24] =	ssyncset.done $0x0  }
0x93: {  	s28 =	simm.s32 $0x180;
	[sflag:s24] =	ssyncadd.s32 $0xFFFFC000  }
0x94: {  	[tilespmem:s21], [sflag:$0x2] =	stream.indirect.gather [hbm4b:s4+s19], $0x80, s28, s19, $0xb8;
	[tilespmem:$0x1E800] =	vst v63  }
0x95: {  	s29 =	simm.s32 $0x1500;
	s28 =	simm.s32 $0xFFFFB800  }
.LBB2_6:
0x96: {  	[spmem:s2] =	stream.indirect.scatter.add.f32 [tilespmem:s16], [sflag:$0x3], $0x80, s29, s19, $0xb8;
	[tilespmem:$0x1E800] =	vst v63  }
0x97: {  	s29 =	smov.u32 s28  }
0x98: {  	p0 =	sne.s32 s28, $0xFFFFFC00;
	s28 =	sadd.s32 $0x400, s28;
	_ =	swait.ge [sflag:s22], $0x4000  }
0x99: {  	[sflag:s22] =	ssyncset.done $0x0  }
0x9a: {  	[sflag:s22] =	ssyncadd.s32 $0xFFFFC000  }
0x9b: {  	_ =	swait.ge [sflag:s23], $0x4000  }
0x9c: {  	s29 =	sshra.s32 s29, $0x2;
	[sflag:s23] =	ssyncset.done $0x0  }
0x9d: {  	s30 =	sadd.s32 $0x1400, s29;
	[sflag:s23] =	ssyncadd.s32 $0xFFFFC000  }
0x9e: {  	[tilespmem:s16], [sflag:$0x1] =	stream.indirect.gather [hbm4b:s4+s19], $0x80, s30, s19, $0xb8;
	[tilespmem:$0x1E800] =	vst v63  }
0x9f: {  	s30 =	sadd.s32 $0x2780, s29  }
0xa0: {  	[spmem:s2] =	stream.indirect.scatter.add.f32 [tilespmem:s21], [sflag:$0x4], $0x80, s30, s19, $0xb8;
	[tilespmem:$0x1E800] =	vst v63  }
0xa1: {  	_ =	swait.ge [sflag:s20], $0x4000  }
0xa2: {  	[sflag:s20] =	ssyncset.done $0x0  }
0xa3: {  	[sflag:s20] =	ssyncadd.s32 $0xFFFFC000  }
.Ltmp2:
0xa4: {  	_ =	swait.ge [sflag:s24], $0x4000;
	(pc) =	sbr.rel @p0 .LBB2_6-.Ltmp2, $4  }
0xa5: {  	[sflag:s24] =	ssyncset.done $0x0  }
0xa6: {  	s30 =	sadd.s32 $0x1480, s29;
	[sflag:s24] =	ssyncadd.s32 $0xFFFFC000  }
0xa7: {  	[tilespmem:s21], [sflag:$0x2] =	stream.indirect.gather [hbm4b:s4+s19], $0x80, s30, s19, $0xb8;
	[tilespmem:$0x1E800] =	vst v63  }
0xa8: {  	s29 =	sadd.s32 $0x2800, s29  }
0xa9: {  	[spmem:s2] =	stream.indirect.scatter.add.f32 [tilespmem:s16], [sflag:$0x3], $0x80, s29, s19, $0xb8;
	[tilespmem:$0x1E800] =	vst v63  }
0xaa: {  	_ =	swait.ge [sflag:s22], $0x4000  }
0xab: {  	[sflag:s22] =	ssyncset.done $0x0  }
0xac: {  	[sflag:s22] =	ssyncadd.s32 $0xFFFFC000  }
0xad: {  	_ =	swait.ge [sflag:s23], $0x4000  }
0xae: {  	[sflag:s23] =	ssyncset.done $0x0  }
0xaf: {  	[sflag:s23] =	ssyncadd.s32 $0xFFFFC000  }
0xb0: {  	[spmem:s2] =	stream.indirect.scatter.add.f32 [tilespmem:s21], [sflag:$0x4], $0x80, s25, s19, $0xb8;
	[tilespmem:$0x1E800] =	vst v63  }
0xb1: {  	_ =	swait.ge [sflag:s24], $0x4000  }
0xb2: {  	s28 =	sshll.u32 s1, $0x6;
	s26 =	sadd.s32 $0x1, s26;
	[sflag:s24] =	ssyncset.done $0x0  }
0xb3: {  	s31 =	sshrl.u32 s5, $0x3;
	p0 =	sne.s32 s26, s11;
	[sflag:s24] =	ssyncadd.s32 $0xFFFFC000  }
.Ltmp3:
0xb4: {  	s28 =	sor.u32 $0x1C05, s28;
	[bflag:$0x0] =	sbarrier.arrive $0xFFFF;
	(pc) =	sbr.rel @p0 .LBB2_1-.Ltmp3, $4  }
0xb5: {  	[hbm:s10], [sflag:s28] =	dma.local [spmem:s31], $0x2800  }
0xb6: {  	_ =	swait.ge [sflag:s17], $0x2800  }
0xb7: {  	[sflag:s17] =	ssyncset.done $0x0  }
0xb8: {  	[sflag:s17] =	ssyncadd.s32 $0xFFFFD800  }
0xb9: {  	_ =	sfence.sel $0x180000  }
0xba: {  	[bflag:$0x0] =	sbarrier.arrive $0xFFFF  }
0xbb: {  	p0 =	sne.s32 s1, $0x0;
	_ =	strace $0x90000053  }
0xbc: {  	s0 =	sadd.s32 @!p0 $0x100000, s0;
	[bflag:$0x2] =	sbarrier.arrive $0xFFFF  }
0xbd: {  	[sflag:s0] =	ssyncadd.tile.s32 @!p0 $0x1;
	_ =	shalt  }
.Lfunc_end2:
_tile_overlayer_lowered:
.L_overlay_start_2:
0xbe: {  	(tag) =	ssettag $0x2  }
0xbf: {  	s0 =	rddreg [dreg:$0x0];
	s2 =	stileid.u32  }
0xc0: {  	s1 =	rddreg [dreg:$0x1];
	p0 =	sne.s32 s2, $0x0  }
0xc1: {  	s3 =	rddreg [dreg:$0x2];
	[bflag:$0x3] =	sbarrier.arrive $0xFFFF;
	s2 =	simm.s32 @!p0 $0x1C05  }
0xc2: {  	[timem:s3], [sflag:s2] =	dma.local @!p0 [hbm:s0], s1  }
0xc3: {  	s0 =	simm.s32 @!p0 $0x5  }
0xc4: {  	_ =	swait.ge @!p0 [sflag:s0], s1  }
0xc5: {  	s1 =	ssub.s32 @!p0 $0x0, s1;
	[sflag:s0] =	ssyncset.done @!p0 $0x0  }
0xc6: {  	[sflag:s0] =	ssyncadd.s32 @!p0 s1  }
0xc7: {  	[bflag:$0x3] =	sbarrier.arrive $0xFFFF  }
0xc8: {  	_ =	shalt  }

</sc_bundles>
